<compile_context>
chip_gen: v7x
topology: tpu7x:2x2x1
jax: 0.10.2.dev20260603
libtpu: 0.0.44.dev20260713+nightly
codegen_flags: <defaults>
</compile_context>

<pallas_src>
import dataclasses
import functools

import jax
import jax.numpy as jnp
from jax import lax
from jax.experimental import pallas as pl
from jax.experimental.pallas import tpu as pltpu
from jax.experimental.pallas import tpu_sc as plsc

N = 10000
E = 320000
D_IN = 128
H = 64
HEADS = 4
DH = 16

NT = 10112
BB = 64
NW = 32
CH = 162
EP = NW * BB * CH
TW = 128
RPT = NT // 16
_ZC = [(i * BB, BB) for i in range(RPT // BB)] + (
    [(RPT - RPT % BB, RPT % BB)] if RPT % BB else [])



def _tc_pre(x_news_p, W_emb, b_emb, Wl, Wr):
    def body(xn, we, be, wl, wr, xc_o):
        x = jnp.dot(xn[...], we[...], preferred_element_type=jnp.float32) + be[...]
        xc_o[:, :H] = jnp.dot(x, wl[...], preferred_element_type=jnp.float32)
        xc_o[:, H:] = jnp.dot(x, wr[...], preferred_element_type=jnp.float32)

    return pl.pallas_call(
        body,
        out_shape=jax.ShapeDtypeStruct((NT, TW), jnp.float32),
    )(x_news_p, W_emb, b_emb.reshape(1, H), Wl, Wr)


def _combine(a0, a1, bg):
    num = a0[:, :H] + a1[:, :H]
    den = a0[:, H:] + a1[:, H:]
    return jnp.maximum(num / (den + 1e-16) + bg, 0.0)


def _tc_mid(acc, bg, Wl, Wr):
    def body(a, b, wl, wr, xc_o):
        x1 = _combine(a[0], a[1], b[...])
        xc_o[:, :H] = jnp.dot(x1, wl[...], preferred_element_type=jnp.float32)
        xc_o[:, H:] = jnp.dot(x1, wr[...], preferred_element_type=jnp.float32)

    return pl.pallas_call(
        body,
        out_shape=jax.ShapeDtypeStruct((NT, TW), jnp.float32),
    )(acc, bg.reshape(1, H), Wl, Wr)


def _tc_post(acc, bg, Wv, bv, Wo, bo, ln_g, ln_b, W1, b1, W2, b2):
    def body(a, bgr, wv, bvr, wo, bor, lg, lb, w1, b1r, w2, b2r, out):
        x2 = _combine(a[0], a[1], bgr[...])
        v = jnp.dot(x2, wv[...], preferred_element_type=jnp.float32) + bvr[...]
        att_o = jnp.dot(v, wo[...], preferred_element_type=jnp.float32) + bor[...]
        y = x2 + att_o
        mu = jnp.mean(y, axis=1, keepdims=True)
        var = jnp.mean((y - mu) ** 2, axis=1, keepdims=True)
        yn = (y - mu) * lax.rsqrt(var + 1e-5) * lg[...] + lb[...]
        h1 = jnp.maximum(jnp.dot(yn, w1[...], preferred_element_type=jnp.float32)
                         + b1r[...], 0.0)
        out[...] = jnp.dot(h1, w2[...], preferred_element_type=jnp.float32) + b2r[...]

    return pl.pallas_call(
        body,
        out_shape=jax.ShapeDtypeStruct((NT, 2), jnp.float32),
    )(acc, bg.reshape(1, H), Wv, bv.reshape(1, H), Wo, bo.reshape(1, H),
      ln_g.reshape(1, H), ln_b.reshape(1, H), W1, b1.reshape(1, H // 2),
      W2, b2.reshape(1, 2))



def _edge_pass(xc, src_p, dst_p, att_p):
    mesh = plsc.VectorSubcoreMesh(core_axis_name="c", subcore_axis_name="s")
    cp = pltpu.CompilerParams()
    if "needs_layout_passes" in pltpu.CompilerParams.__dataclass_fields__:
        cp = dataclasses.replace(cp, needs_layout_passes=False)

    @functools.partial(
        pl.kernel,
        mesh=mesh,
        compiler_params=cp,
        out_type=jax.ShapeDtypeStruct((2, NT, TW), jnp.float32),
        scratch_types=[
            pltpu.VMEM((2, 1, BB), jnp.int32),
            pltpu.VMEM((2, 1, BB), jnp.int32),
            pltpu.VMEM((BB, TW), jnp.float32),
            pltpu.VMEM((2, BB, TW), jnp.float32),
            pltpu.VMEM((2, BB, TW), jnp.float32),
            pltpu.VMEM((4, 128), jnp.float32),
            pltpu.VMEM_SHARED((NT, TW), jnp.float32),
            pltpu.SemaphoreType.DMA((2,)),
            pltpu.SemaphoreType.DMA((2,)),
        ],
    )
    def k(xc_h, src_h, dst_h, att_h, out_h, si, di, msg, xsr, xdr, attv,
          acc, sidx, sg):
        c = lax.axis_index("c")
        s = lax.axis_index("s")
        wid = s * 2 + c

        pltpu.sync_copy(att_h.at[pl.ds(0, HEADS)], attv)

        @pl.loop(0, BB)
        def _(e):
            for k5 in range(TW // DH):
                msg[e, pl.ds(k5 * DH, DH)] = jnp.zeros((DH,), jnp.float32)

        rows0 = s * RPT
        for off, nrow in _ZC:
            pltpu.sync_copy(msg.at[pl.ds(0, nrow)],
                            acc.at[pl.ds(rows0 + off, nrow)])
        plsc.subcore_barrier()

        att_regs = [attv[h, pl.ds(0, DH)] for h in range(HEADS)]
        base0 = wid * CH * BB

        def start_idx(j, p):
            pltpu.async_copy(src_h.at[pl.ds(base0 + j * BB, BB)],
                             si.at[p, 0], sidx.at[p])
            pltpu.async_copy(dst_h.at[pl.ds(base0 + j * BB, BB)],
                             di.at[p, 0], sidx.at[p])

        def wait_idx(j, p):
            pltpu.make_async_copy(src_h.at[pl.ds(base0 + j * BB, BB)],
                                  si.at[p, 0], sidx.at[p]).wait()
            pltpu.make_async_copy(dst_h.at[pl.ds(base0 + j * BB, BB)],
                                  di.at[p, 0], sidx.at[p]).wait()

        def start_gather(p):
            pltpu.async_copy(xc_h.at[si.at[p, 0]], xsr.at[p], sg.at[p])
            pltpu.async_copy(xc_h.at[di.at[p, 0]], xdr.at[p], sg.at[p])

        def wait_gather(p):
            pltpu.make_async_copy(xc_h.at[si.at[p, 0]], xsr.at[p],
                                  sg.at[p]).wait()
            pltpu.make_async_copy(xc_h.at[di.at[p, 0]], xdr.at[p],
                                  sg.at[p]).wait()

        start_idx(0, 0)
        start_idx(1, 1)
        wait_idx(0, 0)
        start_gather(0)

        def chunk(j, p, q):
            wait_gather(p)

            @pl.when(j + 1 < CH)
            def _():
                wait_idx(j + 1, q)
                start_gather(q)

            @pl.loop(0, BB)
            def _(e):
                for h in range(HEADS):
                    vl = xsr[p, e, pl.ds(h * DH, DH)]
                    vr = xdr[p, e, pl.ds(H + h * DH, DH)]
                    sv = vl + vr
                    lk = jnp.maximum(sv, sv * 0.2)
                    a = jnp.sum(lk * att_regs[h])
                    ex = jnp.exp(jnp.full((DH,), a, jnp.float32))
                    msg[e, pl.ds(h * DH, DH)] = vl * ex
                    msg[e, pl.ds(H + h * DH, DH)] = ex

            pltpu.sync_copy(msg, acc.at[di.at[p, 0]], add=True)

            @pl.when(j + 2 < CH)
            def _():
                start_idx(j + 2, p)

        @pl.loop(0, CH // 2)
        def _(jj):
            chunk(2 * jj, 0, 1)
            chunk(2 * jj + 1, 1, 0)

        plsc.subcore_barrier()
        for off, nrow in _ZC:
            r0 = rows0 + off
            pltpu.sync_copy(acc.at[pl.ds(r0, nrow)],
                            out_h.at[c, pl.ds(r0, nrow)])

    return k(xc, src_p, dst_p, att_p)



def kernel(x_news, edge_index, W_emb, b_emb, Wl1, Wr1, att1, bg1, Wl2, Wr2,
           att2, bg2, Wq, bq, Wk, bk, Wv, bv, Wo, bo, ln_g, ln_b, W1, b1,
           W2, b2):
    xp = jnp.zeros((NT, D_IN), jnp.float32).at[:N].set(x_news)
    loop_idx = jnp.arange(N, dtype=jnp.int32)
    pad_idx = jnp.full((EP - E - N,), NT - 1, jnp.int32)
    src = jnp.concatenate([edge_index[0], loop_idx, pad_idx])
    dst = jnp.concatenate([edge_index[1], loop_idx, pad_idx])
    att1_p = jnp.zeros((8, 128), jnp.float32).at[:HEADS, :DH].set(att1)
    att2_p = jnp.zeros((8, 128), jnp.float32).at[:HEADS, :DH].set(att2)

    xc1 = _tc_pre(xp, W_emb, b_emb, Wl1, Wr1)
    acc1 = _edge_pass(xc1, src, dst, att1_p)
    xc2 = _tc_mid(acc1, bg1, Wl2, Wr2)
    acc2 = _edge_pass(xc2, src, dst, att2_p)
    logits = _tc_post(acc2, bg2, Wv, bv, Wo, bo, ln_g, ln_b, W1, b1, W2, b2)
    return logits[:N]

# --- scband reference (transcript-rebuilt; emitter-appended) ---
"""Pipeline reference for scband-simple-less4-fdmodel-88734024335900 (READ-ONLY COPY).

The authoritative reference and input builder live on the scoring server;
editing this copy changes nothing except your own understanding.
"""

import jax, jax.numpy as jnp
import numpy as np

N = 10000
E = 320000
D_IN = 128
H = 64
HEADS = 4
DH = 16


def setup_inputs(seed: int = 0):
    key = jax.random.key(seed)
    ks = jax.random.split(key, 32)
    s = 0.05
    inp = {}
    inp['x_news'] = jax.random.normal(ks[0], (N, D_IN), dtype=jnp.float32)
    inp['edge_index'] = jax.random.randint(ks[1], (2, E), 0, N, dtype=jnp.int32)
    # node-type embedding Linear(128 -> 64)
    inp['W_emb'] = jax.random.normal(ks[2], (D_IN, H), dtype=jnp.float32) * s
    inp['b_emb'] = jnp.zeros((H,), jnp.float32)
    # GATv2 layer 1 (in=64, out_per_head=16, heads=4, concat -> 64)
    inp['Wl1'] = jax.random.normal(ks[3], (H, H), dtype=jnp.float32) * s
    inp['Wr1'] = jax.random.normal(ks[4], (H, H), dtype=jnp.float32) * s
    inp['att1'] = jax.random.normal(ks[5], (HEADS, DH), dtype=jnp.float32) * s
    inp['bg1'] = jnp.zeros((H,), jnp.float32)
    # GATv2 layer 2
    inp['Wl2'] = jax.random.normal(ks[6], (H, H), dtype=jnp.float32) * s
    inp['Wr2'] = jax.random.normal(ks[7], (H, H), dtype=jnp.float32) * s
    inp['att2'] = jax.random.normal(ks[8], (HEADS, DH), dtype=jnp.float32) * s
    inp['bg2'] = jnp.zeros((H,), jnp.float32)
    # entity-aware MultiheadAttention (embed_dim=64, heads=4)
    inp['Wq'] = jax.random.normal(ks[9], (H, H), dtype=jnp.float32) * s
    inp['bq'] = jnp.zeros((H,), jnp.float32)
    inp['Wk'] = jax.random.normal(ks[10], (H, H), dtype=jnp.float32) * s
    inp['bk'] = jnp.zeros((H,), jnp.float32)
    inp['Wv'] = jax.random.normal(ks[11], (H, H), dtype=jnp.float32) * s
    inp['bv'] = jnp.zeros((H,), jnp.float32)
    inp['Wo'] = jax.random.normal(ks[12], (H, H), dtype=jnp.float32) * s
    inp['bo'] = jnp.zeros((H,), jnp.float32)
    inp['ln_g'] = jnp.ones((H,), jnp.float32)
    inp['ln_b'] = jnp.zeros((H,), jnp.float32)
    # classifier: Linear(64 -> 32) -> ReLU -> Linear(32 -> 2)
    inp['W1'] = jax.random.normal(ks[13], (H, H // 2), dtype=jnp.float32) * s
    inp['b1'] = jnp.zeros((H // 2,), jnp.float32)
    inp['W2'] = jax.random.normal(ks[14], (H // 2, 2), dtype=jnp.float32) * s
    inp['b2'] = jnp.zeros((2,), jnp.float32)
    return inp


def _gatv2(x, src, dst, Wl, Wr, att, bias):
    # PyG GATv2Conv: alpha = softmax_dst(att . leaky_relu(x_l[src] + x_r[dst])); msg = x_l[src] * alpha
    xl = (x @ Wl).reshape(-1, HEADS, DH)
    xr = (x @ Wr).reshape(-1, HEADS, DH)
    e = jax.nn.leaky_relu(xl[src] + xr[dst], negative_slope=0.2)
    alpha = jnp.einsum('ehd,hd->eh', e, att)
    amax = jax.lax.stop_gradient(jax.ops.segment_max(alpha, dst, num_segments=N))
    amax = jnp.where(jnp.isneginf(amax), 0.0, amax)
    ex = jnp.exp(alpha - amax[dst])
    den = jax.ops.segment_sum(ex, dst, num_segments=N)
    a = ex / (den[dst] + 1e-16)
    out = jax.ops.segment_sum(xl[src] * a[:, :, None], dst, num_segments=N)
    return out.reshape(-1, H) + bias


def reference(x_news, edge_index, W_emb, b_emb, Wl1, Wr1, att1, bg1, Wl2, Wr2, att2, bg2, Wq, bq, Wk, bk, Wv, bv, Wo, bo, ln_g, ln_b, W1, b1, W2, b2):
    # node embedding for node type 'news'
    x = x_news @ W_emb + b_emb
    # GATv2Conv default add_self_loops=True
    loop = jnp.arange(N, dtype=edge_index.dtype)
    src = jnp.concatenate([edge_index[0], loop])
    dst = jnp.concatenate([edge_index[1], loop])
    x = jax.nn.relu(_gatv2(x, src, dst, Wl1, Wr1, att1, bg1))  # dropout is identity in eval
    x = jax.nn.relu(_gatv2(x, src, dst, Wl2, Wr2, att2, bg2))
    # entity-aware self-attention over singleton sequence (seq_len=1 per news node)
    q = (x @ Wq + bq).reshape(-1, HEADS, DH)
    k = (x @ Wk + bk).reshape(-1, HEADS, DH)
    v = (x @ Wv + bv).reshape(-1, HEADS, DH)
    scores = (jnp.einsum('nhd,nhd->nh', q, k) / jnp.sqrt(float(DH)))[..., None]
    w = jax.nn.softmax(scores, axis=-1)  # kv length 1 -> all ones
    attended = (w * v).reshape(-1, H) @ Wo + bo
    y = x + attended
    mu = jnp.mean(y, axis=-1, keepdims=True)
    var = jnp.var(y, axis=-1, keepdims=True)
    y = (y - mu) / jnp.sqrt(var + 1e-5) * ln_g + ln_b
    h = jax.nn.relu(y @ W1 + b1)
    logits = h @ W2 + b2
    return logits

if __name__ == "__main__":
    import jax
    _d = setup_inputs()
    print(jax.jit(kernel)(*tuple(_d.values())))

</pallas_src>

<mosaic_0001>
#map = affine_map<(d0, d1) -> (0, 0)>
#map1 = affine_map<(d0, d1) -> (0)>
#map2 = affine_map<(d0, d1) -> (0, 0, 0)>
module attributes {stable_mosaic.version = 14 : i64} {
  func.func @k(%arg0: i32, %arg1: i32, %arg2: memref<10112x128xf32, #tpu.memory_space<hbm>>, %arg3: memref<331776xi32, #tpu.memory_space<hbm>>, %arg4: memref<331776xi32, #tpu.memory_space<hbm>>, %arg5: memref<8x128xf32, #tpu.memory_space<hbm>>, %arg6: memref<2x10112x128xf32, #tpu.memory_space<hbm>>, %arg7: memref<2x1x64xi32, #tpu.memory_space<vmem>>, %arg8: memref<2x1x64xi32, #tpu.memory_space<vmem>>, %arg9: memref<64x128xf32, #tpu.memory_space<vmem>>, %arg10: memref<2x64x128xf32, #tpu.memory_space<vmem>>, %arg11: memref<2x64x128xf32, #tpu.memory_space<vmem>>, %arg12: memref<4x128xf32, #tpu.memory_space<vmem>>, %arg13: memref<10112x128xf32, #tpu.memory_space<vmem_shared>>, %arg14: memref<2x!tpu.dma_semaphore, #tpu.memory_space<semaphore_mem>>, %arg15: memref<2x!tpu.dma_semaphore, #tpu.memory_space<semaphore_mem>>) attributes {dimension_semantics = [#tpu.dimension_semantics<core_parallel>, #tpu.dimension_semantics<subcore_parallel>], iteration_bounds = array<i64: 2, 16>, scalar_prefetch = 0 : i64, scratch_operands = 9 : i64, tpu.core_type = #tpu.core_type<sc_vector_subcore>, window_params = [{transform_indices = #map}, {transform_indices = #map1}, {transform_indices = #map1}, {transform_indices = #map}, {transform_indices = #map2}]} {
    %mul3A = arith.constant 2 : i32
    %mul3A_0 = arith.muli %arg1, %mul3A : i32
    %add3A = arith.addi %mul3A_0, %arg0 : i32
    "tpu.region"() ({
      %run_scoped3A = tpu.sem_alloc : memref<!tpu.dma_semaphore, #tpu.memory_space<semaphore_mem>>
      %dma_start3A_192 = arith.constant 0 : i32
      %dma_start3A_193 = arith.constant 0 : i32
      %dma_start3A_194 = tpu.memref_slice %arg5[%dma_start3A_192, %dma_start3A_193] : memref<8x128xf32, #tpu.memory_space<hbm>> -> memref<4x128xf32, #tpu.memory_space<hbm>>
      %dma_start3A_195 = arith.constant 0 : i32
      %dma_start3A_196 = arith.constant 0 : i32
      %dma_start3A_197 = tpu.memref_slice %arg5[%dma_start3A_195, %dma_start3A_196] : memref<8x128xf32, #tpu.memory_space<hbm>> -> memref<4x128xf32, #tpu.memory_space<hbm>>
      tpu.enqueue_dma source(%dma_start3A_197 : memref<4x128xf32, #tpu.memory_space<hbm>>) target(%arg12 : memref<4x128xf32, #tpu.memory_space<vmem>>) target_semaphore(%run_scoped3A : memref<!tpu.dma_semaphore, #tpu.memory_space<semaphore_mem>>)
      %dma_wait3A_198 = arith.constant 0 : i32
      %dma_wait3A_199 = arith.constant 0 : i32
      %dma_wait3A_200 = tpu.memref_slice %arg5[%dma_wait3A_198, %dma_wait3A_199] : memref<8x128xf32, #tpu.memory_space<hbm>> -> memref<4x128xf32, #tpu.memory_space<hbm>>
      %dma_wait3A_201 = arith.constant 0 : i32
      %dma_wait3A_202 = arith.constant 0 : i32
      %dma_wait3A_203 = tpu.memref_slice %arg5[%dma_wait3A_201, %dma_wait3A_202] : memref<8x128xf32, #tpu.memory_space<hbm>> -> memref<4x128xf32, #tpu.memory_space<hbm>>
      tpu.wait_dma2 semaphore(%run_scoped3A : memref<!tpu.dma_semaphore, #tpu.memory_space<semaphore_mem>>) src(%dma_wait3A_203 : memref<4x128xf32, #tpu.memory_space<hbm>>) dst(%arg12 : memref<4x128xf32, #tpu.memory_space<vmem>>)
      tpu.yield
    }) : () -> ()
    %scan3A = arith.constant 0 : i32
    %scan3A_1 = arith.constant 64 : i32
    %scan3A_2 = arith.addi %scan3A, %scan3A_1 : i32
    %scan3A_3 = arith.constant 1 : i32
    scf.for %scan3A_192 = %scan3A to %scan3A_2 step %scan3A_3  : i32 {
      %mul3A_193 = arith.constant 1 : i32
      %mul3A_194 = arith.muli %scan3A_192, %mul3A_193 : i32
      %add3A_195 = arith.constant 0 : i32
      %add3A_196 = arith.addi %add3A_195, %mul3A_194 : i32
      %broadcast_in_dim3A = arith.constant 0.000000e+00 : f32
      %broadcast_in_dim3A_197 = vector.broadcast %broadcast_in_dim3A : f32 to vector<16xf32>
      %swap3A = arith.index_cast %add3A_196 : i32 to index
      %swap3A_198 = arith.constant 0 : index
      %swap3A_199 = tpu.vector_load %arg9[%swap3A, %swap3A_198] {strides = array<i32>} : memref<64x128xf32, #tpu.memory_space<vmem>>, vector<16xf32>,
      tpu.vector_store %arg9[%swap3A, %swap3A_198], %broadcast_in_dim3A_197 {strides = array<i32>} : memref<64x128xf32, #tpu.memory_space<vmem>>, vector<16xf32>,
      %broadcast_in_dim3A_200 = arith.constant 0.000000e+00 : f32
      %broadcast_in_dim3A_201 = vector.broadcast %broadcast_in_dim3A_200 : f32 to vector<16xf32>
      %swap3A_202 = arith.index_cast %add3A_196 : i32 to index
      %swap3A_203 = arith.constant 16 : index
      %swap3A_204 = tpu.vector_load %arg9[%swap3A_202, %swap3A_203] {strides = array<i32>} : memref<64x128xf32, #tpu.memory_space<vmem>>, vector<16xf32>,
      tpu.vector_store %arg9[%swap3A_202, %swap3A_203], %broadcast_in_dim3A_201 {strides = array<i32>} : memref<64x128xf32, #tpu.memory_space<vmem>>, vector<16xf32>,
      %broadcast_in_dim3A_205 = arith.constant 0.000000e+00 : f32
      %broadcast_in_dim3A_206 = vector.broadcast %broadcast_in_dim3A_205 : f32 to vector<16xf32>
      %swap3A_207 = arith.index_cast %add3A_196 : i32 to index
      %swap3A_208 = arith.constant 32 : index
      %swap3A_209 = tpu.vector_load %arg9[%swap3A_207, %swap3A_208] {strides = array<i32>} : memref<64x128xf32, #tpu.memory_space<vmem>>, vector<16xf32>,
      tpu.vector_store %arg9[%swap3A_207, %swap3A_208], %broadcast_in_dim3A_206 {strides = array<i32>} : memref<64x128xf32, #tpu.memory_space<vmem>>, vector<16xf32>,
      %broadcast_in_dim3A_210 = arith.constant 0.000000e+00 : f32
      %broadcast_in_dim3A_211 = vector.broadcast %broadcast_in_dim3A_210 : f32 to vector<16xf32>
      %swap3A_212 = arith.index_cast %add3A_196 : i32 to index
      %swap3A_213 = arith.constant 48 : index
      %swap3A_214 = tpu.vector_load %arg9[%swap3A_212, %swap3A_213] {strides = array<i32>} : memref<64x128xf32, #tpu.memory_space<vmem>>, vector<16xf32>,
      tpu.vector_store %arg9[%swap3A_212, %swap3A_213], %broadcast_in_dim3A_211 {strides = array<i32>} : memref<64x128xf32, #tpu.memory_space<vmem>>, vector<16xf32>,
      %broadcast_in_dim3A_215 = arith.constant 0.000000e+00 : f32
      %broadcast_in_dim3A_216 = vector.broadcast %broadcast_in_dim3A_215 : f32 to vector<16xf32>
      %swap3A_217 = arith.index_cast %add3A_196 : i32 to index
      %swap3A_218 = arith.constant 64 : index
      %swap3A_219 = tpu.vector_load %arg9[%swap3A_217, %swap3A_218] {strides = array<i32>} : memref<64x128xf32, #tpu.memory_space<vmem>>, vector<16xf32>,
      tpu.vector_store %arg9[%swap3A_217, %swap3A_218], %broadcast_in_dim3A_216 {strides = array<i32>} : memref<64x128xf32, #tpu.memory_space<vmem>>, vector<16xf32>,
      %broadcast_in_dim3A_220 = arith.constant 0.000000e+00 : f32
      %broadcast_in_dim3A_221 = vector.broadcast %broadcast_in_dim3A_220 : f32 to vector<16xf32>
      %swap3A_222 = arith.index_cast %add3A_196 : i32 to index
      %swap3A_223 = arith.constant 80 : index
      %swap3A_224 = tpu.vector_load %arg9[%swap3A_222, %swap3A_223] {strides = array<i32>} : memref<64x128xf32, #tpu.memory_space<vmem>>, vector<16xf32>,
      tpu.vector_store %arg9[%swap3A_222, %swap3A_223], %broadcast_in_dim3A_221 {strides = array<i32>} : memref<64x128xf32, #tpu.memory_space<vmem>>, vector<16xf32>,
      %broadcast_in_dim3A_225 = arith.constant 0.000000e+00 : f32
      %broadcast_in_dim3A_226 = vector.broadcast %broadcast_in_dim3A_225 : f32 to vector<16xf32>
      %swap3A_227 = arith.index_cast %add3A_196 : i32 to index
      %swap3A_228 = arith.constant 96 : index
      %swap3A_229 = tpu.vector_load %arg9[%swap3A_227, %swap3A_228] {strides = array<i32>} : memref<64x128xf32, #tpu.memory_space<vmem>>, vector<16xf32>,
      tpu.vector_store %arg9[%swap3A_227, %swap3A_228], %broadcast_in_dim3A_226 {strides = array<i32>} : memref<64x128xf32, #tpu.memory_space<vmem>>, vector<16xf32>,
      %broadcast_in_dim3A_230 = arith.constant 0.000000e+00 : f32
      %broadcast_in_dim3A_231 = vector.broadcast %broadcast_in_dim3A_230 : f32 to vector<16xf32>
      %swap3A_232 = arith.index_cast %add3A_196 : i32 to index
      %swap3A_233 = arith.constant 112 : index
      %swap3A_234 = tpu.vector_load %arg9[%swap3A_232, %swap3A_233] {strides = array<i32>} : memref<64x128xf32, #tpu.memory_space<vmem>>, vector<16xf32>,
      tpu.vector_store %arg9[%swap3A_232, %swap3A_233], %broadcast_in_dim3A_231 {strides = array<i32>} : memref<64x128xf32, #tpu.memory_space<vmem>>, vector<16xf32>,
    }
    %scan3A_4 = arith.constant 64 : i32
    %mul3A_5 = arith.constant 632 : i32
    %mul3A_6 = arith.muli %arg1, %mul3A_5 : i32
    %add3A_7 = arith.constant 0 : i32
    %add3A_8 = arith.addi %mul3A_6, %add3A_7 : i32
    "tpu.region"() ({
      %run_scoped3A = tpu.sem_alloc : memref<!tpu.dma_semaphore, #tpu.memory_space<semaphore_mem>>
      %dma_start3A_192 = arith.constant 0 : i32
      %dma_start3A_193 = arith.constant 0 : i32
      %dma_start3A_194 = tpu.memref_slice %arg9[%dma_start3A_192, %dma_start3A_193] : memref<64x128xf32, #tpu.memory_space<vmem>> -> memref<64x128xf32, #tpu.memory_space<vmem>>
      %dma_start3A_195 = arith.constant 0 : i32
      %dma_start3A_196 = tpu.memref_slice %arg13[%add3A_8, %dma_start3A_195] : memref<10112x128xf32, #tpu.memory_space<vmem_shared>> -> memref<64x128xf32, #tpu.memory_space<vmem_shared>>
      %dma_start3A_197 = arith.constant 0 : i32
      %dma_start3A_198 = tpu.memref_slice %arg13[%add3A_8, %dma_start3A_197] : memref<10112x128xf32, #tpu.memory_space<vmem_shared>> -> memref<64x128xf32, #tpu.memory_space<vmem_shared>>
      %dma_start3A_199 = arith.constant 0 : i32
      %dma_start3A_200 = arith.constant 0 : i32
      %dma_start3A_201 = tpu.memref_slice %arg9[%dma_start3A_199, %dma_start3A_200] : memref<64x128xf32, #tpu.memory_space<vmem>> -> memref<64x128xf32, #tpu.memory_space<vmem>>
      tpu.enqueue_dma source(%dma_start3A_201 : memref<64x128xf32, #tpu.memory_space<vmem>>) target(%dma_start3A_198 : memref<64x128xf32, #tpu.memory_space<vmem_shared>>) target_semaphore(%run_scoped3A : memref<!tpu.dma_semaphore, #tpu.memory_space<semaphore_mem>>)
      %dma_wait3A_202 = arith.constant 0 : i32
      %dma_wait3A_203 = arith.constant 0 : i32
      %dma_wait3A_204 = tpu.memref_slice %arg9[%dma_wait3A_202, %dma_wait3A_203] : memref<64x128xf32, #tpu.memory_space<vmem>> -> memref<64x128xf32, #tpu.memory_space<vmem>>
      %dma_wait3A_205 = arith.constant 0 : i32
      %dma_wait3A_206 = tpu.memref_slice %arg13[%add3A_8, %dma_wait3A_205] : memref<10112x128xf32, #tpu.memory_space<vmem_shared>> -> memref<64x128xf32, #tpu.memory_space<vmem_shared>>
      %dma_wait3A_207 = arith.constant 0 : i32
      %dma_wait3A_208 = tpu.memref_slice %arg13[%add3A_8, %dma_wait3A_207] : memref<10112x128xf32, #tpu.memory_space<vmem_shared>> -> memref<64x128xf32, #tpu.memory_space<vmem_shared>>
      %dma_wait3A_209 = arith.constant 0 : i32
      %dma_wait3A_210 = arith.constant 0 : i32
      %dma_wait3A_211 = tpu.memref_slice %arg9[%dma_wait3A_209, %dma_wait3A_210] : memref<64x128xf32, #tpu.memory_space<vmem>> -> memref<64x128xf32, #tpu.memory_space<vmem>>
      tpu.wait_dma2 semaphore(%run_scoped3A : memref<!tpu.dma_semaphore, #tpu.memory_space<semaphore_mem>>) src(%dma_wait3A_211 : memref<64x128xf32, #tpu.memory_space<vmem>>) dst(%dma_wait3A_208 : memref<64x128xf32, #tpu.memory_space<vmem_shared>>)
      tpu.yield
    }) : () -> ()
    %add3A_9 = arith.constant 64 : i32
    %add3A_10 = arith.addi %mul3A_6, %add3A_9 : i32
    "tpu.region"() ({
      %run_scoped3A = tpu.sem_alloc : memref<!tpu.dma_semaphore, #tpu.memory_space<semaphore_mem>>
      %dma_start3A_192 = arith.constant 0 : i32
      %dma_start3A_193 = arith.constant 0 : i32
      %dma_start3A_194 = tpu.memref_slice %arg9[%dma_start3A_192, %dma_start3A_193] : memref<64x128xf32, #tpu.memory_space<vmem>> -> memref<64x128xf32, #tpu.memory_space<vmem>>
      %dma_start3A_195 = arith.constant 0 : i32
      %dma_start3A_196 = tpu.memref_slice %arg13[%add3A_10, %dma_start3A_195] : memref<10112x128xf32, #tpu.memory_space<vmem_shared>> -> memref<64x128xf32, #tpu.memory_space<vmem_shared>>
      %dma_start3A_197 = arith.constant 0 : i32
      %dma_start3A_198 = tpu.memref_slice %arg13[%add3A_10, %dma_start3A_197] : memref<10112x128xf32, #tpu.memory_space<vmem_shared>> -> memref<64x128xf32, #tpu.memory_space<vmem_shared>>
      %dma_start3A_199 = arith.constant 0 : i32
      %dma_start3A_200 = arith.constant 0 : i32
      %dma_start3A_201 = tpu.memref_slice %arg9[%dma_start3A_199, %dma_start3A_200] : memref<64x128xf32, #tpu.memory_space<vmem>> -> memref<64x128xf32, #tpu.memory_space<vmem>>
      tpu.enqueue_dma source(%dma_start3A_201 : memref<64x128xf32, #tpu.memory_space<vmem>>) target(%dma_start3A_198 : memref<64x128xf32, #tpu.memory_space<vmem_shared>>) target_semaphore(%run_scoped3A : memref<!tpu.dma_semaphore, #tpu.memory_space<semaphore_mem>>)
      %dma_wait3A_202 = arith.constant 0 : i32
      %dma_wait3A_203 = arith.constant 0 : i32
      %dma_wait3A_204 = tpu.memref_slice %arg9[%dma_wait3A_202, %dma_wait3A_203] : memref<64x128xf32, #tpu.memory_space<vmem>> -> memref<64x128xf32, #tpu.memory_space<vmem>>
      %dma_wait3A_205 = arith.constant 0 : i32
      %dma_wait3A_206 = tpu.memref_slice %arg13[%add3A_10, %dma_wait3A_205] : memref<10112x128xf32, #tpu.memory_space<vmem_shared>> -> memref<64x128xf32, #tpu.memory_space<vmem_shared>>
      %dma_wait3A_207 = arith.constant 0 : i32
      %dma_wait3A_208 = tpu.memref_slice %arg13[%add3A_10, %dma_wait3A_207] : memref<10112x128xf32, #tpu.memory_space<vmem_shared>> -> memref<64x128xf32, #tpu.memory_space<vmem_shared>>
      %dma_wait3A_209 = arith.constant 0 : i32
      %dma_wait3A_210 = arith.constant 0 : i32
      %dma_wait3A_211 = tpu.memref_slice %arg9[%dma_wait3A_209, %dma_wait3A_210] : memref<64x128xf32, #tpu.memory_space<vmem>> -> memref<64x128xf32, #tpu.memory_space<vmem>>
      tpu.wait_dma2 semaphore(%run_scoped3A : memref<!tpu.dma_semaphore, #tpu.memory_space<semaphore_mem>>) src(%dma_wait3A_211 : memref<64x128xf32, #tpu.memory_space<vmem>>) dst(%dma_wait3A_208 : memref<64x128xf32, #tpu.memory_space<vmem_shared>>)
      tpu.yield
    }) : () -> ()
    %add3A_11 = arith.constant 128 : i32
    %add3A_12 = arith.addi %mul3A_6, %add3A_11 : i32
    "tpu.region"() ({
      %run_scoped3A = tpu.sem_alloc : memref<!tpu.dma_semaphore, #tpu.memory_space<semaphore_mem>>
      %dma_start3A_192 = arith.constant 0 : i32
      %dma_start3A_193 = arith.constant 0 : i32
      %dma_start3A_194 = tpu.memref_slice %arg9[%dma_start3A_192, %dma_start3A_193] : memref<64x128xf32, #tpu.memory_space<vmem>> -> memref<64x128xf32, #tpu.memory_space<vmem>>
      %dma_start3A_195 = arith.constant 0 : i32
      %dma_start3A_196 = tpu.memref_slice %arg13[%add3A_12, %dma_start3A_195] : memref<10112x128xf32, #tpu.memory_space<vmem_shared>> -> memref<64x128xf32, #tpu.memory_space<vmem_shared>>
      %dma_start3A_197 = arith.constant 0 : i32
      %dma_start3A_198 = tpu.memref_slice %arg13[%add3A_12, %dma_start3A_197] : memref<10112x128xf32, #tpu.memory_space<vmem_shared>> -> memref<64x128xf32, #tpu.memory_space<vmem_shared>>
      %dma_start3A_199 = arith.constant 0 : i32
      %dma_start3A_200 = arith.constant 0 : i32
      %dma_start3A_201 = tpu.memref_slice %arg9[%dma_start3A_199, %dma_start3A_200] : memref<64x128xf32, #tpu.memory_space<vmem>> -> memref<64x128xf32, #tpu.memory_space<vmem>>
      tpu.enqueue_dma source(%dma_start3A_201 : memref<64x128xf32, #tpu.memory_space<vmem>>) target(%dma_start3A_198 : memref<64x128xf32, #tpu.memory_space<vmem_shared>>) target_semaphore(%run_scoped3A : memref<!tpu.dma_semaphore, #tpu.memory_space<semaphore_mem>>)
      %dma_wait3A_202 = arith.constant 0 : i32
      %dma_wait3A_203 = arith.constant 0 : i32
      %dma_wait3A_204 = tpu.memref_slice %arg9[%dma_wait3A_202, %dma_wait3A_203] : memref<64x128xf32, #tpu.memory_space<vmem>> -> memref<64x128xf32, #tpu.memory_space<vmem>>
      %dma_wait3A_205 = arith.constant 0 : i32
      %dma_wait3A_206 = tpu.memref_slice %arg13[%add3A_12, %dma_wait3A_205] : memref<10112x128xf32, #tpu.memory_space<vmem_shared>> -> memref<64x128xf32, #tpu.memory_space<vmem_shared>>
      %dma_wait3A_207 = arith.constant 0 : i32
      %dma_wait3A_208 = tpu.memref_slice %arg13[%add3A_12, %dma_wait3A_207] : memref<10112x128xf32, #tpu.memory_space<vmem_shared>> -> memref<64x128xf32, #tpu.memory_space<vmem_shared>>
      %dma_wait3A_209 = arith.constant 0 : i32
      %dma_wait3A_210 = arith.constant 0 : i32
      %dma_wait3A_211 = tpu.memref_slice %arg9[%dma_wait3A_209, %dma_wait3A_210] : memref<64x128xf32, #tpu.memory_space<vmem>> -> memref<64x128xf32, #tpu.memory_space<vmem>>
      tpu.wait_dma2 semaphore(%run_scoped3A : memref<!tpu.dma_semaphore, #tpu.memory_space<semaphore_mem>>) src(%dma_wait3A_211 : memref<64x128xf32, #tpu.memory_space<vmem>>) dst(%dma_wait3A_208 : memref<64x128xf32, #tpu.memory_space<vmem_shared>>)
      tpu.yield
    }) : () -> ()
    %add3A_13 = arith.constant 192 : i32
    %add3A_14 = arith.addi %mul3A_6, %add3A_13 : i32
    "tpu.region"() ({
      %run_scoped3A = tpu.sem_alloc : memref<!tpu.dma_semaphore, #tpu.memory_space<semaphore_mem>>
      %dma_start3A_192 = arith.constant 0 : i32
      %dma_start3A_193 = arith.constant 0 : i32
      %dma_start3A_194 = tpu.memref_slice %arg9[%dma_start3A_192, %dma_start3A_193] : memref<64x128xf32, #tpu.memory_space<vmem>> -> memref<64x128xf32, #tpu.memory_space<vmem>>
      %dma_start3A_195 = arith.constant 0 : i32
      %dma_start3A_196 = tpu.memref_slice %arg13[%add3A_14, %dma_start3A_195] : memref<10112x128xf32, #tpu.memory_space<vmem_shared>> -> memref<64x128xf32, #tpu.memory_space<vmem_shared>>
      %dma_start3A_197 = arith.constant 0 : i32
      %dma_start3A_198 = tpu.memref_slice %arg13[%add3A_14, %dma_start3A_197] : memref<10112x128xf32, #tpu.memory_space<vmem_shared>> -> memref<64x128xf32, #tpu.memory_space<vmem_shared>>
      %dma_start3A_199 = arith.constant 0 : i32
      %dma_start3A_200 = arith.constant 0 : i32
      %dma_start3A_201 = tpu.memref_slice %arg9[%dma_start3A_199, %dma_start3A_200] : memref<64x128xf32, #tpu.memory_space<vmem>> -> memref<64x128xf32, #tpu.memory_space<vmem>>
      tpu.enqueue_dma source(%dma_start3A_201 : memref<64x128xf32, #tpu.memory_space<vmem>>) target(%dma_start3A_198 : memref<64x128xf32, #tpu.memory_space<vmem_shared>>) target_semaphore(%run_scoped3A : memref<!tpu.dma_semaphore, #tpu.memory_space<semaphore_mem>>)
      %dma_wait3A_202 = arith.constant 0 : i32
      %dma_wait3A_203 = arith.constant 0 : i32
      %dma_wait3A_204 = tpu.memref_slice %arg9[%dma_wait3A_202, %dma_wait3A_203] : memref<64x128xf32, #tpu.memory_space<vmem>> -> memref<64x128xf32, #tpu.memory_space<vmem>>
      %dma_wait3A_205 = arith.constant 0 : i32
      %dma_wait3A_206 = tpu.memref_slice %arg13[%add3A_14, %dma_wait3A_205] : memref<10112x128xf32, #tpu.memory_space<vmem_shared>> -> memref<64x128xf32, #tpu.memory_space<vmem_shared>>
      %dma_wait3A_207 = arith.constant 0 : i32
      %dma_wait3A_208 = tpu.memref_slice %arg13[%add3A_14, %dma_wait3A_207] : memref<10112x128xf32, #tpu.memory_space<vmem_shared>> -> memref<64x128xf32, #tpu.memory_space<vmem_shared>>
      %dma_wait3A_209 = arith.constant 0 : i32
      %dma_wait3A_210 = arith.constant 0 : i32
      %dma_wait3A_211 = tpu.memref_slice %arg9[%dma_wait3A_209, %dma_wait3A_210] : memref<64x128xf32, #tpu.memory_space<vmem>> -> memref<64x128xf32, #tpu.memory_space<vmem>>
      tpu.wait_dma2 semaphore(%run_scoped3A : memref<!tpu.dma_semaphore, #tpu.memory_space<semaphore_mem>>) src(%dma_wait3A_211 : memref<64x128xf32, #tpu.memory_space<vmem>>) dst(%dma_wait3A_208 : memref<64x128xf32, #tpu.memory_space<vmem_shared>>)
      tpu.yield
    }) : () -> ()
    %add3A_15 = arith.constant 256 : i32
    %add3A_16 = arith.addi %mul3A_6, %add3A_15 : i32
    "tpu.region"() ({
      %run_scoped3A = tpu.sem_alloc : memref<!tpu.dma_semaphore, #tpu.memory_space<semaphore_mem>>
      %dma_start3A_192 = arith.constant 0 : i32
      %dma_start3A_193 = arith.constant 0 : i32
      %dma_start3A_194 = tpu.memref_slice %arg9[%dma_start3A_192, %dma_start3A_193] : memref<64x128xf32, #tpu.memory_space<vmem>> -> memref<64x128xf32, #tpu.memory_space<vmem>>
      %dma_start3A_195 = arith.constant 0 : i32
      %dma_start3A_196 = tpu.memref_slice %arg13[%add3A_16, %dma_start3A_195] : memref<10112x128xf32, #tpu.memory_space<vmem_shared>> -> memref<64x128xf32, #tpu.memory_space<vmem_shared>>
      %dma_start3A_197 = arith.constant 0 : i32
      %dma_start3A_198 = tpu.memref_slice %arg13[%add3A_16, %dma_start3A_197] : memref<10112x128xf32, #tpu.memory_space<vmem_shared>> -> memref<64x128xf32, #tpu.memory_space<vmem_shared>>
      %dma_start3A_199 = arith.constant 0 : i32
      %dma_start3A_200 = arith.constant 0 : i32
      %dma_start3A_201 = tpu.memref_slice %arg9[%dma_start3A_199, %dma_start3A_200] : memref<64x128xf32, #tpu.memory_space<vmem>> -> memref<64x128xf32, #tpu.memory_space<vmem>>
      tpu.enqueue_dma source(%dma_start3A_201 : memref<64x128xf32, #tpu.memory_space<vmem>>) target(%dma_start3A_198 : memref<64x128xf32, #tpu.memory_space<vmem_shared>>) target_semaphore(%run_scoped3A : memref<!tpu.dma_semaphore, #tpu.memory_space<semaphore_mem>>)
      %dma_wait3A_202 = arith.constant 0 : i32
      %dma_wait3A_203 = arith.constant 0 : i32
      %dma_wait3A_204 = tpu.memref_slice %arg9[%dma_wait3A_202, %dma_wait3A_203] : memref<64x128xf32, #tpu.memory_space<vmem>> -> memref<64x128xf32, #tpu.memory_space<vmem>>
      %dma_wait3A_205 = arith.constant 0 : i32
      %dma_wait3A_206 = tpu.memref_slice %arg13[%add3A_16, %dma_wait3A_205] : memref<10112x128xf32, #tpu.memory_space<vmem_shared>> -> memref<64x128xf32, #tpu.memory_space<vmem_shared>>
      %dma_wait3A_207 = arith.constant 0 : i32
      %dma_wait3A_208 = tpu.memref_slice %arg13[%add3A_16, %dma_wait3A_207] : memref<10112x128xf32, #tpu.memory_space<vmem_shared>> -> memref<64x128xf32, #tpu.memory_space<vmem_shared>>
      %dma_wait3A_209 = arith.constant 0 : i32
      %dma_wait3A_210 = arith.constant 0 : i32
      %dma_wait3A_211 = tpu.memref_slice %arg9[%dma_wait3A_209, %dma_wait3A_210] : memref<64x128xf32, #tpu.memory_space<vmem>> -> memref<64x128xf32, #tpu.memory_space<vmem>>
      tpu.wait_dma2 semaphore(%run_scoped3A : memref<!tpu.dma_semaphore, #tpu.memory_space<semaphore_mem>>) src(%dma_wait3A_211 : memref<64x128xf32, #tpu.memory_space<vmem>>) dst(%dma_wait3A_208 : memref<64x128xf32, #tpu.memory_space<vmem_shared>>)
      tpu.yield
    }) : () -> ()
    %add3A_17 = arith.constant 320 : i32
    %add3A_18 = arith.addi %mul3A_6, %add3A_17 : i32
    "tpu.region"() ({
      %run_scoped3A = tpu.sem_alloc : memref<!tpu.dma_semaphore, #tpu.memory_space<semaphore_mem>>
      %dma_start3A_192 = arith.constant 0 : i32
      %dma_start3A_193 = arith.constant 0 : i32
      %dma_start3A_194 = tpu.memref_slice %arg9[%dma_start3A_192, %dma_start3A_193] : memref<64x128xf32, #tpu.memory_space<vmem>> -> memref<64x128xf32, #tpu.memory_space<vmem>>
      %dma_start3A_195 = arith.constant 0 : i32
      %dma_start3A_196 = tpu.memref_slice %arg13[%add3A_18, %dma_start3A_195] : memref<10112x128xf32, #tpu.memory_space<vmem_shared>> -> memref<64x128xf32, #tpu.memory_space<vmem_shared>>
      %dma_start3A_197 = arith.constant 0 : i32
      %dma_start3A_198 = tpu.memref_slice %arg13[%add3A_18, %dma_start3A_197] : memref<10112x128xf32, #tpu.memory_space<vmem_shared>> -> memref<64x128xf32, #tpu.memory_space<vmem_shared>>
      %dma_start3A_199 = arith.constant 0 : i32
      %dma_start3A_200 = arith.constant 0 : i32
      %dma_start3A_201 = tpu.memref_slice %arg9[%dma_start3A_199, %dma_start3A_200] : memref<64x128xf32, #tpu.memory_space<vmem>> -> memref<64x128xf32, #tpu.memory_space<vmem>>
      tpu.enqueue_dma source(%dma_start3A_201 : memref<64x128xf32, #tpu.memory_space<vmem>>) target(%dma_start3A_198 : memref<64x128xf32, #tpu.memory_space<vmem_shared>>) target_semaphore(%run_scoped3A : memref<!tpu.dma_semaphore, #tpu.memory_space<semaphore_mem>>)
      %dma_wait3A_202 = arith.constant 0 : i32
      %dma_wait3A_203 = arith.constant 0 : i32
      %dma_wait3A_204 = tpu.memref_slice %arg9[%dma_wait3A_202, %dma_wait3A_203] : memref<64x128xf32, #tpu.memory_space<vmem>> -> memref<64x128xf32, #tpu.memory_space<vmem>>
      %dma_wait3A_205 = arith.constant 0 : i32
      %dma_wait3A_206 = tpu.memref_slice %arg13[%add3A_18, %dma_wait3A_205] : memref<10112x128xf32, #tpu.memory_space<vmem_shared>> -> memref<64x128xf32, #tpu.memory_space<vmem_shared>>
      %dma_wait3A_207 = arith.constant 0 : i32
      %dma_wait3A_208 = tpu.memref_slice %arg13[%add3A_18, %dma_wait3A_207] : memref<10112x128xf32, #tpu.memory_space<vmem_shared>> -> memref<64x128xf32, #tpu.memory_space<vmem_shared>>
      %dma_wait3A_209 = arith.constant 0 : i32
      %dma_wait3A_210 = arith.constant 0 : i32
      %dma_wait3A_211 = tpu.memref_slice %arg9[%dma_wait3A_209, %dma_wait3A_210] : memref<64x128xf32, #tpu.memory_space<vmem>> -> memref<64x128xf32, #tpu.memory_space<vmem>>
      tpu.wait_dma2 semaphore(%run_scoped3A : memref<!tpu.dma_semaphore, #tpu.memory_space<semaphore_mem>>) src(%dma_wait3A_211 : memref<64x128xf32, #tpu.memory_space<vmem>>) dst(%dma_wait3A_208 : memref<64x128xf32, #tpu.memory_space<vmem_shared>>)
      tpu.yield
    }) : () -> ()
    %add3A_19 = arith.constant 384 : i32
    %add3A_20 = arith.addi %mul3A_6, %add3A_19 : i32
    "tpu.region"() ({
      %run_scoped3A = tpu.sem_alloc : memref<!tpu.dma_semaphore, #tpu.memory_space<semaphore_mem>>
      %dma_start3A_192 = arith.constant 0 : i32
      %dma_start3A_193 = arith.constant 0 : i32
      %dma_start3A_194 = tpu.memref_slice %arg9[%dma_start3A_192, %dma_start3A_193] : memref<64x128xf32, #tpu.memory_space<vmem>> -> memref<64x128xf32, #tpu.memory_space<vmem>>
      %dma_start3A_195 = arith.constant 0 : i32
      %dma_start3A_196 = tpu.memref_slice %arg13[%add3A_20, %dma_start3A_195] : memref<10112x128xf32, #tpu.memory_space<vmem_shared>> -> memref<64x128xf32, #tpu.memory_space<vmem_shared>>
      %dma_start3A_197 = arith.constant 0 : i32
      %dma_start3A_198 = tpu.memref_slice %arg13[%add3A_20, %dma_start3A_197] : memref<10112x128xf32, #tpu.memory_space<vmem_shared>> -> memref<64x128xf32, #tpu.memory_space<vmem_shared>>
      %dma_start3A_199 = arith.constant 0 : i32
      %dma_start3A_200 = arith.constant 0 : i32
      %dma_start3A_201 = tpu.memref_slice %arg9[%dma_start3A_199, %dma_start3A_200] : memref<64x128xf32, #tpu.memory_space<vmem>> -> memref<64x128xf32, #tpu.memory_space<vmem>>
      tpu.enqueue_dma source(%dma_start3A_201 : memref<64x128xf32, #tpu.memory_space<vmem>>) target(%dma_start3A_198 : memref<64x128xf32, #tpu.memory_space<vmem_shared>>) target_semaphore(%run_scoped3A : memref<!tpu.dma_semaphore, #tpu.memory_space<semaphore_mem>>)
      %dma_wait3A_202 = arith.constant 0 : i32
      %dma_wait3A_203 = arith.constant 0 : i32
      %dma_wait3A_204 = tpu.memref_slice %arg9[%dma_wait3A_202, %dma_wait3A_203] : memref<64x128xf32, #tpu.memory_space<vmem>> -> memref<64x128xf32, #tpu.memory_space<vmem>>
      %dma_wait3A_205 = arith.constant 0 : i32
      %dma_wait3A_206 = tpu.memref_slice %arg13[%add3A_20, %dma_wait3A_205] : memref<10112x128xf32, #tpu.memory_space<vmem_shared>> -> memref<64x128xf32, #tpu.memory_space<vmem_shared>>
      %dma_wait3A_207 = arith.constant 0 : i32
      %dma_wait3A_208 = tpu.memref_slice %arg13[%add3A_20, %dma_wait3A_207] : memref<10112x128xf32, #tpu.memory_space<vmem_shared>> -> memref<64x128xf32, #tpu.memory_space<vmem_shared>>
      %dma_wait3A_209 = arith.constant 0 : i32
      %dma_wait3A_210 = arith.constant 0 : i32
      %dma_wait3A_211 = tpu.memref_slice %arg9[%dma_wait3A_209, %dma_wait3A_210] : memref<64x128xf32, #tpu.memory_space<vmem>> -> memref<64x128xf32, #tpu.memory_space<vmem>>
      tpu.wait_dma2 semaphore(%run_scoped3A : memref<!tpu.dma_semaphore, #tpu.memory_space<semaphore_mem>>) src(%dma_wait3A_211 : memref<64x128xf32, #tpu.memory_space<vmem>>) dst(%dma_wait3A_208 : memref<64x128xf32, #tpu.memory_space<vmem_shared>>)
      tpu.yield
    }) : () -> ()
    %add3A_21 = arith.constant 448 : i32
    %add3A_22 = arith.addi %mul3A_6, %add3A_21 : i32
    "tpu.region"() ({
      %run_scoped3A = tpu.sem_alloc : memref<!tpu.dma_semaphore, #tpu.memory_space<semaphore_mem>>
      %dma_start3A_192 = arith.constant 0 : i32
      %dma_start3A_193 = arith.constant 0 : i32
      %dma_start3A_194 = tpu.memref_slice %arg9[%dma_start3A_192, %dma_start3A_193] : memref<64x128xf32, #tpu.memory_space<vmem>> -> memref<64x128xf32, #tpu.memory_space<vmem>>
      %dma_start3A_195 = arith.constant 0 : i32
      %dma_start3A_196 = tpu.memref_slice %arg13[%add3A_22, %dma_start3A_195] : memref<10112x128xf32, #tpu.memory_space<vmem_shared>> -> memref<64x128xf32, #tpu.memory_space<vmem_shared>>
      %dma_start3A_197 = arith.constant 0 : i32
      %dma_start3A_198 = tpu.memref_slice %arg13[%add3A_22, %dma_start3A_197] : memref<10112x128xf32, #tpu.memory_space<vmem_shared>> -> memref<64x128xf32, #tpu.memory_space<vmem_shared>>
      %dma_start3A_199 = arith.constant 0 : i32
      %dma_start3A_200 = arith.constant 0 : i32
      %dma_start3A_201 = tpu.memref_slice %arg9[%dma_start3A_199, %dma_start3A_200] : memref<64x128xf32, #tpu.memory_space<vmem>> -> memref<64x128xf32, #tpu.memory_space<vmem>>
      tpu.enqueue_dma source(%dma_start3A_201 : memref<64x128xf32, #tpu.memory_space<vmem>>) target(%dma_start3A_198 : memref<64x128xf32, #tpu.memory_space<vmem_shared>>) target_semaphore(%run_scoped3A : memref<!tpu.dma_semaphore, #tpu.memory_space<semaphore_mem>>)
      %dma_wait3A_202 = arith.constant 0 : i32
      %dma_wait3A_203 = arith.constant 0 : i32
      %dma_wait3A_204 = tpu.memref_slice %arg9[%dma_wait3A_202, %dma_wait3A_203] : memref<64x128xf32, #tpu.memory_space<vmem>> -> memref<64x128xf32, #tpu.memory_space<vmem>>
      %dma_wait3A_205 = arith.constant 0 : i32
      %dma_wait3A_206 = tpu.memref_slice %arg13[%add3A_22, %dma_wait3A_205] : memref<10112x128xf32, #tpu.memory_space<vmem_shared>> -> memref<64x128xf32, #tpu.memory_space<vmem_shared>>
      %dma_wait3A_207 = arith.constant 0 : i32
      %dma_wait3A_208 = tpu.memref_slice %arg13[%add3A_22, %dma_wait3A_207] : memref<10112x128xf32, #tpu.memory_space<vmem_shared>> -> memref<64x128xf32, #tpu.memory_space<vmem_shared>>
      %dma_wait3A_209 = arith.constant 0 : i32
      %dma_wait3A_210 = arith.constant 0 : i32
      %dma_wait3A_211 = tpu.memref_slice %arg9[%dma_wait3A_209, %dma_wait3A_210] : memref<64x128xf32, #tpu.memory_space<vmem>> -> memref<64x128xf32, #tpu.memory_space<vmem>>
      tpu.wait_dma2 semaphore(%run_scoped3A : memref<!tpu.dma_semaphore, #tpu.memory_space<semaphore_mem>>) src(%dma_wait3A_211 : memref<64x128xf32, #tpu.memory_space<vmem>>) dst(%dma_wait3A_208 : memref<64x128xf32, #tpu.memory_space<vmem_shared>>)
      tpu.yield
    }) : () -> ()
    %add3A_23 = arith.constant 512 : i32
    %add3A_24 = arith.addi %mul3A_6, %add3A_23 : i32
    "tpu.region"() ({
      %run_scoped3A = tpu.sem_alloc : memref<!tpu.dma_semaphore, #tpu.memory_space<semaphore_mem>>
      %dma_start3A_192 = arith.constant 0 : i32
      %dma_start3A_193 = arith.constant 0 : i32
      %dma_start3A_194 = tpu.memref_slice %arg9[%dma_start3A_192, %dma_start3A_193] : memref<64x128xf32, #tpu.memory_space<vmem>> -> memref<64x128xf32, #tpu.memory_space<vmem>>
      %dma_start3A_195 = arith.constant 0 : i32
      %dma_start3A_196 = tpu.memref_slice %arg13[%add3A_24, %dma_start3A_195] : memref<10112x128xf32, #tpu.memory_space<vmem_shared>> -> memref<64x128xf32, #tpu.memory_space<vmem_shared>>
      %dma_start3A_197 = arith.constant 0 : i32
      %dma_start3A_198 = tpu.memref_slice %arg13[%add3A_24, %dma_start3A_197] : memref<10112x128xf32, #tpu.memory_space<vmem_shared>> -> memref<64x128xf32, #tpu.memory_space<vmem_shared>>
      %dma_start3A_199 = arith.constant 0 : i32
      %dma_start3A_200 = arith.constant 0 : i32
      %dma_start3A_201 = tpu.memref_slice %arg9[%dma_start3A_199, %dma_start3A_200] : memref<64x128xf32, #tpu.memory_space<vmem>> -> memref<64x128xf32, #tpu.memory_space<vmem>>
      tpu.enqueue_dma source(%dma_start3A_201 : memref<64x128xf32, #tpu.memory_space<vmem>>) target(%dma_start3A_198 : memref<64x128xf32, #tpu.memory_space<vmem_shared>>) target_semaphore(%run_scoped3A : memref<!tpu.dma_semaphore, #tpu.memory_space<semaphore_mem>>)
      %dma_wait3A_202 = arith.constant 0 : i32
      %dma_wait3A_203 = arith.constant 0 : i32
      %dma_wait3A_204 = tpu.memref_slice %arg9[%dma_wait3A_202, %dma_wait3A_203] : memref<64x128xf32, #tpu.memory_space<vmem>> -> memref<64x128xf32, #tpu.memory_space<vmem>>
      %dma_wait3A_205 = arith.constant 0 : i32
      %dma_wait3A_206 = tpu.memref_slice %arg13[%add3A_24, %dma_wait3A_205] : memref<10112x128xf32, #tpu.memory_space<vmem_shared>> -> memref<64x128xf32, #tpu.memory_space<vmem_shared>>
      %dma_wait3A_207 = arith.constant 0 : i32
      %dma_wait3A_208 = tpu.memref_slice %arg13[%add3A_24, %dma_wait3A_207] : memref<10112x128xf32, #tpu.memory_space<vmem_shared>> -> memref<64x128xf32, #tpu.memory_space<vmem_shared>>
      %dma_wait3A_209 = arith.constant 0 : i32
      %dma_wait3A_210 = arith.constant 0 : i32
      %dma_wait3A_211 = tpu.memref_slice %arg9[%dma_wait3A_209, %dma_wait3A_210] : memref<64x128xf32, #tpu.memory_space<vmem>> -> memref<64x128xf32, #tpu.memory_space<vmem>>
      tpu.wait_dma2 semaphore(%run_scoped3A : memref<!tpu.dma_semaphore, #tpu.memory_space<semaphore_mem>>) src(%dma_wait3A_211 : memref<64x128xf32, #tpu.memory_space<vmem>>) dst(%dma_wait3A_208 : memref<64x128xf32, #tpu.memory_space<vmem_shared>>)
      tpu.yield
    }) : () -> ()
    %add3A_25 = arith.constant 576 : i32
    %add3A_26 = arith.addi %mul3A_6, %add3A_25 : i32
    "tpu.region"() ({
      %run_scoped3A = tpu.sem_alloc : memref<!tpu.dma_semaphore, #tpu.memory_space<semaphore_mem>>
      %dma_start3A_192 = arith.constant 0 : i32
      %dma_start3A_193 = arith.constant 0 : i32
      %dma_start3A_194 = tpu.memref_slice %arg9[%dma_start3A_192, %dma_start3A_193] : memref<64x128xf32, #tpu.memory_space<vmem>> -> memref<56x128xf32, #tpu.memory_space<vmem>>
      %dma_start3A_195 = arith.constant 0 : i32
      %dma_start3A_196 = tpu.memref_slice %arg13[%add3A_26, %dma_start3A_195] : memref<10112x128xf32, #tpu.memory_space<vmem_shared>> -> memref<56x128xf32, #tpu.memory_space<vmem_shared>>
      %dma_start3A_197 = arith.constant 0 : i32
      %dma_start3A_198 = tpu.memref_slice %arg13[%add3A_26, %dma_start3A_197] : memref<10112x128xf32, #tpu.memory_space<vmem_shared>> -> memref<56x128xf32, #tpu.memory_space<vmem_shared>>
      %dma_start3A_199 = arith.constant 0 : i32
      %dma_start3A_200 = arith.constant 0 : i32
      %dma_start3A_201 = tpu.memref_slice %arg9[%dma_start3A_199, %dma_start3A_200] : memref<64x128xf32, #tpu.memory_space<vmem>> -> memref<56x128xf32, #tpu.memory_space<vmem>>
      tpu.enqueue_dma source(%dma_start3A_201 : memref<56x128xf32, #tpu.memory_space<vmem>>) target(%dma_start3A_198 : memref<56x128xf32, #tpu.memory_space<vmem_shared>>) target_semaphore(%run_scoped3A : memref<!tpu.dma_semaphore, #tpu.memory_space<semaphore_mem>>)
      %dma_wait3A_202 = arith.constant 0 : i32
      %dma_wait3A_203 = arith.constant 0 : i32
      %dma_wait3A_204 = tpu.memref_slice %arg9[%dma_wait3A_202, %dma_wait3A_203] : memref<64x128xf32, #tpu.memory_space<vmem>> -> memref<56x128xf32, #tpu.memory_space<vmem>>
      %dma_wait3A_205 = arith.constant 0 : i32
      %dma_wait3A_206 = tpu.memref_slice %arg13[%add3A_26, %dma_wait3A_205] : memref<10112x128xf32, #tpu.memory_space<vmem_shared>> -> memref<56x128xf32, #tpu.memory_space<vmem_shared>>
      %dma_wait3A_207 = arith.constant 0 : i32
      %dma_wait3A_208 = tpu.memref_slice %arg13[%add3A_26, %dma_wait3A_207] : memref<10112x128xf32, #tpu.memory_space<vmem_shared>> -> memref<56x128xf32, #tpu.memory_space<vmem_shared>>
      %dma_wait3A_209 = arith.constant 0 : i32
      %dma_wait3A_210 = arith.constant 0 : i32
      %dma_wait3A_211 = tpu.memref_slice %arg9[%dma_wait3A_209, %dma_wait3A_210] : memref<64x128xf32, #tpu.memory_space<vmem>> -> memref<56x128xf32, #tpu.memory_space<vmem>>
      tpu.wait_dma2 semaphore(%run_scoped3A : memref<!tpu.dma_semaphore, #tpu.memory_space<semaphore_mem>>) src(%dma_wait3A_211 : memref<56x128xf32, #tpu.memory_space<vmem>>) dst(%dma_wait3A_208 : memref<56x128xf32, #tpu.memory_space<vmem_shared>>)
      tpu.yield
    }) : () -> ()
    %barrier3A = arith.constant 0 : index
    tpu.barrier barrier_id(%barrier3A)
    %get3A = arith.constant 0 : i32
    %get3A_27 = arith.index_cast %get3A : i32 to index
    %get3A_28 = arith.constant 0 : index
    %get3A_29 = tpu.vector_load %arg12[%get3A_27, %get3A_28] {strides = array<i32>} : memref<4x128xf32, #tpu.memory_space<vmem>>, vector<16xf32>,
    %get3A_30 = arith.constant 1 : i32
    %get3A_31 = arith.index_cast %get3A_30 : i32 to index
    %get3A_32 = arith.constant 0 : index
    %get3A_33 = tpu.vector_load %arg12[%get3A_31, %get3A_32] {strides = array<i32>} : memref<4x128xf32, #tpu.memory_space<vmem>>, vector<16xf32>,
    %get3A_34 = arith.constant 2 : i32
    %get3A_35 = arith.index_cast %get3A_34 : i32 to index
    %get3A_36 = arith.constant 0 : index
    %get3A_37 = tpu.vector_load %arg12[%get3A_35, %get3A_36] {strides = array<i32>} : memref<4x128xf32, #tpu.memory_space<vmem>>, vector<16xf32>,
    %get3A_38 = arith.constant 3 : i32
    %get3A_39 = arith.index_cast %get3A_38 : i32 to index
    %get3A_40 = arith.constant 0 : index
    %get3A_41 = tpu.vector_load %arg12[%get3A_39, %get3A_40] {strides = array<i32>} : memref<4x128xf32, #tpu.memory_space<vmem>>, vector<16xf32>,
    %mul3A_42 = arith.constant 162 : i32
    %mul3A_43 = arith.muli %add3A, %mul3A_42 : i32
    %mul3A_44 = arith.constant 64 : i32
    %mul3A_45 = arith.muli %mul3A_43, %mul3A_44 : i32
    %add3A_46 = arith.constant 0 : i32
    %add3A_47 = arith.addi %mul3A_45, %add3A_46 : i32
    %dma_start3A = arith.constant 0 : i32
    %dma_start3A_48 = arith.constant 0 : i32
    %dma_start3A_49 = arith.constant 0 : i32
    %dma_start3A_50 = arith.constant 0 : i32
    %dma_start3A_51 = tpu.memref_slice %arg7[%dma_start3A, %dma_start3A_48, %dma_start3A_50] : memref<2x1x64xi32, #tpu.memory_space<vmem>> -> memref<1x1x64xi32, #tpu.memory_space<vmem>>
    %dma_start3A_52 = tpu.memref_squeeze %dma_start3A_51 : memref<1x1x64xi32, #tpu.memory_space<vmem>> -> memref<64xi32, #tpu.memory_space<vmem>>
    %dma_start3A_53 = tpu.memref_slice %arg3[%add3A_47] : memref<331776xi32, #tpu.memory_space<hbm>> -> memref<64xi32, #tpu.memory_space<hbm>>
    %dma_start3A_54 = tpu.memref_slice %arg14[%dma_start3A_49] : memref<2x!tpu.dma_semaphore, #tpu.memory_space<semaphore_mem>> -> memref<1x!tpu.dma_semaphore, #tpu.memory_space<semaphore_mem>>
    %dma_start3A_55 = tpu.memref_squeeze %dma_start3A_54 : memref<1x!tpu.dma_semaphore, #tpu.memory_space<semaphore_mem>> -> memref<!tpu.dma_semaphore, #tpu.memory_space<semaphore_mem>>
    %dma_start3A_56 = arith.constant 0 : i32
    %dma_start3A_57 = tpu.memref_slice %arg7[%dma_start3A, %dma_start3A_48, %dma_start3A_56] : memref<2x1x64xi32, #tpu.memory_space<vmem>> -> memref<1x1x64xi32, #tpu.memory_space<vmem>>
    %dma_start3A_58 = tpu.memref_squeeze %dma_start3A_57 : memref<1x1x64xi32, #tpu.memory_space<vmem>> -> memref<64xi32, #tpu.memory_space<vmem>>
    %dma_start3A_59 = tpu.memref_slice %arg3[%add3A_47] : memref<331776xi32, #tpu.memory_space<hbm>> -> memref<64xi32, #tpu.memory_space<hbm>>
    tpu.enqueue_dma source(%dma_start3A_59 : memref<64xi32, #tpu.memory_space<hbm>>) target(%dma_start3A_58 : memref<64xi32, #tpu.memory_space<vmem>>) target_semaphore(%dma_start3A_55 : memref<!tpu.dma_semaphore, #tpu.memory_space<semaphore_mem>>)
    %add3A_60 = arith.constant 0 : i32
    %add3A_61 = arith.addi %mul3A_45, %add3A_60 : i32
    %dma_start3A_62 = arith.constant 0 : i32
    %dma_start3A_63 = arith.constant 0 : i32
    %dma_start3A_64 = arith.constant 0 : i32
    %dma_start3A_65 = arith.constant 0 : i32
    %dma_start3A_66 = tpu.memref_slice %arg8[%dma_start3A_62, %dma_start3A_63, %dma_start3A_65] : memref<2x1x64xi32, #tpu.memory_space<vmem>> -> memref<1x1x64xi32, #tpu.memory_space<vmem>>
    %dma_start3A_67 = tpu.memref_squeeze %dma_start3A_66 : memref<1x1x64xi32, #tpu.memory_space<vmem>> -> memref<64xi32, #tpu.memory_space<vmem>>
    %dma_start3A_68 = tpu.memref_slice %arg4[%add3A_61] : memref<331776xi32, #tpu.memory_space<hbm>> -> memref<64xi32, #tpu.memory_space<hbm>>
    %dma_start3A_69 = tpu.memref_slice %arg14[%dma_start3A_64] : memref<2x!tpu.dma_semaphore, #tpu.memory_space<semaphore_mem>> -> memref<1x!tpu.dma_semaphore, #tpu.memory_space<semaphore_mem>>
    %dma_start3A_70 = tpu.memref_squeeze %dma_start3A_69 : memref<1x!tpu.dma_semaphore, #tpu.memory_space<semaphore_mem>> -> memref<!tpu.dma_semaphore, #tpu.memory_space<semaphore_mem>>
    %dma_start3A_71 = arith.constant 0 : i32
    %dma_start3A_72 = tpu.memref_slice %arg8[%dma_start3A_62, %dma_start3A_63, %dma_start3A_71] : memref<2x1x64xi32, #tpu.memory_space<vmem>> -> memref<1x1x64xi32, #tpu.memory_space<vmem>>
    %dma_start3A_73 = tpu.memref_squeeze %dma_start3A_72 : memref<1x1x64xi32, #tpu.memory_space<vmem>> -> memref<64xi32, #tpu.memory_space<vmem>>
    %dma_start3A_74 = tpu.memref_slice %arg4[%add3A_61] : memref<331776xi32, #tpu.memory_space<hbm>> -> memref<64xi32, #tpu.memory_space<hbm>>
    tpu.enqueue_dma source(%dma_start3A_74 : memref<64xi32, #tpu.memory_space<hbm>>) target(%dma_start3A_73 : memref<64xi32, #tpu.memory_space<vmem>>) target_semaphore(%dma_start3A_70 : memref<!tpu.dma_semaphore, #tpu.memory_space<semaphore_mem>>)
    %add3A_75 = arith.constant 64 : i32
    %add3A_76 = arith.addi %mul3A_45, %add3A_75 : i32
    %dma_start3A_77 = arith.constant 1 : i32
    %dma_start3A_78 = arith.constant 0 : i32
    %dma_start3A_79 = arith.constant 1 : i32
    %dma_start3A_80 = arith.constant 0 : i32
    %dma_start3A_81 = tpu.memref_slice %arg7[%dma_start3A_77, %dma_start3A_78, %dma_start3A_80] : memref<2x1x64xi32, #tpu.memory_space<vmem>> -> memref<1x1x64xi32, #tpu.memory_space<vmem>>
    %dma_start3A_82 = tpu.memref_squeeze %dma_start3A_81 : memref<1x1x64xi32, #tpu.memory_space<vmem>> -> memref<64xi32, #tpu.memory_space<vmem>>
    %dma_start3A_83 = tpu.memref_slice %arg3[%add3A_76] : memref<331776xi32, #tpu.memory_space<hbm>> -> memref<64xi32, #tpu.memory_space<hbm>>
    %dma_start3A_84 = tpu.memref_slice %arg14[%dma_start3A_79] : memref<2x!tpu.dma_semaphore, #tpu.memory_space<semaphore_mem>> -> memref<1x!tpu.dma_semaphore, #tpu.memory_space<semaphore_mem>>
    %dma_start3A_85 = tpu.memref_squeeze %dma_start3A_84 : memref<1x!tpu.dma_semaphore, #tpu.memory_space<semaphore_mem>> -> memref<!tpu.dma_semaphore, #tpu.memory_space<semaphore_mem>>
    %dma_start3A_86 = arith.constant 0 : i32
    %dma_start3A_87 = tpu.memref_slice %arg7[%dma_start3A_77, %dma_start3A_78, %dma_start3A_86] : memref<2x1x64xi32, #tpu.memory_space<vmem>> -> memref<1x1x64xi32, #tpu.memory_space<vmem>>
    %dma_start3A_88 = tpu.memref_squeeze %dma_start3A_87 : memref<1x1x64xi32, #tpu.memory_space<vmem>> -> memref<64xi32, #tpu.memory_space<vmem>>
    %dma_start3A_89 = tpu.memref_slice %arg3[%add3A_76] : memref<331776xi32, #tpu.memory_space<hbm>> -> memref<64xi32, #tpu.memory_space<hbm>>
    tpu.enqueue_dma source(%dma_start3A_89 : memref<64xi32, #tpu.memory_space<hbm>>) target(%dma_start3A_88 : memref<64xi32, #tpu.memory_space<vmem>>) target_semaphore(%dma_start3A_85 : memref<!tpu.dma_semaphore, #tpu.memory_space<semaphore_mem>>)
    %add3A_90 = arith.constant 64 : i32
    %add3A_91 = arith.addi %mul3A_45, %add3A_90 : i32
    %dma_start3A_92 = arith.constant 1 : i32
    %dma_start3A_93 = arith.constant 0 : i32
    %dma_start3A_94 = arith.constant 1 : i32
    %dma_start3A_95 = arith.constant 0 : i32
    %dma_start3A_96 = tpu.memref_slice %arg8[%dma_start3A_92, %dma_start3A_93, %dma_start3A_95] : memref<2x1x64xi32, #tpu.memory_space<vmem>> -> memref<1x1x64xi32, #tpu.memory_space<vmem>>
    %dma_start3A_97 = tpu.memref_squeeze %dma_start3A_96 : memref<1x1x64xi32, #tpu.memory_space<vmem>> -> memref<64xi32, #tpu.memory_space<vmem>>
    %dma_start3A_98 = tpu.memref_slice %arg4[%add3A_91] : memref<331776xi32, #tpu.memory_space<hbm>> -> memref<64xi32, #tpu.memory_space<hbm>>
    %dma_start3A_99 = tpu.memref_slice %arg14[%dma_start3A_94] : memref<2x!tpu.dma_semaphore, #tpu.memory_space<semaphore_mem>> -> memref<1x!tpu.dma_semaphore, #tpu.memory_space<semaphore_mem>>
    %dma_start3A_100 = tpu.memref_squeeze %dma_start3A_99 : memref<1x!tpu.dma_semaphore, #tpu.memory_space<semaphore_mem>> -> memref<!tpu.dma_semaphore, #tpu.memory_space<semaphore_mem>>
    %dma_start3A_101 = arith.constant 0 : i32
    %dma_start3A_102 = tpu.memref_slice %arg8[%dma_start3A_92, %dma_start3A_93, %dma_start3A_101] : memref<2x1x64xi32, #tpu.memory_space<vmem>> -> memref<1x1x64xi32, #tpu.memory_space<vmem>>
    %dma_start3A_103 = tpu.memref_squeeze %dma_start3A_102 : memref<1x1x64xi32, #tpu.memory_space<vmem>> -> memref<64xi32, #tpu.memory_space<vmem>>
    %dma_start3A_104 = tpu.memref_slice %arg4[%add3A_91] : memref<331776xi32, #tpu.memory_space<hbm>> -> memref<64xi32, #tpu.memory_space<hbm>>
    tpu.enqueue_dma source(%dma_start3A_104 : memref<64xi32, #tpu.memory_space<hbm>>) target(%dma_start3A_103 : memref<64xi32, #tpu.memory_space<vmem>>) target_semaphore(%dma_start3A_100 : memref<!tpu.dma_semaphore, #tpu.memory_space<semaphore_mem>>)
    %add3A_105 = arith.constant 0 : i32
    %add3A_106 = arith.addi %mul3A_45, %add3A_105 : i32
    %dma_wait3A = arith.constant 0 : i32
    %dma_wait3A_107 = arith.constant 0 : i32
    %dma_wait3A_108 = arith.constant 0 : i32
    %dma_wait3A_109 = arith.constant 0 : i32
    %dma_wait3A_110 = tpu.memref_slice %arg7[%dma_wait3A, %dma_wait3A_107, %dma_wait3A_109] : memref<2x1x64xi32, #tpu.memory_space<vmem>> -> memref<1x1x64xi32, #tpu.memory_space<vmem>>
    %dma_wait3A_111 = tpu.memref_squeeze %dma_wait3A_110 : memref<1x1x64xi32, #tpu.memory_space<vmem>> -> memref<64xi32, #tpu.memory_space<vmem>>
    %dma_wait3A_112 = tpu.memref_slice %arg3[%add3A_106] : memref<331776xi32, #tpu.memory_space<hbm>> -> memref<64xi32, #tpu.memory_space<hbm>>
    %dma_wait3A_113 = tpu.memref_slice %arg14[%dma_wait3A_108] : memref<2x!tpu.dma_semaphore, #tpu.memory_space<semaphore_mem>> -> memref<1x!tpu.dma_semaphore, #tpu.memory_space<semaphore_mem>>
    %dma_wait3A_114 = tpu.memref_squeeze %dma_wait3A_113 : memref<1x!tpu.dma_semaphore, #tpu.memory_space<semaphore_mem>> -> memref<!tpu.dma_semaphore, #tpu.memory_space<semaphore_mem>>
    %dma_wait3A_115 = arith.constant 0 : i32
    %dma_wait3A_116 = tpu.memref_slice %arg7[%dma_wait3A, %dma_wait3A_107, %dma_wait3A_115] : memref<2x1x64xi32, #tpu.memory_space<vmem>> -> memref<1x1x64xi32, #tpu.memory_space<vmem>>
    %dma_wait3A_117 = tpu.memref_squeeze %dma_wait3A_116 : memref<1x1x64xi32, #tpu.memory_space<vmem>> -> memref<64xi32, #tpu.memory_space<vmem>>
    %dma_wait3A_118 = tpu.memref_slice %arg3[%add3A_106] : memref<331776xi32, #tpu.memory_space<hbm>> -> memref<64xi32, #tpu.memory_space<hbm>>
    tpu.wait_dma2 semaphore(%dma_wait3A_114 : memref<!tpu.dma_semaphore, #tpu.memory_space<semaphore_mem>>) src(%dma_wait3A_118 : memref<64xi32, #tpu.memory_space<hbm>>) dst(%dma_wait3A_117 : memref<64xi32, #tpu.memory_space<vmem>>)
    %add3A_119 = arith.constant 0 : i32
    %add3A_120 = arith.addi %mul3A_45, %add3A_119 : i32
    %dma_wait3A_121 = arith.constant 0 : i32
    %dma_wait3A_122 = arith.constant 0 : i32
    %dma_wait3A_123 = arith.constant 0 : i32
    %dma_wait3A_124 = arith.constant 0 : i32
    %dma_wait3A_125 = tpu.memref_slice %arg8[%dma_wait3A_121, %dma_wait3A_122, %dma_wait3A_124] : memref<2x1x64xi32, #tpu.memory_space<vmem>> -> memref<1x1x64xi32, #tpu.memory_space<vmem>>
    %dma_wait3A_126 = tpu.memref_squeeze %dma_wait3A_125 : memref<1x1x64xi32, #tpu.memory_space<vmem>> -> memref<64xi32, #tpu.memory_space<vmem>>
    %dma_wait3A_127 = tpu.memref_slice %arg4[%add3A_120] : memref<331776xi32, #tpu.memory_space<hbm>> -> memref<64xi32, #tpu.memory_space<hbm>>
    %dma_wait3A_128 = tpu.memref_slice %arg14[%dma_wait3A_123] : memref<2x!tpu.dma_semaphore, #tpu.memory_space<semaphore_mem>> -> memref<1x!tpu.dma_semaphore, #tpu.memory_space<semaphore_mem>>
    %dma_wait3A_129 = tpu.memref_squeeze %dma_wait3A_128 : memref<1x!tpu.dma_semaphore, #tpu.memory_space<semaphore_mem>> -> memref<!tpu.dma_semaphore, #tpu.memory_space<semaphore_mem>>
    %dma_wait3A_130 = arith.constant 0 : i32
    %dma_wait3A_131 = tpu.memref_slice %arg8[%dma_wait3A_121, %dma_wait3A_122, %dma_wait3A_130] : memref<2x1x64xi32, #tpu.memory_space<vmem>> -> memref<1x1x64xi32, #tpu.memory_space<vmem>>
    %dma_wait3A_132 = tpu.memref_squeeze %dma_wait3A_131 : memref<1x1x64xi32, #tpu.memory_space<vmem>> -> memref<64xi32, #tpu.memory_space<vmem>>
    %dma_wait3A_133 = tpu.memref_slice %arg4[%add3A_120] : memref<331776xi32, #tpu.memory_space<hbm>> -> memref<64xi32, #tpu.memory_space<hbm>>
    tpu.wait_dma2 semaphore(%dma_wait3A_129 : memref<!tpu.dma_semaphore, #tpu.memory_space<semaphore_mem>>) src(%dma_wait3A_133 : memref<64xi32, #tpu.memory_space<hbm>>) dst(%dma_wait3A_132 : memref<64xi32, #tpu.memory_space<vmem>>)
    %dma_start3A_134 = arith.constant 0 : i32
    %dma_start3A_135 = arith.constant 0 : i32
    %dma_start3A_136 = arith.constant 0 : i32
    %dma_start3A_137 = arith.constant 0 : i32
    %dma_start3A_138 = arith.constant 0 : i32
    %dma_start3A_139 = arith.constant 0 : i32
    %dma_start3A_140 = tpu.memref_slice %arg10[%dma_start3A_136, %dma_start3A_138, %dma_start3A_139] : memref<2x64x128xf32, #tpu.memory_space<vmem>> -> memref<1x64x128xf32, #tpu.memory_space<vmem>>
    %dma_start3A_141 = tpu.memref_squeeze %dma_start3A_140 : memref<1x64x128xf32, #tpu.memory_space<vmem>> -> memref<64x128xf32, #tpu.memory_space<vmem>>
    %dma_start3A_142 = arith.constant 0 : i32
    %dma_start3A_143 = tpu.memref_slice %arg7[%dma_start3A_134, %dma_start3A_135, %dma_start3A_142] : memref<2x1x64xi32, #tpu.memory_space<vmem>> -> memref<1x1x64xi32, #tpu.memory_space<vmem>>
    %dma_start3A_144 = tpu.memref_squeeze %dma_start3A_143 : memref<1x1x64xi32, #tpu.memory_space<vmem>> -> memref<64xi32, #tpu.memory_space<vmem>>
    %dma_start3A_145 = arith.constant 0 : i32
    %dma_start3A_146 = arith.constant 0 : i32
    %dma_start3A_147 = tpu.memref_slice %arg2[%dma_start3A_145, %dma_start3A_146] : memref<10112x128xf32, #tpu.memory_space<hbm>> -> memref<10112x128xf32, #tpu.memory_space<hbm>>
    %dma_start3A_148 = tpu.memref_slice %arg15[%dma_start3A_137] : memref<2x!tpu.dma_semaphore, #tpu.memory_space<semaphore_mem>> -> memref<1x!tpu.dma_semaphore, #tpu.memory_space<semaphore_mem>>
    %dma_start3A_149 = tpu.memref_squeeze %dma_start3A_148 : memref<1x!tpu.dma_semaphore, #tpu.memory_space<semaphore_mem>> -> memref<!tpu.dma_semaphore, #tpu.memory_space<semaphore_mem>>
    tpu.enqueue_indirect_dma source(%dma_start3A_147 : memref<10112x128xf32, #tpu.memory_space<hbm>>) target(%dma_start3A_141 : memref<64x128xf32, #tpu.memory_space<vmem>>) offsets(%dma_start3A_144 : memref<64xi32, #tpu.memory_space<vmem>>) semaphore(%dma_start3A_149 : memref<!tpu.dma_semaphore, #tpu.memory_space<semaphore_mem>>)
    %dma_start3A_150 = arith.constant 0 : i32
    %dma_start3A_151 = arith.constant 0 : i32
    %dma_start3A_152 = arith.constant 0 : i32
    %dma_start3A_153 = arith.constant 0 : i32
    %dma_start3A_154 = arith.constant 0 : i32
    %dma_start3A_155 = arith.constant 0 : i32
    %dma_start3A_156 = tpu.memref_slice %arg11[%dma_start3A_152, %dma_start3A_154, %dma_start3A_155] : memref<2x64x128xf32, #tpu.memory_space<vmem>> -> memref<1x64x128xf32, #tpu.memory_space<vmem>>
    %dma_start3A_157 = tpu.memref_squeeze %dma_start3A_156 : memref<1x64x128xf32, #tpu.memory_space<vmem>> -> memref<64x128xf32, #tpu.memory_space<vmem>>
    %dma_start3A_158 = arith.constant 0 : i32
    %dma_start3A_159 = tpu.memref_slice %arg8[%dma_start3A_150, %dma_start3A_151, %dma_start3A_158] : memref<2x1x64xi32, #tpu.memory_space<vmem>> -> memref<1x1x64xi32, #tpu.memory_space<vmem>>
    %dma_start3A_160 = tpu.memref_squeeze %dma_start3A_159 : memref<1x1x64xi32, #tpu.memory_space<vmem>> -> memref<64xi32, #tpu.memory_space<vmem>>
    %dma_start3A_161 = arith.constant 0 : i32
    %dma_start3A_162 = arith.constant 0 : i32
    %dma_start3A_163 = tpu.memref_slice %arg2[%dma_start3A_161, %dma_start3A_162] : memref<10112x128xf32, #tpu.memory_space<hbm>> -> memref<10112x128xf32, #tpu.memory_space<hbm>>
    %dma_start3A_164 = tpu.memref_slice %arg15[%dma_start3A_153] : memref<2x!tpu.dma_semaphore, #tpu.memory_space<semaphore_mem>> -> memref<1x!tpu.dma_semaphore, #tpu.memory_space<semaphore_mem>>
    %dma_start3A_165 = tpu.memref_squeeze %dma_start3A_164 : memref<1x!tpu.dma_semaphore, #tpu.memory_space<semaphore_mem>> -> memref<!tpu.dma_semaphore, #tpu.memory_space<semaphore_mem>>
    tpu.enqueue_indirect_dma source(%dma_start3A_163 : memref<10112x128xf32, #tpu.memory_space<hbm>>) target(%dma_start3A_157 : memref<64x128xf32, #tpu.memory_space<vmem>>) offsets(%dma_start3A_160 : memref<64xi32, #tpu.memory_space<vmem>>) semaphore(%dma_start3A_165 : memref<!tpu.dma_semaphore, #tpu.memory_space<semaphore_mem>>)
    %scan3A_166 = arith.constant 0 : i32
    %scan3A_167 = arith.constant 81 : i32
    %scan3A_168 = arith.addi %scan3A_166, %scan3A_167 : i32
    %scan3A_169 = arith.constant 1 : i32
    scf.for %scan3A_192 = %scan3A_166 to %scan3A_168 step %scan3A_169  : i32 {
      %mul3A_193 = arith.constant 1 : i32
      %mul3A_194 = arith.muli %scan3A_192, %mul3A_193 : i32
      %add3A_195 = arith.constant 0 : i32
      %add3A_196 = arith.addi %add3A_195, %mul3A_194 : i32
      %mul3A_197 = arith.constant 2 : i32
      %mul3A_198 = arith.muli %mul3A_197, %add3A_196 : i32
      %dma_wait3A_199 = arith.constant 0 : i32
      %dma_wait3A_200 = arith.constant 0 : i32
      %dma_wait3A_201 = arith.constant 0 : i32
      %dma_wait3A_202 = arith.constant 0 : i32
      %dma_wait3A_203 = arith.constant 0 : i32
      %dma_wait3A_204 = arith.constant 0 : i32
      %dma_wait3A_205 = tpu.memref_slice %arg10[%dma_wait3A_201, %dma_wait3A_203, %dma_wait3A_204] : memref<2x64x128xf32, #tpu.memory_space<vmem>> -> memref<1x64x128xf32, #tpu.memory_space<vmem>>
      %dma_wait3A_206 = tpu.memref_squeeze %dma_wait3A_205 : memref<1x64x128xf32, #tpu.memory_space<vmem>> -> memref<64x128xf32, #tpu.memory_space<vmem>>
      %dma_wait3A_207 = arith.constant 0 : i32
      %dma_wait3A_208 = tpu.memref_slice %arg7[%dma_wait3A_199, %dma_wait3A_200, %dma_wait3A_207] : memref<2x1x64xi32, #tpu.memory_space<vmem>> -> memref<1x1x64xi32, #tpu.memory_space<vmem>>
      %dma_wait3A_209 = tpu.memref_squeeze %dma_wait3A_208 : memref<1x1x64xi32, #tpu.memory_space<vmem>> -> memref<64xi32, #tpu.memory_space<vmem>>
      %dma_wait3A_210 = arith.constant 0 : i32
      %dma_wait3A_211 = arith.constant 0 : i32
      %dma_wait3A_212 = tpu.memref_slice %arg2[%dma_wait3A_210, %dma_wait3A_211] : memref<10112x128xf32, #tpu.memory_space<hbm>> -> memref<10112x128xf32, #tpu.memory_space<hbm>>
      %dma_wait3A_213 = tpu.memref_slice %arg15[%dma_wait3A_202] : memref<2x!tpu.dma_semaphore, #tpu.memory_space<semaphore_mem>> -> memref<1x!tpu.dma_semaphore, #tpu.memory_space<semaphore_mem>>
      %dma_wait3A_214 = tpu.memref_squeeze %dma_wait3A_213 : memref<1x!tpu.dma_semaphore, #tpu.memory_space<semaphore_mem>> -> memref<!tpu.dma_semaphore, #tpu.memory_space<semaphore_mem>>
      tpu.wait_indirect_dma semaphore(%dma_wait3A_214 : memref<!tpu.dma_semaphore, #tpu.memory_space<semaphore_mem>>) src(%dma_wait3A_212 : memref<10112x128xf32, #tpu.memory_space<hbm>>) dst(%dma_wait3A_206 : memref<64x128xf32, #tpu.memory_space<vmem>>)
      %dma_wait3A_215 = arith.constant 0 : i32
      %dma_wait3A_216 = arith.constant 0 : i32
      %dma_wait3A_217 = arith.constant 0 : i32
      %dma_wait3A_218 = arith.constant 0 : i32
      %dma_wait3A_219 = arith.constant 0 : i32
      %dma_wait3A_220 = arith.constant 0 : i32
      %dma_wait3A_221 = tpu.memref_slice %arg11[%dma_wait3A_217, %dma_wait3A_219, %dma_wait3A_220] : memref<2x64x128xf32, #tpu.memory_space<vmem>> -> memref<1x64x128xf32, #tpu.memory_space<vmem>>
      %dma_wait3A_222 = tpu.memref_squeeze %dma_wait3A_221 : memref<1x64x128xf32, #tpu.memory_space<vmem>> -> memref<64x128xf32, #tpu.memory_space<vmem>>
      %dma_wait3A_223 = arith.constant 0 : i32
      %dma_wait3A_224 = tpu.memref_slice %arg8[%dma_wait3A_215, %dma_wait3A_216, %dma_wait3A_223] : memref<2x1x64xi32, #tpu.memory_space<vmem>> -> memref<1x1x64xi32, #tpu.memory_space<vmem>>
      %dma_wait3A_225 = tpu.memref_squeeze %dma_wait3A_224 : memref<1x1x64xi32, #tpu.memory_space<vmem>> -> memref<64xi32, #tpu.memory_space<vmem>>
      %dma_wait3A_226 = arith.constant 0 : i32
      %dma_wait3A_227 = arith.constant 0 : i32
      %dma_wait3A_228 = tpu.memref_slice %arg2[%dma_wait3A_226, %dma_wait3A_227] : memref<10112x128xf32, #tpu.memory_space<hbm>> -> memref<10112x128xf32, #tpu.memory_space<hbm>>
      %dma_wait3A_229 = tpu.memref_slice %arg15[%dma_wait3A_218] : memref<2x!tpu.dma_semaphore, #tpu.memory_space<semaphore_mem>> -> memref<1x!tpu.dma_semaphore, #tpu.memory_space<semaphore_mem>>
      %dma_wait3A_230 = tpu.memref_squeeze %dma_wait3A_229 : memref<1x!tpu.dma_semaphore, #tpu.memory_space<semaphore_mem>> -> memref<!tpu.dma_semaphore, #tpu.memory_space<semaphore_mem>>
      tpu.wait_indirect_dma semaphore(%dma_wait3A_230 : memref<!tpu.dma_semaphore, #tpu.memory_space<semaphore_mem>>) src(%dma_wait3A_228 : memref<10112x128xf32, #tpu.memory_space<hbm>>) dst(%dma_wait3A_222 : memref<64x128xf32, #tpu.memory_space<vmem>>)
      %add3A_231 = arith.constant 1 : i32
      %add3A_232 = arith.addi %mul3A_198, %add3A_231 : i32
      %lt3A = arith.constant 162 : i32
      %lt3A_233 = arith.cmpi slt, %add3A_232, %lt3A : i32
      %convert_element_type3A = arith.extui %lt3A_233 : i1 to i32
      %cond3A = arith.constant 0 : i32
      %cond3A_234 = arith.cmpi ne, %convert_element_type3A, %cond3A : i32
      scf.if %cond3A_234 {
        %add3A_305 = arith.constant 1 : i32
        %add3A_306 = arith.addi %mul3A_198, %add3A_305 : i32
        %mul3A_307 = arith.constant 64 : i32
        %mul3A_308 = arith.muli %add3A_306, %mul3A_307 : i32
        %add3A_309 = arith.addi %mul3A_45, %mul3A_308 : i32
        %dma_wait3A_310 = arith.constant 1 : i32
        %dma_wait3A_311 = arith.constant 0 : i32
        %dma_wait3A_312 = arith.constant 1 : i32
        %dma_wait3A_313 = arith.constant 0 : i32
        %dma_wait3A_314 = tpu.memref_slice %arg7[%dma_wait3A_310, %dma_wait3A_311, %dma_wait3A_313] : memref<2x1x64xi32, #tpu.memory_space<vmem>> -> memref<1x1x64xi32, #tpu.memory_space<vmem>>
        %dma_wait3A_315 = tpu.memref_squeeze %dma_wait3A_314 : memref<1x1x64xi32, #tpu.memory_space<vmem>> -> memref<64xi32, #tpu.memory_space<vmem>>
        %dma_wait3A_316 = tpu.memref_slice %arg3[%add3A_309] : memref<331776xi32, #tpu.memory_space<hbm>> -> memref<64xi32, #tpu.memory_space<hbm>>
        %dma_wait3A_317 = tpu.memref_slice %arg14[%dma_wait3A_312] : memref<2x!tpu.dma_semaphore, #tpu.memory_space<semaphore_mem>> -> memref<1x!tpu.dma_semaphore, #tpu.memory_space<semaphore_mem>>
        %dma_wait3A_318 = tpu.memref_squeeze %dma_wait3A_317 : memref<1x!tpu.dma_semaphore, #tpu.memory_space<semaphore_mem>> -> memref<!tpu.dma_semaphore, #tpu.memory_space<semaphore_mem>>
        %dma_wait3A_319 = arith.constant 0 : i32
        %dma_wait3A_320 = tpu.memref_slice %arg7[%dma_wait3A_310, %dma_wait3A_311, %dma_wait3A_319] : memref<2x1x64xi32, #tpu.memory_space<vmem>> -> memref<1x1x64xi32, #tpu.memory_space<vmem>>
        %dma_wait3A_321 = tpu.memref_squeeze %dma_wait3A_320 : memref<1x1x64xi32, #tpu.memory_space<vmem>> -> memref<64xi32, #tpu.memory_space<vmem>>
        %dma_wait3A_322 = tpu.memref_slice %arg3[%add3A_309] : memref<331776xi32, #tpu.memory_space<hbm>> -> memref<64xi32, #tpu.memory_space<hbm>>
        tpu.wait_dma2 semaphore(%dma_wait3A_318 : memref<!tpu.dma_semaphore, #tpu.memory_space<semaphore_mem>>) src(%dma_wait3A_322 : memref<64xi32, #tpu.memory_space<hbm>>) dst(%dma_wait3A_321 : memref<64xi32, #tpu.memory_space<vmem>>)
        %mul3A_323 = arith.constant 64 : i32
        %mul3A_324 = arith.muli %add3A_306, %mul3A_323 : i32
        %add3A_325 = arith.addi %mul3A_45, %mul3A_324 : i32
        %dma_wait3A_326 = arith.constant 1 : i32
        %dma_wait3A_327 = arith.constant 0 : i32
        %dma_wait3A_328 = arith.constant 1 : i32
        %dma_wait3A_329 = arith.constant 0 : i32
        %dma_wait3A_330 = tpu.memref_slice %arg8[%dma_wait3A_326, %dma_wait3A_327, %dma_wait3A_329] : memref<2x1x64xi32, #tpu.memory_space<vmem>> -> memref<1x1x64xi32, #tpu.memory_space<vmem>>
        %dma_wait3A_331 = tpu.memref_squeeze %dma_wait3A_330 : memref<1x1x64xi32, #tpu.memory_space<vmem>> -> memref<64xi32, #tpu.memory_space<vmem>>
        %dma_wait3A_332 = tpu.memref_slice %arg4[%add3A_325] : memref<331776xi32, #tpu.memory_space<hbm>> -> memref<64xi32, #tpu.memory_space<hbm>>
        %dma_wait3A_333 = tpu.memref_slice %arg14[%dma_wait3A_328] : memref<2x!tpu.dma_semaphore, #tpu.memory_space<semaphore_mem>> -> memref<1x!tpu.dma_semaphore, #tpu.memory_space<semaphore_mem>>
        %dma_wait3A_334 = tpu.memref_squeeze %dma_wait3A_333 : memref<1x!tpu.dma_semaphore, #tpu.memory_space<semaphore_mem>> -> memref<!tpu.dma_semaphore, #tpu.memory_space<semaphore_mem>>
        %dma_wait3A_335 = arith.constant 0 : i32
        %dma_wait3A_336 = tpu.memref_slice %arg8[%dma_wait3A_326, %dma_wait3A_327, %dma_wait3A_335] : memref<2x1x64xi32, #tpu.memory_space<vmem>> -> memref<1x1x64xi32, #tpu.memory_space<vmem>>
        %dma_wait3A_337 = tpu.memref_squeeze %dma_wait3A_336 : memref<1x1x64xi32, #tpu.memory_space<vmem>> -> memref<64xi32, #tpu.memory_space<vmem>>
        %dma_wait3A_338 = tpu.memref_slice %arg4[%add3A_325] : memref<331776xi32, #tpu.memory_space<hbm>> -> memref<64xi32, #tpu.memory_space<hbm>>
        tpu.wait_dma2 semaphore(%dma_wait3A_334 : memref<!tpu.dma_semaphore, #tpu.memory_space<semaphore_mem>>) src(%dma_wait3A_338 : memref<64xi32, #tpu.memory_space<hbm>>) dst(%dma_wait3A_337 : memref<64xi32, #tpu.memory_space<vmem>>)
        %dma_start3A_339 = arith.constant 1 : i32
        %dma_start3A_340 = arith.constant 0 : i32
        %dma_start3A_341 = arith.constant 1 : i32
        %dma_start3A_342 = arith.constant 1 : i32
        %dma_start3A_343 = arith.constant 0 : i32
        %dma_start3A_344 = arith.constant 0 : i32
        %dma_start3A_345 = tpu.memref_slice %arg10[%dma_start3A_341, %dma_start3A_343, %dma_start3A_344] : memref<2x64x128xf32, #tpu.memory_space<vmem>> -> memref<1x64x128xf32, #tpu.memory_space<vmem>>
        %dma_start3A_346 = tpu.memref_squeeze %dma_start3A_345 : memref<1x64x128xf32, #tpu.memory_space<vmem>> -> memref<64x128xf32, #tpu.memory_space<vmem>>
        %dma_start3A_347 = arith.constant 0 : i32
        %dma_start3A_348 = tpu.memref_slice %arg7[%dma_start3A_339, %dma_start3A_340, %dma_start3A_347] : memref<2x1x64xi32, #tpu.memory_space<vmem>> -> memref<1x1x64xi32, #tpu.memory_space<vmem>>
        %dma_start3A_349 = tpu.memref_squeeze %dma_start3A_348 : memref<1x1x64xi32, #tpu.memory_space<vmem>> -> memref<64xi32, #tpu.memory_space<vmem>>
        %dma_start3A_350 = arith.constant 0 : i32
        %dma_start3A_351 = arith.constant 0 : i32
        %dma_start3A_352 = tpu.memref_slice %arg2[%dma_start3A_350, %dma_start3A_351] : memref<10112x128xf32, #tpu.memory_space<hbm>> -> memref<10112x128xf32, #tpu.memory_space<hbm>>
        %dma_start3A_353 = tpu.memref_slice %arg15[%dma_start3A_342] : memref<2x!tpu.dma_semaphore, #tpu.memory_space<semaphore_mem>> -> memref<1x!tpu.dma_semaphore, #tpu.memory_space<semaphore_mem>>
        %dma_start3A_354 = tpu.memref_squeeze %dma_start3A_353 : memref<1x!tpu.dma_semaphore, #tpu.memory_space<semaphore_mem>> -> memref<!tpu.dma_semaphore, #tpu.memory_space<semaphore_mem>>
        tpu.enqueue_indirect_dma source(%dma_start3A_352 : memref<10112x128xf32, #tpu.memory_space<hbm>>) target(%dma_start3A_346 : memref<64x128xf32, #tpu.memory_space<vmem>>) offsets(%dma_start3A_349 : memref<64xi32, #tpu.memory_space<vmem>>) semaphore(%dma_start3A_354 : memref<!tpu.dma_semaphore, #tpu.memory_space<semaphore_mem>>)
        %dma_start3A_355 = arith.constant 1 : i32
        %dma_start3A_356 = arith.constant 0 : i32
        %dma_start3A_357 = arith.constant 1 : i32
        %dma_start3A_358 = arith.constant 1 : i32
        %dma_start3A_359 = arith.constant 0 : i32
        %dma_start3A_360 = arith.constant 0 : i32
        %dma_start3A_361 = tpu.memref_slice %arg11[%dma_start3A_357, %dma_start3A_359, %dma_start3A_360] : memref<2x64x128xf32, #tpu.memory_space<vmem>> -> memref<1x64x128xf32, #tpu.memory_space<vmem>>
        %dma_start3A_362 = tpu.memref_squeeze %dma_start3A_361 : memref<1x64x128xf32, #tpu.memory_space<vmem>> -> memref<64x128xf32, #tpu.memory_space<vmem>>
        %dma_start3A_363 = arith.constant 0 : i32
        %dma_start3A_364 = tpu.memref_slice %arg8[%dma_start3A_355, %dma_start3A_356, %dma_start3A_363] : memref<2x1x64xi32, #tpu.memory_space<vmem>> -> memref<1x1x64xi32, #tpu.memory_space<vmem>>
        %dma_start3A_365 = tpu.memref_squeeze %dma_start3A_364 : memref<1x1x64xi32, #tpu.memory_space<vmem>> -> memref<64xi32, #tpu.memory_space<vmem>>
        %dma_start3A_366 = arith.constant 0 : i32
        %dma_start3A_367 = arith.constant 0 : i32
        %dma_start3A_368 = tpu.memref_slice %arg2[%dma_start3A_366, %dma_start3A_367] : memref<10112x128xf32, #tpu.memory_space<hbm>> -> memref<10112x128xf32, #tpu.memory_space<hbm>>
        %dma_start3A_369 = tpu.memref_slice %arg15[%dma_start3A_358] : memref<2x!tpu.dma_semaphore, #tpu.memory_space<semaphore_mem>> -> memref<1x!tpu.dma_semaphore, #tpu.memory_space<semaphore_mem>>
        %dma_start3A_370 = tpu.memref_squeeze %dma_start3A_369 : memref<1x!tpu.dma_semaphore, #tpu.memory_space<semaphore_mem>> -> memref<!tpu.dma_semaphore, #tpu.memory_space<semaphore_mem>>
        tpu.enqueue_indirect_dma source(%dma_start3A_368 : memref<10112x128xf32, #tpu.memory_space<hbm>>) target(%dma_start3A_362 : memref<64x128xf32, #tpu.memory_space<vmem>>) offsets(%dma_start3A_365 : memref<64xi32, #tpu.memory_space<vmem>>) semaphore(%dma_start3A_370 : memref<!tpu.dma_semaphore, #tpu.memory_space<semaphore_mem>>)
      } else {
      }
      %scan3A_235 = arith.constant 0 : i32
      %scan3A_236 = arith.constant 64 : i32
      %scan3A_237 = arith.addi %scan3A_235, %scan3A_236 : i32
      %scan3A_238 = arith.constant 1 : i32
      scf.for %scan3A_305 = %scan3A_235 to %scan3A_237 step %scan3A_238  : i32 {
        %mul3A_306 = arith.constant 1 : i32
        %mul3A_307 = arith.muli %scan3A_305, %mul3A_306 : i32
        %add3A_308 = arith.constant 0 : i32
        %add3A_309 = arith.addi %add3A_308, %mul3A_307 : i32
        %get3A_310 = arith.constant 0 : i32
        %get3A_311 = arith.index_cast %get3A_310 : i32 to index
        %get3A_312 = arith.index_cast %add3A_309 : i32 to index
        %get3A_313 = arith.constant 0 : index
        %get3A_314 = tpu.vector_load %arg10[%get3A_311, %get3A_312, %get3A_313] {strides = array<i32>} : memref<2x64x128xf32, #tpu.memory_space<vmem>>, vector<16xf32>,
        %get3A_315 = arith.constant 0 : i32
        %get3A_316 = arith.index_cast %get3A_315 : i32 to index
        %get3A_317 = arith.index_cast %add3A_309 : i32 to index
        %get3A_318 = arith.constant 64 : index
        %get3A_319 = tpu.vector_load %arg11[%get3A_316, %get3A_317, %get3A_318] {strides = array<i32>} : memref<2x64x128xf32, #tpu.memory_space<vmem>>, vector<16xf32>,
        %add3A_320 = arith.addf %get3A_314, %get3A_319 : vector<16xf32>
        %mul3A_321 = arith.constant 2.000000e-01 : f32
        %mul3A_322 = vector.broadcast %mul3A_321 : f32 to vector<16xf32>
        %mul3A_323 = arith.mulf %add3A_320, %mul3A_322 : vector<16xf32>
        %max3A = arith.maximumf %add3A_320, %mul3A_323 : vector<16xf32>
        %mul3A_324 = arith.mulf %max3A, %get3A_29 : vector<16xf32>
        %reduce_sum3A = arith.constant true
        %reduce_sum3A_325 = vector.broadcast %reduce_sum3A : i1 to vector<16xi1>
        %reduce_sum3A_326 = tpu.scan <sum>, %mul3A_324 masked %reduce_sum3A_325 : vector<16xf32>, vector<16xi1> -> vector<16xf32>
        %reduce_sum3A_327 = vector.extract %reduce_sum3A_326[15] : f32 from vector<16xf32>
        %broadcast_in_dim3A = vector.broadcast %reduce_sum3A_327 : f32 to vector<16xf32>
        %exp3A = math.exp %broadcast_in_dim3A : vector<16xf32>
        %mul3A_328 = arith.mulf %get3A_314, %exp3A : vector<16xf32>
        %swap3A = arith.index_cast %add3A_309 : i32 to index
        %swap3A_329 = arith.constant 0 : index
        %swap3A_330 = tpu.vector_load %arg9[%swap3A, %swap3A_329] {strides = array<i32>} : memref<64x128xf32, #tpu.memory_space<vmem>>, vector<16xf32>,
        tpu.vector_store %arg9[%swap3A, %swap3A_329], %mul3A_328 {strides = array<i32>} : memref<64x128xf32, #tpu.memory_space<vmem>>, vector<16xf32>,
        %swap3A_331 = arith.index_cast %add3A_309 : i32 to index
        %swap3A_332 = arith.constant 64 : index
        %swap3A_333 = tpu.vector_load %arg9[%swap3A_331, %swap3A_332] {strides = array<i32>} : memref<64x128xf32, #tpu.memory_space<vmem>>, vector<16xf32>,
        tpu.vector_store %arg9[%swap3A_331, %swap3A_332], %exp3A {strides = array<i32>} : memref<64x128xf32, #tpu.memory_space<vmem>>, vector<16xf32>,
        %get3A_334 = arith.constant 0 : i32
        %get3A_335 = arith.index_cast %get3A_334 : i32 to index
        %get3A_336 = arith.index_cast %add3A_309 : i32 to index
        %get3A_337 = arith.constant 16 : index
        %get3A_338 = tpu.vector_load %arg10[%get3A_335, %get3A_336, %get3A_337] {strides = array<i32>} : memref<2x64x128xf32, #tpu.memory_space<vmem>>, vector<16xf32>,
        %get3A_339 = arith.constant 0 : i32
        %get3A_340 = arith.index_cast %get3A_339 : i32 to index
        %get3A_341 = arith.index_cast %add3A_309 : i32 to index
        %get3A_342 = arith.constant 80 : index
        %get3A_343 = tpu.vector_load %arg11[%get3A_340, %get3A_341, %get3A_342] {strides = array<i32>} : memref<2x64x128xf32, #tpu.memory_space<vmem>>, vector<16xf32>,
        %add3A_344 = arith.addf %get3A_338, %get3A_343 : vector<16xf32>
        %mul3A_345 = arith.constant 2.000000e-01 : f32
        %mul3A_346 = vector.broadcast %mul3A_345 : f32 to vector<16xf32>
        %mul3A_347 = arith.mulf %add3A_344, %mul3A_346 : vector<16xf32>
        %max3A_348 = arith.maximumf %add3A_344, %mul3A_347 : vector<16xf32>
        %mul3A_349 = arith.mulf %max3A_348, %get3A_33 : vector<16xf32>
        %reduce_sum3A_350 = arith.constant true
        %reduce_sum3A_351 = vector.broadcast %reduce_sum3A_350 : i1 to vector<16xi1>
        %reduce_sum3A_352 = tpu.scan <sum>, %mul3A_349 masked %reduce_sum3A_351 : vector<16xf32>, vector<16xi1> -> vector<16xf32>
        %reduce_sum3A_353 = vector.extract %reduce_sum3A_352[15] : f32 from vector<16xf32>
        %broadcast_in_dim3A_354 = vector.broadcast %reduce_sum3A_353 : f32 to vector<16xf32>
        %exp3A_355 = math.exp %broadcast_in_dim3A_354 : vector<16xf32>
        %mul3A_356 = arith.mulf %get3A_338, %exp3A_355 : vector<16xf32>
        %swap3A_357 = arith.index_cast %add3A_309 : i32 to index
        %swap3A_358 = arith.constant 16 : index
        %swap3A_359 = tpu.vector_load %arg9[%swap3A_357, %swap3A_358] {strides = array<i32>} : memref<64x128xf32, #tpu.memory_space<vmem>>, vector<16xf32>,
        tpu.vector_store %arg9[%swap3A_357, %swap3A_358], %mul3A_356 {strides = array<i32>} : memref<64x128xf32, #tpu.memory_space<vmem>>, vector<16xf32>,
        %swap3A_360 = arith.index_cast %add3A_309 : i32 to index
        %swap3A_361 = arith.constant 80 : index
        %swap3A_362 = tpu.vector_load %arg9[%swap3A_360, %swap3A_361] {strides = array<i32>} : memref<64x128xf32, #tpu.memory_space<vmem>>, vector<16xf32>,
        tpu.vector_store %arg9[%swap3A_360, %swap3A_361], %exp3A_355 {strides = array<i32>} : memref<64x128xf32, #tpu.memory_space<vmem>>, vector<16xf32>,
        %get3A_363 = arith.constant 0 : i32
        %get3A_364 = arith.index_cast %get3A_363 : i32 to index
        %get3A_365 = arith.index_cast %add3A_309 : i32 to index
        %get3A_366 = arith.constant 32 : index
        %get3A_367 = tpu.vector_load %arg10[%get3A_364, %get3A_365, %get3A_366] {strides = array<i32>} : memref<2x64x128xf32, #tpu.memory_space<vmem>>, vector<16xf32>,
        %get3A_368 = arith.constant 0 : i32
        %get3A_369 = arith.index_cast %get3A_368 : i32 to index
        %get3A_370 = arith.index_cast %add3A_309 : i32 to index
        %get3A_371 = arith.constant 96 : index
        %get3A_372 = tpu.vector_load %arg11[%get3A_369, %get3A_370, %get3A_371] {strides = array<i32>} : memref<2x64x128xf32, #tpu.memory_space<vmem>>, vector<16xf32>,
        %add3A_373 = arith.addf %get3A_367, %get3A_372 : vector<16xf32>
        %mul3A_374 = arith.constant 2.000000e-01 : f32
        %mul3A_375 = vector.broadcast %mul3A_374 : f32 to vector<16xf32>
        %mul3A_376 = arith.mulf %add3A_373, %mul3A_375 : vector<16xf32>
        %max3A_377 = arith.maximumf %add3A_373, %mul3A_376 : vector<16xf32>
        %mul3A_378 = arith.mulf %max3A_377, %get3A_37 : vector<16xf32>
        %reduce_sum3A_379 = arith.constant true
        %reduce_sum3A_380 = vector.broadcast %reduce_sum3A_379 : i1 to vector<16xi1>
        %reduce_sum3A_381 = tpu.scan <sum>, %mul3A_378 masked %reduce_sum3A_380 : vector<16xf32>, vector<16xi1> -> vector<16xf32>
        %reduce_sum3A_382 = vector.extract %reduce_sum3A_381[15] : f32 from vector<16xf32>
        %broadcast_in_dim3A_383 = vector.broadcast %reduce_sum3A_382 : f32 to vector<16xf32>
        %exp3A_384 = math.exp %broadcast_in_dim3A_383 : vector<16xf32>
        %mul3A_385 = arith.mulf %get3A_367, %exp3A_384 : vector<16xf32>
        %swap3A_386 = arith.index_cast %add3A_309 : i32 to index
        %swap3A_387 = arith.constant 32 : index
        %swap3A_388 = tpu.vector_load %arg9[%swap3A_386, %swap3A_387] {strides = array<i32>} : memref<64x128xf32, #tpu.memory_space<vmem>>, vector<16xf32>,
        tpu.vector_store %arg9[%swap3A_386, %swap3A_387], %mul3A_385 {strides = array<i32>} : memref<64x128xf32, #tpu.memory_space<vmem>>, vector<16xf32>,
        %swap3A_389 = arith.index_cast %add3A_309 : i32 to index
        %swap3A_390 = arith.constant 96 : index
        %swap3A_391 = tpu.vector_load %arg9[%swap3A_389, %swap3A_390] {strides = array<i32>} : memref<64x128xf32, #tpu.memory_space<vmem>>, vector<16xf32>,
        tpu.vector_store %arg9[%swap3A_389, %swap3A_390], %exp3A_384 {strides = array<i32>} : memref<64x128xf32, #tpu.memory_space<vmem>>, vector<16xf32>,
        %get3A_392 = arith.constant 0 : i32
        %get3A_393 = arith.index_cast %get3A_392 : i32 to index
        %get3A_394 = arith.index_cast %add3A_309 : i32 to index
        %get3A_395 = arith.constant 48 : index
        %get3A_396 = tpu.vector_load %arg10[%get3A_393, %get3A_394, %get3A_395] {strides = array<i32>} : memref<2x64x128xf32, #tpu.memory_space<vmem>>, vector<16xf32>,
        %get3A_397 = arith.constant 0 : i32
        %get3A_398 = arith.index_cast %get3A_397 : i32 to index
        %get3A_399 = arith.index_cast %add3A_309 : i32 to index
        %get3A_400 = arith.constant 112 : index
        %get3A_401 = tpu.vector_load %arg11[%get3A_398, %get3A_399, %get3A_400] {strides = array<i32>} : memref<2x64x128xf32, #tpu.memory_space<vmem>>, vector<16xf32>,
        %add3A_402 = arith.addf %get3A_396, %get3A_401 : vector<16xf32>
        %mul3A_403 = arith.constant 2.000000e-01 : f32
        %mul3A_404 = vector.broadcast %mul3A_403 : f32 to vector<16xf32>
        %mul3A_405 = arith.mulf %add3A_402, %mul3A_404 : vector<16xf32>
        %max3A_406 = arith.maximumf %add3A_402, %mul3A_405 : vector<16xf32>
        %mul3A_407 = arith.mulf %max3A_406, %get3A_41 : vector<16xf32>
        %reduce_sum3A_408 = arith.constant true
        %reduce_sum3A_409 = vector.broadcast %reduce_sum3A_408 : i1 to vector<16xi1>
        %reduce_sum3A_410 = tpu.scan <sum>, %mul3A_407 masked %reduce_sum3A_409 : vector<16xf32>, vector<16xi1> -> vector<16xf32>
        %reduce_sum3A_411 = vector.extract %reduce_sum3A_410[15] : f32 from vector<16xf32>
        %broadcast_in_dim3A_412 = vector.broadcast %reduce_sum3A_411 : f32 to vector<16xf32>
        %exp3A_413 = math.exp %broadcast_in_dim3A_412 : vector<16xf32>
        %mul3A_414 = arith.mulf %get3A_396, %exp3A_413 : vector<16xf32>
        %swap3A_415 = arith.index_cast %add3A_309 : i32 to index
        %swap3A_416 = arith.constant 48 : index
        %swap3A_417 = tpu.vector_load %arg9[%swap3A_415, %swap3A_416] {strides = array<i32>} : memref<64x128xf32, #tpu.memory_space<vmem>>, vector<16xf32>,
        tpu.vector_store %arg9[%swap3A_415, %swap3A_416], %mul3A_414 {strides = array<i32>} : memref<64x128xf32, #tpu.memory_space<vmem>>, vector<16xf32>,
        %swap3A_418 = arith.index_cast %add3A_309 : i32 to index
        %swap3A_419 = arith.constant 112 : index
        %swap3A_420 = tpu.vector_load %arg9[%swap3A_418, %swap3A_419] {strides = array<i32>} : memref<64x128xf32, #tpu.memory_space<vmem>>, vector<16xf32>,
        tpu.vector_store %arg9[%swap3A_418, %swap3A_419], %exp3A_413 {strides = array<i32>} : memref<64x128xf32, #tpu.memory_space<vmem>>, vector<16xf32>,
      }
      %scan3A_239 = arith.constant 64 : i32
      %run_scoped3A = arith.constant 0 : i32
      %run_scoped3A_240 = arith.constant 0 : i32
      "tpu.region"() ({
        %run_scoped3A_305 = tpu.sem_alloc : memref<!tpu.dma_semaphore, #tpu.memory_space<semaphore_mem>>
        %dma_start3A_306 = arith.constant 0 : i32
        %dma_start3A_307 = tpu.memref_slice %arg8[%run_scoped3A, %run_scoped3A_240, %dma_start3A_306] : memref<2x1x64xi32, #tpu.memory_space<vmem>> -> memref<1x1x64xi32, #tpu.memory_space<vmem>>
        %dma_start3A_308 = tpu.memref_squeeze %dma_start3A_307 : memref<1x1x64xi32, #tpu.memory_space<vmem>> -> memref<64xi32, #tpu.memory_space<vmem>>
        %dma_start3A_309 = arith.constant 0 : i32
        %dma_start3A_310 = arith.constant 0 : i32
        %dma_start3A_311 = tpu.memref_slice %arg13[%dma_start3A_309, %dma_start3A_310] : memref<10112x128xf32, #tpu.memory_space<vmem_shared>> -> memref<10112x128xf32, #tpu.memory_space<vmem_shared>>
        tpu.enqueue_indirect_dma source(%arg9 : memref<64x128xf32, #tpu.memory_space<vmem>>) target(%dma_start3A_311 : memref<10112x128xf32, #tpu.memory_space<vmem_shared>>) offsets(%dma_start3A_308 : memref<64xi32, #tpu.memory_space<vmem>>) semaphore(%run_scoped3A_305 : memref<!tpu.dma_semaphore, #tpu.memory_space<semaphore_mem>>) {add = true}
        %dma_wait3A_312 = arith.constant 0 : i32
        %dma_wait3A_313 = tpu.memref_slice %arg8[%run_scoped3A, %run_scoped3A_240, %dma_wait3A_312] : memref<2x1x64xi32, #tpu.memory_space<vmem>> -> memref<1x1x64xi32, #tpu.memory_space<vmem>>
        %dma_wait3A_314 = tpu.memref_squeeze %dma_wait3A_313 : memref<1x1x64xi32, #tpu.memory_space<vmem>> -> memref<64xi32, #tpu.memory_space<vmem>>
        %dma_wait3A_315 = arith.constant 0 : i32
        %dma_wait3A_316 = arith.constant 0 : i32
        %dma_wait3A_317 = tpu.memref_slice %arg13[%dma_wait3A_315, %dma_wait3A_316] : memref<10112x128xf32, #tpu.memory_space<vmem_shared>> -> memref<10112x128xf32, #tpu.memory_space<vmem_shared>>
        tpu.wait_indirect_dma semaphore(%run_scoped3A_305 : memref<!tpu.dma_semaphore, #tpu.memory_space<semaphore_mem>>) src(%arg9 : memref<64x128xf32, #tpu.memory_space<vmem>>) dst(%dma_wait3A_317 : memref<10112x128xf32, #tpu.memory_space<vmem_shared>>)
        tpu.yield
      }) : () -> ()
      %add3A_241 = arith.constant 2 : i32
      %add3A_242 = arith.addi %mul3A_198, %add3A_241 : i32
      %lt3A_243 = arith.constant 162 : i32
      %lt3A_244 = arith.cmpi slt, %add3A_242, %lt3A_243 : i32
      %convert_element_type3A_245 = arith.extui %lt3A_244 : i1 to i32
      %cond3A_246 = arith.constant 0 : i32
      %cond3A_247 = arith.cmpi ne, %convert_element_type3A_245, %cond3A_246 : i32
      scf.if %cond3A_247 {
        %add3A_305 = arith.constant 2 : i32
        %add3A_306 = arith.addi %mul3A_198, %add3A_305 : i32
        %mul3A_307 = arith.constant 64 : i32
        %mul3A_308 = arith.muli %add3A_306, %mul3A_307 : i32
        %add3A_309 = arith.addi %mul3A_45, %mul3A_308 : i32
        %dma_start3A_310 = arith.constant 0 : i32
        %dma_start3A_311 = arith.constant 0 : i32
        %dma_start3A_312 = arith.constant 0 : i32
        %dma_start3A_313 = arith.constant 0 : i32
        %dma_start3A_314 = tpu.memref_slice %arg7[%dma_start3A_310, %dma_start3A_311, %dma_start3A_313] : memref<2x1x64xi32, #tpu.memory_space<vmem>> -> memref<1x1x64xi32, #tpu.memory_space<vmem>>
        %dma_start3A_315 = tpu.memref_squeeze %dma_start3A_314 : memref<1x1x64xi32, #tpu.memory_space<vmem>> -> memref<64xi32, #tpu.memory_space<vmem>>
        %dma_start3A_316 = tpu.memref_slice %arg3[%add3A_309] : memref<331776xi32, #tpu.memory_space<hbm>> -> memref<64xi32, #tpu.memory_space<hbm>>
        %dma_start3A_317 = tpu.memref_slice %arg14[%dma_start3A_312] : memref<2x!tpu.dma_semaphore, #tpu.memory_space<semaphore_mem>> -> memref<1x!tpu.dma_semaphore, #tpu.memory_space<semaphore_mem>>
        %dma_start3A_318 = tpu.memref_squeeze %dma_start3A_317 : memref<1x!tpu.dma_semaphore, #tpu.memory_space<semaphore_mem>> -> memref<!tpu.dma_semaphore, #tpu.memory_space<semaphore_mem>>
        %dma_start3A_319 = arith.constant 0 : i32
        %dma_start3A_320 = tpu.memref_slice %arg7[%dma_start3A_310, %dma_start3A_311, %dma_start3A_319] : memref<2x1x64xi32, #tpu.memory_space<vmem>> -> memref<1x1x64xi32, #tpu.memory_space<vmem>>
        %dma_start3A_321 = tpu.memref_squeeze %dma_start3A_320 : memref<1x1x64xi32, #tpu.memory_space<vmem>> -> memref<64xi32, #tpu.memory_space<vmem>>
        %dma_start3A_322 = tpu.memref_slice %arg3[%add3A_309] : memref<331776xi32, #tpu.memory_space<hbm>> -> memref<64xi32, #tpu.memory_space<hbm>>
        tpu.enqueue_dma source(%dma_start3A_322 : memref<64xi32, #tpu.memory_space<hbm>>) target(%dma_start3A_321 : memref<64xi32, #tpu.memory_space<vmem>>) target_semaphore(%dma_start3A_318 : memref<!tpu.dma_semaphore, #tpu.memory_space<semaphore_mem>>)
        %mul3A_323 = arith.constant 64 : i32
        %mul3A_324 = arith.muli %add3A_306, %mul3A_323 : i32
        %add3A_325 = arith.addi %mul3A_45, %mul3A_324 : i32
        %dma_start3A_326 = arith.constant 0 : i32
        %dma_start3A_327 = arith.constant 0 : i32
        %dma_start3A_328 = arith.constant 0 : i32
        %dma_start3A_329 = arith.constant 0 : i32
        %dma_start3A_330 = tpu.memref_slice %arg8[%dma_start3A_326, %dma_start3A_327, %dma_start3A_329] : memref<2x1x64xi32, #tpu.memory_space<vmem>> -> memref<1x1x64xi32, #tpu.memory_space<vmem>>
        %dma_start3A_331 = tpu.memref_squeeze %dma_start3A_330 : memref<1x1x64xi32, #tpu.memory_space<vmem>> -> memref<64xi32, #tpu.memory_space<vmem>>
        %dma_start3A_332 = tpu.memref_slice %arg4[%add3A_325] : memref<331776xi32, #tpu.memory_space<hbm>> -> memref<64xi32, #tpu.memory_space<hbm>>
        %dma_start3A_333 = tpu.memref_slice %arg14[%dma_start3A_328] : memref<2x!tpu.dma_semaphore, #tpu.memory_space<semaphore_mem>> -> memref<1x!tpu.dma_semaphore, #tpu.memory_space<semaphore_mem>>
        %dma_start3A_334 = tpu.memref_squeeze %dma_start3A_333 : memref<1x!tpu.dma_semaphore, #tpu.memory_space<semaphore_mem>> -> memref<!tpu.dma_semaphore, #tpu.memory_space<semaphore_mem>>
        %dma_start3A_335 = arith.constant 0 : i32
        %dma_start3A_336 = tpu.memref_slice %arg8[%dma_start3A_326, %dma_start3A_327, %dma_start3A_335] : memref<2x1x64xi32, #tpu.memory_space<vmem>> -> memref<1x1x64xi32, #tpu.memory_space<vmem>>
        %dma_start3A_337 = tpu.memref_squeeze %dma_start3A_336 : memref<1x1x64xi32, #tpu.memory_space<vmem>> -> memref<64xi32, #tpu.memory_space<vmem>>
        %dma_start3A_338 = tpu.memref_slice %arg4[%add3A_325] : memref<331776xi32, #tpu.memory_space<hbm>> -> memref<64xi32, #tpu.memory_space<hbm>>
        tpu.enqueue_dma source(%dma_start3A_338 : memref<64xi32, #tpu.memory_space<hbm>>) target(%dma_start3A_337 : memref<64xi32, #tpu.memory_space<vmem>>) target_semaphore(%dma_start3A_334 : memref<!tpu.dma_semaphore, #tpu.memory_space<semaphore_mem>>)
      } else {
      }
      %mul3A_248 = arith.constant 2 : i32
      %mul3A_249 = arith.muli %mul3A_248, %add3A_196 : i32
      %add3A_250 = arith.constant 1 : i32
      %add3A_251 = arith.addi %mul3A_249, %add3A_250 : i32
      %dma_wait3A_252 = arith.constant 1 : i32
      %dma_wait3A_253 = arith.constant 0 : i32
      %dma_wait3A_254 = arith.constant 1 : i32
      %dma_wait3A_255 = arith.constant 1 : i32
      %dma_wait3A_256 = arith.constant 0 : i32
      %dma_wait3A_257 = arith.constant 0 : i32
      %dma_wait3A_258 = tpu.memref_slice %arg10[%dma_wait3A_254, %dma_wait3A_256, %dma_wait3A_257] : memref<2x64x128xf32, #tpu.memory_space<vmem>> -> memref<1x64x128xf32, #tpu.memory_space<vmem>>
      %dma_wait3A_259 = tpu.memref_squeeze %dma_wait3A_258 : memref<1x64x128xf32, #tpu.memory_space<vmem>> -> memref<64x128xf32, #tpu.memory_space<vmem>>
      %dma_wait3A_260 = arith.constant 0 : i32
      %dma_wait3A_261 = tpu.memref_slice %arg7[%dma_wait3A_252, %dma_wait3A_253, %dma_wait3A_260] : memref<2x1x64xi32, #tpu.memory_space<vmem>> -> memref<1x1x64xi32, #tpu.memory_space<vmem>>
      %dma_wait3A_262 = tpu.memref_squeeze %dma_wait3A_261 : memref<1x1x64xi32, #tpu.memory_space<vmem>> -> memref<64xi32, #tpu.memory_space<vmem>>
      %dma_wait3A_263 = arith.constant 0 : i32
      %dma_wait3A_264 = arith.constant 0 : i32
      %dma_wait3A_265 = tpu.memref_slice %arg2[%dma_wait3A_263, %dma_wait3A_264] : memref<10112x128xf32, #tpu.memory_space<hbm>> -> memref<10112x128xf32, #tpu.memory_space<hbm>>
      %dma_wait3A_266 = tpu.memref_slice %arg15[%dma_wait3A_255] : memref<2x!tpu.dma_semaphore, #tpu.memory_space<semaphore_mem>> -> memref<1x!tpu.dma_semaphore, #tpu.memory_space<semaphore_mem>>
      %dma_wait3A_267 = tpu.memref_squeeze %dma_wait3A_266 : memref<1x!tpu.dma_semaphore, #tpu.memory_space<semaphore_mem>> -> memref<!tpu.dma_semaphore, #tpu.memory_space<semaphore_mem>>
      tpu.wait_indirect_dma semaphore(%dma_wait3A_267 : memref<!tpu.dma_semaphore, #tpu.memory_space<semaphore_mem>>) src(%dma_wait3A_265 : memref<10112x128xf32, #tpu.memory_space<hbm>>) dst(%dma_wait3A_259 : memref<64x128xf32, #tpu.memory_space<vmem>>)
      %dma_wait3A_268 = arith.constant 1 : i32
      %dma_wait3A_269 = arith.constant 0 : i32
      %dma_wait3A_270 = arith.constant 1 : i32
      %dma_wait3A_271 = arith.constant 1 : i32
      %dma_wait3A_272 = arith.constant 0 : i32
      %dma_wait3A_273 = arith.constant 0 : i32
      %dma_wait3A_274 = tpu.memref_slice %arg11[%dma_wait3A_270, %dma_wait3A_272, %dma_wait3A_273] : memref<2x64x128xf32, #tpu.memory_space<vmem>> -> memref<1x64x128xf32, #tpu.memory_space<vmem>>
      %dma_wait3A_275 = tpu.memref_squeeze %dma_wait3A_274 : memref<1x64x128xf32, #tpu.memory_space<vmem>> -> memref<64x128xf32, #tpu.memory_space<vmem>>
      %dma_wait3A_276 = arith.constant 0 : i32
      %dma_wait3A_277 = tpu.memref_slice %arg8[%dma_wait3A_268, %dma_wait3A_269, %dma_wait3A_276] : memref<2x1x64xi32, #tpu.memory_space<vmem>> -> memref<1x1x64xi32, #tpu.memory_space<vmem>>
      %dma_wait3A_278 = tpu.memref_squeeze %dma_wait3A_277 : memref<1x1x64xi32, #tpu.memory_space<vmem>> -> memref<64xi32, #tpu.memory_space<vmem>>
      %dma_wait3A_279 = arith.constant 0 : i32
      %dma_wait3A_280 = arith.constant 0 : i32
      %dma_wait3A_281 = tpu.memref_slice %arg2[%dma_wait3A_279, %dma_wait3A_280] : memref<10112x128xf32, #tpu.memory_space<hbm>> -> memref<10112x128xf32, #tpu.memory_space<hbm>>
      %dma_wait3A_282 = tpu.memref_slice %arg15[%dma_wait3A_271] : memref<2x!tpu.dma_semaphore, #tpu.memory_space<semaphore_mem>> -> memref<1x!tpu.dma_semaphore, #tpu.memory_space<semaphore_mem>>
      %dma_wait3A_283 = tpu.memref_squeeze %dma_wait3A_282 : memref<1x!tpu.dma_semaphore, #tpu.memory_space<semaphore_mem>> -> memref<!tpu.dma_semaphore, #tpu.memory_space<semaphore_mem>>
      tpu.wait_indirect_dma semaphore(%dma_wait3A_283 : memref<!tpu.dma_semaphore, #tpu.memory_space<semaphore_mem>>) src(%dma_wait3A_281 : memref<10112x128xf32, #tpu.memory_space<hbm>>) dst(%dma_wait3A_275 : memref<64x128xf32, #tpu.memory_space<vmem>>)
      %add3A_284 = arith.constant 1 : i32
      %add3A_285 = arith.addi %add3A_251, %add3A_284 : i32
      %lt3A_286 = arith.constant 162 : i32
      %lt3A_287 = arith.cmpi slt, %add3A_285, %lt3A_286 : i32
      %convert_element_type3A_288 = arith.extui %lt3A_287 : i1 to i32
      %cond3A_289 = arith.constant 0 : i32
      %cond3A_290 = arith.cmpi ne, %convert_element_type3A_288, %cond3A_289 : i32
      scf.if %cond3A_290 {
        %add3A_305 = arith.constant 1 : i32
        %add3A_306 = arith.addi %add3A_251, %add3A_305 : i32
        %mul3A_307 = arith.constant 64 : i32
        %mul3A_308 = arith.muli %add3A_306, %mul3A_307 : i32
        %add3A_309 = arith.addi %mul3A_45, %mul3A_308 : i32
        %dma_wait3A_310 = arith.constant 0 : i32
        %dma_wait3A_311 = arith.constant 0 : i32
        %dma_wait3A_312 = arith.constant 0 : i32
        %dma_wait3A_313 = arith.constant 0 : i32
        %dma_wait3A_314 = tpu.memref_slice %arg7[%dma_wait3A_310, %dma_wait3A_311, %dma_wait3A_313] : memref<2x1x64xi32, #tpu.memory_space<vmem>> -> memref<1x1x64xi32, #tpu.memory_space<vmem>>
        %dma_wait3A_315 = tpu.memref_squeeze %dma_wait3A_314 : memref<1x1x64xi32, #tpu.memory_space<vmem>> -> memref<64xi32, #tpu.memory_space<vmem>>
        %dma_wait3A_316 = tpu.memref_slice %arg3[%add3A_309] : memref<331776xi32, #tpu.memory_space<hbm>> -> memref<64xi32, #tpu.memory_space<hbm>>
        %dma_wait3A_317 = tpu.memref_slice %arg14[%dma_wait3A_312] : memref<2x!tpu.dma_semaphore, #tpu.memory_space<semaphore_mem>> -> memref<1x!tpu.dma_semaphore, #tpu.memory_space<semaphore_mem>>
        %dma_wait3A_318 = tpu.memref_squeeze %dma_wait3A_317 : memref<1x!tpu.dma_semaphore, #tpu.memory_space<semaphore_mem>> -> memref<!tpu.dma_semaphore, #tpu.memory_space<semaphore_mem>>
        %dma_wait3A_319 = arith.constant 0 : i32
        %dma_wait3A_320 = tpu.memref_slice %arg7[%dma_wait3A_310, %dma_wait3A_311, %dma_wait3A_319] : memref<2x1x64xi32, #tpu.memory_space<vmem>> -> memref<1x1x64xi32, #tpu.memory_space<vmem>>
        %dma_wait3A_321 = tpu.memref_squeeze %dma_wait3A_320 : memref<1x1x64xi32, #tpu.memory_space<vmem>> -> memref<64xi32, #tpu.memory_space<vmem>>
        %dma_wait3A_322 = tpu.memref_slice %arg3[%add3A_309] : memref<331776xi32, #tpu.memory_space<hbm>> -> memref<64xi32, #tpu.memory_space<hbm>>
        tpu.wait_dma2 semaphore(%dma_wait3A_318 : memref<!tpu.dma_semaphore, #tpu.memory_space<semaphore_mem>>) src(%dma_wait3A_322 : memref<64xi32, #tpu.memory_space<hbm>>) dst(%dma_wait3A_321 : memref<64xi32, #tpu.memory_space<vmem>>)
        %mul3A_323 = arith.constant 64 : i32
        %mul3A_324 = arith.muli %add3A_306, %mul3A_323 : i32
        %add3A_325 = arith.addi %mul3A_45, %mul3A_324 : i32
        %dma_wait3A_326 = arith.constant 0 : i32
        %dma_wait3A_327 = arith.constant 0 : i32
        %dma_wait3A_328 = arith.constant 0 : i32
        %dma_wait3A_329 = arith.constant 0 : i32
        %dma_wait3A_330 = tpu.memref_slice %arg8[%dma_wait3A_326, %dma_wait3A_327, %dma_wait3A_329] : memref<2x1x64xi32, #tpu.memory_space<vmem>> -> memref<1x1x64xi32, #tpu.memory_space<vmem>>
        %dma_wait3A_331 = tpu.memref_squeeze %dma_wait3A_330 : memref<1x1x64xi32, #tpu.memory_space<vmem>> -> memref<64xi32, #tpu.memory_space<vmem>>
        %dma_wait3A_332 = tpu.memref_slice %arg4[%add3A_325] : memref<331776xi32, #tpu.memory_space<hbm>> -> memref<64xi32, #tpu.memory_space<hbm>>
        %dma_wait3A_333 = tpu.memref_slice %arg14[%dma_wait3A_328] : memref<2x!tpu.dma_semaphore, #tpu.memory_space<semaphore_mem>> -> memref<1x!tpu.dma_semaphore, #tpu.memory_space<semaphore_mem>>
        %dma_wait3A_334 = tpu.memref_squeeze %dma_wait3A_333 : memref<1x!tpu.dma_semaphore, #tpu.memory_space<semaphore_mem>> -> memref<!tpu.dma_semaphore, #tpu.memory_space<semaphore_mem>>
        %dma_wait3A_335 = arith.constant 0 : i32
        %dma_wait3A_336 = tpu.memref_slice %arg8[%dma_wait3A_326, %dma_wait3A_327, %dma_wait3A_335] : memref<2x1x64xi32, #tpu.memory_space<vmem>> -> memref<1x1x64xi32, #tpu.memory_space<vmem>>
        %dma_wait3A_337 = tpu.memref_squeeze %dma_wait3A_336 : memref<1x1x64xi32, #tpu.memory_space<vmem>> -> memref<64xi32, #tpu.memory_space<vmem>>
        %dma_wait3A_338 = tpu.memref_slice %arg4[%add3A_325] : memref<331776xi32, #tpu.memory_space<hbm>> -> memref<64xi32, #tpu.memory_space<hbm>>
        tpu.wait_dma2 semaphore(%dma_wait3A_334 : memref<!tpu.dma_semaphore, #tpu.memory_space<semaphore_mem>>) src(%dma_wait3A_338 : memref<64xi32, #tpu.memory_space<hbm>>) dst(%dma_wait3A_337 : memref<64xi32, #tpu.memory_space<vmem>>)
        %dma_start3A_339 = arith.constant 0 : i32
        %dma_start3A_340 = arith.constant 0 : i32
        %dma_start3A_341 = arith.constant 0 : i32
        %dma_start3A_342 = arith.constant 0 : i32
        %dma_start3A_343 = arith.constant 0 : i32
        %dma_start3A_344 = arith.constant 0 : i32
        %dma_start3A_345 = tpu.memref_slice %arg10[%dma_start3A_341, %dma_start3A_343, %dma_start3A_344] : memref<2x64x128xf32, #tpu.memory_space<vmem>> -> memref<1x64x128xf32, #tpu.memory_space<vmem>>
        %dma_start3A_346 = tpu.memref_squeeze %dma_start3A_345 : memref<1x64x128xf32, #tpu.memory_space<vmem>> -> memref<64x128xf32, #tpu.memory_space<vmem>>
        %dma_start3A_347 = arith.constant 0 : i32
        %dma_start3A_348 = tpu.memref_slice %arg7[%dma_start3A_339, %dma_start3A_340, %dma_start3A_347] : memref<2x1x64xi32, #tpu.memory_space<vmem>> -> memref<1x1x64xi32, #tpu.memory_space<vmem>>
        %dma_start3A_349 = tpu.memref_squeeze %dma_start3A_348 : memref<1x1x64xi32, #tpu.memory_space<vmem>> -> memref<64xi32, #tpu.memory_space<vmem>>
        %dma_start3A_350 = arith.constant 0 : i32
        %dma_start3A_351 = arith.constant 0 : i32
        %dma_start3A_352 = tpu.memref_slice %arg2[%dma_start3A_350, %dma_start3A_351] : memref<10112x128xf32, #tpu.memory_space<hbm>> -> memref<10112x128xf32, #tpu.memory_space<hbm>>
        %dma_start3A_353 = tpu.memref_slice %arg15[%dma_start3A_342] : memref<2x!tpu.dma_semaphore, #tpu.memory_space<semaphore_mem>> -> memref<1x!tpu.dma_semaphore, #tpu.memory_space<semaphore_mem>>
        %dma_start3A_354 = tpu.memref_squeeze %dma_start3A_353 : memref<1x!tpu.dma_semaphore, #tpu.memory_space<semaphore_mem>> -> memref<!tpu.dma_semaphore, #tpu.memory_space<semaphore_mem>>
        tpu.enqueue_indirect_dma source(%dma_start3A_352 : memref<10112x128xf32, #tpu.memory_space<hbm>>) target(%dma_start3A_346 : memref<64x128xf32, #tpu.memory_space<vmem>>) offsets(%dma_start3A_349 : memref<64xi32, #tpu.memory_space<vmem>>) semaphore(%dma_start3A_354 : memref<!tpu.dma_semaphore, #tpu.memory_space<semaphore_mem>>)
        %dma_start3A_355 = arith.constant 0 : i32
        %dma_start3A_356 = arith.constant 0 : i32
        %dma_start3A_357 = arith.constant 0 : i32
        %dma_start3A_358 = arith.constant 0 : i32
        %dma_start3A_359 = arith.constant 0 : i32
        %dma_start3A_360 = arith.constant 0 : i32
        %dma_start3A_361 = tpu.memref_slice %arg11[%dma_start3A_357, %dma_start3A_359, %dma_start3A_360] : memref<2x64x128xf32, #tpu.memory_space<vmem>> -> memref<1x64x128xf32, #tpu.memory_space<vmem>>
        %dma_start3A_362 = tpu.memref_squeeze %dma_start3A_361 : memref<1x64x128xf32, #tpu.memory_space<vmem>> -> memref<64x128xf32, #tpu.memory_space<vmem>>
        %dma_start3A_363 = arith.constant 0 : i32
        %dma_start3A_364 = tpu.memref_slice %arg8[%dma_start3A_355, %dma_start3A_356, %dma_start3A_363] : memref<2x1x64xi32, #tpu.memory_space<vmem>> -> memref<1x1x64xi32, #tpu.memory_space<vmem>>
        %dma_start3A_365 = tpu.memref_squeeze %dma_start3A_364 : memref<1x1x64xi32, #tpu.memory_space<vmem>> -> memref<64xi32, #tpu.memory_space<vmem>>
        %dma_start3A_366 = arith.constant 0 : i32
        %dma_start3A_367 = arith.constant 0 : i32
        %dma_start3A_368 = tpu.memref_slice %arg2[%dma_start3A_366, %dma_start3A_367] : memref<10112x128xf32, #tpu.memory_space<hbm>> -> memref<10112x128xf32, #tpu.memory_space<hbm>>
        %dma_start3A_369 = tpu.memref_slice %arg15[%dma_start3A_358] : memref<2x!tpu.dma_semaphore, #tpu.memory_space<semaphore_mem>> -> memref<1x!tpu.dma_semaphore, #tpu.memory_space<semaphore_mem>>
        %dma_start3A_370 = tpu.memref_squeeze %dma_start3A_369 : memref<1x!tpu.dma_semaphore, #tpu.memory_space<semaphore_mem>> -> memref<!tpu.dma_semaphore, #tpu.memory_space<semaphore_mem>>
        tpu.enqueue_indirect_dma source(%dma_start3A_368 : memref<10112x128xf32, #tpu.memory_space<hbm>>) target(%dma_start3A_362 : memref<64x128xf32, #tpu.memory_space<vmem>>) offsets(%dma_start3A_365 : memref<64xi32, #tpu.memory_space<vmem>>) semaphore(%dma_start3A_370 : memref<!tpu.dma_semaphore, #tpu.memory_space<semaphore_mem>>)
      } else {
      }
      %scan3A_291 = arith.constant 0 : i32
      %scan3A_292 = arith.constant 64 : i32
      %scan3A_293 = arith.addi %scan3A_291, %scan3A_292 : i32
      %scan3A_294 = arith.constant 1 : i32
      scf.for %scan3A_305 = %scan3A_291 to %scan3A_293 step %scan3A_294  : i32 {
        %mul3A_306 = arith.constant 1 : i32
        %mul3A_307 = arith.muli %scan3A_305, %mul3A_306 : i32
        %add3A_308 = arith.constant 0 : i32
        %add3A_309 = arith.addi %add3A_308, %mul3A_307 : i32
        %get3A_310 = arith.constant 1 : i32
        %get3A_311 = arith.index_cast %get3A_310 : i32 to index
        %get3A_312 = arith.index_cast %add3A_309 : i32 to index
        %get3A_313 = arith.constant 0 : index
        %get3A_314 = tpu.vector_load %arg10[%get3A_311, %get3A_312, %get3A_313] {strides = array<i32>} : memref<2x64x128xf32, #tpu.memory_space<vmem>>, vector<16xf32>,
        %get3A_315 = arith.constant 1 : i32
        %get3A_316 = arith.index_cast %get3A_315 : i32 to index
        %get3A_317 = arith.index_cast %add3A_309 : i32 to index
        %get3A_318 = arith.constant 64 : index
        %get3A_319 = tpu.vector_load %arg11[%get3A_316, %get3A_317, %get3A_318] {strides = array<i32>} : memref<2x64x128xf32, #tpu.memory_space<vmem>>, vector<16xf32>,
        %add3A_320 = arith.addf %get3A_314, %get3A_319 : vector<16xf32>
        %mul3A_321 = arith.constant 2.000000e-01 : f32
        %mul3A_322 = vector.broadcast %mul3A_321 : f32 to vector<16xf32>
        %mul3A_323 = arith.mulf %add3A_320, %mul3A_322 : vector<16xf32>
        %max3A = arith.maximumf %add3A_320, %mul3A_323 : vector<16xf32>
        %mul3A_324 = arith.mulf %max3A, %get3A_29 : vector<16xf32>
        %reduce_sum3A = arith.constant true
        %reduce_sum3A_325 = vector.broadcast %reduce_sum3A : i1 to vector<16xi1>
        %reduce_sum3A_326 = tpu.scan <sum>, %mul3A_324 masked %reduce_sum3A_325 : vector<16xf32>, vector<16xi1> -> vector<16xf32>
        %reduce_sum3A_327 = vector.extract %reduce_sum3A_326[15] : f32 from vector<16xf32>
        %broadcast_in_dim3A = vector.broadcast %reduce_sum3A_327 : f32 to vector<16xf32>
        %exp3A = math.exp %broadcast_in_dim3A : vector<16xf32>
        %mul3A_328 = arith.mulf %get3A_314, %exp3A : vector<16xf32>
        %swap3A = arith.index_cast %add3A_309 : i32 to index
        %swap3A_329 = arith.constant 0 : index
        %swap3A_330 = tpu.vector_load %arg9[%swap3A, %swap3A_329] {strides = array<i32>} : memref<64x128xf32, #tpu.memory_space<vmem>>, vector<16xf32>,
        tpu.vector_store %arg9[%swap3A, %swap3A_329], %mul3A_328 {strides = array<i32>} : memref<64x128xf32, #tpu.memory_space<vmem>>, vector<16xf32>,
        %swap3A_331 = arith.index_cast %add3A_309 : i32 to index
        %swap3A_332 = arith.constant 64 : index
        %swap3A_333 = tpu.vector_load %arg9[%swap3A_331, %swap3A_332] {strides = array<i32>} : memref<64x128xf32, #tpu.memory_space<vmem>>, vector<16xf32>,
        tpu.vector_store %arg9[%swap3A_331, %swap3A_332], %exp3A {strides = array<i32>} : memref<64x128xf32, #tpu.memory_space<vmem>>, vector<16xf32>,
        %get3A_334 = arith.constant 1 : i32
        %get3A_335 = arith.index_cast %get3A_334 : i32 to index
        %get3A_336 = arith.index_cast %add3A_309 : i32 to index
        %get3A_337 = arith.constant 16 : index
        %get3A_338 = tpu.vector_load %arg10[%get3A_335, %get3A_336, %get3A_337] {strides = array<i32>} : memref<2x64x128xf32, #tpu.memory_space<vmem>>, vector<16xf32>,
        %get3A_339 = arith.constant 1 : i32
        %get3A_340 = arith.index_cast %get3A_339 : i32 to index
        %get3A_341 = arith.index_cast %add3A_309 : i32 to index
        %get3A_342 = arith.constant 80 : index
        %get3A_343 = tpu.vector_load %arg11[%get3A_340, %get3A_341, %get3A_342] {strides = array<i32>} : memref<2x64x128xf32, #tpu.memory_space<vmem>>, vector<16xf32>,
        %add3A_344 = arith.addf %get3A_338, %get3A_343 : vector<16xf32>
        %mul3A_345 = arith.constant 2.000000e-01 : f32
        %mul3A_346 = vector.broadcast %mul3A_345 : f32 to vector<16xf32>
        %mul3A_347 = arith.mulf %add3A_344, %mul3A_346 : vector<16xf32>
        %max3A_348 = arith.maximumf %add3A_344, %mul3A_347 : vector<16xf32>
        %mul3A_349 = arith.mulf %max3A_348, %get3A_33 : vector<16xf32>
        %reduce_sum3A_350 = arith.constant true
        %reduce_sum3A_351 = vector.broadcast %reduce_sum3A_350 : i1 to vector<16xi1>
        %reduce_sum3A_352 = tpu.scan <sum>, %mul3A_349 masked %reduce_sum3A_351 : vector<16xf32>, vector<16xi1> -> vector<16xf32>
        %reduce_sum3A_353 = vector.extract %reduce_sum3A_352[15] : f32 from vector<16xf32>
        %broadcast_in_dim3A_354 = vector.broadcast %reduce_sum3A_353 : f32 to vector<16xf32>
        %exp3A_355 = math.exp %broadcast_in_dim3A_354 : vector<16xf32>
        %mul3A_356 = arith.mulf %get3A_338, %exp3A_355 : vector<16xf32>
        %swap3A_357 = arith.index_cast %add3A_309 : i32 to index
        %swap3A_358 = arith.constant 16 : index
        %swap3A_359 = tpu.vector_load %arg9[%swap3A_357, %swap3A_358] {strides = array<i32>} : memref<64x128xf32, #tpu.memory_space<vmem>>, vector<16xf32>,
        tpu.vector_store %arg9[%swap3A_357, %swap3A_358], %mul3A_356 {strides = array<i32>} : memref<64x128xf32, #tpu.memory_space<vmem>>, vector<16xf32>,
        %swap3A_360 = arith.index_cast %add3A_309 : i32 to index
        %swap3A_361 = arith.constant 80 : index
        %swap3A_362 = tpu.vector_load %arg9[%swap3A_360, %swap3A_361] {strides = array<i32>} : memref<64x128xf32, #tpu.memory_space<vmem>>, vector<16xf32>,
        tpu.vector_store %arg9[%swap3A_360, %swap3A_361], %exp3A_355 {strides = array<i32>} : memref<64x128xf32, #tpu.memory_space<vmem>>, vector<16xf32>,
        %get3A_363 = arith.constant 1 : i32
        %get3A_364 = arith.index_cast %get3A_363 : i32 to index
        %get3A_365 = arith.index_cast %add3A_309 : i32 to index
        %get3A_366 = arith.constant 32 : index
        %get3A_367 = tpu.vector_load %arg10[%get3A_364, %get3A_365, %get3A_366] {strides = array<i32>} : memref<2x64x128xf32, #tpu.memory_space<vmem>>, vector<16xf32>,
        %get3A_368 = arith.constant 1 : i32
        %get3A_369 = arith.index_cast %get3A_368 : i32 to index
        %get3A_370 = arith.index_cast %add3A_309 : i32 to index
        %get3A_371 = arith.constant 96 : index
        %get3A_372 = tpu.vector_load %arg11[%get3A_369, %get3A_370, %get3A_371] {strides = array<i32>} : memref<2x64x128xf32, #tpu.memory_space<vmem>>, vector<16xf32>,
        %add3A_373 = arith.addf %get3A_367, %get3A_372 : vector<16xf32>
        %mul3A_374 = arith.constant 2.000000e-01 : f32
        %mul3A_375 = vector.broadcast %mul3A_374 : f32 to vector<16xf32>
        %mul3A_376 = arith.mulf %add3A_373, %mul3A_375 : vector<16xf32>
        %max3A_377 = arith.maximumf %add3A_373, %mul3A_376 : vector<16xf32>
        %mul3A_378 = arith.mulf %max3A_377, %get3A_37 : vector<16xf32>
        %reduce_sum3A_379 = arith.constant true
        %reduce_sum3A_380 = vector.broadcast %reduce_sum3A_379 : i1 to vector<16xi1>
        %reduce_sum3A_381 = tpu.scan <sum>, %mul3A_378 masked %reduce_sum3A_380 : vector<16xf32>, vector<16xi1> -> vector<16xf32>
        %reduce_sum3A_382 = vector.extract %reduce_sum3A_381[15] : f32 from vector<16xf32>
        %broadcast_in_dim3A_383 = vector.broadcast %reduce_sum3A_382 : f32 to vector<16xf32>
        %exp3A_384 = math.exp %broadcast_in_dim3A_383 : vector<16xf32>
        %mul3A_385 = arith.mulf %get3A_367, %exp3A_384 : vector<16xf32>
        %swap3A_386 = arith.index_cast %add3A_309 : i32 to index
        %swap3A_387 = arith.constant 32 : index
        %swap3A_388 = tpu.vector_load %arg9[%swap3A_386, %swap3A_387] {strides = array<i32>} : memref<64x128xf32, #tpu.memory_space<vmem>>, vector<16xf32>,
        tpu.vector_store %arg9[%swap3A_386, %swap3A_387], %mul3A_385 {strides = array<i32>} : memref<64x128xf32, #tpu.memory_space<vmem>>, vector<16xf32>,
        %swap3A_389 = arith.index_cast %add3A_309 : i32 to index
        %swap3A_390 = arith.constant 96 : index
        %swap3A_391 = tpu.vector_load %arg9[%swap3A_389, %swap3A_390] {strides = array<i32>} : memref<64x128xf32, #tpu.memory_space<vmem>>, vector<16xf32>,
        tpu.vector_store %arg9[%swap3A_389, %swap3A_390], %exp3A_384 {strides = array<i32>} : memref<64x128xf32, #tpu.memory_space<vmem>>, vector<16xf32>,
        %get3A_392 = arith.constant 1 : i32
        %get3A_393 = arith.index_cast %get3A_392 : i32 to index
        %get3A_394 = arith.index_cast %add3A_309 : i32 to index
        %get3A_395 = arith.constant 48 : index
        %get3A_396 = tpu.vector_load %arg10[%get3A_393, %get3A_394, %get3A_395] {strides = array<i32>} : memref<2x64x128xf32, #tpu.memory_space<vmem>>, vector<16xf32>,
        %get3A_397 = arith.constant 1 : i32
        %get3A_398 = arith.index_cast %get3A_397 : i32 to index
        %get3A_399 = arith.index_cast %add3A_309 : i32 to index
        %get3A_400 = arith.constant 112 : index
        %get3A_401 = tpu.vector_load %arg11[%get3A_398, %get3A_399, %get3A_400] {strides = array<i32>} : memref<2x64x128xf32, #tpu.memory_space<vmem>>, vector<16xf32>,
        %add3A_402 = arith.addf %get3A_396, %get3A_401 : vector<16xf32>
        %mul3A_403 = arith.constant 2.000000e-01 : f32
        %mul3A_404 = vector.broadcast %mul3A_403 : f32 to vector<16xf32>
        %mul3A_405 = arith.mulf %add3A_402, %mul3A_404 : vector<16xf32>
        %max3A_406 = arith.maximumf %add3A_402, %mul3A_405 : vector<16xf32>
        %mul3A_407 = arith.mulf %max3A_406, %get3A_41 : vector<16xf32>
        %reduce_sum3A_408 = arith.constant true
        %reduce_sum3A_409 = vector.broadcast %reduce_sum3A_408 : i1 to vector<16xi1>
        %reduce_sum3A_410 = tpu.scan <sum>, %mul3A_407 masked %reduce_sum3A_409 : vector<16xf32>, vector<16xi1> -> vector<16xf32>
        %reduce_sum3A_411 = vector.extract %reduce_sum3A_410[15] : f32 from vector<16xf32>
        %broadcast_in_dim3A_412 = vector.broadcast %reduce_sum3A_411 : f32 to vector<16xf32>
        %exp3A_413 = math.exp %broadcast_in_dim3A_412 : vector<16xf32>
        %mul3A_414 = arith.mulf %get3A_396, %exp3A_413 : vector<16xf32>
        %swap3A_415 = arith.index_cast %add3A_309 : i32 to index
        %swap3A_416 = arith.constant 48 : index
        %swap3A_417 = tpu.vector_load %arg9[%swap3A_415, %swap3A_416] {strides = array<i32>} : memref<64x128xf32, #tpu.memory_space<vmem>>, vector<16xf32>,
        tpu.vector_store %arg9[%swap3A_415, %swap3A_416], %mul3A_414 {strides = array<i32>} : memref<64x128xf32, #tpu.memory_space<vmem>>, vector<16xf32>,
        %swap3A_418 = arith.index_cast %add3A_309 : i32 to index
        %swap3A_419 = arith.constant 112 : index
        %swap3A_420 = tpu.vector_load %arg9[%swap3A_418, %swap3A_419] {strides = array<i32>} : memref<64x128xf32, #tpu.memory_space<vmem>>, vector<16xf32>,
        tpu.vector_store %arg9[%swap3A_418, %swap3A_419], %exp3A_413 {strides = array<i32>} : memref<64x128xf32, #tpu.memory_space<vmem>>, vector<16xf32>,
      }
      %scan3A_295 = arith.constant 64 : i32
      %run_scoped3A_296 = arith.constant 1 : i32
      %run_scoped3A_297 = arith.constant 0 : i32
      "tpu.region"() ({
        %run_scoped3A_305 = tpu.sem_alloc : memref<!tpu.dma_semaphore, #tpu.memory_space<semaphore_mem>>
        %dma_start3A_306 = arith.constant 0 : i32
        %dma_start3A_307 = tpu.memref_slice %arg8[%run_scoped3A_296, %run_scoped3A_297, %dma_start3A_306] : memref<2x1x64xi32, #tpu.memory_space<vmem>> -> memref<1x1x64xi32, #tpu.memory_space<vmem>>
        %dma_start3A_308 = tpu.memref_squeeze %dma_start3A_307 : memref<1x1x64xi32, #tpu.memory_space<vmem>> -> memref<64xi32, #tpu.memory_space<vmem>>
        %dma_start3A_309 = arith.constant 0 : i32
        %dma_start3A_310 = arith.constant 0 : i32
        %dma_start3A_311 = tpu.memref_slice %arg13[%dma_start3A_309, %dma_start3A_310] : memref<10112x128xf32, #tpu.memory_space<vmem_shared>> -> memref<10112x128xf32, #tpu.memory_space<vmem_shared>>
        tpu.enqueue_indirect_dma source(%arg9 : memref<64x128xf32, #tpu.memory_space<vmem>>) target(%dma_start3A_311 : memref<10112x128xf32, #tpu.memory_space<vmem_shared>>) offsets(%dma_start3A_308 : memref<64xi32, #tpu.memory_space<vmem>>) semaphore(%run_scoped3A_305 : memref<!tpu.dma_semaphore, #tpu.memory_space<semaphore_mem>>) {add = true}
        %dma_wait3A_312 = arith.constant 0 : i32
        %dma_wait3A_313 = tpu.memref_slice %arg8[%run_scoped3A_296, %run_scoped3A_297, %dma_wait3A_312] : memref<2x1x64xi32, #tpu.memory_space<vmem>> -> memref<1x1x64xi32, #tpu.memory_space<vmem>>
        %dma_wait3A_314 = tpu.memref_squeeze %dma_wait3A_313 : memref<1x1x64xi32, #tpu.memory_space<vmem>> -> memref<64xi32, #tpu.memory_space<vmem>>
        %dma_wait3A_315 = arith.constant 0 : i32
        %dma_wait3A_316 = arith.constant 0 : i32
        %dma_wait3A_317 = tpu.memref_slice %arg13[%dma_wait3A_315, %dma_wait3A_316] : memref<10112x128xf32, #tpu.memory_space<vmem_shared>> -> memref<10112x128xf32, #tpu.memory_space<vmem_shared>>
        tpu.wait_indirect_dma semaphore(%run_scoped3A_305 : memref<!tpu.dma_semaphore, #tpu.memory_space<semaphore_mem>>) src(%arg9 : memref<64x128xf32, #tpu.memory_space<vmem>>) dst(%dma_wait3A_317 : memref<10112x128xf32, #tpu.memory_space<vmem_shared>>)
        tpu.yield
      }) : () -> ()
      %add3A_298 = arith.constant 2 : i32
      %add3A_299 = arith.addi %add3A_251, %add3A_298 : i32
      %lt3A_300 = arith.constant 162 : i32
      %lt3A_301 = arith.cmpi slt, %add3A_299, %lt3A_300 : i32
      %convert_element_type3A_302 = arith.extui %lt3A_301 : i1 to i32
      %cond3A_303 = arith.constant 0 : i32
      %cond3A_304 = arith.cmpi ne, %convert_element_type3A_302, %cond3A_303 : i32
      scf.if %cond3A_304 {
        %add3A_305 = arith.constant 2 : i32
        %add3A_306 = arith.addi %add3A_251, %add3A_305 : i32
        %mul3A_307 = arith.constant 64 : i32
        %mul3A_308 = arith.muli %add3A_306, %mul3A_307 : i32
        %add3A_309 = arith.addi %mul3A_45, %mul3A_308 : i32
        %dma_start3A_310 = arith.constant 1 : i32
        %dma_start3A_311 = arith.constant 0 : i32
        %dma_start3A_312 = arith.constant 1 : i32
        %dma_start3A_313 = arith.constant 0 : i32
        %dma_start3A_314 = tpu.memref_slice %arg7[%dma_start3A_310, %dma_start3A_311, %dma_start3A_313] : memref<2x1x64xi32, #tpu.memory_space<vmem>> -> memref<1x1x64xi32, #tpu.memory_space<vmem>>
        %dma_start3A_315 = tpu.memref_squeeze %dma_start3A_314 : memref<1x1x64xi32, #tpu.memory_space<vmem>> -> memref<64xi32, #tpu.memory_space<vmem>>
        %dma_start3A_316 = tpu.memref_slice %arg3[%add3A_309] : memref<331776xi32, #tpu.memory_space<hbm>> -> memref<64xi32, #tpu.memory_space<hbm>>
        %dma_start3A_317 = tpu.memref_slice %arg14[%dma_start3A_312] : memref<2x!tpu.dma_semaphore, #tpu.memory_space<semaphore_mem>> -> memref<1x!tpu.dma_semaphore, #tpu.memory_space<semaphore_mem>>
        %dma_start3A_318 = tpu.memref_squeeze %dma_start3A_317 : memref<1x!tpu.dma_semaphore, #tpu.memory_space<semaphore_mem>> -> memref<!tpu.dma_semaphore, #tpu.memory_space<semaphore_mem>>
        %dma_start3A_319 = arith.constant 0 : i32
        %dma_start3A_320 = tpu.memref_slice %arg7[%dma_start3A_310, %dma_start3A_311, %dma_start3A_319] : memref<2x1x64xi32, #tpu.memory_space<vmem>> -> memref<1x1x64xi32, #tpu.memory_space<vmem>>
        %dma_start3A_321 = tpu.memref_squeeze %dma_start3A_320 : memref<1x1x64xi32, #tpu.memory_space<vmem>> -> memref<64xi32, #tpu.memory_space<vmem>>
        %dma_start3A_322 = tpu.memref_slice %arg3[%add3A_309] : memref<331776xi32, #tpu.memory_space<hbm>> -> memref<64xi32, #tpu.memory_space<hbm>>
        tpu.enqueue_dma source(%dma_start3A_322 : memref<64xi32, #tpu.memory_space<hbm>>) target(%dma_start3A_321 : memref<64xi32, #tpu.memory_space<vmem>>) target_semaphore(%dma_start3A_318 : memref<!tpu.dma_semaphore, #tpu.memory_space<semaphore_mem>>)
        %mul3A_323 = arith.constant 64 : i32
        %mul3A_324 = arith.muli %add3A_306, %mul3A_323 : i32
        %add3A_325 = arith.addi %mul3A_45, %mul3A_324 : i32
        %dma_start3A_326 = arith.constant 1 : i32
        %dma_start3A_327 = arith.constant 0 : i32
        %dma_start3A_328 = arith.constant 1 : i32
        %dma_start3A_329 = arith.constant 0 : i32
        %dma_start3A_330 = tpu.memref_slice %arg8[%dma_start3A_326, %dma_start3A_327, %dma_start3A_329] : memref<2x1x64xi32, #tpu.memory_space<vmem>> -> memref<1x1x64xi32, #tpu.memory_space<vmem>>
        %dma_start3A_331 = tpu.memref_squeeze %dma_start3A_330 : memref<1x1x64xi32, #tpu.memory_space<vmem>> -> memref<64xi32, #tpu.memory_space<vmem>>
        %dma_start3A_332 = tpu.memref_slice %arg4[%add3A_325] : memref<331776xi32, #tpu.memory_space<hbm>> -> memref<64xi32, #tpu.memory_space<hbm>>
        %dma_start3A_333 = tpu.memref_slice %arg14[%dma_start3A_328] : memref<2x!tpu.dma_semaphore, #tpu.memory_space<semaphore_mem>> -> memref<1x!tpu.dma_semaphore, #tpu.memory_space<semaphore_mem>>
        %dma_start3A_334 = tpu.memref_squeeze %dma_start3A_333 : memref<1x!tpu.dma_semaphore, #tpu.memory_space<semaphore_mem>> -> memref<!tpu.dma_semaphore, #tpu.memory_space<semaphore_mem>>
        %dma_start3A_335 = arith.constant 0 : i32
        %dma_start3A_336 = tpu.memref_slice %arg8[%dma_start3A_326, %dma_start3A_327, %dma_start3A_335] : memref<2x1x64xi32, #tpu.memory_space<vmem>> -> memref<1x1x64xi32, #tpu.memory_space<vmem>>
        %dma_start3A_337 = tpu.memref_squeeze %dma_start3A_336 : memref<1x1x64xi32, #tpu.memory_space<vmem>> -> memref<64xi32, #tpu.memory_space<vmem>>
        %dma_start3A_338 = tpu.memref_slice %arg4[%add3A_325] : memref<331776xi32, #tpu.memory_space<hbm>> -> memref<64xi32, #tpu.memory_space<hbm>>
        tpu.enqueue_dma source(%dma_start3A_338 : memref<64xi32, #tpu.memory_space<hbm>>) target(%dma_start3A_337 : memref<64xi32, #tpu.memory_space<vmem>>) target_semaphore(%dma_start3A_334 : memref<!tpu.dma_semaphore, #tpu.memory_space<semaphore_mem>>)
      } else {
      }
    }
    %scan3A_170 = arith.constant 81 : i32
    %barrier3A_171 = arith.constant 0 : index
    tpu.barrier barrier_id(%barrier3A_171)
    %add3A_172 = arith.constant 0 : i32
    %add3A_173 = arith.addi %mul3A_6, %add3A_172 : i32
    "tpu.region"() ({
      %run_scoped3A = tpu.sem_alloc : memref<!tpu.dma_semaphore, #tpu.memory_space<semaphore_mem>>
      %dma_start3A_192 = arith.constant 0 : i32
      %dma_start3A_193 = tpu.memref_slice %arg6[%arg0, %add3A_173, %dma_start3A_192] : memref<2x10112x128xf32, #tpu.memory_space<hbm>> -> memref<1x64x128xf32, #tpu.memory_space<hbm>>
      %dma_start3A_194 = tpu.memref_squeeze %dma_start3A_193 : memref<1x64x128xf32, #tpu.memory_space<hbm>> -> memref<64x128xf32, #tpu.memory_space<hbm>>
      %dma_start3A_195 = arith.constant 0 : i32
      %dma_start3A_196 = tpu.memref_slice %arg13[%add3A_173, %dma_start3A_195] : memref<10112x128xf32, #tpu.memory_space<vmem_shared>> -> memref<64x128xf32, #tpu.memory_space<vmem_shared>>
      tpu.enqueue_dma source(%dma_start3A_196 : memref<64x128xf32, #tpu.memory_space<vmem_shared>>) target(%dma_start3A_194 : memref<64x128xf32, #tpu.memory_space<hbm>>) target_semaphore(%run_scoped3A : memref<!tpu.dma_semaphore, #tpu.memory_space<semaphore_mem>>)
      %dma_wait3A_197 = arith.constant 0 : i32
      %dma_wait3A_198 = tpu.memref_slice %arg6[%arg0, %add3A_173, %dma_wait3A_197] : memref<2x10112x128xf32, #tpu.memory_space<hbm>> -> memref<1x64x128xf32, #tpu.memory_space<hbm>>
      %dma_wait3A_199 = tpu.memref_squeeze %dma_wait3A_198 : memref<1x64x128xf32, #tpu.memory_space<hbm>> -> memref<64x128xf32, #tpu.memory_space<hbm>>
      %dma_wait3A_200 = arith.constant 0 : i32
      %dma_wait3A_201 = tpu.memref_slice %arg13[%add3A_173, %dma_wait3A_200] : memref<10112x128xf32, #tpu.memory_space<vmem_shared>> -> memref<64x128xf32, #tpu.memory_space<vmem_shared>>
      tpu.wait_dma2 semaphore(%run_scoped3A : memref<!tpu.dma_semaphore, #tpu.memory_space<semaphore_mem>>) src(%dma_wait3A_201 : memref<64x128xf32, #tpu.memory_space<vmem_shared>>) dst(%dma_wait3A_199 : memref<64x128xf32, #tpu.memory_space<hbm>>)
      tpu.yield
    }) : () -> ()
    %add3A_174 = arith.constant 64 : i32
    %add3A_175 = arith.addi %mul3A_6, %add3A_174 : i32
    "tpu.region"() ({
      %run_scoped3A = tpu.sem_alloc : memref<!tpu.dma_semaphore, #tpu.memory_space<semaphore_mem>>
      %dma_start3A_192 = arith.constant 0 : i32
      %dma_start3A_193 = tpu.memref_slice %arg6[%arg0, %add3A_175, %dma_start3A_192] : memref<2x10112x128xf32, #tpu.memory_space<hbm>> -> memref<1x64x128xf32, #tpu.memory_space<hbm>>
      %dma_start3A_194 = tpu.memref_squeeze %dma_start3A_193 : memref<1x64x128xf32, #tpu.memory_space<hbm>> -> memref<64x128xf32, #tpu.memory_space<hbm>>
      %dma_start3A_195 = arith.constant 0 : i32
      %dma_start3A_196 = tpu.memref_slice %arg13[%add3A_175, %dma_start3A_195] : memref<10112x128xf32, #tpu.memory_space<vmem_shared>> -> memref<64x128xf32, #tpu.memory_space<vmem_shared>>
      tpu.enqueue_dma source(%dma_start3A_196 : memref<64x128xf32, #tpu.memory_space<vmem_shared>>) target(%dma_start3A_194 : memref<64x128xf32, #tpu.memory_space<hbm>>) target_semaphore(%run_scoped3A : memref<!tpu.dma_semaphore, #tpu.memory_space<semaphore_mem>>)
      %dma_wait3A_197 = arith.constant 0 : i32
      %dma_wait3A_198 = tpu.memref_slice %arg6[%arg0, %add3A_175, %dma_wait3A_197] : memref<2x10112x128xf32, #tpu.memory_space<hbm>> -> memref<1x64x128xf32, #tpu.memory_space<hbm>>
      %dma_wait3A_199 = tpu.memref_squeeze %dma_wait3A_198 : memref<1x64x128xf32, #tpu.memory_space<hbm>> -> memref<64x128xf32, #tpu.memory_space<hbm>>
      %dma_wait3A_200 = arith.constant 0 : i32
      %dma_wait3A_201 = tpu.memref_slice %arg13[%add3A_175, %dma_wait3A_200] : memref<10112x128xf32, #tpu.memory_space<vmem_shared>> -> memref<64x128xf32, #tpu.memory_space<vmem_shared>>
      tpu.wait_dma2 semaphore(%run_scoped3A : memref<!tpu.dma_semaphore, #tpu.memory_space<semaphore_mem>>) src(%dma_wait3A_201 : memref<64x128xf32, #tpu.memory_space<vmem_shared>>) dst(%dma_wait3A_199 : memref<64x128xf32, #tpu.memory_space<hbm>>)
      tpu.yield
    }) : () -> ()
    %add3A_176 = arith.constant 128 : i32
    %add3A_177 = arith.addi %mul3A_6, %add3A_176 : i32
    "tpu.region"() ({
      %run_scoped3A = tpu.sem_alloc : memref<!tpu.dma_semaphore, #tpu.memory_space<semaphore_mem>>
      %dma_start3A_192 = arith.constant 0 : i32
      %dma_start3A_193 = tpu.memref_slice %arg6[%arg0, %add3A_177, %dma_start3A_192] : memref<2x10112x128xf32, #tpu.memory_space<hbm>> -> memref<1x64x128xf32, #tpu.memory_space<hbm>>
      %dma_start3A_194 = tpu.memref_squeeze %dma_start3A_193 : memref<1x64x128xf32, #tpu.memory_space<hbm>> -> memref<64x128xf32, #tpu.memory_space<hbm>>
      %dma_start3A_195 = arith.constant 0 : i32
      %dma_start3A_196 = tpu.memref_slice %arg13[%add3A_177, %dma_start3A_195] : memref<10112x128xf32, #tpu.memory_space<vmem_shared>> -> memref<64x128xf32, #tpu.memory_space<vmem_shared>>
      tpu.enqueue_dma source(%dma_start3A_196 : memref<64x128xf32, #tpu.memory_space<vmem_shared>>) target(%dma_start3A_194 : memref<64x128xf32, #tpu.memory_space<hbm>>) target_semaphore(%run_scoped3A : memref<!tpu.dma_semaphore, #tpu.memory_space<semaphore_mem>>)
      %dma_wait3A_197 = arith.constant 0 : i32
      %dma_wait3A_198 = tpu.memref_slice %arg6[%arg0, %add3A_177, %dma_wait3A_197] : memref<2x10112x128xf32, #tpu.memory_space<hbm>> -> memref<1x64x128xf32, #tpu.memory_space<hbm>>
      %dma_wait3A_199 = tpu.memref_squeeze %dma_wait3A_198 : memref<1x64x128xf32, #tpu.memory_space<hbm>> -> memref<64x128xf32, #tpu.memory_space<hbm>>
      %dma_wait3A_200 = arith.constant 0 : i32
      %dma_wait3A_201 = tpu.memref_slice %arg13[%add3A_177, %dma_wait3A_200] : memref<10112x128xf32, #tpu.memory_space<vmem_shared>> -> memref<64x128xf32, #tpu.memory_space<vmem_shared>>
      tpu.wait_dma2 semaphore(%run_scoped3A : memref<!tpu.dma_semaphore, #tpu.memory_space<semaphore_mem>>) src(%dma_wait3A_201 : memref<64x128xf32, #tpu.memory_space<vmem_shared>>) dst(%dma_wait3A_199 : memref<64x128xf32, #tpu.memory_space<hbm>>)
      tpu.yield
    }) : () -> ()
    %add3A_178 = arith.constant 192 : i32
    %add3A_179 = arith.addi %mul3A_6, %add3A_178 : i32
    "tpu.region"() ({
      %run_scoped3A = tpu.sem_alloc : memref<!tpu.dma_semaphore, #tpu.memory_space<semaphore_mem>>
      %dma_start3A_192 = arith.constant 0 : i32
      %dma_start3A_193 = tpu.memref_slice %arg6[%arg0, %add3A_179, %dma_start3A_192] : memref<2x10112x128xf32, #tpu.memory_space<hbm>> -> memref<1x64x128xf32, #tpu.memory_space<hbm>>
      %dma_start3A_194 = tpu.memref_squeeze %dma_start3A_193 : memref<1x64x128xf32, #tpu.memory_space<hbm>> -> memref<64x128xf32, #tpu.memory_space<hbm>>
      %dma_start3A_195 = arith.constant 0 : i32
      %dma_start3A_196 = tpu.memref_slice %arg13[%add3A_179, %dma_start3A_195] : memref<10112x128xf32, #tpu.memory_space<vmem_shared>> -> memref<64x128xf32, #tpu.memory_space<vmem_shared>>
      tpu.enqueue_dma source(%dma_start3A_196 : memref<64x128xf32, #tpu.memory_space<vmem_shared>>) target(%dma_start3A_194 : memref<64x128xf32, #tpu.memory_space<hbm>>) target_semaphore(%run_scoped3A : memref<!tpu.dma_semaphore, #tpu.memory_space<semaphore_mem>>)
      %dma_wait3A_197 = arith.constant 0 : i32
      %dma_wait3A_198 = tpu.memref_slice %arg6[%arg0, %add3A_179, %dma_wait3A_197] : memref<2x10112x128xf32, #tpu.memory_space<hbm>> -> memref<1x64x128xf32, #tpu.memory_space<hbm>>
      %dma_wait3A_199 = tpu.memref_squeeze %dma_wait3A_198 : memref<1x64x128xf32, #tpu.memory_space<hbm>> -> memref<64x128xf32, #tpu.memory_space<hbm>>
      %dma_wait3A_200 = arith.constant 0 : i32
      %dma_wait3A_201 = tpu.memref_slice %arg13[%add3A_179, %dma_wait3A_200] : memref<10112x128xf32, #tpu.memory_space<vmem_shared>> -> memref<64x128xf32, #tpu.memory_space<vmem_shared>>
      tpu.wait_dma2 semaphore(%run_scoped3A : memref<!tpu.dma_semaphore, #tpu.memory_space<semaphore_mem>>) src(%dma_wait3A_201 : memref<64x128xf32, #tpu.memory_space<vmem_shared>>) dst(%dma_wait3A_199 : memref<64x128xf32, #tpu.memory_space<hbm>>)
      tpu.yield
    }) : () -> ()
    %add3A_180 = arith.constant 256 : i32
    %add3A_181 = arith.addi %mul3A_6, %add3A_180 : i32
    "tpu.region"() ({
      %run_scoped3A = tpu.sem_alloc : memref<!tpu.dma_semaphore, #tpu.memory_space<semaphore_mem>>
      %dma_start3A_192 = arith.constant 0 : i32
      %dma_start3A_193 = tpu.memref_slice %arg6[%arg0, %add3A_181, %dma_start3A_192] : memref<2x10112x128xf32, #tpu.memory_space<hbm>> -> memref<1x64x128xf32, #tpu.memory_space<hbm>>
      %dma_start3A_194 = tpu.memref_squeeze %dma_start3A_193 : memref<1x64x128xf32, #tpu.memory_space<hbm>> -> memref<64x128xf32, #tpu.memory_space<hbm>>
      %dma_start3A_195 = arith.constant 0 : i32
      %dma_start3A_196 = tpu.memref_slice %arg13[%add3A_181, %dma_start3A_195] : memref<10112x128xf32, #tpu.memory_space<vmem_shared>> -> memref<64x128xf32, #tpu.memory_space<vmem_shared>>
      tpu.enqueue_dma source(%dma_start3A_196 : memref<64x128xf32, #tpu.memory_space<vmem_shared>>) target(%dma_start3A_194 : memref<64x128xf32, #tpu.memory_space<hbm>>) target_semaphore(%run_scoped3A : memref<!tpu.dma_semaphore, #tpu.memory_space<semaphore_mem>>)
      %dma_wait3A_197 = arith.constant 0 : i32
      %dma_wait3A_198 = tpu.memref_slice %arg6[%arg0, %add3A_181, %dma_wait3A_197] : memref<2x10112x128xf32, #tpu.memory_space<hbm>> -> memref<1x64x128xf32, #tpu.memory_space<hbm>>
      %dma_wait3A_199 = tpu.memref_squeeze %dma_wait3A_198 : memref<1x64x128xf32, #tpu.memory_space<hbm>> -> memref<64x128xf32, #tpu.memory_space<hbm>>
      %dma_wait3A_200 = arith.constant 0 : i32
      %dma_wait3A_201 = tpu.memref_slice %arg13[%add3A_181, %dma_wait3A_200] : memref<10112x128xf32, #tpu.memory_space<vmem_shared>> -> memref<64x128xf32, #tpu.memory_space<vmem_shared>>
      tpu.wait_dma2 semaphore(%run_scoped3A : memref<!tpu.dma_semaphore, #tpu.memory_space<semaphore_mem>>) src(%dma_wait3A_201 : memref<64x128xf32, #tpu.memory_space<vmem_shared>>) dst(%dma_wait3A_199 : memref<64x128xf32, #tpu.memory_space<hbm>>)
      tpu.yield
    }) : () -> ()
    %add3A_182 = arith.constant 320 : i32
    %add3A_183 = arith.addi %mul3A_6, %add3A_182 : i32
    "tpu.region"() ({
      %run_scoped3A = tpu.sem_alloc : memref<!tpu.dma_semaphore, #tpu.memory_space<semaphore_mem>>
      %dma_start3A_192 = arith.constant 0 : i32
      %dma_start3A_193 = tpu.memref_slice %arg6[%arg0, %add3A_183, %dma_start3A_192] : memref<2x10112x128xf32, #tpu.memory_space<hbm>> -> memref<1x64x128xf32, #tpu.memory_space<hbm>>
      %dma_start3A_194 = tpu.memref_squeeze %dma_start3A_193 : memref<1x64x128xf32, #tpu.memory_space<hbm>> -> memref<64x128xf32, #tpu.memory_space<hbm>>
      %dma_start3A_195 = arith.constant 0 : i32
      %dma_start3A_196 = tpu.memref_slice %arg13[%add3A_183, %dma_start3A_195] : memref<10112x128xf32, #tpu.memory_space<vmem_shared>> -> memref<64x128xf32, #tpu.memory_space<vmem_shared>>
      tpu.enqueue_dma source(%dma_start3A_196 : memref<64x128xf32, #tpu.memory_space<vmem_shared>>) target(%dma_start3A_194 : memref<64x128xf32, #tpu.memory_space<hbm>>) target_semaphore(%run_scoped3A : memref<!tpu.dma_semaphore, #tpu.memory_space<semaphore_mem>>)
      %dma_wait3A_197 = arith.constant 0 : i32
      %dma_wait3A_198 = tpu.memref_slice %arg6[%arg0, %add3A_183, %dma_wait3A_197] : memref<2x10112x128xf32, #tpu.memory_space<hbm>> -> memref<1x64x128xf32, #tpu.memory_space<hbm>>
      %dma_wait3A_199 = tpu.memref_squeeze %dma_wait3A_198 : memref<1x64x128xf32, #tpu.memory_space<hbm>> -> memref<64x128xf32, #tpu.memory_space<hbm>>
      %dma_wait3A_200 = arith.constant 0 : i32
      %dma_wait3A_201 = tpu.memref_slice %arg13[%add3A_183, %dma_wait3A_200] : memref<10112x128xf32, #tpu.memory_space<vmem_shared>> -> memref<64x128xf32, #tpu.memory_space<vmem_shared>>
      tpu.wait_dma2 semaphore(%run_scoped3A : memref<!tpu.dma_semaphore, #tpu.memory_space<semaphore_mem>>) src(%dma_wait3A_201 : memref<64x128xf32, #tpu.memory_space<vmem_shared>>) dst(%dma_wait3A_199 : memref<64x128xf32, #tpu.memory_space<hbm>>)
      tpu.yield
    }) : () -> ()
    %add3A_184 = arith.constant 384 : i32
    %add3A_185 = arith.addi %mul3A_6, %add3A_184 : i32
    "tpu.region"() ({
      %run_scoped3A = tpu.sem_alloc : memref<!tpu.dma_semaphore, #tpu.memory_space<semaphore_mem>>
      %dma_start3A_192 = arith.constant 0 : i32
      %dma_start3A_193 = tpu.memref_slice %arg6[%arg0, %add3A_185, %dma_start3A_192] : memref<2x10112x128xf32, #tpu.memory_space<hbm>> -> memref<1x64x128xf32, #tpu.memory_space<hbm>>
      %dma_start3A_194 = tpu.memref_squeeze %dma_start3A_193 : memref<1x64x128xf32, #tpu.memory_space<hbm>> -> memref<64x128xf32, #tpu.memory_space<hbm>>
      %dma_start3A_195 = arith.constant 0 : i32
      %dma_start3A_196 = tpu.memref_slice %arg13[%add3A_185, %dma_start3A_195] : memref<10112x128xf32, #tpu.memory_space<vmem_shared>> -> memref<64x128xf32, #tpu.memory_space<vmem_shared>>
      tpu.enqueue_dma source(%dma_start3A_196 : memref<64x128xf32, #tpu.memory_space<vmem_shared>>) target(%dma_start3A_194 : memref<64x128xf32, #tpu.memory_space<hbm>>) target_semaphore(%run_scoped3A : memref<!tpu.dma_semaphore, #tpu.memory_space<semaphore_mem>>)
      %dma_wait3A_197 = arith.constant 0 : i32
      %dma_wait3A_198 = tpu.memref_slice %arg6[%arg0, %add3A_185, %dma_wait3A_197] : memref<2x10112x128xf32, #tpu.memory_space<hbm>> -> memref<1x64x128xf32, #tpu.memory_space<hbm>>
      %dma_wait3A_199 = tpu.memref_squeeze %dma_wait3A_198 : memref<1x64x128xf32, #tpu.memory_space<hbm>> -> memref<64x128xf32, #tpu.memory_space<hbm>>
      %dma_wait3A_200 = arith.constant 0 : i32
      %dma_wait3A_201 = tpu.memref_slice %arg13[%add3A_185, %dma_wait3A_200] : memref<10112x128xf32, #tpu.memory_space<vmem_shared>> -> memref<64x128xf32, #tpu.memory_space<vmem_shared>>
      tpu.wait_dma2 semaphore(%run_scoped3A : memref<!tpu.dma_semaphore, #tpu.memory_space<semaphore_mem>>) src(%dma_wait3A_201 : memref<64x128xf32, #tpu.memory_space<vmem_shared>>) dst(%dma_wait3A_199 : memref<64x128xf32, #tpu.memory_space<hbm>>)
      tpu.yield
    }) : () -> ()
    %add3A_186 = arith.constant 448 : i32
    %add3A_187 = arith.addi %mul3A_6, %add3A_186 : i32
    "tpu.region"() ({
      %run_scoped3A = tpu.sem_alloc : memref<!tpu.dma_semaphore, #tpu.memory_space<semaphore_mem>>
      %dma_start3A_192 = arith.constant 0 : i32
      %dma_start3A_193 = tpu.memref_slice %arg6[%arg0, %add3A_187, %dma_start3A_192] : memref<2x10112x128xf32, #tpu.memory_space<hbm>> -> memref<1x64x128xf32, #tpu.memory_space<hbm>>
      %dma_start3A_194 = tpu.memref_squeeze %dma_start3A_193 : memref<1x64x128xf32, #tpu.memory_space<hbm>> -> memref<64x128xf32, #tpu.memory_space<hbm>>
      %dma_start3A_195 = arith.constant 0 : i32
      %dma_start3A_196 = tpu.memref_slice %arg13[%add3A_187, %dma_start3A_195] : memref<10112x128xf32, #tpu.memory_space<vmem_shared>> -> memref<64x128xf32, #tpu.memory_space<vmem_shared>>
      tpu.enqueue_dma source(%dma_start3A_196 : memref<64x128xf32, #tpu.memory_space<vmem_shared>>) target(%dma_start3A_194 : memref<64x128xf32, #tpu.memory_space<hbm>>) target_semaphore(%run_scoped3A : memref<!tpu.dma_semaphore, #tpu.memory_space<semaphore_mem>>)
      %dma_wait3A_197 = arith.constant 0 : i32
      %dma_wait3A_198 = tpu.memref_slice %arg6[%arg0, %add3A_187, %dma_wait3A_197] : memref<2x10112x128xf32, #tpu.memory_space<hbm>> -> memref<1x64x128xf32, #tpu.memory_space<hbm>>
      %dma_wait3A_199 = tpu.memref_squeeze %dma_wait3A_198 : memref<1x64x128xf32, #tpu.memory_space<hbm>> -> memref<64x128xf32, #tpu.memory_space<hbm>>
      %dma_wait3A_200 = arith.constant 0 : i32
      %dma_wait3A_201 = tpu.memref_slice %arg13[%add3A_187, %dma_wait3A_200] : memref<10112x128xf32, #tpu.memory_space<vmem_shared>> -> memref<64x128xf32, #tpu.memory_space<vmem_shared>>
      tpu.wait_dma2 semaphore(%run_scoped3A : memref<!tpu.dma_semaphore, #tpu.memory_space<semaphore_mem>>) src(%dma_wait3A_201 : memref<64x128xf32, #tpu.memory_space<vmem_shared>>) dst(%dma_wait3A_199 : memref<64x128xf32, #tpu.memory_space<hbm>>)
      tpu.yield
    }) : () -> ()
    %add3A_188 = arith.constant 512 : i32
    %add3A_189 = arith.addi %mul3A_6, %add3A_188 : i32
    "tpu.region"() ({
      %run_scoped3A = tpu.sem_alloc : memref<!tpu.dma_semaphore, #tpu.memory_space<semaphore_mem>>
      %dma_start3A_192 = arith.constant 0 : i32
      %dma_start3A_193 = tpu.memref_slice %arg6[%arg0, %add3A_189, %dma_start3A_192] : memref<2x10112x128xf32, #tpu.memory_space<hbm>> -> memref<1x64x128xf32, #tpu.memory_space<hbm>>
      %dma_start3A_194 = tpu.memref_squeeze %dma_start3A_193 : memref<1x64x128xf32, #tpu.memory_space<hbm>> -> memref<64x128xf32, #tpu.memory_space<hbm>>
      %dma_start3A_195 = arith.constant 0 : i32
      %dma_start3A_196 = tpu.memref_slice %arg13[%add3A_189, %dma_start3A_195] : memref<10112x128xf32, #tpu.memory_space<vmem_shared>> -> memref<64x128xf32, #tpu.memory_space<vmem_shared>>
      tpu.enqueue_dma source(%dma_start3A_196 : memref<64x128xf32, #tpu.memory_space<vmem_shared>>) target(%dma_start3A_194 : memref<64x128xf32, #tpu.memory_space<hbm>>) target_semaphore(%run_scoped3A : memref<!tpu.dma_semaphore, #tpu.memory_space<semaphore_mem>>)
      %dma_wait3A_197 = arith.constant 0 : i32
      %dma_wait3A_198 = tpu.memref_slice %arg6[%arg0, %add3A_189, %dma_wait3A_197] : memref<2x10112x128xf32, #tpu.memory_space<hbm>> -> memref<1x64x128xf32, #tpu.memory_space<hbm>>
      %dma_wait3A_199 = tpu.memref_squeeze %dma_wait3A_198 : memref<1x64x128xf32, #tpu.memory_space<hbm>> -> memref<64x128xf32, #tpu.memory_space<hbm>>
      %dma_wait3A_200 = arith.constant 0 : i32
      %dma_wait3A_201 = tpu.memref_slice %arg13[%add3A_189, %dma_wait3A_200] : memref<10112x128xf32, #tpu.memory_space<vmem_shared>> -> memref<64x128xf32, #tpu.memory_space<vmem_shared>>
      tpu.wait_dma2 semaphore(%run_scoped3A : memref<!tpu.dma_semaphore, #tpu.memory_space<semaphore_mem>>) src(%dma_wait3A_201 : memref<64x128xf32, #tpu.memory_space<vmem_shared>>) dst(%dma_wait3A_199 : memref<64x128xf32, #tpu.memory_space<hbm>>)
      tpu.yield
    }) : () -> ()
    %add3A_190 = arith.constant 576 : i32
    %add3A_191 = arith.addi %mul3A_6, %add3A_190 : i32
    "tpu.region"() ({
      %run_scoped3A = tpu.sem_alloc : memref<!tpu.dma_semaphore, #tpu.memory_space<semaphore_mem>>
      %dma_start3A_192 = arith.constant 0 : i32
      %dma_start3A_193 = tpu.memref_slice %arg6[%arg0, %add3A_191, %dma_start3A_192] : memref<2x10112x128xf32, #tpu.memory_space<hbm>> -> memref<1x56x128xf32, #tpu.memory_space<hbm>>
      %dma_start3A_194 = tpu.memref_squeeze %dma_start3A_193 : memref<1x56x128xf32, #tpu.memory_space<hbm>> -> memref<56x128xf32, #tpu.memory_space<hbm>>
      %dma_start3A_195 = arith.constant 0 : i32
      %dma_start3A_196 = tpu.memref_slice %arg13[%add3A_191, %dma_start3A_195] : memref<10112x128xf32, #tpu.memory_space<vmem_shared>> -> memref<56x128xf32, #tpu.memory_space<vmem_shared>>
      tpu.enqueue_dma source(%dma_start3A_196 : memref<56x128xf32, #tpu.memory_space<vmem_shared>>) target(%dma_start3A_194 : memref<56x128xf32, #tpu.memory_space<hbm>>) target_semaphore(%run_scoped3A : memref<!tpu.dma_semaphore, #tpu.memory_space<semaphore_mem>>)
      %dma_wait3A_197 = arith.constant 0 : i32
      %dma_wait3A_198 = tpu.memref_slice %arg6[%arg0, %add3A_191, %dma_wait3A_197] : memref<2x10112x128xf32, #tpu.memory_space<hbm>> -> memref<1x56x128xf32, #tpu.memory_space<hbm>>
      %dma_wait3A_199 = tpu.memref_squeeze %dma_wait3A_198 : memref<1x56x128xf32, #tpu.memory_space<hbm>> -> memref<56x128xf32, #tpu.memory_space<hbm>>
      %dma_wait3A_200 = arith.constant 0 : i32
      %dma_wait3A_201 = tpu.memref_slice %arg13[%add3A_191, %dma_wait3A_200] : memref<10112x128xf32, #tpu.memory_space<vmem_shared>> -> memref<56x128xf32, #tpu.memory_space<vmem_shared>>
      tpu.wait_dma2 semaphore(%run_scoped3A : memref<!tpu.dma_semaphore, #tpu.memory_space<semaphore_mem>>) src(%dma_wait3A_201 : memref<56x128xf32, #tpu.memory_space<vmem_shared>>) dst(%dma_wait3A_199 : memref<56x128xf32, #tpu.memory_space<hbm>>)
      tpu.yield
    }) : () -> ()
    return
  }
}

#map = affine_map<(d0, d1) -> (0, 0)>
#map1 = affine_map<(d0, d1) -> (0)>
#map2 = affine_map<(d0, d1) -> (0, 0, 0)>
module attributes {stable_mosaic.version = 14 : i64} {
  func.func @k(%arg0: i32, %arg1: i32, %arg2: memref<10112x128xf32, #tpu.memory_space<hbm>>, %arg3: memref<331776xi32, #tpu.memory_space<hbm>>, %arg4: memref<331776xi32, #tpu.memory_space<hbm>>, %arg5: memref<8x128xf32, #tpu.memory_space<hbm>>, %arg6: memref<2x10112x128xf32, #tpu.memory_space<hbm>>, %arg7: memref<2x1x64xi32, #tpu.memory_space<vmem>>, %arg8: memref<2x1x64xi32, #tpu.memory_space<vmem>>, %arg9: memref<64x128xf32, #tpu.memory_space<vmem>>, %arg10: memref<2x64x128xf32, #tpu.memory_space<vmem>>, %arg11: memref<2x64x128xf32, #tpu.memory_space<vmem>>, %arg12: memref<4x128xf32, #tpu.memory_space<vmem>>, %arg13: memref<10112x128xf32, #tpu.memory_space<vmem_shared>>, %arg14: memref<2x!tpu.dma_semaphore, #tpu.memory_space<semaphore_mem>>, %arg15: memref<2x!tpu.dma_semaphore, #tpu.memory_space<semaphore_mem>>) attributes {dimension_semantics = [#tpu.dimension_semantics<core_parallel>, #tpu.dimension_semantics<subcore_parallel>], iteration_bounds = array<i64: 2, 16>, scalar_prefetch = 0 : i64, scratch_operands = 9 : i64, tpu.core_type = #tpu.core_type<sc_vector_subcore>, window_params = [{transform_indices = #map}, {transform_indices = #map1}, {transform_indices = #map1}, {transform_indices = #map}, {transform_indices = #map2}]} {
    %mul3A = arith.constant 2 : i32
    %mul3A_0 = arith.muli %arg1, %mul3A : i32
    %add3A = arith.addi %mul3A_0, %arg0 : i32
    "tpu.region"() ({
      %run_scoped3A = tpu.sem_alloc : memref<!tpu.dma_semaphore, #tpu.memory_space<semaphore_mem>>
      %dma_start3A_192 = arith.constant 0 : i32
      %dma_start3A_193 = arith.constant 0 : i32
      %dma_start3A_194 = tpu.memref_slice %arg5[%dma_start3A_192, %dma_start3A_193] : memref<8x128xf32, #tpu.memory_space<hbm>> -> memref<4x128xf32, #tpu.memory_space<hbm>>
      %dma_start3A_195 = arith.constant 0 : i32
      %dma_start3A_196 = arith.constant 0 : i32
      %dma_start3A_197 = tpu.memref_slice %arg5[%dma_start3A_195, %dma_start3A_196] : memref<8x128xf32, #tpu.memory_space<hbm>> -> memref<4x128xf32, #tpu.memory_space<hbm>>
      tpu.enqueue_dma source(%dma_start3A_197 : memref<4x128xf32, #tpu.memory_space<hbm>>) target(%arg12 : memref<4x128xf32, #tpu.memory_space<vmem>>) target_semaphore(%run_scoped3A : memref<!tpu.dma_semaphore, #tpu.memory_space<semaphore_mem>>)
      %dma_wait3A_198 = arith.constant 0 : i32
      %dma_wait3A_199 = arith.constant 0 : i32
      %dma_wait3A_200 = tpu.memref_slice %arg5[%dma_wait3A_198, %dma_wait3A_199] : memref<8x128xf32, #tpu.memory_space<hbm>> -> memref<4x128xf32, #tpu.memory_space<hbm>>
      %dma_wait3A_201 = arith.constant 0 : i32
      %dma_wait3A_202 = arith.constant 0 : i32
      %dma_wait3A_203 = tpu.memref_slice %arg5[%dma_wait3A_201, %dma_wait3A_202] : memref<8x128xf32, #tpu.memory_space<hbm>> -> memref<4x128xf32, #tpu.memory_space<hbm>>
      tpu.wait_dma2 semaphore(%run_scoped3A : memref<!tpu.dma_semaphore, #tpu.memory_space<semaphore_mem>>) src(%dma_wait3A_203 : memref<4x128xf32, #tpu.memory_space<hbm>>) dst(%arg12 : memref<4x128xf32, #tpu.memory_space<vmem>>)
      tpu.yield
    }) : () -> ()
    %scan3A = arith.constant 0 : i32
    %scan3A_1 = arith.constant 64 : i32
    %scan3A_2 = arith.addi %scan3A, %scan3A_1 : i32
    %scan3A_3 = arith.constant 1 : i32
    scf.for %scan3A_192 = %scan3A to %scan3A_2 step %scan3A_3  : i32 {
      %mul3A_193 = arith.constant 1 : i32
      %mul3A_194 = arith.muli %scan3A_192, %mul3A_193 : i32
      %add3A_195 = arith.constant 0 : i32
      %add3A_196 = arith.addi %add3A_195, %mul3A_194 : i32
      %broadcast_in_dim3A = arith.constant 0.000000e+00 : f32
      %broadcast_in_dim3A_197 = vector.broadcast %broadcast_in_dim3A : f32 to vector<16xf32>
      %swap3A = arith.index_cast %add3A_196 : i32 to index
      %swap3A_198 = arith.constant 0 : index
      %swap3A_199 = tpu.vector_load %arg9[%swap3A, %swap3A_198] {strides = array<i32>} : memref<64x128xf32, #tpu.memory_space<vmem>>, vector<16xf32>,
      tpu.vector_store %arg9[%swap3A, %swap3A_198], %broadcast_in_dim3A_197 {strides = array<i32>} : memref<64x128xf32, #tpu.memory_space<vmem>>, vector<16xf32>,
      %broadcast_in_dim3A_200 = arith.constant 0.000000e+00 : f32
      %broadcast_in_dim3A_201 = vector.broadcast %broadcast_in_dim3A_200 : f32 to vector<16xf32>
      %swap3A_202 = arith.index_cast %add3A_196 : i32 to index
      %swap3A_203 = arith.constant 16 : index
      %swap3A_204 = tpu.vector_load %arg9[%swap3A_202, %swap3A_203] {strides = array<i32>} : memref<64x128xf32, #tpu.memory_space<vmem>>, vector<16xf32>,
      tpu.vector_store %arg9[%swap3A_202, %swap3A_203], %broadcast_in_dim3A_201 {strides = array<i32>} : memref<64x128xf32, #tpu.memory_space<vmem>>, vector<16xf32>,
      %broadcast_in_dim3A_205 = arith.constant 0.000000e+00 : f32
      %broadcast_in_dim3A_206 = vector.broadcast %broadcast_in_dim3A_205 : f32 to vector<16xf32>
      %swap3A_207 = arith.index_cast %add3A_196 : i32 to index
      %swap3A_208 = arith.constant 32 : index
      %swap3A_209 = tpu.vector_load %arg9[%swap3A_207, %swap3A_208] {strides = array<i32>} : memref<64x128xf32, #tpu.memory_space<vmem>>, vector<16xf32>,
      tpu.vector_store %arg9[%swap3A_207, %swap3A_208], %broadcast_in_dim3A_206 {strides = array<i32>} : memref<64x128xf32, #tpu.memory_space<vmem>>, vector<16xf32>,
      %broadcast_in_dim3A_210 = arith.constant 0.000000e+00 : f32
      %broadcast_in_dim3A_211 = vector.broadcast %broadcast_in_dim3A_210 : f32 to vector<16xf32>
      %swap3A_212 = arith.index_cast %add3A_196 : i32 to index
      %swap3A_213 = arith.constant 48 : index
      %swap3A_214 = tpu.vector_load %arg9[%swap3A_212, %swap3A_213] {strides = array<i32>} : memref<64x128xf32, #tpu.memory_space<vmem>>, vector<16xf32>,
      tpu.vector_store %arg9[%swap3A_212, %swap3A_213], %broadcast_in_dim3A_211 {strides = array<i32>} : memref<64x128xf32, #tpu.memory_space<vmem>>, vector<16xf32>,
      %broadcast_in_dim3A_215 = arith.constant 0.000000e+00 : f32
      %broadcast_in_dim3A_216 = vector.broadcast %broadcast_in_dim3A_215 : f32 to vector<16xf32>
      %swap3A_217 = arith.index_cast %add3A_196 : i32 to index
      %swap3A_218 = arith.constant 64 : index
      %swap3A_219 = tpu.vector_load %arg9[%swap3A_217, %swap3A_218] {strides = array<i32>} : memref<64x128xf32, #tpu.memory_space<vmem>>, vector<16xf32>,
      tpu.vector_store %arg9[%swap3A_217, %swap3A_218], %broadcast_in_dim3A_216 {strides = array<i32>} : memref<64x128xf32, #tpu.memory_space<vmem>>, vector<16xf32>,
      %broadcast_in_dim3A_220 = arith.constant 0.000000e+00 : f32
      %broadcast_in_dim3A_221 = vector.broadcast %broadcast_in_dim3A_220 : f32 to vector<16xf32>
      %swap3A_222 = arith.index_cast %add3A_196 : i32 to index
      %swap3A_223 = arith.constant 80 : index
      %swap3A_224 = tpu.vector_load %arg9[%swap3A_222, %swap3A_223] {strides = array<i32>} : memref<64x128xf32, #tpu.memory_space<vmem>>, vector<16xf32>,
      tpu.vector_store %arg9[%swap3A_222, %swap3A_223], %broadcast_in_dim3A_221 {strides = array<i32>} : memref<64x128xf32, #tpu.memory_space<vmem>>, vector<16xf32>,
      %broadcast_in_dim3A_225 = arith.constant 0.000000e+00 : f32
      %broadcast_in_dim3A_226 = vector.broadcast %broadcast_in_dim3A_225 : f32 to vector<16xf32>
      %swap3A_227 = arith.index_cast %add3A_196 : i32 to index
      %swap3A_228 = arith.constant 96 : index
      %swap3A_229 = tpu.vector_load %arg9[%swap3A_227, %swap3A_228] {strides = array<i32>} : memref<64x128xf32, #tpu.memory_space<vmem>>, vector<16xf32>,
      tpu.vector_store %arg9[%swap3A_227, %swap3A_228], %broadcast_in_dim3A_226 {strides = array<i32>} : memref<64x128xf32, #tpu.memory_space<vmem>>, vector<16xf32>,
      %broadcast_in_dim3A_230 = arith.constant 0.000000e+00 : f32
      %broadcast_in_dim3A_231 = vector.broadcast %broadcast_in_dim3A_230 : f32 to vector<16xf32>
      %swap3A_232 = arith.index_cast %add3A_196 : i32 to index
      %swap3A_233 = arith.constant 112 : index
      %swap3A_234 = tpu.vector_load %arg9[%swap3A_232, %swap3A_233] {strides = array<i32>} : memref<64x128xf32, #tpu.memory_space<vmem>>, vector<16xf32>,
      tpu.vector_store %arg9[%swap3A_232, %swap3A_233], %broadcast_in_dim3A_231 {strides = array<i32>} : memref<64x128xf32, #tpu.memory_space<vmem>>, vector<16xf32>,
    }
    %scan3A_4 = arith.constant 64 : i32
    %mul3A_5 = arith.constant 632 : i32
    %mul3A_6 = arith.muli %arg1, %mul3A_5 : i32
    %add3A_7 = arith.constant 0 : i32
    %add3A_8 = arith.addi %mul3A_6, %add3A_7 : i32
    "tpu.region"() ({
      %run_scoped3A = tpu.sem_alloc : memref<!tpu.dma_semaphore, #tpu.memory_space<semaphore_mem>>
      %dma_start3A_192 = arith.constant 0 : i32
      %dma_start3A_193 = arith.constant 0 : i32
      %dma_start3A_194 = tpu.memref_slice %arg9[%dma_start3A_192, %dma_start3A_193] : memref<64x128xf32, #tpu.memory_space<vmem>> -> memref<64x128xf32, #tpu.memory_space<vmem>>
      %dma_start3A_195 = arith.constant 0 : i32
      %dma_start3A_196 = tpu.memref_slice %arg13[%add3A_8, %dma_start3A_195] : memref<10112x128xf32, #tpu.memory_space<vmem_shared>> -> memref<64x128xf32, #tpu.memory_space<vmem_shared>>
      %dma_start3A_197 = arith.constant 0 : i32
      %dma_start3A_198 = tpu.memref_slice %arg13[%add3A_8, %dma_start3A_197] : memref<10112x128xf32, #tpu.memory_space<vmem_shared>> -> memref<64x128xf32, #tpu.memory_space<vmem_shared>>
      %dma_start3A_199 = arith.constant 0 : i32
      %dma_start3A_200 = arith.constant 0 : i32
      %dma_start3A_201 = tpu.memref_slice %arg9[%dma_start3A_199, %dma_start3A_200] : memref<64x128xf32, #tpu.memory_space<vmem>> -> memref<64x128xf32, #tpu.memory_space<vmem>>
      tpu.enqueue_dma source(%dma_start3A_201 : memref<64x128xf32, #tpu.memory_space<vmem>>) target(%dma_start3A_198 : memref<64x128xf32, #tpu.memory_space<vmem_shared>>) target_semaphore(%run_scoped3A : memref<!tpu.dma_semaphore, #tpu.memory_space<semaphore_mem>>)
      %dma_wait3A_202 = arith.constant 0 : i32
      %dma_wait3A_203 = arith.constant 0 : i32
      %dma_wait3A_204 = tpu.memref_slice %arg9[%dma_wait3A_202, %dma_wait3A_203] : memref<64x128xf32, #tpu.memory_space<vmem>> -> memref<64x128xf32, #tpu.memory_space<vmem>>
      %dma_wait3A_205 = arith.constant 0 : i32
      %dma_wait3A_206 = tpu.memref_slice %arg13[%add3A_8, %dma_wait3A_205] : memref<10112x128xf32, #tpu.memory_space<vmem_shared>> -> memref<64x128xf32, #tpu.memory_space<vmem_shared>>
      %dma_wait3A_207 = arith.constant 0 : i32
      %dma_wait3A_208 = tpu.memref_slice %arg13[%add3A_8, %dma_wait3A_207] : memref<10112x128xf32, #tpu.memory_space<vmem_shared>> -> memref<64x128xf32, #tpu.memory_space<vmem_shared>>
      %dma_wait3A_209 = arith.constant 0 : i32
      %dma_wait3A_210 = arith.constant 0 : i32
      %dma_wait3A_211 = tpu.memref_slice %arg9[%dma_wait3A_209, %dma_wait3A_210] : memref<64x128xf32, #tpu.memory_space<vmem>> -> memref<64x128xf32, #tpu.memory_space<vmem>>
      tpu.wait_dma2 semaphore(%run_scoped3A : memref<!tpu.dma_semaphore, #tpu.memory_space<semaphore_mem>>) src(%dma_wait3A_211 : memref<64x128xf32, #tpu.memory_space<vmem>>) dst(%dma_wait3A_208 : memref<64x128xf32, #tpu.memory_space<vmem_shared>>)
      tpu.yield
    }) : () -> ()
    %add3A_9 = arith.constant 64 : i32
    %add3A_10 = arith.addi %mul3A_6, %add3A_9 : i32
    "tpu.region"() ({
      %run_scoped3A = tpu.sem_alloc : memref<!tpu.dma_semaphore, #tpu.memory_space<semaphore_mem>>
      %dma_start3A_192 = arith.constant 0 : i32
      %dma_start3A_193 = arith.constant 0 : i32
      %dma_start3A_194 = tpu.memref_slice %arg9[%dma_start3A_192, %dma_start3A_193] : memref<64x128xf32, #tpu.memory_space<vmem>> -> memref<64x128xf32, #tpu.memory_space<vmem>>
      %dma_start3A_195 = arith.constant 0 : i32
      %dma_start3A_196 = tpu.memref_slice %arg13[%add3A_10, %dma_start3A_195] : memref<10112x128xf32, #tpu.memory_space<vmem_shared>> -> memref<64x128xf32, #tpu.memory_space<vmem_shared>>
      %dma_start3A_197 = arith.constant 0 : i32
      %dma_start3A_198 = tpu.memref_slice %arg13[%add3A_10, %dma_start3A_197] : memref<10112x128xf32, #tpu.memory_space<vmem_shared>> -> memref<64x128xf32, #tpu.memory_space<vmem_shared>>
      %dma_start3A_199 = arith.constant 0 : i32
      %dma_start3A_200 = arith.constant 0 : i32
      %dma_start3A_201 = tpu.memref_slice %arg9[%dma_start3A_199, %dma_start3A_200] : memref<64x128xf32, #tpu.memory_space<vmem>> -> memref<64x128xf32, #tpu.memory_space<vmem>>
      tpu.enqueue_dma source(%dma_start3A_201 : memref<64x128xf32, #tpu.memory_space<vmem>>) target(%dma_start3A_198 : memref<64x128xf32, #tpu.memory_space<vmem_shared>>) target_semaphore(%run_scoped3A : memref<!tpu.dma_semaphore, #tpu.memory_space<semaphore_mem>>)
      %dma_wait3A_202 = arith.constant 0 : i32
      %dma_wait3A_203 = arith.constant 0 : i32
      %dma_wait3A_204 = tpu.memref_slice %arg9[%dma_wait3A_202, %dma_wait3A_203] : memref<64x128xf32, #tpu.memory_space<vmem>> -> memref<64x128xf32, #tpu.memory_space<vmem>>
      %dma_wait3A_205 = arith.constant 0 : i32
      %dma_wait3A_206 = tpu.memref_slice %arg13[%add3A_10, %dma_wait3A_205] : memref<10112x128xf32, #tpu.memory_space<vmem_shared>> -> memref<64x128xf32, #tpu.memory_space<vmem_shared>>
      %dma_wait3A_207 = arith.constant 0 : i32
      %dma_wait3A_208 = tpu.memref_slice %arg13[%add3A_10, %dma_wait3A_207] : memref<10112x128xf32, #tpu.memory_space<vmem_shared>> -> memref<64x128xf32, #tpu.memory_space<vmem_shared>>
      %dma_wait3A_209 = arith.constant 0 : i32
      %dma_wait3A_210 = arith.constant 0 : i32
      %dma_wait3A_211 = tpu.memref_slice %arg9[%dma_wait3A_209, %dma_wait3A_210] : memref<64x128xf32, #tpu.memory_space<vmem>> -> memref<64x128xf32, #tpu.memory_space<vmem>>
      tpu.wait_dma2 semaphore(%run_scoped3A : memref<!tpu.dma_semaphore, #tpu.memory_space<semaphore_mem>>) src(%dma_wait3A_211 : memref<64x128xf32, #tpu.memory_space<vmem>>) dst(%dma_wait3A_208 : memref<64x128xf32, #tpu.memory_space<vmem_shared>>)
      tpu.yield
    }) : () -> ()
    %add3A_11 = arith.constant 128 : i32
    %add3A_12 = arith.addi %mul3A_6, %add3A_11 : i32
    "tpu.region"() ({
      %run_scoped3A = tpu.sem_alloc : memref<!tpu.dma_semaphore, #tpu.memory_space<semaphore_mem>>
      %dma_start3A_192 = arith.constant 0 : i32
      %dma_start3A_193 = arith.constant 0 : i32
      %dma_start3A_194 = tpu.memref_slice %arg9[%dma_start3A_192, %dma_start3A_193] : memref<64x128xf32, #tpu.memory_space<vmem>> -> memref<64x128xf32, #tpu.memory_space<vmem>>
      %dma_start3A_195 = arith.constant 0 : i32
      %dma_start3A_196 = tpu.memref_slice %arg13[%add3A_12, %dma_start3A_195] : memref<10112x128xf32, #tpu.memory_space<vmem_shared>> -> memref<64x128xf32, #tpu.memory_space<vmem_shared>>
      %dma_start3A_197 = arith.constant 0 : i32
      %dma_start3A_198 = tpu.memref_slice %arg13[%add3A_12, %dma_start3A_197] : memref<10112x128xf32, #tpu.memory_space<vmem_shared>> -> memref<64x128xf32, #tpu.memory_space<vmem_shared>>
      %dma_start3A_199 = arith.constant 0 : i32
      %dma_start3A_200 = arith.constant 0 : i32
      %dma_start3A_201 = tpu.memref_slice %arg9[%dma_start3A_199, %dma_start3A_200] : memref<64x128xf32, #tpu.memory_space<vmem>> -> memref<64x128xf32, #tpu.memory_space<vmem>>
      tpu.enqueue_dma source(%dma_start3A_201 : memref<64x128xf32, #tpu.memory_space<vmem>>) target(%dma_start3A_198 : memref<64x128xf32, #tpu.memory_space<vmem_shared>>) target_semaphore(%run_scoped3A : memref<!tpu.dma_semaphore, #tpu.memory_space<semaphore_mem>>)
      %dma_wait3A_202 = arith.constant 0 : i32
      %dma_wait3A_203 = arith.constant 0 : i32
      %dma_wait3A_204 = tpu.memref_slice %arg9[%dma_wait3A_202, %dma_wait3A_203] : memref<64x128xf32, #tpu.memory_space<vmem>> -> memref<64x128xf32, #tpu.memory_space<vmem>>
      %dma_wait3A_205 = arith.constant 0 : i32
      %dma_wait3A_206 = tpu.memref_slice %arg13[%add3A_12, %dma_wait3A_205] : memref<10112x128xf32, #tpu.memory_space<vmem_shared>> -> memref<64x128xf32, #tpu.memory_space<vmem_shared>>
      %dma_wait3A_207 = arith.constant 0 : i32
      %dma_wait3A_208 = tpu.memref_slice %arg13[%add3A_12, %dma_wait3A_207] : memref<10112x128xf32, #tpu.memory_space<vmem_shared>> -> memref<64x128xf32, #tpu.memory_space<vmem_shared>>
      %dma_wait3A_209 = arith.constant 0 : i32
      %dma_wait3A_210 = arith.constant 0 : i32
      %dma_wait3A_211 = tpu.memref_slice %arg9[%dma_wait3A_209, %dma_wait3A_210] : memref<64x128xf32, #tpu.memory_space<vmem>> -> memref<64x128xf32, #tpu.memory_space<vmem>>
      tpu.wait_dma2 semaphore(%run_scoped3A : memref<!tpu.dma_semaphore, #tpu.memory_space<semaphore_mem>>) src(%dma_wait3A_211 : memref<64x128xf32, #tpu.memory_space<vmem>>) dst(%dma_wait3A_208 : memref<64x128xf32, #tpu.memory_space<vmem_shared>>)
      tpu.yield
    }) : () -> ()
    %add3A_13 = arith.constant 192 : i32
    %add3A_14 = arith.addi %mul3A_6, %add3A_13 : i32
    "tpu.region"() ({
      %run_scoped3A = tpu.sem_alloc : memref<!tpu.dma_semaphore, #tpu.memory_space<semaphore_mem>>
      %dma_start3A_192 = arith.constant 0 : i32
      %dma_start3A_193 = arith.constant 0 : i32
      %dma_start3A_194 = tpu.memref_slice %arg9[%dma_start3A_192, %dma_start3A_193] : memref<64x128xf32, #tpu.memory_space<vmem>> -> memref<64x128xf32, #tpu.memory_space<vmem>>
      %dma_start3A_195 = arith.constant 0 : i32
      %dma_start3A_196 = tpu.memref_slice %arg13[%add3A_14, %dma_start3A_195] : memref<10112x128xf32, #tpu.memory_space<vmem_shared>> -> memref<64x128xf32, #tpu.memory_space<vmem_shared>>
      %dma_start3A_197 = arith.constant 0 : i32
      %dma_start3A_198 = tpu.memref_slice %arg13[%add3A_14, %dma_start3A_197] : memref<10112x128xf32, #tpu.memory_space<vmem_shared>> -> memref<64x128xf32, #tpu.memory_space<vmem_shared>>
      %dma_start3A_199 = arith.constant 0 : i32
      %dma_start3A_200 = arith.constant 0 : i32
      %dma_start3A_201 = tpu.memref_slice %arg9[%dma_start3A_199, %dma_start3A_200] : memref<64x128xf32, #tpu.memory_space<vmem>> -> memref<64x128xf32, #tpu.memory_space<vmem>>
      tpu.enqueue_dma source(%dma_start3A_201 : memref<64x128xf32, #tpu.memory_space<vmem>>) target(%dma_start3A_198 : memref<64x128xf32, #tpu.memory_space<vmem_shared>>) target_semaphore(%run_scoped3A : memref<!tpu.dma_semaphore, #tpu.memory_space<semaphore_mem>>)
      %dma_wait3A_202 = arith.constant 0 : i32
      %dma_wait3A_203 = arith.constant 0 : i32
      %dma_wait3A_204 = tpu.memref_slice %arg9[%dma_wait3A_202, %dma_wait3A_203] : memref<64x128xf32, #tpu.memory_space<vmem>> -> memref<64x128xf32, #tpu.memory_space<vmem>>
      %dma_wait3A_205 = arith.constant 0 : i32
      %dma_wait3A_206 = tpu.memref_slice %arg13[%add3A_14, %dma_wait3A_205] : memref<10112x128xf32, #tpu.memory_space<vmem_shared>> -> memref<64x128xf32, #tpu.memory_space<vmem_shared>>
      %dma_wait3A_207 = arith.constant 0 : i32
      %dma_wait3A_208 = tpu.memref_slice %arg13[%add3A_14, %dma_wait3A_207] : memref<10112x128xf32, #tpu.memory_space<vmem_shared>> -> memref<64x128xf32, #tpu.memory_space<vmem_shared>>
      %dma_wait3A_209 = arith.constant 0 : i32
      %dma_wait3A_210 = arith.constant 0 : i32
      %dma_wait3A_211 = tpu.memref_slice %arg9[%dma_wait3A_209, %dma_wait3A_210] : memref<64x128xf32, #tpu.memory_space<vmem>> -> memref<64x128xf32, #tpu.memory_space<vmem>>
      tpu.wait_dma2 semaphore(%run_scoped3A : memref<!tpu.dma_semaphore, #tpu.memory_space<semaphore_mem>>) src(%dma_wait3A_211 : memref<64x128xf32, #tpu.memory_space<vmem>>) dst(%dma_wait3A_208 : memref<64x128xf32, #tpu.memory_space<vmem_shared>>)
      tpu.yield
    }) : () -> ()
    %add3A_15 = arith.constant 256 : i32
    %add3A_16 = arith.addi %mul3A_6, %add3A_15 : i32
    "tpu.region"() ({
      %run_scoped3A = tpu.sem_alloc : memref<!tpu.dma_semaphore, #tpu.memory_space<semaphore_mem>>
      %dma_start3A_192 = arith.constant 0 : i32
      %dma_start3A_193 = arith.constant 0 : i32
      %dma_start3A_194 = tpu.memref_slice %arg9[%dma_start3A_192, %dma_start3A_193] : memref<64x128xf32, #tpu.memory_space<vmem>> -> memref<64x128xf32, #tpu.memory_space<vmem>>
      %dma_start3A_195 = arith.constant 0 : i32
      %dma_start3A_196 = tpu.memref_slice %arg13[%add3A_16, %dma_start3A_195] : memref<10112x128xf32, #tpu.memory_space<vmem_shared>> -> memref<64x128xf32, #tpu.memory_space<vmem_shared>>
      %dma_start3A_197 = arith.constant 0 : i32
      %dma_start3A_198 = tpu.memref_slice %arg13[%add3A_16, %dma_start3A_197] : memref<10112x128xf32, #tpu.memory_space<vmem_shared>> -> memref<64x128xf32, #tpu.memory_space<vmem_shared>>
      %dma_start3A_199 = arith.constant 0 : i32
      %dma_start3A_200 = arith.constant 0 : i32
      %dma_start3A_201 = tpu.memref_slice %arg9[%dma_start3A_199, %dma_start3A_200] : memref<64x128xf32, #tpu.memory_space<vmem>> -> memref<64x128xf32, #tpu.memory_space<vmem>>
      tpu.enqueue_dma source(%dma_start3A_201 : memref<64x128xf32, #tpu.memory_space<vmem>>) target(%dma_start3A_198 : memref<64x128xf32, #tpu.memory_space<vmem_shared>>) target_semaphore(%run_scoped3A : memref<!tpu.dma_semaphore, #tpu.memory_space<semaphore_mem>>)
      %dma_wait3A_202 = arith.constant 0 : i32
      %dma_wait3A_203 = arith.constant 0 : i32
      %dma_wait3A_204 = tpu.memref_slice %arg9[%dma_wait3A_202, %dma_wait3A_203] : memref<64x128xf32, #tpu.memory_space<vmem>> -> memref<64x128xf32, #tpu.memory_space<vmem>>
      %dma_wait3A_205 = arith.constant 0 : i32
      %dma_wait3A_206 = tpu.memref_slice %arg13[%add3A_16, %dma_wait3A_205] : memref<10112x128xf32, #tpu.memory_space<vmem_shared>> -> memref<64x128xf32, #tpu.memory_space<vmem_shared>>
      %dma_wait3A_207 = arith.constant 0 : i32
      %dma_wait3A_208 = tpu.memref_slice %arg13[%add3A_16, %dma_wait3A_207] : memref<10112x128xf32, #tpu.memory_space<vmem_shared>> -> memref<64x128xf32, #tpu.memory_space<vmem_shared>>
      %dma_wait3A_209 = arith.constant 0 : i32
      %dma_wait3A_210 = arith.constant 0 : i32
      %dma_wait3A_211 = tpu.memref_slice %arg9[%dma_wait3A_209, %dma_wait3A_210] : memref<64x128xf32, #tpu.memory_space<vmem>> -> memref<64x128xf32, #tpu.memory_space<vmem>>
      tpu.wait_dma2 semaphore(%run_scoped3A : memref<!tpu.dma_semaphore, #tpu.memory_space<semaphore_mem>>) src(%dma_wait3A_211 : memref<64x128xf32, #tpu.memory_space<vmem>>) dst(%dma_wait3A_208 : memref<64x128xf32, #tpu.memory_space<vmem_shared>>)
      tpu.yield
    }) : () -> ()
    %add3A_17 = arith.constant 320 : i32
    %add3A_18 = arith.addi %mul3A_6, %add3A_17 : i32
    "tpu.region"() ({
      %run_scoped3A = tpu.sem_alloc : memref<!tpu.dma_semaphore, #tpu.memory_space<semaphore_mem>>
      %dma_start3A_192 = arith.constant 0 : i32
      %dma_start3A_193 = arith.constant 0 : i32
      %dma_start3A_194 = tpu.memref_slice %arg9[%dma_start3A_192, %dma_start3A_193] : memref<64x128xf32, #tpu.memory_space<vmem>> -> memref<64x128xf32, #tpu.memory_space<vmem>>
      %dma_start3A_195 = arith.constant 0 : i32
      %dma_start3A_196 = tpu.memref_slice %arg13[%add3A_18, %dma_start3A_195] : memref<10112x128xf32, #tpu.memory_space<vmem_shared>> -> memref<64x128xf32, #tpu.memory_space<vmem_shared>>
      %dma_start3A_197 = arith.constant 0 : i32
      %dma_start3A_198 = tpu.memref_slice %arg13[%add3A_18, %dma_start3A_197] : memref<10112x128xf32, #tpu.memory_space<vmem_shared>> -> memref<64x128xf32, #tpu.memory_space<vmem_shared>>
      %dma_start3A_199 = arith.constant 0 : i32
      %dma_start3A_200 = arith.constant 0 : i32
      %dma_start3A_201 = tpu.memref_slice %arg9[%dma_start3A_199, %dma_start3A_200] : memref<64x128xf32, #tpu.memory_space<vmem>> -> memref<64x128xf32, #tpu.memory_space<vmem>>
      tpu.enqueue_dma source(%dma_start3A_201 : memref<64x128xf32, #tpu.memory_space<vmem>>) target(%dma_start3A_198 : memref<64x128xf32, #tpu.memory_space<vmem_shared>>) target_semaphore(%run_scoped3A : memref<!tpu.dma_semaphore, #tpu.memory_space<semaphore_mem>>)
      %dma_wait3A_202 = arith.constant 0 : i32
      %dma_wait3A_203 = arith.constant 0 : i32
      %dma_wait3A_204 = tpu.memref_slice %arg9[%dma_wait3A_202, %dma_wait3A_203] : memref<64x128xf32, #tpu.memory_space<vmem>> -> memref<64x128xf32, #tpu.memory_space<vmem>>
      %dma_wait3A_205 = arith.constant 0 : i32
      %dma_wait3A_206 = tpu.memref_slice %arg13[%add3A_18, %dma_wait3A_205] : memref<10112x128xf32, #tpu.memory_space<vmem_shared>> -> memref<64x128xf32, #tpu.memory_space<vmem_shared>>
      %dma_wait3A_207 = arith.constant 0 : i32
      %dma_wait3A_208 = tpu.memref_slice %arg13[%add3A_18, %dma_wait3A_207] : memref<10112x128xf32, #tpu.memory_space<vmem_shared>> -> memref<64x128xf32, #tpu.memory_space<vmem_shared>>
      %dma_wait3A_209 = arith.constant 0 : i32
      %dma_wait3A_210 = arith.constant 0 : i32
      %dma_wait3A_211 = tpu.memref_slice %arg9[%dma_wait3A_209, %dma_wait3A_210] : memref<64x128xf32, #tpu.memory_space<vmem>> -> memref<64x128xf32, #tpu.memory_space<vmem>>
      tpu.wait_dma2 semaphore(%run_scoped3A : memref<!tpu.dma_semaphore, #tpu.memory_space<semaphore_mem>>) src(%dma_wait3A_211 : memref<64x128xf32, #tpu.memory_space<vmem>>) dst(%dma_wait3A_208 : memref<64x128xf32, #tpu.memory_space<vmem_shared>>)
      tpu.yield
    }) : () -> ()
    %add3A_19 = arith.constant 384 : i32
    %add3A_20 = arith.addi %mul3A_6, %add3A_19 : i32
    "tpu.region"() ({
      %run_scoped3A = tpu.sem_alloc : memref<!tpu.dma_semaphore, #tpu.memory_space<semaphore_mem>>
      %dma_start3A_192 = arith.constant 0 : i32
      %dma_start3A_193 = arith.constant 0 : i32
      %dma_start3A_194 = tpu.memref_slice %arg9[%dma_start3A_192, %dma_start3A_193] : memref<64x128xf32, #tpu.memory_space<vmem>> -> memref<64x128xf32, #tpu.memory_space<vmem>>
      %dma_start3A_195 = arith.constant 0 : i32
      %dma_start3A_196 = tpu.memref_slice %arg13[%add3A_20, %dma_start3A_195] : memref<10112x128xf32, #tpu.memory_space<vmem_shared>> -> memref<64x128xf32, #tpu.memory_space<vmem_shared>>
      %dma_start3A_197 = arith.constant 0 : i32
      %dma_start3A_198 = tpu.memref_slice %arg13[%add3A_20, %dma_start3A_197] : memref<10112x128xf32, #tpu.memory_space<vmem_shared>> -> memref<64x128xf32, #tpu.memory_space<vmem_shared>>
      %dma_start3A_199 = arith.constant 0 : i32
      %dma_start3A_200 = arith.constant 0 : i32
      %dma_start3A_201 = tpu.memref_slice %arg9[%dma_start3A_199, %dma_start3A_200] : memref<64x128xf32, #tpu.memory_space<vmem>> -> memref<64x128xf32, #tpu.memory_space<vmem>>
      tpu.enqueue_dma source(%dma_start3A_201 : memref<64x128xf32, #tpu.memory_space<vmem>>) target(%dma_start3A_198 : memref<64x128xf32, #tpu.memory_space<vmem_shared>>) target_semaphore(%run_scoped3A : memref<!tpu.dma_semaphore, #tpu.memory_space<semaphore_mem>>)
      %dma_wait3A_202 = arith.constant 0 : i32
      %dma_wait3A_203 = arith.constant 0 : i32
      %dma_wait3A_204 = tpu.memref_slice %arg9[%dma_wait3A_202, %dma_wait3A_203] : memref<64x128xf32, #tpu.memory_space<vmem>> -> memref<64x128xf32, #tpu.memory_space<vmem>>
      %dma_wait3A_205 = arith.constant 0 : i32
      %dma_wait3A_206 = tpu.memref_slice %arg13[%add3A_20, %dma_wait3A_205] : memref<10112x128xf32, #tpu.memory_space<vmem_shared>> -> memref<64x128xf32, #tpu.memory_space<vmem_shared>>
      %dma_wait3A_207 = arith.constant 0 : i32
      %dma_wait3A_208 = tpu.memref_slice %arg13[%add3A_20, %dma_wait3A_207] : memref<10112x128xf32, #tpu.memory_space<vmem_shared>> -> memref<64x128xf32, #tpu.memory_space<vmem_shared>>
      %dma_wait3A_209 = arith.constant 0 : i32
      %dma_wait3A_210 = arith.constant 0 : i32
      %dma_wait3A_211 = tpu.memref_slice %arg9[%dma_wait3A_209, %dma_wait3A_210] : memref<64x128xf32, #tpu.memory_space<vmem>> -> memref<64x128xf32, #tpu.memory_space<vmem>>
      tpu.wait_dma2 semaphore(%run_scoped3A : memref<!tpu.dma_semaphore, #tpu.memory_space<semaphore_mem>>) src(%dma_wait3A_211 : memref<64x128xf32, #tpu.memory_space<vmem>>) dst(%dma_wait3A_208 : memref<64x128xf32, #tpu.memory_space<vmem_shared>>)
      tpu.yield
    }) : () -> ()
    %add3A_21 = arith.constant 448 : i32
    %add3A_22 = arith.addi %mul3A_6, %add3A_21 : i32
    "tpu.region"() ({
      %run_scoped3A = tpu.sem_alloc : memref<!tpu.dma_semaphore, #tpu.memory_space<semaphore_mem>>
      %dma_start3A_192 = arith.constant 0 : i32
      %dma_start3A_193 = arith.constant 0 : i32
      %dma_start3A_194 = tpu.memref_slice %arg9[%dma_start3A_192, %dma_start3A_193] : memref<64x128xf32, #tpu.memory_space<vmem>> -> memref<64x128xf32, #tpu.memory_space<vmem>>
      %dma_start3A_195 = arith.constant 0 : i32
      %dma_start3A_196 = tpu.memref_slice %arg13[%add3A_22, %dma_start3A_195] : memref<10112x128xf32, #tpu.memory_space<vmem_shared>> -> memref<64x128xf32, #tpu.memory_space<vmem_shared>>
      %dma_start3A_197 = arith.constant 0 : i32
      %dma_start3A_198 = tpu.memref_slice %arg13[%add3A_22, %dma_start3A_197] : memref<10112x128xf32, #tpu.memory_space<vmem_shared>> -> memref<64x128xf32, #tpu.memory_space<vmem_shared>>
      %dma_start3A_199 = arith.constant 0 : i32
      %dma_start3A_200 = arith.constant 0 : i32
      %dma_start3A_201 = tpu.memref_slice %arg9[%dma_start3A_199, %dma_start3A_200] : memref<64x128xf32, #tpu.memory_space<vmem>> -> memref<64x128xf32, #tpu.memory_space<vmem>>
      tpu.enqueue_dma source(%dma_start3A_201 : memref<64x128xf32, #tpu.memory_space<vmem>>) target(%dma_start3A_198 : memref<64x128xf32, #tpu.memory_space<vmem_shared>>) target_semaphore(%run_scoped3A : memref<!tpu.dma_semaphore, #tpu.memory_space<semaphore_mem>>)
      %dma_wait3A_202 = arith.constant 0 : i32
      %dma_wait3A_203 = arith.constant 0 : i32
      %dma_wait3A_204 = tpu.memref_slice %arg9[%dma_wait3A_202, %dma_wait3A_203] : memref<64x128xf32, #tpu.memory_space<vmem>> -> memref<64x128xf32, #tpu.memory_space<vmem>>
      %dma_wait3A_205 = arith.constant 0 : i32
      %dma_wait3A_206 = tpu.memref_slice %arg13[%add3A_22, %dma_wait3A_205] : memref<10112x128xf32, #tpu.memory_space<vmem_shared>> -> memref<64x128xf32, #tpu.memory_space<vmem_shared>>
      %dma_wait3A_207 = arith.constant 0 : i32
      %dma_wait3A_208 = tpu.memref_slice %arg13[%add3A_22, %dma_wait3A_207] : memref<10112x128xf32, #tpu.memory_space<vmem_shared>> -> memref<64x128xf32, #tpu.memory_space<vmem_shared>>
      %dma_wait3A_209 = arith.constant 0 : i32
      %dma_wait3A_210 = arith.constant 0 : i32
      %dma_wait3A_211 = tpu.memref_slice %arg9[%dma_wait3A_209, %dma_wait3A_210] : memref<64x128xf32, #tpu.memory_space<vmem>> -> memref<64x128xf32, #tpu.memory_space<vmem>>
      tpu.wait_dma2 semaphore(%run_scoped3A : memref<!tpu.dma_semaphore, #tpu.memory_space<semaphore_mem>>) src(%dma_wait3A_211 : memref<64x128xf32, #tpu.memory_space<vmem>>) dst(%dma_wait3A_208 : memref<64x128xf32, #tpu.memory_space<vmem_shared>>)
      tpu.yield
    }) : () -> ()
    %add3A_23 = arith.constant 512 : i32
    %add3A_24 = arith.addi %mul3A_6, %add3A_23 : i32
    "tpu.region"() ({
      %run_scoped3A = tpu.sem_alloc : memref<!tpu.dma_semaphore, #tpu.memory_space<semaphore_mem>>
      %dma_start3A_192 = arith.constant 0 : i32
      %dma_start3A_193 = arith.constant 0 : i32
      %dma_start3A_194 = tpu.memref_slice %arg9[%dma_start3A_192, %dma_start3A_193] : memref<64x128xf32, #tpu.memory_space<vmem>> -> memref<64x128xf32, #tpu.memory_space<vmem>>
      %dma_start3A_195 = arith.constant 0 : i32
      %dma_start3A_196 = tpu.memref_slice %arg13[%add3A_24, %dma_start3A_195] : memref<10112x128xf32, #tpu.memory_space<vmem_shared>> -> memref<64x128xf32, #tpu.memory_space<vmem_shared>>
      %dma_start3A_197 = arith.constant 0 : i32
      %dma_start3A_198 = tpu.memref_slice %arg13[%add3A_24, %dma_start3A_197] : memref<10112x128xf32, #tpu.memory_space<vmem_shared>> -> memref<64x128xf32, #tpu.memory_space<vmem_shared>>
      %dma_start3A_199 = arith.constant 0 : i32
      %dma_start3A_200 = arith.constant 0 : i32
      %dma_start3A_201 = tpu.memref_slice %arg9[%dma_start3A_199, %dma_start3A_200] : memref<64x128xf32, #tpu.memory_space<vmem>> -> memref<64x128xf32, #tpu.memory_space<vmem>>
      tpu.enqueue_dma source(%dma_start3A_201 : memref<64x128xf32, #tpu.memory_space<vmem>>) target(%dma_start3A_198 : memref<64x128xf32, #tpu.memory_space<vmem_shared>>) target_semaphore(%run_scoped3A : memref<!tpu.dma_semaphore, #tpu.memory_space<semaphore_mem>>)
      %dma_wait3A_202 = arith.constant 0 : i32
      %dma_wait3A_203 = arith.constant 0 : i32
      %dma_wait3A_204 = tpu.memref_slice %arg9[%dma_wait3A_202, %dma_wait3A_203] : memref<64x128xf32, #tpu.memory_space<vmem>> -> memref<64x128xf32, #tpu.memory_space<vmem>>
      %dma_wait3A_205 = arith.constant 0 : i32
      %dma_wait3A_206 = tpu.memref_slice %arg13[%add3A_24, %dma_wait3A_205] : memref<10112x128xf32, #tpu.memory_space<vmem_shared>> -> memref<64x128xf32, #tpu.memory_space<vmem_shared>>
      %dma_wait3A_207 = arith.constant 0 : i32
      %dma_wait3A_208 = tpu.memref_slice %arg13[%add3A_24, %dma_wait3A_207] : memref<10112x128xf32, #tpu.memory_space<vmem_shared>> -> memref<64x128xf32, #tpu.memory_space<vmem_shared>>
      %dma_wait3A_209 = arith.constant 0 : i32
      %dma_wait3A_210 = arith.constant 0 : i32
      %dma_wait3A_211 = tpu.memref_slice %arg9[%dma_wait3A_209, %dma_wait3A_210] : memref<64x128xf32, #tpu.memory_space<vmem>> -> memref<64x128xf32, #tpu.memory_space<vmem>>
      tpu.wait_dma2 semaphore(%run_scoped3A : memref<!tpu.dma_semaphore, #tpu.memory_space<semaphore_mem>>) src(%dma_wait3A_211 : memref<64x128xf32, #tpu.memory_space<vmem>>) dst(%dma_wait3A_208 : memref<64x128xf32, #tpu.memory_space<vmem_shared>>)
      tpu.yield
    }) : () -> ()
    %add3A_25 = arith.constant 576 : i32
    %add3A_26 = arith.addi %mul3A_6, %add3A_25 : i32
    "tpu.region"() ({
      %run_scoped3A = tpu.sem_alloc : memref<!tpu.dma_semaphore, #tpu.memory_space<semaphore_mem>>
      %dma_start3A_192 = arith.constant 0 : i32
      %dma_start3A_193 = arith.constant 0 : i32
      %dma_start3A_194 = tpu.memref_slice %arg9[%dma_start3A_192, %dma_start3A_193] : memref<64x128xf32, #tpu.memory_space<vmem>> -> memref<56x128xf32, #tpu.memory_space<vmem>>
      %dma_start3A_195 = arith.constant 0 : i32
      %dma_start3A_196 = tpu.memref_slice %arg13[%add3A_26, %dma_start3A_195] : memref<10112x128xf32, #tpu.memory_space<vmem_shared>> -> memref<56x128xf32, #tpu.memory_space<vmem_shared>>
      %dma_start3A_197 = arith.constant 0 : i32
      %dma_start3A_198 = tpu.memref_slice %arg13[%add3A_26, %dma_start3A_197] : memref<10112x128xf32, #tpu.memory_space<vmem_shared>> -> memref<56x128xf32, #tpu.memory_space<vmem_shared>>
      %dma_start3A_199 = arith.constant 0 : i32
      %dma_start3A_200 = arith.constant 0 : i32
      %dma_start3A_201 = tpu.memref_slice %arg9[%dma_start3A_199, %dma_start3A_200] : memref<64x128xf32, #tpu.memory_space<vmem>> -> memref<56x128xf32, #tpu.memory_space<vmem>>
      tpu.enqueue_dma source(%dma_start3A_201 : memref<56x128xf32, #tpu.memory_space<vmem>>) target(%dma_start3A_198 : memref<56x128xf32, #tpu.memory_space<vmem_shared>>) target_semaphore(%run_scoped3A : memref<!tpu.dma_semaphore, #tpu.memory_space<semaphore_mem>>)
      %dma_wait3A_202 = arith.constant 0 : i32
      %dma_wait3A_203 = arith.constant 0 : i32
      %dma_wait3A_204 = tpu.memref_slice %arg9[%dma_wait3A_202, %dma_wait3A_203] : memref<64x128xf32, #tpu.memory_space<vmem>> -> memref<56x128xf32, #tpu.memory_space<vmem>>
      %dma_wait3A_205 = arith.constant 0 : i32
      %dma_wait3A_206 = tpu.memref_slice %arg13[%add3A_26, %dma_wait3A_205] : memref<10112x128xf32, #tpu.memory_space<vmem_shared>> -> memref<56x128xf32, #tpu.memory_space<vmem_shared>>
      %dma_wait3A_207 = arith.constant 0 : i32
      %dma_wait3A_208 = tpu.memref_slice %arg13[%add3A_26, %dma_wait3A_207] : memref<10112x128xf32, #tpu.memory_space<vmem_shared>> -> memref<56x128xf32, #tpu.memory_space<vmem_shared>>
      %dma_wait3A_209 = arith.constant 0 : i32
      %dma_wait3A_210 = arith.constant 0 : i32
      %dma_wait3A_211 = tpu.memref_slice %arg9[%dma_wait3A_209, %dma_wait3A_210] : memref<64x128xf32, #tpu.memory_space<vmem>> -> memref<56x128xf32, #tpu.memory_space<vmem>>
      tpu.wait_dma2 semaphore(%run_scoped3A : memref<!tpu.dma_semaphore, #tpu.memory_space<semaphore_mem>>) src(%dma_wait3A_211 : memref<56x128xf32, #tpu.memory_space<vmem>>) dst(%dma_wait3A_208 : memref<56x128xf32, #tpu.memory_space<vmem_shared>>)
      tpu.yield
    }) : () -> ()
    %barrier3A = arith.constant 0 : index
    tpu.barrier barrier_id(%barrier3A)
    %get3A = arith.constant 0 : i32
    %get3A_27 = arith.index_cast %get3A : i32 to index
    %get3A_28 = arith.constant 0 : index
    %get3A_29 = tpu.vector_load %arg12[%get3A_27, %get3A_28] {strides = array<i32>} : memref<4x128xf32, #tpu.memory_space<vmem>>, vector<16xf32>,
    %get3A_30 = arith.constant 1 : i32
    %get3A_31 = arith.index_cast %get3A_30 : i32 to index
    %get3A_32 = arith.constant 0 : index
    %get3A_33 = tpu.vector_load %arg12[%get3A_31, %get3A_32] {strides = array<i32>} : memref<4x128xf32, #tpu.memory_space<vmem>>, vector<16xf32>,
    %get3A_34 = arith.constant 2 : i32
    %get3A_35 = arith.index_cast %get3A_34 : i32 to index
    %get3A_36 = arith.constant 0 : index
    %get3A_37 = tpu.vector_load %arg12[%get3A_35, %get3A_36] {strides = array<i32>} : memref<4x128xf32, #tpu.memory_space<vmem>>, vector<16xf32>,
    %get3A_38 = arith.constant 3 : i32
    %get3A_39 = arith.index_cast %get3A_38 : i32 to index
    %get3A_40 = arith.constant 0 : index
    %get3A_41 = tpu.vector_load %arg12[%get3A_39, %get3A_40] {strides = array<i32>} : memref<4x128xf32, #tpu.memory_space<vmem>>, vector<16xf32>,
    %mul3A_42 = arith.constant 162 : i32
    %mul3A_43 = arith.muli %add3A, %mul3A_42 : i32
    %mul3A_44 = arith.constant 64 : i32
    %mul3A_45 = arith.muli %mul3A_43, %mul3A_44 : i32
    %add3A_46 = arith.constant 0 : i32
    %add3A_47 = arith.addi %mul3A_45, %add3A_46 : i32
    %dma_start3A = arith.constant 0 : i32
    %dma_start3A_48 = arith.constant 0 : i32
    %dma_start3A_49 = arith.constant 0 : i32
    %dma_start3A_50 = arith.constant 0 : i32
    %dma_start3A_51 = tpu.memref_slice %arg7[%dma_start3A, %dma_start3A_48, %dma_start3A_50] : memref<2x1x64xi32, #tpu.memory_space<vmem>> -> memref<1x1x64xi32, #tpu.memory_space<vmem>>
    %dma_start3A_52 = tpu.memref_squeeze %dma_start3A_51 : memref<1x1x64xi32, #tpu.memory_space<vmem>> -> memref<64xi32, #tpu.memory_space<vmem>>
    %dma_start3A_53 = tpu.memref_slice %arg3[%add3A_47] : memref<331776xi32, #tpu.memory_space<hbm>> -> memref<64xi32, #tpu.memory_space<hbm>>
    %dma_start3A_54 = tpu.memref_slice %arg14[%dma_start3A_49] : memref<2x!tpu.dma_semaphore, #tpu.memory_space<semaphore_mem>> -> memref<1x!tpu.dma_semaphore, #tpu.memory_space<semaphore_mem>>
    %dma_start3A_55 = tpu.memref_squeeze %dma_start3A_54 : memref<1x!tpu.dma_semaphore, #tpu.memory_space<semaphore_mem>> -> memref<!tpu.dma_semaphore, #tpu.memory_space<semaphore_mem>>
    %dma_start3A_56 = arith.constant 0 : i32
    %dma_start3A_57 = tpu.memref_slice %arg7[%dma_start3A, %dma_start3A_48, %dma_start3A_56] : memref<2x1x64xi32, #tpu.memory_space<vmem>> -> memref<1x1x64xi32, #tpu.memory_space<vmem>>
    %dma_start3A_58 = tpu.memref_squeeze %dma_start3A_57 : memref<1x1x64xi32, #tpu.memory_space<vmem>> -> memref<64xi32, #tpu.memory_space<vmem>>
    %dma_start3A_59 = tpu.memref_slice %arg3[%add3A_47] : memref<331776xi32, #tpu.memory_space<hbm>> -> memref<64xi32, #tpu.memory_space<hbm>>
    tpu.enqueue_dma source(%dma_start3A_59 : memref<64xi32, #tpu.memory_space<hbm>>) target(%dma_start3A_58 : memref<64xi32, #tpu.memory_space<vmem>>) target_semaphore(%dma_start3A_55 : memref<!tpu.dma_semaphore, #tpu.memory_space<semaphore_mem>>)
    %add3A_60 = arith.constant 0 : i32
    %add3A_61 = arith.addi %mul3A_45, %add3A_60 : i32
    %dma_start3A_62 = arith.constant 0 : i32
    %dma_start3A_63 = arith.constant 0 : i32
    %dma_start3A_64 = arith.constant 0 : i32
    %dma_start3A_65 = arith.constant 0 : i32
    %dma_start3A_66 = tpu.memref_slice %arg8[%dma_start3A_62, %dma_start3A_63, %dma_start3A_65] : memref<2x1x64xi32, #tpu.memory_space<vmem>> -> memref<1x1x64xi32, #tpu.memory_space<vmem>>
    %dma_start3A_67 = tpu.memref_squeeze %dma_start3A_66 : memref<1x1x64xi32, #tpu.memory_space<vmem>> -> memref<64xi32, #tpu.memory_space<vmem>>
    %dma_start3A_68 = tpu.memref_slice %arg4[%add3A_61] : memref<331776xi32, #tpu.memory_space<hbm>> -> memref<64xi32, #tpu.memory_space<hbm>>
    %dma_start3A_69 = tpu.memref_slice %arg14[%dma_start3A_64] : memref<2x!tpu.dma_semaphore, #tpu.memory_space<semaphore_mem>> -> memref<1x!tpu.dma_semaphore, #tpu.memory_space<semaphore_mem>>
    %dma_start3A_70 = tpu.memref_squeeze %dma_start3A_69 : memref<1x!tpu.dma_semaphore, #tpu.memory_space<semaphore_mem>> -> memref<!tpu.dma_semaphore, #tpu.memory_space<semaphore_mem>>
    %dma_start3A_71 = arith.constant 0 : i32
    %dma_start3A_72 = tpu.memref_slice %arg8[%dma_start3A_62, %dma_start3A_63, %dma_start3A_71] : memref<2x1x64xi32, #tpu.memory_space<vmem>> -> memref<1x1x64xi32, #tpu.memory_space<vmem>>
    %dma_start3A_73 = tpu.memref_squeeze %dma_start3A_72 : memref<1x1x64xi32, #tpu.memory_space<vmem>> -> memref<64xi32, #tpu.memory_space<vmem>>
    %dma_start3A_74 = tpu.memref_slice %arg4[%add3A_61] : memref<331776xi32, #tpu.memory_space<hbm>> -> memref<64xi32, #tpu.memory_space<hbm>>
    tpu.enqueue_dma source(%dma_start3A_74 : memref<64xi32, #tpu.memory_space<hbm>>) target(%dma_start3A_73 : memref<64xi32, #tpu.memory_space<vmem>>) target_semaphore(%dma_start3A_70 : memref<!tpu.dma_semaphore, #tpu.memory_space<semaphore_mem>>)
    %add3A_75 = arith.constant 64 : i32
    %add3A_76 = arith.addi %mul3A_45, %add3A_75 : i32
    %dma_start3A_77 = arith.constant 1 : i32
    %dma_start3A_78 = arith.constant 0 : i32
    %dma_start3A_79 = arith.constant 1 : i32
    %dma_start3A_80 = arith.constant 0 : i32
    %dma_start3A_81 = tpu.memref_slice %arg7[%dma_start3A_77, %dma_start3A_78, %dma_start3A_80] : memref<2x1x64xi32, #tpu.memory_space<vmem>> -> memref<1x1x64xi32, #tpu.memory_space<vmem>>
    %dma_start3A_82 = tpu.memref_squeeze %dma_start3A_81 : memref<1x1x64xi32, #tpu.memory_space<vmem>> -> memref<64xi32, #tpu.memory_space<vmem>>
    %dma_start3A_83 = tpu.memref_slice %arg3[%add3A_76] : memref<331776xi32, #tpu.memory_space<hbm>> -> memref<64xi32, #tpu.memory_space<hbm>>
    %dma_start3A_84 = tpu.memref_slice %arg14[%dma_start3A_79] : memref<2x!tpu.dma_semaphore, #tpu.memory_space<semaphore_mem>> -> memref<1x!tpu.dma_semaphore, #tpu.memory_space<semaphore_mem>>
    %dma_start3A_85 = tpu.memref_squeeze %dma_start3A_84 : memref<1x!tpu.dma_semaphore, #tpu.memory_space<semaphore_mem>> -> memref<!tpu.dma_semaphore, #tpu.memory_space<semaphore_mem>>
    %dma_start3A_86 = arith.constant 0 : i32
    %dma_start3A_87 = tpu.memref_slice %arg7[%dma_start3A_77, %dma_start3A_78, %dma_start3A_86] : memref<2x1x64xi32, #tpu.memory_space<vmem>> -> memref<1x1x64xi32, #tpu.memory_space<vmem>>
    %dma_start3A_88 = tpu.memref_squeeze %dma_start3A_87 : memref<1x1x64xi32, #tpu.memory_space<vmem>> -> memref<64xi32, #tpu.memory_space<vmem>>
    %dma_start3A_89 = tpu.memref_slice %arg3[%add3A_76] : memref<331776xi32, #tpu.memory_space<hbm>> -> memref<64xi32, #tpu.memory_space<hbm>>
    tpu.enqueue_dma source(%dma_start3A_89 : memref<64xi32, #tpu.memory_space<hbm>>) target(%dma_start3A_88 : memref<64xi32, #tpu.memory_space<vmem>>) target_semaphore(%dma_start3A_85 : memref<!tpu.dma_semaphore, #tpu.memory_space<semaphore_mem>>)
    %add3A_90 = arith.constant 64 : i32
    %add3A_91 = arith.addi %mul3A_45, %add3A_90 : i32
    %dma_start3A_92 = arith.constant 1 : i32
    %dma_start3A_93 = arith.constant 0 : i32
    %dma_start3A_94 = arith.constant 1 : i32
    %dma_start3A_95 = arith.constant 0 : i32
    %dma_start3A_96 = tpu.memref_slice %arg8[%dma_start3A_92, %dma_start3A_93, %dma_start3A_95] : memref<2x1x64xi32, #tpu.memory_space<vmem>> -> memref<1x1x64xi32, #tpu.memory_space<vmem>>
    %dma_start3A_97 = tpu.memref_squeeze %dma_start3A_96 : memref<1x1x64xi32, #tpu.memory_space<vmem>> -> memref<64xi32, #tpu.memory_space<vmem>>
    %dma_start3A_98 = tpu.memref_slice %arg4[%add3A_91] : memref<331776xi32, #tpu.memory_space<hbm>> -> memref<64xi32, #tpu.memory_space<hbm>>
    %dma_start3A_99 = tpu.memref_slice %arg14[%dma_start3A_94] : memref<2x!tpu.dma_semaphore, #tpu.memory_space<semaphore_mem>> -> memref<1x!tpu.dma_semaphore, #tpu.memory_space<semaphore_mem>>
    %dma_start3A_100 = tpu.memref_squeeze %dma_start3A_99 : memref<1x!tpu.dma_semaphore, #tpu.memory_space<semaphore_mem>> -> memref<!tpu.dma_semaphore, #tpu.memory_space<semaphore_mem>>
    %dma_start3A_101 = arith.constant 0 : i32
    %dma_start3A_102 = tpu.memref_slice %arg8[%dma_start3A_92, %dma_start3A_93, %dma_start3A_101] : memref<2x1x64xi32, #tpu.memory_space<vmem>> -> memref<1x1x64xi32, #tpu.memory_space<vmem>>
    %dma_start3A_103 = tpu.memref_squeeze %dma_start3A_102 : memref<1x1x64xi32, #tpu.memory_space<vmem>> -> memref<64xi32, #tpu.memory_space<vmem>>
    %dma_start3A_104 = tpu.memref_slice %arg4[%add3A_91] : memref<331776xi32, #tpu.memory_space<hbm>> -> memref<64xi32, #tpu.memory_space<hbm>>
    tpu.enqueue_dma source(%dma_start3A_104 : memref<64xi32, #tpu.memory_space<hbm>>) target(%dma_start3A_103 : memref<64xi32, #tpu.memory_space<vmem>>) target_semaphore(%dma_start3A_100 : memref<!tpu.dma_semaphore, #tpu.memory_space<semaphore_mem>>)
    %add3A_105 = arith.constant 0 : i32
    %add3A_106 = arith.addi %mul3A_45, %add3A_105 : i32
    %dma_wait3A = arith.constant 0 : i32
    %dma_wait3A_107 = arith.constant 0 : i32
    %dma_wait3A_108 = arith.constant 0 : i32
    %dma_wait3A_109 = arith.constant 0 : i32
    %dma_wait3A_110 = tpu.memref_slice %arg7[%dma_wait3A, %dma_wait3A_107, %dma_wait3A_109] : memref<2x1x64xi32, #tpu.memory_space<vmem>> -> memref<1x1x64xi32, #tpu.memory_space<vmem>>
    %dma_wait3A_111 = tpu.memref_squeeze %dma_wait3A_110 : memref<1x1x64xi32, #tpu.memory_space<vmem>> -> memref<64xi32, #tpu.memory_space<vmem>>
    %dma_wait3A_112 = tpu.memref_slice %arg3[%add3A_106] : memref<331776xi32, #tpu.memory_space<hbm>> -> memref<64xi32, #tpu.memory_space<hbm>>
    %dma_wait3A_113 = tpu.memref_slice %arg14[%dma_wait3A_108] : memref<2x!tpu.dma_semaphore, #tpu.memory_space<semaphore_mem>> -> memref<1x!tpu.dma_semaphore, #tpu.memory_space<semaphore_mem>>
    %dma_wait3A_114 = tpu.memref_squeeze %dma_wait3A_113 : memref<1x!tpu.dma_semaphore, #tpu.memory_space<semaphore_mem>> -> memref<!tpu.dma_semaphore, #tpu.memory_space<semaphore_mem>>
    %dma_wait3A_115 = arith.constant 0 : i32
    %dma_wait3A_116 = tpu.memref_slice %arg7[%dma_wait3A, %dma_wait3A_107, %dma_wait3A_115] : memref<2x1x64xi32, #tpu.memory_space<vmem>> -> memref<1x1x64xi32, #tpu.memory_space<vmem>>
    %dma_wait3A_117 = tpu.memref_squeeze %dma_wait3A_116 : memref<1x1x64xi32, #tpu.memory_space<vmem>> -> memref<64xi32, #tpu.memory_space<vmem>>
    %dma_wait3A_118 = tpu.memref_slice %arg3[%add3A_106] : memref<331776xi32, #tpu.memory_space<hbm>> -> memref<64xi32, #tpu.memory_space<hbm>>
    tpu.wait_dma2 semaphore(%dma_wait3A_114 : memref<!tpu.dma_semaphore, #tpu.memory_space<semaphore_mem>>) src(%dma_wait3A_118 : memref<64xi32, #tpu.memory_space<hbm>>) dst(%dma_wait3A_117 : memref<64xi32, #tpu.memory_space<vmem>>)
    %add3A_119 = arith.constant 0 : i32
    %add3A_120 = arith.addi %mul3A_45, %add3A_119 : i32
    %dma_wait3A_121 = arith.constant 0 : i32
    %dma_wait3A_122 = arith.constant 0 : i32
    %dma_wait3A_123 = arith.constant 0 : i32
    %dma_wait3A_124 = arith.constant 0 : i32
    %dma_wait3A_125 = tpu.memref_slice %arg8[%dma_wait3A_121, %dma_wait3A_122, %dma_wait3A_124] : memref<2x1x64xi32, #tpu.memory_space<vmem>> -> memref<1x1x64xi32, #tpu.memory_space<vmem>>
    %dma_wait3A_126 = tpu.memref_squeeze %dma_wait3A_125 : memref<1x1x64xi32, #tpu.memory_space<vmem>> -> memref<64xi32, #tpu.memory_space<vmem>>
    %dma_wait3A_127 = tpu.memref_slice %arg4[%add3A_120] : memref<331776xi32, #tpu.memory_space<hbm>> -> memref<64xi32, #tpu.memory_space<hbm>>
    %dma_wait3A_128 = tpu.memref_slice %arg14[%dma_wait3A_123] : memref<2x!tpu.dma_semaphore, #tpu.memory_space<semaphore_mem>> -> memref<1x!tpu.dma_semaphore, #tpu.memory_space<semaphore_mem>>
    %dma_wait3A_129 = tpu.memref_squeeze %dma_wait3A_128 : memref<1x!tpu.dma_semaphore, #tpu.memory_space<semaphore_mem>> -> memref<!tpu.dma_semaphore, #tpu.memory_space<semaphore_mem>>
    %dma_wait3A_130 = arith.constant 0 : i32
    %dma_wait3A_131 = tpu.memref_slice %arg8[%dma_wait3A_121, %dma_wait3A_122, %dma_wait3A_130] : memref<2x1x64xi32, #tpu.memory_space<vmem>> -> memref<1x1x64xi32, #tpu.memory_space<vmem>>
    %dma_wait3A_132 = tpu.memref_squeeze %dma_wait3A_131 : memref<1x1x64xi32, #tpu.memory_space<vmem>> -> memref<64xi32, #tpu.memory_space<vmem>>
    %dma_wait3A_133 = tpu.memref_slice %arg4[%add3A_120] : memref<331776xi32, #tpu.memory_space<hbm>> -> memref<64xi32, #tpu.memory_space<hbm>>
    tpu.wait_dma2 semaphore(%dma_wait3A_129 : memref<!tpu.dma_semaphore, #tpu.memory_space<semaphore_mem>>) src(%dma_wait3A_133 : memref<64xi32, #tpu.memory_space<hbm>>) dst(%dma_wait3A_132 : memref<64xi32, #tpu.memory_space<vmem>>)
    %dma_start3A_134 = arith.constant 0 : i32
    %dma_start3A_135 = arith.constant 0 : i32
    %dma_start3A_136 = arith.constant 0 : i32
    %dma_start3A_137 = arith.constant 0 : i32
    %dma_start3A_138 = arith.constant 0 : i32
    %dma_start3A_139 = arith.constant 0 : i32
    %dma_start3A_140 = tpu.memref_slice %arg10[%dma_start3A_136, %dma_start3A_138, %dma_start3A_139] : memref<2x64x128xf32, #tpu.memory_space<vmem>> -> memref<1x64x128xf32, #tpu.memory_space<vmem>>
    %dma_start3A_141 = tpu.memref_squeeze %dma_start3A_140 : memref<1x64x128xf32, #tpu.memory_space<vmem>> -> memref<64x128xf32, #tpu.memory_space<vmem>>
    %dma_start3A_142 = arith.constant 0 : i32
    %dma_start3A_143 = tpu.memref_slice %arg7[%dma_start3A_134, %dma_start3A_135, %dma_start3A_142] : memref<2x1x64xi32, #tpu.memory_space<vmem>> -> memref<1x1x64xi32, #tpu.memory_space<vmem>>
    %dma_start3A_144 = tpu.memref_squeeze %dma_start3A_143 : memref<1x1x64xi32, #tpu.memory_space<vmem>> -> memref<64xi32, #tpu.memory_space<vmem>>
    %dma_start3A_145 = arith.constant 0 : i32
    %dma_start3A_146 = arith.constant 0 : i32
    %dma_start3A_147 = tpu.memref_slice %arg2[%dma_start3A_145, %dma_start3A_146] : memref<10112x128xf32, #tpu.memory_space<hbm>> -> memref<10112x128xf32, #tpu.memory_space<hbm>>
    %dma_start3A_148 = tpu.memref_slice %arg15[%dma_start3A_137] : memref<2x!tpu.dma_semaphore, #tpu.memory_space<semaphore_mem>> -> memref<1x!tpu.dma_semaphore, #tpu.memory_space<semaphore_mem>>
    %dma_start3A_149 = tpu.memref_squeeze %dma_start3A_148 : memref<1x!tpu.dma_semaphore, #tpu.memory_space<semaphore_mem>> -> memref<!tpu.dma_semaphore, #tpu.memory_space<semaphore_mem>>
    tpu.enqueue_indirect_dma source(%dma_start3A_147 : memref<10112x128xf32, #tpu.memory_space<hbm>>) target(%dma_start3A_141 : memref<64x128xf32, #tpu.memory_space<vmem>>) offsets(%dma_start3A_144 : memref<64xi32, #tpu.memory_space<vmem>>) semaphore(%dma_start3A_149 : memref<!tpu.dma_semaphore, #tpu.memory_space<semaphore_mem>>)
    %dma_start3A_150 = arith.constant 0 : i32
    %dma_start3A_151 = arith.constant 0 : i32
    %dma_start3A_152 = arith.constant 0 : i32
    %dma_start3A_153 = arith.constant 0 : i32
    %dma_start3A_154 = arith.constant 0 : i32
    %dma_start3A_155 = arith.constant 0 : i32
    %dma_start3A_156 = tpu.memref_slice %arg11[%dma_start3A_152, %dma_start3A_154, %dma_start3A_155] : memref<2x64x128xf32, #tpu.memory_space<vmem>> -> memref<1x64x128xf32, #tpu.memory_space<vmem>>
    %dma_start3A_157 = tpu.memref_squeeze %dma_start3A_156 : memref<1x64x128xf32, #tpu.memory_space<vmem>> -> memref<64x128xf32, #tpu.memory_space<vmem>>
    %dma_start3A_158 = arith.constant 0 : i32
    %dma_start3A_159 = tpu.memref_slice %arg8[%dma_start3A_150, %dma_start3A_151, %dma_start3A_158] : memref<2x1x64xi32, #tpu.memory_space<vmem>> -> memref<1x1x64xi32, #tpu.memory_space<vmem>>
    %dma_start3A_160 = tpu.memref_squeeze %dma_start3A_159 : memref<1x1x64xi32, #tpu.memory_space<vmem>> -> memref<64xi32, #tpu.memory_space<vmem>>
    %dma_start3A_161 = arith.constant 0 : i32
    %dma_start3A_162 = arith.constant 0 : i32
    %dma_start3A_163 = tpu.memref_slice %arg2[%dma_start3A_161, %dma_start3A_162] : memref<10112x128xf32, #tpu.memory_space<hbm>> -> memref<10112x128xf32, #tpu.memory_space<hbm>>
    %dma_start3A_164 = tpu.memref_slice %arg15[%dma_start3A_153] : memref<2x!tpu.dma_semaphore, #tpu.memory_space<semaphore_mem>> -> memref<1x!tpu.dma_semaphore, #tpu.memory_space<semaphore_mem>>
    %dma_start3A_165 = tpu.memref_squeeze %dma_start3A_164 : memref<1x!tpu.dma_semaphore, #tpu.memory_space<semaphore_mem>> -> memref<!tpu.dma_semaphore, #tpu.memory_space<semaphore_mem>>
    tpu.enqueue_indirect_dma source(%dma_start3A_163 : memref<10112x128xf32, #tpu.memory_space<hbm>>) target(%dma_start3A_157 : memref<64x128xf32, #tpu.memory_space<vmem>>) offsets(%dma_start3A_160 : memref<64xi32, #tpu.memory_space<vmem>>) semaphore(%dma_start3A_165 : memref<!tpu.dma_semaphore, #tpu.memory_space<semaphore_mem>>)
    %scan3A_166 = arith.constant 0 : i32
    %scan3A_167 = arith.constant 81 : i32
    %scan3A_168 = arith.addi %scan3A_166, %scan3A_167 : i32
    %scan3A_169 = arith.constant 1 : i32
    scf.for %scan3A_192 = %scan3A_166 to %scan3A_168 step %scan3A_169  : i32 {
      %mul3A_193 = arith.constant 1 : i32
      %mul3A_194 = arith.muli %scan3A_192, %mul3A_193 : i32
      %add3A_195 = arith.constant 0 : i32
      %add3A_196 = arith.addi %add3A_195, %mul3A_194 : i32
      %mul3A_197 = arith.constant 2 : i32
      %mul3A_198 = arith.muli %mul3A_197, %add3A_196 : i32
      %dma_wait3A_199 = arith.constant 0 : i32
      %dma_wait3A_200 = arith.constant 0 : i32
      %dma_wait3A_201 = arith.constant 0 : i32
      %dma_wait3A_202 = arith.constant 0 : i32
      %dma_wait3A_203 = arith.constant 0 : i32
      %dma_wait3A_204 = arith.constant 0 : i32
      %dma_wait3A_205 = tpu.memref_slice %arg10[%dma_wait3A_201, %dma_wait3A_203, %dma_wait3A_204] : memref<2x64x128xf32, #tpu.memory_space<vmem>> -> memref<1x64x128xf32, #tpu.memory_space<vmem>>
      %dma_wait3A_206 = tpu.memref_squeeze %dma_wait3A_205 : memref<1x64x128xf32, #tpu.memory_space<vmem>> -> memref<64x128xf32, #tpu.memory_space<vmem>>
      %dma_wait3A_207 = arith.constant 0 : i32
      %dma_wait3A_208 = tpu.memref_slice %arg7[%dma_wait3A_199, %dma_wait3A_200, %dma_wait3A_207] : memref<2x1x64xi32, #tpu.memory_space<vmem>> -> memref<1x1x64xi32, #tpu.memory_space<vmem>>
      %dma_wait3A_209 = tpu.memref_squeeze %dma_wait3A_208 : memref<1x1x64xi32, #tpu.memory_space<vmem>> -> memref<64xi32, #tpu.memory_space<vmem>>
      %dma_wait3A_210 = arith.constant 0 : i32
      %dma_wait3A_211 = arith.constant 0 : i32
      %dma_wait3A_212 = tpu.memref_slice %arg2[%dma_wait3A_210, %dma_wait3A_211] : memref<10112x128xf32, #tpu.memory_space<hbm>> -> memref<10112x128xf32, #tpu.memory_space<hbm>>
      %dma_wait3A_213 = tpu.memref_slice %arg15[%dma_wait3A_202] : memref<2x!tpu.dma_semaphore, #tpu.memory_space<semaphore_mem>> -> memref<1x!tpu.dma_semaphore, #tpu.memory_space<semaphore_mem>>
      %dma_wait3A_214 = tpu.memref_squeeze %dma_wait3A_213 : memref<1x!tpu.dma_semaphore, #tpu.memory_space<semaphore_mem>> -> memref<!tpu.dma_semaphore, #tpu.memory_space<semaphore_mem>>
      tpu.wait_indirect_dma semaphore(%dma_wait3A_214 : memref<!tpu.dma_semaphore, #tpu.memory_space<semaphore_mem>>) src(%dma_wait3A_212 : memref<10112x128xf32, #tpu.memory_space<hbm>>) dst(%dma_wait3A_206 : memref<64x128xf32, #tpu.memory_space<vmem>>)
      %dma_wait3A_215 = arith.constant 0 : i32
      %dma_wait3A_216 = arith.constant 0 : i32
      %dma_wait3A_217 = arith.constant 0 : i32
      %dma_wait3A_218 = arith.constant 0 : i32
      %dma_wait3A_219 = arith.constant 0 : i32
      %dma_wait3A_220 = arith.constant 0 : i32
      %dma_wait3A_221 = tpu.memref_slice %arg11[%dma_wait3A_217, %dma_wait3A_219, %dma_wait3A_220] : memref<2x64x128xf32, #tpu.memory_space<vmem>> -> memref<1x64x128xf32, #tpu.memory_space<vmem>>
      %dma_wait3A_222 = tpu.memref_squeeze %dma_wait3A_221 : memref<1x64x128xf32, #tpu.memory_space<vmem>> -> memref<64x128xf32, #tpu.memory_space<vmem>>
      %dma_wait3A_223 = arith.constant 0 : i32
      %dma_wait3A_224 = tpu.memref_slice %arg8[%dma_wait3A_215, %dma_wait3A_216, %dma_wait3A_223] : memref<2x1x64xi32, #tpu.memory_space<vmem>> -> memref<1x1x64xi32, #tpu.memory_space<vmem>>
      %dma_wait3A_225 = tpu.memref_squeeze %dma_wait3A_224 : memref<1x1x64xi32, #tpu.memory_space<vmem>> -> memref<64xi32, #tpu.memory_space<vmem>>
      %dma_wait3A_226 = arith.constant 0 : i32
      %dma_wait3A_227 = arith.constant 0 : i32
      %dma_wait3A_228 = tpu.memref_slice %arg2[%dma_wait3A_226, %dma_wait3A_227] : memref<10112x128xf32, #tpu.memory_space<hbm>> -> memref<10112x128xf32, #tpu.memory_space<hbm>>
      %dma_wait3A_229 = tpu.memref_slice %arg15[%dma_wait3A_218] : memref<2x!tpu.dma_semaphore, #tpu.memory_space<semaphore_mem>> -> memref<1x!tpu.dma_semaphore, #tpu.memory_space<semaphore_mem>>
      %dma_wait3A_230 = tpu.memref_squeeze %dma_wait3A_229 : memref<1x!tpu.dma_semaphore, #tpu.memory_space<semaphore_mem>> -> memref<!tpu.dma_semaphore, #tpu.memory_space<semaphore_mem>>
      tpu.wait_indirect_dma semaphore(%dma_wait3A_230 : memref<!tpu.dma_semaphore, #tpu.memory_space<semaphore_mem>>) src(%dma_wait3A_228 : memref<10112x128xf32, #tpu.memory_space<hbm>>) dst(%dma_wait3A_222 : memref<64x128xf32, #tpu.memory_space<vmem>>)
      %add3A_231 = arith.constant 1 : i32
      %add3A_232 = arith.addi %mul3A_198, %add3A_231 : i32
      %lt3A = arith.constant 162 : i32
      %lt3A_233 = arith.cmpi slt, %add3A_232, %lt3A : i32
      %convert_element_type3A = arith.extui %lt3A_233 : i1 to i32
      %cond3A = arith.constant 0 : i32
      %cond3A_234 = arith.cmpi ne, %convert_element_type3A, %cond3A : i32
      scf.if %cond3A_234 {
        %add3A_305 = arith.constant 1 : i32
        %add3A_306 = arith.addi %mul3A_198, %add3A_305 : i32
        %mul3A_307 = arith.constant 64 : i32
        %mul3A_308 = arith.muli %add3A_306, %mul3A_307 : i32
        %add3A_309 = arith.addi %mul3A_45, %mul3A_308 : i32
        %dma_wait3A_310 = arith.constant 1 : i32
        %dma_wait3A_311 = arith.constant 0 : i32
        %dma_wait3A_312 = arith.constant 1 : i32
        %dma_wait3A_313 = arith.constant 0 : i32
        %dma_wait3A_314 = tpu.memref_slice %arg7[%dma_wait3A_310, %dma_wait3A_311, %dma_wait3A_313] : memref<2x1x64xi32, #tpu.memory_space<vmem>> -> memref<1x1x64xi32, #tpu.memory_space<vmem>>
        %dma_wait3A_315 = tpu.memref_squeeze %dma_wait3A_314 : memref<1x1x64xi32, #tpu.memory_space<vmem>> -> memref<64xi32, #tpu.memory_space<vmem>>
        %dma_wait3A_316 = tpu.memref_slice %arg3[%add3A_309] : memref<331776xi32, #tpu.memory_space<hbm>> -> memref<64xi32, #tpu.memory_space<hbm>>
        %dma_wait3A_317 = tpu.memref_slice %arg14[%dma_wait3A_312] : memref<2x!tpu.dma_semaphore, #tpu.memory_space<semaphore_mem>> -> memref<1x!tpu.dma_semaphore, #tpu.memory_space<semaphore_mem>>
        %dma_wait3A_318 = tpu.memref_squeeze %dma_wait3A_317 : memref<1x!tpu.dma_semaphore, #tpu.memory_space<semaphore_mem>> -> memref<!tpu.dma_semaphore, #tpu.memory_space<semaphore_mem>>
        %dma_wait3A_319 = arith.constant 0 : i32
        %dma_wait3A_320 = tpu.memref_slice %arg7[%dma_wait3A_310, %dma_wait3A_311, %dma_wait3A_319] : memref<2x1x64xi32, #tpu.memory_space<vmem>> -> memref<1x1x64xi32, #tpu.memory_space<vmem>>
        %dma_wait3A_321 = tpu.memref_squeeze %dma_wait3A_320 : memref<1x1x64xi32, #tpu.memory_space<vmem>> -> memref<64xi32, #tpu.memory_space<vmem>>
        %dma_wait3A_322 = tpu.memref_slice %arg3[%add3A_309] : memref<331776xi32, #tpu.memory_space<hbm>> -> memref<64xi32, #tpu.memory_space<hbm>>
        tpu.wait_dma2 semaphore(%dma_wait3A_318 : memref<!tpu.dma_semaphore, #tpu.memory_space<semaphore_mem>>) src(%dma_wait3A_322 : memref<64xi32, #tpu.memory_space<hbm>>) dst(%dma_wait3A_321 : memref<64xi32, #tpu.memory_space<vmem>>)
        %mul3A_323 = arith.constant 64 : i32
        %mul3A_324 = arith.muli %add3A_306, %mul3A_323 : i32
        %add3A_325 = arith.addi %mul3A_45, %mul3A_324 : i32
        %dma_wait3A_326 = arith.constant 1 : i32
        %dma_wait3A_327 = arith.constant 0 : i32
        %dma_wait3A_328 = arith.constant 1 : i32
        %dma_wait3A_329 = arith.constant 0 : i32
        %dma_wait3A_330 = tpu.memref_slice %arg8[%dma_wait3A_326, %dma_wait3A_327, %dma_wait3A_329] : memref<2x1x64xi32, #tpu.memory_space<vmem>> -> memref<1x1x64xi32, #tpu.memory_space<vmem>>
        %dma_wait3A_331 = tpu.memref_squeeze %dma_wait3A_330 : memref<1x1x64xi32, #tpu.memory_space<vmem>> -> memref<64xi32, #tpu.memory_space<vmem>>
        %dma_wait3A_332 = tpu.memref_slice %arg4[%add3A_325] : memref<331776xi32, #tpu.memory_space<hbm>> -> memref<64xi32, #tpu.memory_space<hbm>>
        %dma_wait3A_333 = tpu.memref_slice %arg14[%dma_wait3A_328] : memref<2x!tpu.dma_semaphore, #tpu.memory_space<semaphore_mem>> -> memref<1x!tpu.dma_semaphore, #tpu.memory_space<semaphore_mem>>
        %dma_wait3A_334 = tpu.memref_squeeze %dma_wait3A_333 : memref<1x!tpu.dma_semaphore, #tpu.memory_space<semaphore_mem>> -> memref<!tpu.dma_semaphore, #tpu.memory_space<semaphore_mem>>
        %dma_wait3A_335 = arith.constant 0 : i32
        %dma_wait3A_336 = tpu.memref_slice %arg8[%dma_wait3A_326, %dma_wait3A_327, %dma_wait3A_335] : memref<2x1x64xi32, #tpu.memory_space<vmem>> -> memref<1x1x64xi32, #tpu.memory_space<vmem>>
        %dma_wait3A_337 = tpu.memref_squeeze %dma_wait3A_336 : memref<1x1x64xi32, #tpu.memory_space<vmem>> -> memref<64xi32, #tpu.memory_space<vmem>>
        %dma_wait3A_338 = tpu.memref_slice %arg4[%add3A_325] : memref<331776xi32, #tpu.memory_space<hbm>> -> memref<64xi32, #tpu.memory_space<hbm>>
        tpu.wait_dma2 semaphore(%dma_wait3A_334 : memref<!tpu.dma_semaphore, #tpu.memory_space<semaphore_mem>>) src(%dma_wait3A_338 : memref<64xi32, #tpu.memory_space<hbm>>) dst(%dma_wait3A_337 : memref<64xi32, #tpu.memory_space<vmem>>)
        %dma_start3A_339 = arith.constant 1 : i32
        %dma_start3A_340 = arith.constant 0 : i32
        %dma_start3A_341 = arith.constant 1 : i32
        %dma_start3A_342 = arith.constant 1 : i32
        %dma_start3A_343 = arith.constant 0 : i32
        %dma_start3A_344 = arith.constant 0 : i32
        %dma_start3A_345 = tpu.memref_slice %arg10[%dma_start3A_341, %dma_start3A_343, %dma_start3A_344] : memref<2x64x128xf32, #tpu.memory_space<vmem>> -> memref<1x64x128xf32, #tpu.memory_space<vmem>>
        %dma_start3A_346 = tpu.memref_squeeze %dma_start3A_345 : memref<1x64x128xf32, #tpu.memory_space<vmem>> -> memref<64x128xf32, #tpu.memory_space<vmem>>
        %dma_start3A_347 = arith.constant 0 : i32
        %dma_start3A_348 = tpu.memref_slice %arg7[%dma_start3A_339, %dma_start3A_340, %dma_start3A_347] : memref<2x1x64xi32, #tpu.memory_space<vmem>> -> memref<1x1x64xi32, #tpu.memory_space<vmem>>
        %dma_start3A_349 = tpu.memref_squeeze %dma_start3A_348 : memref<1x1x64xi32, #tpu.memory_space<vmem>> -> memref<64xi32, #tpu.memory_space<vmem>>
        %dma_start3A_350 = arith.constant 0 : i32
        %dma_start3A_351 = arith.constant 0 : i32
        %dma_start3A_352 = tpu.memref_slice %arg2[%dma_start3A_350, %dma_start3A_351] : memref<10112x128xf32, #tpu.memory_space<hbm>> -> memref<10112x128xf32, #tpu.memory_space<hbm>>
        %dma_start3A_353 = tpu.memref_slice %arg15[%dma_start3A_342] : memref<2x!tpu.dma_semaphore, #tpu.memory_space<semaphore_mem>> -> memref<1x!tpu.dma_semaphore, #tpu.memory_space<semaphore_mem>>
        %dma_start3A_354 = tpu.memref_squeeze %dma_start3A_353 : memref<1x!tpu.dma_semaphore, #tpu.memory_space<semaphore_mem>> -> memref<!tpu.dma_semaphore, #tpu.memory_space<semaphore_mem>>
        tpu.enqueue_indirect_dma source(%dma_start3A_352 : memref<10112x128xf32, #tpu.memory_space<hbm>>) target(%dma_start3A_346 : memref<64x128xf32, #tpu.memory_space<vmem>>) offsets(%dma_start3A_349 : memref<64xi32, #tpu.memory_space<vmem>>) semaphore(%dma_start3A_354 : memref<!tpu.dma_semaphore, #tpu.memory_space<semaphore_mem>>)
        %dma_start3A_355 = arith.constant 1 : i32
        %dma_start3A_356 = arith.constant 0 : i32
        %dma_start3A_357 = arith.constant 1 : i32
        %dma_start3A_358 = arith.constant 1 : i32
        %dma_start3A_359 = arith.constant 0 : i32
        %dma_start3A_360 = arith.constant 0 : i32
        %dma_start3A_361 = tpu.memref_slice %arg11[%dma_start3A_357, %dma_start3A_359, %dma_start3A_360] : memref<2x64x128xf32, #tpu.memory_space<vmem>> -> memref<1x64x128xf32, #tpu.memory_space<vmem>>
        %dma_start3A_362 = tpu.memref_squeeze %dma_start3A_361 : memref<1x64x128xf32, #tpu.memory_space<vmem>> -> memref<64x128xf32, #tpu.memory_space<vmem>>
        %dma_start3A_363 = arith.constant 0 : i32
        %dma_start3A_364 = tpu.memref_slice %arg8[%dma_start3A_355, %dma_start3A_356, %dma_start3A_363] : memref<2x1x64xi32, #tpu.memory_space<vmem>> -> memref<1x1x64xi32, #tpu.memory_space<vmem>>
        %dma_start3A_365 = tpu.memref_squeeze %dma_start3A_364 : memref<1x1x64xi32, #tpu.memory_space<vmem>> -> memref<64xi32, #tpu.memory_space<vmem>>
        %dma_start3A_366 = arith.constant 0 : i32
        %dma_start3A_367 = arith.constant 0 : i32
        %dma_start3A_368 = tpu.memref_slice %arg2[%dma_start3A_366, %dma_start3A_367] : memref<10112x128xf32, #tpu.memory_space<hbm>> -> memref<10112x128xf32, #tpu.memory_space<hbm>>
        %dma_start3A_369 = tpu.memref_slice %arg15[%dma_start3A_358] : memref<2x!tpu.dma_semaphore, #tpu.memory_space<semaphore_mem>> -> memref<1x!tpu.dma_semaphore, #tpu.memory_space<semaphore_mem>>
        %dma_start3A_370 = tpu.memref_squeeze %dma_start3A_369 : memref<1x!tpu.dma_semaphore, #tpu.memory_space<semaphore_mem>> -> memref<!tpu.dma_semaphore, #tpu.memory_space<semaphore_mem>>
        tpu.enqueue_indirect_dma source(%dma_start3A_368 : memref<10112x128xf32, #tpu.memory_space<hbm>>) target(%dma_start3A_362 : memref<64x128xf32, #tpu.memory_space<vmem>>) offsets(%dma_start3A_365 : memref<64xi32, #tpu.memory_space<vmem>>) semaphore(%dma_start3A_370 : memref<!tpu.dma_semaphore, #tpu.memory_space<semaphore_mem>>)
      } else {
      }
      %scan3A_235 = arith.constant 0 : i32
      %scan3A_236 = arith.constant 64 : i32
      %scan3A_237 = arith.addi %scan3A_235, %scan3A_236 : i32
      %scan3A_238 = arith.constant 1 : i32
      scf.for %scan3A_305 = %scan3A_235 to %scan3A_237 step %scan3A_238  : i32 {
        %mul3A_306 = arith.constant 1 : i32
        %mul3A_307 = arith.muli %scan3A_305, %mul3A_306 : i32
        %add3A_308 = arith.constant 0 : i32
        %add3A_309 = arith.addi %add3A_308, %mul3A_307 : i32
        %get3A_310 = arith.constant 0 : i32
        %get3A_311 = arith.index_cast %get3A_310 : i32 to index
        %get3A_312 = arith.index_cast %add3A_309 : i32 to index
        %get3A_313 = arith.constant 0 : index
        %get3A_314 = tpu.vector_load %arg10[%get3A_311, %get3A_312, %get3A_313] {strides = array<i32>} : memref<2x64x128xf32, #tpu.memory_space<vmem>>, vector<16xf32>,
        %get3A_315 = arith.constant 0 : i32
        %get3A_316 = arith.index_cast %get3A_315 : i32 to index
        %get3A_317 = arith.index_cast %add3A_309 : i32 to index
        %get3A_318 = arith.constant 64 : index
        %get3A_319 = tpu.vector_load %arg11[%get3A_316, %get3A_317, %get3A_318] {strides = array<i32>} : memref<2x64x128xf32, #tpu.memory_space<vmem>>, vector<16xf32>,
        %add3A_320 = arith.addf %get3A_314, %get3A_319 : vector<16xf32>
        %mul3A_321 = arith.constant 2.000000e-01 : f32
        %mul3A_322 = vector.broadcast %mul3A_321 : f32 to vector<16xf32>
        %mul3A_323 = arith.mulf %add3A_320, %mul3A_322 : vector<16xf32>
        %max3A = arith.maximumf %add3A_320, %mul3A_323 : vector<16xf32>
        %mul3A_324 = arith.mulf %max3A, %get3A_29 : vector<16xf32>
        %reduce_sum3A = arith.constant true
        %reduce_sum3A_325 = vector.broadcast %reduce_sum3A : i1 to vector<16xi1>
        %reduce_sum3A_326 = tpu.scan <sum>, %mul3A_324 masked %reduce_sum3A_325 : vector<16xf32>, vector<16xi1> -> vector<16xf32>
        %reduce_sum3A_327 = vector.extract %reduce_sum3A_326[15] : f32 from vector<16xf32>
        %broadcast_in_dim3A = vector.broadcast %reduce_sum3A_327 : f32 to vector<16xf32>
        %exp3A = math.exp %broadcast_in_dim3A : vector<16xf32>
        %mul3A_328 = arith.mulf %get3A_314, %exp3A : vector<16xf32>
        %swap3A = arith.index_cast %add3A_309 : i32 to index
        %swap3A_329 = arith.constant 0 : index
        %swap3A_330 = tpu.vector_load %arg9[%swap3A, %swap3A_329] {strides = array<i32>} : memref<64x128xf32, #tpu.memory_space<vmem>>, vector<16xf32>,
        tpu.vector_store %arg9[%swap3A, %swap3A_329], %mul3A_328 {strides = array<i32>} : memref<64x128xf32, #tpu.memory_space<vmem>>, vector<16xf32>,
        %swap3A_331 = arith.index_cast %add3A_309 : i32 to index
        %swap3A_332 = arith.constant 64 : index
        %swap3A_333 = tpu.vector_load %arg9[%swap3A_331, %swap3A_332] {strides = array<i32>} : memref<64x128xf32, #tpu.memory_space<vmem>>, vector<16xf32>,
        tpu.vector_store %arg9[%swap3A_331, %swap3A_332], %exp3A {strides = array<i32>} : memref<64x128xf32, #tpu.memory_space<vmem>>, vector<16xf32>,
        %get3A_334 = arith.constant 0 : i32
        %get3A_335 = arith.index_cast %get3A_334 : i32 to index
        %get3A_336 = arith.index_cast %add3A_309 : i32 to index
        %get3A_337 = arith.constant 16 : index
        %get3A_338 = tpu.vector_load %arg10[%get3A_335, %get3A_336, %get3A_337] {strides = array<i32>} : memref<2x64x128xf32, #tpu.memory_space<vmem>>, vector<16xf32>,
        %get3A_339 = arith.constant 0 : i32
        %get3A_340 = arith.index_cast %get3A_339 : i32 to index
        %get3A_341 = arith.index_cast %add3A_309 : i32 to index
        %get3A_342 = arith.constant 80 : index
        %get3A_343 = tpu.vector_load %arg11[%get3A_340, %get3A_341, %get3A_342] {strides = array<i32>} : memref<2x64x128xf32, #tpu.memory_space<vmem>>, vector<16xf32>,
        %add3A_344 = arith.addf %get3A_338, %get3A_343 : vector<16xf32>
        %mul3A_345 = arith.constant 2.000000e-01 : f32
        %mul3A_346 = vector.broadcast %mul3A_345 : f32 to vector<16xf32>
        %mul3A_347 = arith.mulf %add3A_344, %mul3A_346 : vector<16xf32>
        %max3A_348 = arith.maximumf %add3A_344, %mul3A_347 : vector<16xf32>
        %mul3A_349 = arith.mulf %max3A_348, %get3A_33 : vector<16xf32>
        %reduce_sum3A_350 = arith.constant true
        %reduce_sum3A_351 = vector.broadcast %reduce_sum3A_350 : i1 to vector<16xi1>
        %reduce_sum3A_352 = tpu.scan <sum>, %mul3A_349 masked %reduce_sum3A_351 : vector<16xf32>, vector<16xi1> -> vector<16xf32>
        %reduce_sum3A_353 = vector.extract %reduce_sum3A_352[15] : f32 from vector<16xf32>
        %broadcast_in_dim3A_354 = vector.broadcast %reduce_sum3A_353 : f32 to vector<16xf32>
        %exp3A_355 = math.exp %broadcast_in_dim3A_354 : vector<16xf32>
        %mul3A_356 = arith.mulf %get3A_338, %exp3A_355 : vector<16xf32>
        %swap3A_357 = arith.index_cast %add3A_309 : i32 to index
        %swap3A_358 = arith.constant 16 : index
        %swap3A_359 = tpu.vector_load %arg9[%swap3A_357, %swap3A_358] {strides = array<i32>} : memref<64x128xf32, #tpu.memory_space<vmem>>, vector<16xf32>,
        tpu.vector_store %arg9[%swap3A_357, %swap3A_358], %mul3A_356 {strides = array<i32>} : memref<64x128xf32, #tpu.memory_space<vmem>>, vector<16xf32>,
        %swap3A_360 = arith.index_cast %add3A_309 : i32 to index
        %swap3A_361 = arith.constant 80 : index
        %swap3A_362 = tpu.vector_load %arg9[%swap3A_360, %swap3A_361] {strides = array<i32>} : memref<64x128xf32, #tpu.memory_space<vmem>>, vector<16xf32>,
        tpu.vector_store %arg9[%swap3A_360, %swap3A_361], %exp3A_355 {strides = array<i32>} : memref<64x128xf32, #tpu.memory_space<vmem>>, vector<16xf32>,
        %get3A_363 = arith.constant 0 : i32
        %get3A_364 = arith.index_cast %get3A_363 : i32 to index
        %get3A_365 = arith.index_cast %add3A_309 : i32 to index
        %get3A_366 = arith.constant 32 : index
        %get3A_367 = tpu.vector_load %arg10[%get3A_364, %get3A_365, %get3A_366] {strides = array<i32>} : memref<2x64x128xf32, #tpu.memory_space<vmem>>, vector<16xf32>,
        %get3A_368 = arith.constant 0 : i32
        %get3A_369 = arith.index_cast %get3A_368 : i32 to index
        %get3A_370 = arith.index_cast %add3A_309 : i32 to index
        %get3A_371 = arith.constant 96 : index
        %get3A_372 = tpu.vector_load %arg11[%get3A_369, %get3A_370, %get3A_371] {strides = array<i32>} : memref<2x64x128xf32, #tpu.memory_space<vmem>>, vector<16xf32>,
        %add3A_373 = arith.addf %get3A_367, %get3A_372 : vector<16xf32>
        %mul3A_374 = arith.constant 2.000000e-01 : f32
        %mul3A_375 = vector.broadcast %mul3A_374 : f32 to vector<16xf32>
        %mul3A_376 = arith.mulf %add3A_373, %mul3A_375 : vector<16xf32>
        %max3A_377 = arith.maximumf %add3A_373, %mul3A_376 : vector<16xf32>
        %mul3A_378 = arith.mulf %max3A_377, %get3A_37 : vector<16xf32>
        %reduce_sum3A_379 = arith.constant true
        %reduce_sum3A_380 = vector.broadcast %reduce_sum3A_379 : i1 to vector<16xi1>
        %reduce_sum3A_381 = tpu.scan <sum>, %mul3A_378 masked %reduce_sum3A_380 : vector<16xf32>, vector<16xi1> -> vector<16xf32>
        %reduce_sum3A_382 = vector.extract %reduce_sum3A_381[15] : f32 from vector<16xf32>
        %broadcast_in_dim3A_383 = vector.broadcast %reduce_sum3A_382 : f32 to vector<16xf32>
        %exp3A_384 = math.exp %broadcast_in_dim3A_383 : vector<16xf32>
        %mul3A_385 = arith.mulf %get3A_367, %exp3A_384 : vector<16xf32>
        %swap3A_386 = arith.index_cast %add3A_309 : i32 to index
        %swap3A_387 = arith.constant 32 : index
        %swap3A_388 = tpu.vector_load %arg9[%swap3A_386, %swap3A_387] {strides = array<i32>} : memref<64x128xf32, #tpu.memory_space<vmem>>, vector<16xf32>,
        tpu.vector_store %arg9[%swap3A_386, %swap3A_387], %mul3A_385 {strides = array<i32>} : memref<64x128xf32, #tpu.memory_space<vmem>>, vector<16xf32>,
        %swap3A_389 = arith.index_cast %add3A_309 : i32 to index
        %swap3A_390 = arith.constant 96 : index
        %swap3A_391 = tpu.vector_load %arg9[%swap3A_389, %swap3A_390] {strides = array<i32>} : memref<64x128xf32, #tpu.memory_space<vmem>>, vector<16xf32>,
        tpu.vector_store %arg9[%swap3A_389, %swap3A_390], %exp3A_384 {strides = array<i32>} : memref<64x128xf32, #tpu.memory_space<vmem>>, vector<16xf32>,
        %get3A_392 = arith.constant 0 : i32
        %get3A_393 = arith.index_cast %get3A_392 : i32 to index
        %get3A_394 = arith.index_cast %add3A_309 : i32 to index
        %get3A_395 = arith.constant 48 : index
        %get3A_396 = tpu.vector_load %arg10[%get3A_393, %get3A_394, %get3A_395] {strides = array<i32>} : memref<2x64x128xf32, #tpu.memory_space<vmem>>, vector<16xf32>,
        %get3A_397 = arith.constant 0 : i32
        %get3A_398 = arith.index_cast %get3A_397 : i32 to index
        %get3A_399 = arith.index_cast %add3A_309 : i32 to index
        %get3A_400 = arith.constant 112 : index
        %get3A_401 = tpu.vector_load %arg11[%get3A_398, %get3A_399, %get3A_400] {strides = array<i32>} : memref<2x64x128xf32, #tpu.memory_space<vmem>>, vector<16xf32>,
        %add3A_402 = arith.addf %get3A_396, %get3A_401 : vector<16xf32>
        %mul3A_403 = arith.constant 2.000000e-01 : f32
        %mul3A_404 = vector.broadcast %mul3A_403 : f32 to vector<16xf32>
        %mul3A_405 = arith.mulf %add3A_402, %mul3A_404 : vector<16xf32>
        %max3A_406 = arith.maximumf %add3A_402, %mul3A_405 : vector<16xf32>
        %mul3A_407 = arith.mulf %max3A_406, %get3A_41 : vector<16xf32>
        %reduce_sum3A_408 = arith.constant true
        %reduce_sum3A_409 = vector.broadcast %reduce_sum3A_408 : i1 to vector<16xi1>
        %reduce_sum3A_410 = tpu.scan <sum>, %mul3A_407 masked %reduce_sum3A_409 : vector<16xf32>, vector<16xi1> -> vector<16xf32>
        %reduce_sum3A_411 = vector.extract %reduce_sum3A_410[15] : f32 from vector<16xf32>
        %broadcast_in_dim3A_412 = vector.broadcast %reduce_sum3A_411 : f32 to vector<16xf32>
        %exp3A_413 = math.exp %broadcast_in_dim3A_412 : vector<16xf32>
        %mul3A_414 = arith.mulf %get3A_396, %exp3A_413 : vector<16xf32>
        %swap3A_415 = arith.index_cast %add3A_309 : i32 to index
        %swap3A_416 = arith.constant 48 : index
        %swap3A_417 = tpu.vector_load %arg9[%swap3A_415, %swap3A_416] {strides = array<i32>} : memref<64x128xf32, #tpu.memory_space<vmem>>, vector<16xf32>,
        tpu.vector_store %arg9[%swap3A_415, %swap3A_416], %mul3A_414 {strides = array<i32>} : memref<64x128xf32, #tpu.memory_space<vmem>>, vector<16xf32>,
        %swap3A_418 = arith.index_cast %add3A_309 : i32 to index
        %swap3A_419 = arith.constant 112 : index
        %swap3A_420 = tpu.vector_load %arg9[%swap3A_418, %swap3A_419] {strides = array<i32>} : memref<64x128xf32, #tpu.memory_space<vmem>>, vector<16xf32>,
        tpu.vector_store %arg9[%swap3A_418, %swap3A_419], %exp3A_413 {strides = array<i32>} : memref<64x128xf32, #tpu.memory_space<vmem>>, vector<16xf32>,
      }
      %scan3A_239 = arith.constant 64 : i32
      %run_scoped3A = arith.constant 0 : i32
      %run_scoped3A_240 = arith.constant 0 : i32
      "tpu.region"() ({
        %run_scoped3A_305 = tpu.sem_alloc : memref<!tpu.dma_semaphore, #tpu.memory_space<semaphore_mem>>
        %dma_start3A_306 = arith.constant 0 : i32
        %dma_start3A_307 = tpu.memref_slice %arg8[%run_scoped3A, %run_scoped3A_240, %dma_start3A_306] : memref<2x1x64xi32, #tpu.memory_space<vmem>> -> memref<1x1x64xi32, #tpu.memory_space<vmem>>
        %dma_start3A_308 = tpu.memref_squeeze %dma_start3A_307 : memref<1x1x64xi32, #tpu.memory_space<vmem>> -> memref<64xi32, #tpu.memory_space<vmem>>
        %dma_start3A_309 = arith.constant 0 : i32
        %dma_start3A_310 = arith.constant 0 : i32
        %dma_start3A_311 = tpu.memref_slice %arg13[%dma_start3A_309, %dma_start3A_310] : memref<10112x128xf32, #tpu.memory_space<vmem_shared>> -> memref<10112x128xf32, #tpu.memory_space<vmem_shared>>
        tpu.enqueue_indirect_dma source(%arg9 : memref<64x128xf32, #tpu.memory_space<vmem>>) target(%dma_start3A_311 : memref<10112x128xf32, #tpu.memory_space<vmem_shared>>) offsets(%dma_start3A_308 : memref<64xi32, #tpu.memory_space<vmem>>) semaphore(%run_scoped3A_305 : memref<!tpu.dma_semaphore, #tpu.memory_space<semaphore_mem>>) {add = true}
        %dma_wait3A_312 = arith.constant 0 : i32
        %dma_wait3A_313 = tpu.memref_slice %arg8[%run_scoped3A, %run_scoped3A_240, %dma_wait3A_312] : memref<2x1x64xi32, #tpu.memory_space<vmem>> -> memref<1x1x64xi32, #tpu.memory_space<vmem>>
        %dma_wait3A_314 = tpu.memref_squeeze %dma_wait3A_313 : memref<1x1x64xi32, #tpu.memory_space<vmem>> -> memref<64xi32, #tpu.memory_space<vmem>>
        %dma_wait3A_315 = arith.constant 0 : i32
        %dma_wait3A_316 = arith.constant 0 : i32
        %dma_wait3A_317 = tpu.memref_slice %arg13[%dma_wait3A_315, %dma_wait3A_316] : memref<10112x128xf32, #tpu.memory_space<vmem_shared>> -> memref<10112x128xf32, #tpu.memory_space<vmem_shared>>
        tpu.wait_indirect_dma semaphore(%run_scoped3A_305 : memref<!tpu.dma_semaphore, #tpu.memory_space<semaphore_mem>>) src(%arg9 : memref<64x128xf32, #tpu.memory_space<vmem>>) dst(%dma_wait3A_317 : memref<10112x128xf32, #tpu.memory_space<vmem_shared>>)
        tpu.yield
      }) : () -> ()
      %add3A_241 = arith.constant 2 : i32
      %add3A_242 = arith.addi %mul3A_198, %add3A_241 : i32
      %lt3A_243 = arith.constant 162 : i32
      %lt3A_244 = arith.cmpi slt, %add3A_242, %lt3A_243 : i32
      %convert_element_type3A_245 = arith.extui %lt3A_244 : i1 to i32
      %cond3A_246 = arith.constant 0 : i32
      %cond3A_247 = arith.cmpi ne, %convert_element_type3A_245, %cond3A_246 : i32
      scf.if %cond3A_247 {
        %add3A_305 = arith.constant 2 : i32
        %add3A_306 = arith.addi %mul3A_198, %add3A_305 : i32
        %mul3A_307 = arith.constant 64 : i32
        %mul3A_308 = arith.muli %add3A_306, %mul3A_307 : i32
        %add3A_309 = arith.addi %mul3A_45, %mul3A_308 : i32
        %dma_start3A_310 = arith.constant 0 : i32
        %dma_start3A_311 = arith.constant 0 : i32
        %dma_start3A_312 = arith.constant 0 : i32
        %dma_start3A_313 = arith.constant 0 : i32
        %dma_start3A_314 = tpu.memref_slice %arg7[%dma_start3A_310, %dma_start3A_311, %dma_start3A_313] : memref<2x1x64xi32, #tpu.memory_space<vmem>> -> memref<1x1x64xi32, #tpu.memory_space<vmem>>
        %dma_start3A_315 = tpu.memref_squeeze %dma_start3A_314 : memref<1x1x64xi32, #tpu.memory_space<vmem>> -> memref<64xi32, #tpu.memory_space<vmem>>
        %dma_start3A_316 = tpu.memref_slice %arg3[%add3A_309] : memref<331776xi32, #tpu.memory_space<hbm>> -> memref<64xi32, #tpu.memory_space<hbm>>
        %dma_start3A_317 = tpu.memref_slice %arg14[%dma_start3A_312] : memref<2x!tpu.dma_semaphore, #tpu.memory_space<semaphore_mem>> -> memref<1x!tpu.dma_semaphore, #tpu.memory_space<semaphore_mem>>
        %dma_start3A_318 = tpu.memref_squeeze %dma_start3A_317 : memref<1x!tpu.dma_semaphore, #tpu.memory_space<semaphore_mem>> -> memref<!tpu.dma_semaphore, #tpu.memory_space<semaphore_mem>>
        %dma_start3A_319 = arith.constant 0 : i32
        %dma_start3A_320 = tpu.memref_slice %arg7[%dma_start3A_310, %dma_start3A_311, %dma_start3A_319] : memref<2x1x64xi32, #tpu.memory_space<vmem>> -> memref<1x1x64xi32, #tpu.memory_space<vmem>>
        %dma_start3A_321 = tpu.memref_squeeze %dma_start3A_320 : memref<1x1x64xi32, #tpu.memory_space<vmem>> -> memref<64xi32, #tpu.memory_space<vmem>>
        %dma_start3A_322 = tpu.memref_slice %arg3[%add3A_309] : memref<331776xi32, #tpu.memory_space<hbm>> -> memref<64xi32, #tpu.memory_space<hbm>>
        tpu.enqueue_dma source(%dma_start3A_322 : memref<64xi32, #tpu.memory_space<hbm>>) target(%dma_start3A_321 : memref<64xi32, #tpu.memory_space<vmem>>) target_semaphore(%dma_start3A_318 : memref<!tpu.dma_semaphore, #tpu.memory_space<semaphore_mem>>)
        %mul3A_323 = arith.constant 64 : i32
        %mul3A_324 = arith.muli %add3A_306, %mul3A_323 : i32
        %add3A_325 = arith.addi %mul3A_45, %mul3A_324 : i32
        %dma_start3A_326 = arith.constant 0 : i32
        %dma_start3A_327 = arith.constant 0 : i32
        %dma_start3A_328 = arith.constant 0 : i32
        %dma_start3A_329 = arith.constant 0 : i32
        %dma_start3A_330 = tpu.memref_slice %arg8[%dma_start3A_326, %dma_start3A_327, %dma_start3A_329] : memref<2x1x64xi32, #tpu.memory_space<vmem>> -> memref<1x1x64xi32, #tpu.memory_space<vmem>>
        %dma_start3A_331 = tpu.memref_squeeze %dma_start3A_330 : memref<1x1x64xi32, #tpu.memory_space<vmem>> -> memref<64xi32, #tpu.memory_space<vmem>>
        %dma_start3A_332 = tpu.memref_slice %arg4[%add3A_325] : memref<331776xi32, #tpu.memory_space<hbm>> -> memref<64xi32, #tpu.memory_space<hbm>>
        %dma_start3A_333 = tpu.memref_slice %arg14[%dma_start3A_328] : memref<2x!tpu.dma_semaphore, #tpu.memory_space<semaphore_mem>> -> memref<1x!tpu.dma_semaphore, #tpu.memory_space<semaphore_mem>>
        %dma_start3A_334 = tpu.memref_squeeze %dma_start3A_333 : memref<1x!tpu.dma_semaphore, #tpu.memory_space<semaphore_mem>> -> memref<!tpu.dma_semaphore, #tpu.memory_space<semaphore_mem>>
        %dma_start3A_335 = arith.constant 0 : i32
        %dma_start3A_336 = tpu.memref_slice %arg8[%dma_start3A_326, %dma_start3A_327, %dma_start3A_335] : memref<2x1x64xi32, #tpu.memory_space<vmem>> -> memref<1x1x64xi32, #tpu.memory_space<vmem>>
        %dma_start3A_337 = tpu.memref_squeeze %dma_start3A_336 : memref<1x1x64xi32, #tpu.memory_space<vmem>> -> memref<64xi32, #tpu.memory_space<vmem>>
        %dma_start3A_338 = tpu.memref_slice %arg4[%add3A_325] : memref<331776xi32, #tpu.memory_space<hbm>> -> memref<64xi32, #tpu.memory_space<hbm>>
        tpu.enqueue_dma source(%dma_start3A_338 : memref<64xi32, #tpu.memory_space<hbm>>) target(%dma_start3A_337 : memref<64xi32, #tpu.memory_space<vmem>>) target_semaphore(%dma_start3A_334 : memref<!tpu.dma_semaphore, #tpu.memory_space<semaphore_mem>>)
      } else {
      }
      %mul3A_248 = arith.constant 2 : i32
      %mul3A_249 = arith.muli %mul3A_248, %add3A_196 : i32
      %add3A_250 = arith.constant 1 : i32
      %add3A_251 = arith.addi %mul3A_249, %add3A_250 : i32
      %dma_wait3A_252 = arith.constant 1 : i32
      %dma_wait3A_253 = arith.constant 0 : i32
      %dma_wait3A_254 = arith.constant 1 : i32
      %dma_wait3A_255 = arith.constant 1 : i32
      %dma_wait3A_256 = arith.constant 0 : i32
      %dma_wait3A_257 = arith.constant 0 : i32
      %dma_wait3A_258 = tpu.memref_slice %arg10[%dma_wait3A_254, %dma_wait3A_256, %dma_wait3A_257] : memref<2x64x128xf32, #tpu.memory_space<vmem>> -> memref<1x64x128xf32, #tpu.memory_space<vmem>>
      %dma_wait3A_259 = tpu.memref_squeeze %dma_wait3A_258 : memref<1x64x128xf32, #tpu.memory_space<vmem>> -> memref<64x128xf32, #tpu.memory_space<vmem>>
      %dma_wait3A_260 = arith.constant 0 : i32
      %dma_wait3A_261 = tpu.memref_slice %arg7[%dma_wait3A_252, %dma_wait3A_253, %dma_wait3A_260] : memref<2x1x64xi32, #tpu.memory_space<vmem>> -> memref<1x1x64xi32, #tpu.memory_space<vmem>>
      %dma_wait3A_262 = tpu.memref_squeeze %dma_wait3A_261 : memref<1x1x64xi32, #tpu.memory_space<vmem>> -> memref<64xi32, #tpu.memory_space<vmem>>
      %dma_wait3A_263 = arith.constant 0 : i32
      %dma_wait3A_264 = arith.constant 0 : i32
      %dma_wait3A_265 = tpu.memref_slice %arg2[%dma_wait3A_263, %dma_wait3A_264] : memref<10112x128xf32, #tpu.memory_space<hbm>> -> memref<10112x128xf32, #tpu.memory_space<hbm>>
      %dma_wait3A_266 = tpu.memref_slice %arg15[%dma_wait3A_255] : memref<2x!tpu.dma_semaphore, #tpu.memory_space<semaphore_mem>> -> memref<1x!tpu.dma_semaphore, #tpu.memory_space<semaphore_mem>>
      %dma_wait3A_267 = tpu.memref_squeeze %dma_wait3A_266 : memref<1x!tpu.dma_semaphore, #tpu.memory_space<semaphore_mem>> -> memref<!tpu.dma_semaphore, #tpu.memory_space<semaphore_mem>>
      tpu.wait_indirect_dma semaphore(%dma_wait3A_267 : memref<!tpu.dma_semaphore, #tpu.memory_space<semaphore_mem>>) src(%dma_wait3A_265 : memref<10112x128xf32, #tpu.memory_space<hbm>>) dst(%dma_wait3A_259 : memref<64x128xf32, #tpu.memory_space<vmem>>)
      %dma_wait3A_268 = arith.constant 1 : i32
      %dma_wait3A_269 = arith.constant 0 : i32
      %dma_wait3A_270 = arith.constant 1 : i32
      %dma_wait3A_271 = arith.constant 1 : i32
      %dma_wait3A_272 = arith.constant 0 : i32
      %dma_wait3A_273 = arith.constant 0 : i32
      %dma_wait3A_274 = tpu.memref_slice %arg11[%dma_wait3A_270, %dma_wait3A_272, %dma_wait3A_273] : memref<2x64x128xf32, #tpu.memory_space<vmem>> -> memref<1x64x128xf32, #tpu.memory_space<vmem>>
      %dma_wait3A_275 = tpu.memref_squeeze %dma_wait3A_274 : memref<1x64x128xf32, #tpu.memory_space<vmem>> -> memref<64x128xf32, #tpu.memory_space<vmem>>
      %dma_wait3A_276 = arith.constant 0 : i32
      %dma_wait3A_277 = tpu.memref_slice %arg8[%dma_wait3A_268, %dma_wait3A_269, %dma_wait3A_276] : memref<2x1x64xi32, #tpu.memory_space<vmem>> -> memref<1x1x64xi32, #tpu.memory_space<vmem>>
      %dma_wait3A_278 = tpu.memref_squeeze %dma_wait3A_277 : memref<1x1x64xi32, #tpu.memory_space<vmem>> -> memref<64xi32, #tpu.memory_space<vmem>>
      %dma_wait3A_279 = arith.constant 0 : i32
      %dma_wait3A_280 = arith.constant 0 : i32
      %dma_wait3A_281 = tpu.memref_slice %arg2[%dma_wait3A_279, %dma_wait3A_280] : memref<10112x128xf32, #tpu.memory_space<hbm>> -> memref<10112x128xf32, #tpu.memory_space<hbm>>
      %dma_wait3A_282 = tpu.memref_slice %arg15[%dma_wait3A_271] : memref<2x!tpu.dma_semaphore, #tpu.memory_space<semaphore_mem>> -> memref<1x!tpu.dma_semaphore, #tpu.memory_space<semaphore_mem>>
      %dma_wait3A_283 = tpu.memref_squeeze %dma_wait3A_282 : memref<1x!tpu.dma_semaphore, #tpu.memory_space<semaphore_mem>> -> memref<!tpu.dma_semaphore, #tpu.memory_space<semaphore_mem>>
      tpu.wait_indirect_dma semaphore(%dma_wait3A_283 : memref<!tpu.dma_semaphore, #tpu.memory_space<semaphore_mem>>) src(%dma_wait3A_281 : memref<10112x128xf32, #tpu.memory_space<hbm>>) dst(%dma_wait3A_275 : memref<64x128xf32, #tpu.memory_space<vmem>>)
      %add3A_284 = arith.constant 1 : i32
      %add3A_285 = arith.addi %add3A_251, %add3A_284 : i32
      %lt3A_286 = arith.constant 162 : i32
      %lt3A_287 = arith.cmpi slt, %add3A_285, %lt3A_286 : i32
      %convert_element_type3A_288 = arith.extui %lt3A_287 : i1 to i32
      %cond3A_289 = arith.constant 0 : i32
      %cond3A_290 = arith.cmpi ne, %convert_element_type3A_288, %cond3A_289 : i32
      scf.if %cond3A_290 {
        %add3A_305 = arith.constant 1 : i32
        %add3A_306 = arith.addi %add3A_251, %add3A_305 : i32
        %mul3A_307 = arith.constant 64 : i32
        %mul3A_308 = arith.muli %add3A_306, %mul3A_307 : i32
        %add3A_309 = arith.addi %mul3A_45, %mul3A_308 : i32
        %dma_wait3A_310 = arith.constant 0 : i32
        %dma_wait3A_311 = arith.constant 0 : i32
        %dma_wait3A_312 = arith.constant 0 : i32
        %dma_wait3A_313 = arith.constant 0 : i32
        %dma_wait3A_314 = tpu.memref_slice %arg7[%dma_wait3A_310, %dma_wait3A_311, %dma_wait3A_313] : memref<2x1x64xi32, #tpu.memory_space<vmem>> -> memref<1x1x64xi32, #tpu.memory_space<vmem>>
        %dma_wait3A_315 = tpu.memref_squeeze %dma_wait3A_314 : memref<1x1x64xi32, #tpu.memory_space<vmem>> -> memref<64xi32, #tpu.memory_space<vmem>>
        %dma_wait3A_316 = tpu.memref_slice %arg3[%add3A_309] : memref<331776xi32, #tpu.memory_space<hbm>> -> memref<64xi32, #tpu.memory_space<hbm>>
        %dma_wait3A_317 = tpu.memref_slice %arg14[%dma_wait3A_312] : memref<2x!tpu.dma_semaphore, #tpu.memory_space<semaphore_mem>> -> memref<1x!tpu.dma_semaphore, #tpu.memory_space<semaphore_mem>>
        %dma_wait3A_318 = tpu.memref_squeeze %dma_wait3A_317 : memref<1x!tpu.dma_semaphore, #tpu.memory_space<semaphore_mem>> -> memref<!tpu.dma_semaphore, #tpu.memory_space<semaphore_mem>>
        %dma_wait3A_319 = arith.constant 0 : i32
        %dma_wait3A_320 = tpu.memref_slice %arg7[%dma_wait3A_310, %dma_wait3A_311, %dma_wait3A_319] : memref<2x1x64xi32, #tpu.memory_space<vmem>> -> memref<1x1x64xi32, #tpu.memory_space<vmem>>
        %dma_wait3A_321 = tpu.memref_squeeze %dma_wait3A_320 : memref<1x1x64xi32, #tpu.memory_space<vmem>> -> memref<64xi32, #tpu.memory_space<vmem>>
        %dma_wait3A_322 = tpu.memref_slice %arg3[%add3A_309] : memref<331776xi32, #tpu.memory_space<hbm>> -> memref<64xi32, #tpu.memory_space<hbm>>
        tpu.wait_dma2 semaphore(%dma_wait3A_318 : memref<!tpu.dma_semaphore, #tpu.memory_space<semaphore_mem>>) src(%dma_wait3A_322 : memref<64xi32, #tpu.memory_space<hbm>>) dst(%dma_wait3A_321 : memref<64xi32, #tpu.memory_space<vmem>>)
        %mul3A_323 = arith.constant 64 : i32
        %mul3A_324 = arith.muli %add3A_306, %mul3A_323 : i32
        %add3A_325 = arith.addi %mul3A_45, %mul3A_324 : i32
        %dma_wait3A_326 = arith.constant 0 : i32
        %dma_wait3A_327 = arith.constant 0 : i32
        %dma_wait3A_328 = arith.constant 0 : i32
        %dma_wait3A_329 = arith.constant 0 : i32
        %dma_wait3A_330 = tpu.memref_slice %arg8[%dma_wait3A_326, %dma_wait3A_327, %dma_wait3A_329] : memref<2x1x64xi32, #tpu.memory_space<vmem>> -> memref<1x1x64xi32, #tpu.memory_space<vmem>>
        %dma_wait3A_331 = tpu.memref_squeeze %dma_wait3A_330 : memref<1x1x64xi32, #tpu.memory_space<vmem>> -> memref<64xi32, #tpu.memory_space<vmem>>
        %dma_wait3A_332 = tpu.memref_slice %arg4[%add3A_325] : memref<331776xi32, #tpu.memory_space<hbm>> -> memref<64xi32, #tpu.memory_space<hbm>>
        %dma_wait3A_333 = tpu.memref_slice %arg14[%dma_wait3A_328] : memref<2x!tpu.dma_semaphore, #tpu.memory_space<semaphore_mem>> -> memref<1x!tpu.dma_semaphore, #tpu.memory_space<semaphore_mem>>
        %dma_wait3A_334 = tpu.memref_squeeze %dma_wait3A_333 : memref<1x!tpu.dma_semaphore, #tpu.memory_space<semaphore_mem>> -> memref<!tpu.dma_semaphore, #tpu.memory_space<semaphore_mem>>
        %dma_wait3A_335 = arith.constant 0 : i32
        %dma_wait3A_336 = tpu.memref_slice %arg8[%dma_wait3A_326, %dma_wait3A_327, %dma_wait3A_335] : memref<2x1x64xi32, #tpu.memory_space<vmem>> -> memref<1x1x64xi32, #tpu.memory_space<vmem>>
        %dma_wait3A_337 = tpu.memref_squeeze %dma_wait3A_336 : memref<1x1x64xi32, #tpu.memory_space<vmem>> -> memref<64xi32, #tpu.memory_space<vmem>>
        %dma_wait3A_338 = tpu.memref_slice %arg4[%add3A_325] : memref<331776xi32, #tpu.memory_space<hbm>> -> memref<64xi32, #tpu.memory_space<hbm>>
        tpu.wait_dma2 semaphore(%dma_wait3A_334 : memref<!tpu.dma_semaphore, #tpu.memory_space<semaphore_mem>>) src(%dma_wait3A_338 : memref<64xi32, #tpu.memory_space<hbm>>) dst(%dma_wait3A_337 : memref<64xi32, #tpu.memory_space<vmem>>)
        %dma_start3A_339 = arith.constant 0 : i32
        %dma_start3A_340 = arith.constant 0 : i32
        %dma_start3A_341 = arith.constant 0 : i32
        %dma_start3A_342 = arith.constant 0 : i32
        %dma_start3A_343 = arith.constant 0 : i32
        %dma_start3A_344 = arith.constant 0 : i32
        %dma_start3A_345 = tpu.memref_slice %arg10[%dma_start3A_341, %dma_start3A_343, %dma_start3A_344] : memref<2x64x128xf32, #tpu.memory_space<vmem>> -> memref<1x64x128xf32, #tpu.memory_space<vmem>>
        %dma_start3A_346 = tpu.memref_squeeze %dma_start3A_345 : memref<1x64x128xf32, #tpu.memory_space<vmem>> -> memref<64x128xf32, #tpu.memory_space<vmem>>
        %dma_start3A_347 = arith.constant 0 : i32
        %dma_start3A_348 = tpu.memref_slice %arg7[%dma_start3A_339, %dma_start3A_340, %dma_start3A_347] : memref<2x1x64xi32, #tpu.memory_space<vmem>> -> memref<1x1x64xi32, #tpu.memory_space<vmem>>
        %dma_start3A_349 = tpu.memref_squeeze %dma_start3A_348 : memref<1x1x64xi32, #tpu.memory_space<vmem>> -> memref<64xi32, #tpu.memory_space<vmem>>
        %dma_start3A_350 = arith.constant 0 : i32
        %dma_start3A_351 = arith.constant 0 : i32
        %dma_start3A_352 = tpu.memref_slice %arg2[%dma_start3A_350, %dma_start3A_351] : memref<10112x128xf32, #tpu.memory_space<hbm>> -> memref<10112x128xf32, #tpu.memory_space<hbm>>
        %dma_start3A_353 = tpu.memref_slice %arg15[%dma_start3A_342] : memref<2x!tpu.dma_semaphore, #tpu.memory_space<semaphore_mem>> -> memref<1x!tpu.dma_semaphore, #tpu.memory_space<semaphore_mem>>
        %dma_start3A_354 = tpu.memref_squeeze %dma_start3A_353 : memref<1x!tpu.dma_semaphore, #tpu.memory_space<semaphore_mem>> -> memref<!tpu.dma_semaphore, #tpu.memory_space<semaphore_mem>>
        tpu.enqueue_indirect_dma source(%dma_start3A_352 : memref<10112x128xf32, #tpu.memory_space<hbm>>) target(%dma_start3A_346 : memref<64x128xf32, #tpu.memory_space<vmem>>) offsets(%dma_start3A_349 : memref<64xi32, #tpu.memory_space<vmem>>) semaphore(%dma_start3A_354 : memref<!tpu.dma_semaphore, #tpu.memory_space<semaphore_mem>>)
        %dma_start3A_355 = arith.constant 0 : i32
        %dma_start3A_356 = arith.constant 0 : i32
        %dma_start3A_357 = arith.constant 0 : i32
        %dma_start3A_358 = arith.constant 0 : i32
        %dma_start3A_359 = arith.constant 0 : i32
        %dma_start3A_360 = arith.constant 0 : i32
        %dma_start3A_361 = tpu.memref_slice %arg11[%dma_start3A_357, %dma_start3A_359, %dma_start3A_360] : memref<2x64x128xf32, #tpu.memory_space<vmem>> -> memref<1x64x128xf32, #tpu.memory_space<vmem>>
        %dma_start3A_362 = tpu.memref_squeeze %dma_start3A_361 : memref<1x64x128xf32, #tpu.memory_space<vmem>> -> memref<64x128xf32, #tpu.memory_space<vmem>>
        %dma_start3A_363 = arith.constant 0 : i32
        %dma_start3A_364 = tpu.memref_slice %arg8[%dma_start3A_355, %dma_start3A_356, %dma_start3A_363] : memref<2x1x64xi32, #tpu.memory_space<vmem>> -> memref<1x1x64xi32, #tpu.memory_space<vmem>>
        %dma_start3A_365 = tpu.memref_squeeze %dma_start3A_364 : memref<1x1x64xi32, #tpu.memory_space<vmem>> -> memref<64xi32, #tpu.memory_space<vmem>>
        %dma_start3A_366 = arith.constant 0 : i32
        %dma_start3A_367 = arith.constant 0 : i32
        %dma_start3A_368 = tpu.memref_slice %arg2[%dma_start3A_366, %dma_start3A_367] : memref<10112x128xf32, #tpu.memory_space<hbm>> -> memref<10112x128xf32, #tpu.memory_space<hbm>>
        %dma_start3A_369 = tpu.memref_slice %arg15[%dma_start3A_358] : memref<2x!tpu.dma_semaphore, #tpu.memory_space<semaphore_mem>> -> memref<1x!tpu.dma_semaphore, #tpu.memory_space<semaphore_mem>>
        %dma_start3A_370 = tpu.memref_squeeze %dma_start3A_369 : memref<1x!tpu.dma_semaphore, #tpu.memory_space<semaphore_mem>> -> memref<!tpu.dma_semaphore, #tpu.memory_space<semaphore_mem>>
        tpu.enqueue_indirect_dma source(%dma_start3A_368 : memref<10112x128xf32, #tpu.memory_space<hbm>>) target(%dma_start3A_362 : memref<64x128xf32, #tpu.memory_space<vmem>>) offsets(%dma_start3A_365 : memref<64xi32, #tpu.memory_space<vmem>>) semaphore(%dma_start3A_370 : memref<!tpu.dma_semaphore, #tpu.memory_space<semaphore_mem>>)
      } else {
      }
      %scan3A_291 = arith.constant 0 : i32
      %scan3A_292 = arith.constant 64 : i32
      %scan3A_293 = arith.addi %scan3A_291, %scan3A_292 : i32
      %scan3A_294 = arith.constant 1 : i32
      scf.for %scan3A_305 = %scan3A_291 to %scan3A_293 step %scan3A_294  : i32 {
        %mul3A_306 = arith.constant 1 : i32
        %mul3A_307 = arith.muli %scan3A_305, %mul3A_306 : i32
        %add3A_308 = arith.constant 0 : i32
        %add3A_309 = arith.addi %add3A_308, %mul3A_307 : i32
        %get3A_310 = arith.constant 1 : i32
        %get3A_311 = arith.index_cast %get3A_310 : i32 to index
        %get3A_312 = arith.index_cast %add3A_309 : i32 to index
        %get3A_313 = arith.constant 0 : index
        %get3A_314 = tpu.vector_load %arg10[%get3A_311, %get3A_312, %get3A_313] {strides = array<i32>} : memref<2x64x128xf32, #tpu.memory_space<vmem>>, vector<16xf32>,
        %get3A_315 = arith.constant 1 : i32
        %get3A_316 = arith.index_cast %get3A_315 : i32 to index
        %get3A_317 = arith.index_cast %add3A_309 : i32 to index
        %get3A_318 = arith.constant 64 : index
        %get3A_319 = tpu.vector_load %arg11[%get3A_316, %get3A_317, %get3A_318] {strides = array<i32>} : memref<2x64x128xf32, #tpu.memory_space<vmem>>, vector<16xf32>,
        %add3A_320 = arith.addf %get3A_314, %get3A_319 : vector<16xf32>
        %mul3A_321 = arith.constant 2.000000e-01 : f32
        %mul3A_322 = vector.broadcast %mul3A_321 : f32 to vector<16xf32>
        %mul3A_323 = arith.mulf %add3A_320, %mul3A_322 : vector<16xf32>
        %max3A = arith.maximumf %add3A_320, %mul3A_323 : vector<16xf32>
        %mul3A_324 = arith.mulf %max3A, %get3A_29 : vector<16xf32>
        %reduce_sum3A = arith.constant true
        %reduce_sum3A_325 = vector.broadcast %reduce_sum3A : i1 to vector<16xi1>
        %reduce_sum3A_326 = tpu.scan <sum>, %mul3A_324 masked %reduce_sum3A_325 : vector<16xf32>, vector<16xi1> -> vector<16xf32>
        %reduce_sum3A_327 = vector.extract %reduce_sum3A_326[15] : f32 from vector<16xf32>
        %broadcast_in_dim3A = vector.broadcast %reduce_sum3A_327 : f32 to vector<16xf32>
        %exp3A = math.exp %broadcast_in_dim3A : vector<16xf32>
        %mul3A_328 = arith.mulf %get3A_314, %exp3A : vector<16xf32>
        %swap3A = arith.index_cast %add3A_309 : i32 to index
        %swap3A_329 = arith.constant 0 : index
        %swap3A_330 = tpu.vector_load %arg9[%swap3A, %swap3A_329] {strides = array<i32>} : memref<64x128xf32, #tpu.memory_space<vmem>>, vector<16xf32>,
        tpu.vector_store %arg9[%swap3A, %swap3A_329], %mul3A_328 {strides = array<i32>} : memref<64x128xf32, #tpu.memory_space<vmem>>, vector<16xf32>,
        %swap3A_331 = arith.index_cast %add3A_309 : i32 to index
        %swap3A_332 = arith.constant 64 : index
        %swap3A_333 = tpu.vector_load %arg9[%swap3A_331, %swap3A_332] {strides = array<i32>} : memref<64x128xf32, #tpu.memory_space<vmem>>, vector<16xf32>,
        tpu.vector_store %arg9[%swap3A_331, %swap3A_332], %exp3A {strides = array<i32>} : memref<64x128xf32, #tpu.memory_space<vmem>>, vector<16xf32>,
        %get3A_334 = arith.constant 1 : i32
        %get3A_335 = arith.index_cast %get3A_334 : i32 to index
        %get3A_336 = arith.index_cast %add3A_309 : i32 to index
        %get3A_337 = arith.constant 16 : index
        %get3A_338 = tpu.vector_load %arg10[%get3A_335, %get3A_336, %get3A_337] {strides = array<i32>} : memref<2x64x128xf32, #tpu.memory_space<vmem>>, vector<16xf32>,
        %get3A_339 = arith.constant 1 : i32
        %get3A_340 = arith.index_cast %get3A_339 : i32 to index
        %get3A_341 = arith.index_cast %add3A_309 : i32 to index
        %get3A_342 = arith.constant 80 : index
        %get3A_343 = tpu.vector_load %arg11[%get3A_340, %get3A_341, %get3A_342] {strides = array<i32>} : memref<2x64x128xf32, #tpu.memory_space<vmem>>, vector<16xf32>,
        %add3A_344 = arith.addf %get3A_338, %get3A_343 : vector<16xf32>
        %mul3A_345 = arith.constant 2.000000e-01 : f32
        %mul3A_346 = vector.broadcast %mul3A_345 : f32 to vector<16xf32>
        %mul3A_347 = arith.mulf %add3A_344, %mul3A_346 : vector<16xf32>
        %max3A_348 = arith.maximumf %add3A_344, %mul3A_347 : vector<16xf32>
        %mul3A_349 = arith.mulf %max3A_348, %get3A_33 : vector<16xf32>
        %reduce_sum3A_350 = arith.constant true
        %reduce_sum3A_351 = vector.broadcast %reduce_sum3A_350 : i1 to vector<16xi1>
        %reduce_sum3A_352 = tpu.scan <sum>, %mul3A_349 masked %reduce_sum3A_351 : vector<16xf32>, vector<16xi1> -> vector<16xf32>
        %reduce_sum3A_353 = vector.extract %reduce_sum3A_352[15] : f32 from vector<16xf32>
        %broadcast_in_dim3A_354 = vector.broadcast %reduce_sum3A_353 : f32 to vector<16xf32>
        %exp3A_355 = math.exp %broadcast_in_dim3A_354 : vector<16xf32>
        %mul3A_356 = arith.mulf %get3A_338, %exp3A_355 : vector<16xf32>
        %swap3A_357 = arith.index_cast %add3A_309 : i32 to index
        %swap3A_358 = arith.constant 16 : index
        %swap3A_359 = tpu.vector_load %arg9[%swap3A_357, %swap3A_358] {strides = array<i32>} : memref<64x128xf32, #tpu.memory_space<vmem>>, vector<16xf32>,
        tpu.vector_store %arg9[%swap3A_357, %swap3A_358], %mul3A_356 {strides = array<i32>} : memref<64x128xf32, #tpu.memory_space<vmem>>, vector<16xf32>,
        %swap3A_360 = arith.index_cast %add3A_309 : i32 to index
        %swap3A_361 = arith.constant 80 : index
        %swap3A_362 = tpu.vector_load %arg9[%swap3A_360, %swap3A_361] {strides = array<i32>} : memref<64x128xf32, #tpu.memory_space<vmem>>, vector<16xf32>,
        tpu.vector_store %arg9[%swap3A_360, %swap3A_361], %exp3A_355 {strides = array<i32>} : memref<64x128xf32, #tpu.memory_space<vmem>>, vector<16xf32>,
        %get3A_363 = arith.constant 1 : i32
        %get3A_364 = arith.index_cast %get3A_363 : i32 to index
        %get3A_365 = arith.index_cast %add3A_309 : i32 to index
        %get3A_366 = arith.constant 32 : index
        %get3A_367 = tpu.vector_load %arg10[%get3A_364, %get3A_365, %get3A_366] {strides = array<i32>} : memref<2x64x128xf32, #tpu.memory_space<vmem>>, vector<16xf32>,
        %get3A_368 = arith.constant 1 : i32
        %get3A_369 = arith.index_cast %get3A_368 : i32 to index
        %get3A_370 = arith.index_cast %add3A_309 : i32 to index
        %get3A_371 = arith.constant 96 : index
        %get3A_372 = tpu.vector_load %arg11[%get3A_369, %get3A_370, %get3A_371] {strides = array<i32>} : memref<2x64x128xf32, #tpu.memory_space<vmem>>, vector<16xf32>,
        %add3A_373 = arith.addf %get3A_367, %get3A_372 : vector<16xf32>
        %mul3A_374 = arith.constant 2.000000e-01 : f32
        %mul3A_375 = vector.broadcast %mul3A_374 : f32 to vector<16xf32>
        %mul3A_376 = arith.mulf %add3A_373, %mul3A_375 : vector<16xf32>
        %max3A_377 = arith.maximumf %add3A_373, %mul3A_376 : vector<16xf32>
        %mul3A_378 = arith.mulf %max3A_377, %get3A_37 : vector<16xf32>
        %reduce_sum3A_379 = arith.constant true
        %reduce_sum3A_380 = vector.broadcast %reduce_sum3A_379 : i1 to vector<16xi1>
        %reduce_sum3A_381 = tpu.scan <sum>, %mul3A_378 masked %reduce_sum3A_380 : vector<16xf32>, vector<16xi1> -> vector<16xf32>
        %reduce_sum3A_382 = vector.extract %reduce_sum3A_381[15] : f32 from vector<16xf32>
        %broadcast_in_dim3A_383 = vector.broadcast %reduce_sum3A_382 : f32 to vector<16xf32>
        %exp3A_384 = math.exp %broadcast_in_dim3A_383 : vector<16xf32>
        %mul3A_385 = arith.mulf %get3A_367, %exp3A_384 : vector<16xf32>
        %swap3A_386 = arith.index_cast %add3A_309 : i32 to index
        %swap3A_387 = arith.constant 32 : index
        %swap3A_388 = tpu.vector_load %arg9[%swap3A_386, %swap3A_387] {strides = array<i32>} : memref<64x128xf32, #tpu.memory_space<vmem>>, vector<16xf32>,
        tpu.vector_store %arg9[%swap3A_386, %swap3A_387], %mul3A_385 {strides = array<i32>} : memref<64x128xf32, #tpu.memory_space<vmem>>, vector<16xf32>,
        %swap3A_389 = arith.index_cast %add3A_309 : i32 to index
        %swap3A_390 = arith.constant 96 : index
        %swap3A_391 = tpu.vector_load %arg9[%swap3A_389, %swap3A_390] {strides = array<i32>} : memref<64x128xf32, #tpu.memory_space<vmem>>, vector<16xf32>,
        tpu.vector_store %arg9[%swap3A_389, %swap3A_390], %exp3A_384 {strides = array<i32>} : memref<64x128xf32, #tpu.memory_space<vmem>>, vector<16xf32>,
        %get3A_392 = arith.constant 1 : i32
        %get3A_393 = arith.index_cast %get3A_392 : i32 to index
        %get3A_394 = arith.index_cast %add3A_309 : i32 to index
        %get3A_395 = arith.constant 48 : index
        %get3A_396 = tpu.vector_load %arg10[%get3A_393, %get3A_394, %get3A_395] {strides = array<i32>} : memref<2x64x128xf32, #tpu.memory_space<vmem>>, vector<16xf32>,
        %get3A_397 = arith.constant 1 : i32
        %get3A_398 = arith.index_cast %get3A_397 : i32 to index
        %get3A_399 = arith.index_cast %add3A_309 : i32 to index
        %get3A_400 = arith.constant 112 : index
        %get3A_401 = tpu.vector_load %arg11[%get3A_398, %get3A_399, %get3A_400] {strides = array<i32>} : memref<2x64x128xf32, #tpu.memory_space<vmem>>, vector<16xf32>,
        %add3A_402 = arith.addf %get3A_396, %get3A_401 : vector<16xf32>
        %mul3A_403 = arith.constant 2.000000e-01 : f32
        %mul3A_404 = vector.broadcast %mul3A_403 : f32 to vector<16xf32>
        %mul3A_405 = arith.mulf %add3A_402, %mul3A_404 : vector<16xf32>
        %max3A_406 = arith.maximumf %add3A_402, %mul3A_405 : vector<16xf32>
        %mul3A_407 = arith.mulf %max3A_406, %get3A_41 : vector<16xf32>
        %reduce_sum3A_408 = arith.constant true
        %reduce_sum3A_409 = vector.broadcast %reduce_sum3A_408 : i1 to vector<16xi1>
        %reduce_sum3A_410 = tpu.scan <sum>, %mul3A_407 masked %reduce_sum3A_409 : vector<16xf32>, vector<16xi1> -> vector<16xf32>
        %reduce_sum3A_411 = vector.extract %reduce_sum3A_410[15] : f32 from vector<16xf32>
        %broadcast_in_dim3A_412 = vector.broadcast %reduce_sum3A_411 : f32 to vector<16xf32>
        %exp3A_413 = math.exp %broadcast_in_dim3A_412 : vector<16xf32>
        %mul3A_414 = arith.mulf %get3A_396, %exp3A_413 : vector<16xf32>
        %swap3A_415 = arith.index_cast %add3A_309 : i32 to index
        %swap3A_416 = arith.constant 48 : index
        %swap3A_417 = tpu.vector_load %arg9[%swap3A_415, %swap3A_416] {strides = array<i32>} : memref<64x128xf32, #tpu.memory_space<vmem>>, vector<16xf32>,
        tpu.vector_store %arg9[%swap3A_415, %swap3A_416], %mul3A_414 {strides = array<i32>} : memref<64x128xf32, #tpu.memory_space<vmem>>, vector<16xf32>,
        %swap3A_418 = arith.index_cast %add3A_309 : i32 to index
        %swap3A_419 = arith.constant 112 : index
        %swap3A_420 = tpu.vector_load %arg9[%swap3A_418, %swap3A_419] {strides = array<i32>} : memref<64x128xf32, #tpu.memory_space<vmem>>, vector<16xf32>,
        tpu.vector_store %arg9[%swap3A_418, %swap3A_419], %exp3A_413 {strides = array<i32>} : memref<64x128xf32, #tpu.memory_space<vmem>>, vector<16xf32>,
      }
      %scan3A_295 = arith.constant 64 : i32
      %run_scoped3A_296 = arith.constant 1 : i32
      %run_scoped3A_297 = arith.constant 0 : i32
      "tpu.region"() ({
        %run_scoped3A_305 = tpu.sem_alloc : memref<!tpu.dma_semaphore, #tpu.memory_space<semaphore_mem>>
        %dma_start3A_306 = arith.constant 0 : i32
        %dma_start3A_307 = tpu.memref_slice %arg8[%run_scoped3A_296, %run_scoped3A_297, %dma_start3A_306] : memref<2x1x64xi32, #tpu.memory_space<vmem>> -> memref<1x1x64xi32, #tpu.memory_space<vmem>>
        %dma_start3A_308 = tpu.memref_squeeze %dma_start3A_307 : memref<1x1x64xi32, #tpu.memory_space<vmem>> -> memref<64xi32, #tpu.memory_space<vmem>>
        %dma_start3A_309 = arith.constant 0 : i32
        %dma_start3A_310 = arith.constant 0 : i32
        %dma_start3A_311 = tpu.memref_slice %arg13[%dma_start3A_309, %dma_start3A_310] : memref<10112x128xf32, #tpu.memory_space<vmem_shared>> -> memref<10112x128xf32, #tpu.memory_space<vmem_shared>>
        tpu.enqueue_indirect_dma source(%arg9 : memref<64x128xf32, #tpu.memory_space<vmem>>) target(%dma_start3A_311 : memref<10112x128xf32, #tpu.memory_space<vmem_shared>>) offsets(%dma_start3A_308 : memref<64xi32, #tpu.memory_space<vmem>>) semaphore(%run_scoped3A_305 : memref<!tpu.dma_semaphore, #tpu.memory_space<semaphore_mem>>) {add = true}
        %dma_wait3A_312 = arith.constant 0 : i32
        %dma_wait3A_313 = tpu.memref_slice %arg8[%run_scoped3A_296, %run_scoped3A_297, %dma_wait3A_312] : memref<2x1x64xi32, #tpu.memory_space<vmem>> -> memref<1x1x64xi32, #tpu.memory_space<vmem>>
        %dma_wait3A_314 = tpu.memref_squeeze %dma_wait3A_313 : memref<1x1x64xi32, #tpu.memory_space<vmem>> -> memref<64xi32, #tpu.memory_space<vmem>>
        %dma_wait3A_315 = arith.constant 0 : i32
        %dma_wait3A_316 = arith.constant 0 : i32
        %dma_wait3A_317 = tpu.memref_slice %arg13[%dma_wait3A_315, %dma_wait3A_316] : memref<10112x128xf32, #tpu.memory_space<vmem_shared>> -> memref<10112x128xf32, #tpu.memory_space<vmem_shared>>
        tpu.wait_indirect_dma semaphore(%run_scoped3A_305 : memref<!tpu.dma_semaphore, #tpu.memory_space<semaphore_mem>>) src(%arg9 : memref<64x128xf32, #tpu.memory_space<vmem>>) dst(%dma_wait3A_317 : memref<10112x128xf32, #tpu.memory_space<vmem_shared>>)
        tpu.yield
      }) : () -> ()
      %add3A_298 = arith.constant 2 : i32
      %add3A_299 = arith.addi %add3A_251, %add3A_298 : i32
      %lt3A_300 = arith.constant 162 : i32
      %lt3A_301 = arith.cmpi slt, %add3A_299, %lt3A_300 : i32
      %convert_element_type3A_302 = arith.extui %lt3A_301 : i1 to i32
      %cond3A_303 = arith.constant 0 : i32
      %cond3A_304 = arith.cmpi ne, %convert_element_type3A_302, %cond3A_303 : i32
      scf.if %cond3A_304 {
        %add3A_305 = arith.constant 2 : i32
        %add3A_306 = arith.addi %add3A_251, %add3A_305 : i32
        %mul3A_307 = arith.constant 64 : i32
        %mul3A_308 = arith.muli %add3A_306, %mul3A_307 : i32
        %add3A_309 = arith.addi %mul3A_45, %mul3A_308 : i32
        %dma_start3A_310 = arith.constant 1 : i32
        %dma_start3A_311 = arith.constant 0 : i32
        %dma_start3A_312 = arith.constant 1 : i32
        %dma_start3A_313 = arith.constant 0 : i32
        %dma_start3A_314 = tpu.memref_slice %arg7[%dma_start3A_310, %dma_start3A_311, %dma_start3A_313] : memref<2x1x64xi32, #tpu.memory_space<vmem>> -> memref<1x1x64xi32, #tpu.memory_space<vmem>>
        %dma_start3A_315 = tpu.memref_squeeze %dma_start3A_314 : memref<1x1x64xi32, #tpu.memory_space<vmem>> -> memref<64xi32, #tpu.memory_space<vmem>>
        %dma_start3A_316 = tpu.memref_slice %arg3[%add3A_309] : memref<331776xi32, #tpu.memory_space<hbm>> -> memref<64xi32, #tpu.memory_space<hbm>>
        %dma_start3A_317 = tpu.memref_slice %arg14[%dma_start3A_312] : memref<2x!tpu.dma_semaphore, #tpu.memory_space<semaphore_mem>> -> memref<1x!tpu.dma_semaphore, #tpu.memory_space<semaphore_mem>>
        %dma_start3A_318 = tpu.memref_squeeze %dma_start3A_317 : memref<1x!tpu.dma_semaphore, #tpu.memory_space<semaphore_mem>> -> memref<!tpu.dma_semaphore, #tpu.memory_space<semaphore_mem>>
        %dma_start3A_319 = arith.constant 0 : i32
        %dma_start3A_320 = tpu.memref_slice %arg7[%dma_start3A_310, %dma_start3A_311, %dma_start3A_319] : memref<2x1x64xi32, #tpu.memory_space<vmem>> -> memref<1x1x64xi32, #tpu.memory_space<vmem>>
        %dma_start3A_321 = tpu.memref_squeeze %dma_start3A_320 : memref<1x1x64xi32, #tpu.memory_space<vmem>> -> memref<64xi32, #tpu.memory_space<vmem>>
        %dma_start3A_322 = tpu.memref_slice %arg3[%add3A_309] : memref<331776xi32, #tpu.memory_space<hbm>> -> memref<64xi32, #tpu.memory_space<hbm>>
        tpu.enqueue_dma source(%dma_start3A_322 : memref<64xi32, #tpu.memory_space<hbm>>) target(%dma_start3A_321 : memref<64xi32, #tpu.memory_space<vmem>>) target_semaphore(%dma_start3A_318 : memref<!tpu.dma_semaphore, #tpu.memory_space<semaphore_mem>>)
        %mul3A_323 = arith.constant 64 : i32
        %mul3A_324 = arith.muli %add3A_306, %mul3A_323 : i32
        %add3A_325 = arith.addi %mul3A_45, %mul3A_324 : i32
        %dma_start3A_326 = arith.constant 1 : i32
        %dma_start3A_327 = arith.constant 0 : i32
        %dma_start3A_328 = arith.constant 1 : i32
        %dma_start3A_329 = arith.constant 0 : i32
        %dma_start3A_330 = tpu.memref_slice %arg8[%dma_start3A_326, %dma_start3A_327, %dma_start3A_329] : memref<2x1x64xi32, #tpu.memory_space<vmem>> -> memref<1x1x64xi32, #tpu.memory_space<vmem>>
        %dma_start3A_331 = tpu.memref_squeeze %dma_start3A_330 : memref<1x1x64xi32, #tpu.memory_space<vmem>> -> memref<64xi32, #tpu.memory_space<vmem>>
        %dma_start3A_332 = tpu.memref_slice %arg4[%add3A_325] : memref<331776xi32, #tpu.memory_space<hbm>> -> memref<64xi32, #tpu.memory_space<hbm>>
        %dma_start3A_333 = tpu.memref_slice %arg14[%dma_start3A_328] : memref<2x!tpu.dma_semaphore, #tpu.memory_space<semaphore_mem>> -> memref<1x!tpu.dma_semaphore, #tpu.memory_space<semaphore_mem>>
        %dma_start3A_334 = tpu.memref_squeeze %dma_start3A_333 : memref<1x!tpu.dma_semaphore, #tpu.memory_space<semaphore_mem>> -> memref<!tpu.dma_semaphore, #tpu.memory_space<semaphore_mem>>
        %dma_start3A_335 = arith.constant 0 : i32
        %dma_start3A_336 = tpu.memref_slice %arg8[%dma_start3A_326, %dma_start3A_327, %dma_start3A_335] : memref<2x1x64xi32, #tpu.memory_space<vmem>> -> memref<1x1x64xi32, #tpu.memory_space<vmem>>
        %dma_start3A_337 = tpu.memref_squeeze %dma_start3A_336 : memref<1x1x64xi32, #tpu.memory_space<vmem>> -> memref<64xi32, #tpu.memory_space<vmem>>
        %dma_start3A_338 = tpu.memref_slice %arg4[%add3A_325] : memref<331776xi32, #tpu.memory_space<hbm>> -> memref<64xi32, #tpu.memory_space<hbm>>
        tpu.enqueue_dma source(%dma_start3A_338 : memref<64xi32, #tpu.memory_space<hbm>>) target(%dma_start3A_337 : memref<64xi32, #tpu.memory_space<vmem>>) target_semaphore(%dma_start3A_334 : memref<!tpu.dma_semaphore, #tpu.memory_space<semaphore_mem>>)
      } else {
      }
    }
    %scan3A_170 = arith.constant 81 : i32
    %barrier3A_171 = arith.constant 0 : index
    tpu.barrier barrier_id(%barrier3A_171)
    %add3A_172 = arith.constant 0 : i32
    %add3A_173 = arith.addi %mul3A_6, %add3A_172 : i32
    "tpu.region"() ({
      %run_scoped3A = tpu.sem_alloc : memref<!tpu.dma_semaphore, #tpu.memory_space<semaphore_mem>>
      %dma_start3A_192 = arith.constant 0 : i32
      %dma_start3A_193 = tpu.memref_slice %arg6[%arg0, %add3A_173, %dma_start3A_192] : memref<2x10112x128xf32, #tpu.memory_space<hbm>> -> memref<1x64x128xf32, #tpu.memory_space<hbm>>
      %dma_start3A_194 = tpu.memref_squeeze %dma_start3A_193 : memref<1x64x128xf32, #tpu.memory_space<hbm>> -> memref<64x128xf32, #tpu.memory_space<hbm>>
      %dma_start3A_195 = arith.constant 0 : i32
      %dma_start3A_196 = tpu.memref_slice %arg13[%add3A_173, %dma_start3A_195] : memref<10112x128xf32, #tpu.memory_space<vmem_shared>> -> memref<64x128xf32, #tpu.memory_space<vmem_shared>>
      tpu.enqueue_dma source(%dma_start3A_196 : memref<64x128xf32, #tpu.memory_space<vmem_shared>>) target(%dma_start3A_194 : memref<64x128xf32, #tpu.memory_space<hbm>>) target_semaphore(%run_scoped3A : memref<!tpu.dma_semaphore, #tpu.memory_space<semaphore_mem>>)
      %dma_wait3A_197 = arith.constant 0 : i32
      %dma_wait3A_198 = tpu.memref_slice %arg6[%arg0, %add3A_173, %dma_wait3A_197] : memref<2x10112x128xf32, #tpu.memory_space<hbm>> -> memref<1x64x128xf32, #tpu.memory_space<hbm>>
      %dma_wait3A_199 = tpu.memref_squeeze %dma_wait3A_198 : memref<1x64x128xf32, #tpu.memory_space<hbm>> -> memref<64x128xf32, #tpu.memory_space<hbm>>
      %dma_wait3A_200 = arith.constant 0 : i32
      %dma_wait3A_201 = tpu.memref_slice %arg13[%add3A_173, %dma_wait3A_200] : memref<10112x128xf32, #tpu.memory_space<vmem_shared>> -> memref<64x128xf32, #tpu.memory_space<vmem_shared>>
      tpu.wait_dma2 semaphore(%run_scoped3A : memref<!tpu.dma_semaphore, #tpu.memory_space<semaphore_mem>>) src(%dma_wait3A_201 : memref<64x128xf32, #tpu.memory_space<vmem_shared>>) dst(%dma_wait3A_199 : memref<64x128xf32, #tpu.memory_space<hbm>>)
      tpu.yield
    }) : () -> ()
    %add3A_174 = arith.constant 64 : i32
    %add3A_175 = arith.addi %mul3A_6, %add3A_174 : i32
    "tpu.region"() ({
      %run_scoped3A = tpu.sem_alloc : memref<!tpu.dma_semaphore, #tpu.memory_space<semaphore_mem>>
      %dma_start3A_192 = arith.constant 0 : i32
      %dma_start3A_193 = tpu.memref_slice %arg6[%arg0, %add3A_175, %dma_start3A_192] : memref<2x10112x128xf32, #tpu.memory_space<hbm>> -> memref<1x64x128xf32, #tpu.memory_space<hbm>>
      %dma_start3A_194 = tpu.memref_squeeze %dma_start3A_193 : memref<1x64x128xf32, #tpu.memory_space<hbm>> -> memref<64x128xf32, #tpu.memory_space<hbm>>
      %dma_start3A_195 = arith.constant 0 : i32
      %dma_start3A_196 = tpu.memref_slice %arg13[%add3A_175, %dma_start3A_195] : memref<10112x128xf32, #tpu.memory_space<vmem_shared>> -> memref<64x128xf32, #tpu.memory_space<vmem_shared>>
      tpu.enqueue_dma source(%dma_start3A_196 : memref<64x128xf32, #tpu.memory_space<vmem_shared>>) target(%dma_start3A_194 : memref<64x128xf32, #tpu.memory_space<hbm>>) target_semaphore(%run_scoped3A : memref<!tpu.dma_semaphore, #tpu.memory_space<semaphore_mem>>)
      %dma_wait3A_197 = arith.constant 0 : i32
      %dma_wait3A_198 = tpu.memref_slice %arg6[%arg0, %add3A_175, %dma_wait3A_197] : memref<2x10112x128xf32, #tpu.memory_space<hbm>> -> memref<1x64x128xf32, #tpu.memory_space<hbm>>
      %dma_wait3A_199 = tpu.memref_squeeze %dma_wait3A_198 : memref<1x64x128xf32, #tpu.memory_space<hbm>> -> memref<64x128xf32, #tpu.memory_space<hbm>>
      %dma_wait3A_200 = arith.constant 0 : i32
      %dma_wait3A_201 = tpu.memref_slice %arg13[%add3A_175, %dma_wait3A_200] : memref<10112x128xf32, #tpu.memory_space<vmem_shared>> -> memref<64x128xf32, #tpu.memory_space<vmem_shared>>
      tpu.wait_dma2 semaphore(%run_scoped3A : memref<!tpu.dma_semaphore, #tpu.memory_space<semaphore_mem>>) src(%dma_wait3A_201 : memref<64x128xf32, #tpu.memory_space<vmem_shared>>) dst(%dma_wait3A_199 : memref<64x128xf32, #tpu.memory_space<hbm>>)
      tpu.yield
    }) : () -> ()
    %add3A_176 = arith.constant 128 : i32
    %add3A_177 = arith.addi %mul3A_6, %add3A_176 : i32
    "tpu.region"() ({
      %run_scoped3A = tpu.sem_alloc : memref<!tpu.dma_semaphore, #tpu.memory_space<semaphore_mem>>
      %dma_start3A_192 = arith.constant 0 : i32
      %dma_start3A_193 = tpu.memref_slice %arg6[%arg0, %add3A_177, %dma_start3A_192] : memref<2x10112x128xf32, #tpu.memory_space<hbm>> -> memref<1x64x128xf32, #tpu.memory_space<hbm>>
      %dma_start3A_194 = tpu.memref_squeeze %dma_start3A_193 : memref<1x64x128xf32, #tpu.memory_space<hbm>> -> memref<64x128xf32, #tpu.memory_space<hbm>>
      %dma_start3A_195 = arith.constant 0 : i32
      %dma_start3A_196 = tpu.memref_slice %arg13[%add3A_177, %dma_start3A_195] : memref<10112x128xf32, #tpu.memory_space<vmem_shared>> -> memref<64x128xf32, #tpu.memory_space<vmem_shared>>
      tpu.enqueue_dma source(%dma_start3A_196 : memref<64x128xf32, #tpu.memory_space<vmem_shared>>) target(%dma_start3A_194 : memref<64x128xf32, #tpu.memory_space<hbm>>) target_semaphore(%run_scoped3A : memref<!tpu.dma_semaphore, #tpu.memory_space<semaphore_mem>>)
      %dma_wait3A_197 = arith.constant 0 : i32
      %dma_wait3A_198 = tpu.memref_slice %arg6[%arg0, %add3A_177, %dma_wait3A_197] : memref<2x10112x128xf32, #tpu.memory_space<hbm>> -> memref<1x64x128xf32, #tpu.memory_space<hbm>>
      %dma_wait3A_199 = tpu.memref_squeeze %dma_wait3A_198 : memref<1x64x128xf32, #tpu.memory_space<hbm>> -> memref<64x128xf32, #tpu.memory_space<hbm>>
      %dma_wait3A_200 = arith.constant 0 : i32
      %dma_wait3A_201 = tpu.memref_slice %arg13[%add3A_177, %dma_wait3A_200] : memref<10112x128xf32, #tpu.memory_space<vmem_shared>> -> memref<64x128xf32, #tpu.memory_space<vmem_shared>>
      tpu.wait_dma2 semaphore(%run_scoped3A : memref<!tpu.dma_semaphore, #tpu.memory_space<semaphore_mem>>) src(%dma_wait3A_201 : memref<64x128xf32, #tpu.memory_space<vmem_shared>>) dst(%dma_wait3A_199 : memref<64x128xf32, #tpu.memory_space<hbm>>)
      tpu.yield
    }) : () -> ()
    %add3A_178 = arith.constant 192 : i32
    %add3A_179 = arith.addi %mul3A_6, %add3A_178 : i32
    "tpu.region"() ({
      %run_scoped3A = tpu.sem_alloc : memref<!tpu.dma_semaphore, #tpu.memory_space<semaphore_mem>>
      %dma_start3A_192 = arith.constant 0 : i32
      %dma_start3A_193 = tpu.memref_slice %arg6[%arg0, %add3A_179, %dma_start3A_192] : memref<2x10112x128xf32, #tpu.memory_space<hbm>> -> memref<1x64x128xf32, #tpu.memory_space<hbm>>
      %dma_start3A_194 = tpu.memref_squeeze %dma_start3A_193 : memref<1x64x128xf32, #tpu.memory_space<hbm>> -> memref<64x128xf32, #tpu.memory_space<hbm>>
      %dma_start3A_195 = arith.constant 0 : i32
      %dma_start3A_196 = tpu.memref_slice %arg13[%add3A_179, %dma_start3A_195] : memref<10112x128xf32, #tpu.memory_space<vmem_shared>> -> memref<64x128xf32, #tpu.memory_space<vmem_shared>>
      tpu.enqueue_dma source(%dma_start3A_196 : memref<64x128xf32, #tpu.memory_space<vmem_shared>>) target(%dma_start3A_194 : memref<64x128xf32, #tpu.memory_space<hbm>>) target_semaphore(%run_scoped3A : memref<!tpu.dma_semaphore, #tpu.memory_space<semaphore_mem>>)
      %dma_wait3A_197 = arith.constant 0 : i32
      %dma_wait3A_198 = tpu.memref_slice %arg6[%arg0, %add3A_179, %dma_wait3A_197] : memref<2x10112x128xf32, #tpu.memory_space<hbm>> -> memref<1x64x128xf32, #tpu.memory_space<hbm>>
      %dma_wait3A_199 = tpu.memref_squeeze %dma_wait3A_198 : memref<1x64x128xf32, #tpu.memory_space<hbm>> -> memref<64x128xf32, #tpu.memory_space<hbm>>
      %dma_wait3A_200 = arith.constant 0 : i32
      %dma_wait3A_201 = tpu.memref_slice %arg13[%add3A_179, %dma_wait3A_200] : memref<10112x128xf32, #tpu.memory_space<vmem_shared>> -> memref<64x128xf32, #tpu.memory_space<vmem_shared>>
      tpu.wait_dma2 semaphore(%run_scoped3A : memref<!tpu.dma_semaphore, #tpu.memory_space<semaphore_mem>>) src(%dma_wait3A_201 : memref<64x128xf32, #tpu.memory_space<vmem_shared>>) dst(%dma_wait3A_199 : memref<64x128xf32, #tpu.memory_space<hbm>>)
      tpu.yield
    }) : () -> ()
    %add3A_180 = arith.constant 256 : i32
    %add3A_181 = arith.addi %mul3A_6, %add3A_180 : i32
    "tpu.region"() ({
      %run_scoped3A = tpu.sem_alloc : memref<!tpu.dma_semaphore, #tpu.memory_space<semaphore_mem>>
      %dma_start3A_192 = arith.constant 0 : i32
      %dma_start3A_193 = tpu.memref_slice %arg6[%arg0, %add3A_181, %dma_start3A_192] : memref<2x10112x128xf32, #tpu.memory_space<hbm>> -> memref<1x64x128xf32, #tpu.memory_space<hbm>>
      %dma_start3A_194 = tpu.memref_squeeze %dma_start3A_193 : memref<1x64x128xf32, #tpu.memory_space<hbm>> -> memref<64x128xf32, #tpu.memory_space<hbm>>
      %dma_start3A_195 = arith.constant 0 : i32
      %dma_start3A_196 = tpu.memref_slice %arg13[%add3A_181, %dma_start3A_195] : memref<10112x128xf32, #tpu.memory_space<vmem_shared>> -> memref<64x128xf32, #tpu.memory_space<vmem_shared>>
      tpu.enqueue_dma source(%dma_start3A_196 : memref<64x128xf32, #tpu.memory_space<vmem_shared>>) target(%dma_start3A_194 : memref<64x128xf32, #tpu.memory_space<hbm>>) target_semaphore(%run_scoped3A : memref<!tpu.dma_semaphore, #tpu.memory_space<semaphore_mem>>)
      %dma_wait3A_197 = arith.constant 0 : i32
      %dma_wait3A_198 = tpu.memref_slice %arg6[%arg0, %add3A_181, %dma_wait3A_197] : memref<2x10112x128xf32, #tpu.memory_space<hbm>> -> memref<1x64x128xf32, #tpu.memory_space<hbm>>
      %dma_wait3A_199 = tpu.memref_squeeze %dma_wait3A_198 : memref<1x64x128xf32, #tpu.memory_space<hbm>> -> memref<64x128xf32, #tpu.memory_space<hbm>>
      %dma_wait3A_200 = arith.constant 0 : i32
      %dma_wait3A_201 = tpu.memref_slice %arg13[%add3A_181, %dma_wait3A_200] : memref<10112x128xf32, #tpu.memory_space<vmem_shared>> -> memref<64x128xf32, #tpu.memory_space<vmem_shared>>
      tpu.wait_dma2 semaphore(%run_scoped3A : memref<!tpu.dma_semaphore, #tpu.memory_space<semaphore_mem>>) src(%dma_wait3A_201 : memref<64x128xf32, #tpu.memory_space<vmem_shared>>) dst(%dma_wait3A_199 : memref<64x128xf32, #tpu.memory_space<hbm>>)
      tpu.yield
    }) : () -> ()
    %add3A_182 = arith.constant 320 : i32
    %add3A_183 = arith.addi %mul3A_6, %add3A_182 : i32
    "tpu.region"() ({
      %run_scoped3A = tpu.sem_alloc : memref<!tpu.dma_semaphore, #tpu.memory_space<semaphore_mem>>
      %dma_start3A_192 = arith.constant 0 : i32
      %dma_start3A_193 = tpu.memref_slice %arg6[%arg0, %add3A_183, %dma_start3A_192] : memref<2x10112x128xf32, #tpu.memory_space<hbm>> -> memref<1x64x128xf32, #tpu.memory_space<hbm>>
      %dma_start3A_194 = tpu.memref_squeeze %dma_start3A_193 : memref<1x64x128xf32, #tpu.memory_space<hbm>> -> memref<64x128xf32, #tpu.memory_space<hbm>>
      %dma_start3A_195 = arith.constant 0 : i32
      %dma_start3A_196 = tpu.memref_slice %arg13[%add3A_183, %dma_start3A_195] : memref<10112x128xf32, #tpu.memory_space<vmem_shared>> -> memref<64x128xf32, #tpu.memory_space<vmem_shared>>
      tpu.enqueue_dma source(%dma_start3A_196 : memref<64x128xf32, #tpu.memory_space<vmem_shared>>) target(%dma_start3A_194 : memref<64x128xf32, #tpu.memory_space<hbm>>) target_semaphore(%run_scoped3A : memref<!tpu.dma_semaphore, #tpu.memory_space<semaphore_mem>>)
      %dma_wait3A_197 = arith.constant 0 : i32
      %dma_wait3A_198 = tpu.memref_slice %arg6[%arg0, %add3A_183, %dma_wait3A_197] : memref<2x10112x128xf32, #tpu.memory_space<hbm>> -> memref<1x64x128xf32, #tpu.memory_space<hbm>>
      %dma_wait3A_199 = tpu.memref_squeeze %dma_wait3A_198 : memref<1x64x128xf32, #tpu.memory_space<hbm>> -> memref<64x128xf32, #tpu.memory_space<hbm>>
      %dma_wait3A_200 = arith.constant 0 : i32
      %dma_wait3A_201 = tpu.memref_slice %arg13[%add3A_183, %dma_wait3A_200] : memref<10112x128xf32, #tpu.memory_space<vmem_shared>> -> memref<64x128xf32, #tpu.memory_space<vmem_shared>>
      tpu.wait_dma2 semaphore(%run_scoped3A : memref<!tpu.dma_semaphore, #tpu.memory_space<semaphore_mem>>) src(%dma_wait3A_201 : memref<64x128xf32, #tpu.memory_space<vmem_shared>>) dst(%dma_wait3A_199 : memref<64x128xf32, #tpu.memory_space<hbm>>)
      tpu.yield
    }) : () -> ()
    %add3A_184 = arith.constant 384 : i32
    %add3A_185 = arith.addi %mul3A_6, %add3A_184 : i32
    "tpu.region"() ({
      %run_scoped3A = tpu.sem_alloc : memref<!tpu.dma_semaphore, #tpu.memory_space<semaphore_mem>>
      %dma_start3A_192 = arith.constant 0 : i32
      %dma_start3A_193 = tpu.memref_slice %arg6[%arg0, %add3A_185, %dma_start3A_192] : memref<2x10112x128xf32, #tpu.memory_space<hbm>> -> memref<1x64x128xf32, #tpu.memory_space<hbm>>
      %dma_start3A_194 = tpu.memref_squeeze %dma_start3A_193 : memref<1x64x128xf32, #tpu.memory_space<hbm>> -> memref<64x128xf32, #tpu.memory_space<hbm>>
      %dma_start3A_195 = arith.constant 0 : i32
      %dma_start3A_196 = tpu.memref_slice %arg13[%add3A_185, %dma_start3A_195] : memref<10112x128xf32, #tpu.memory_space<vmem_shared>> -> memref<64x128xf32, #tpu.memory_space<vmem_shared>>
      tpu.enqueue_dma source(%dma_start3A_196 : memref<64x128xf32, #tpu.memory_space<vmem_shared>>) target(%dma_start3A_194 : memref<64x128xf32, #tpu.memory_space<hbm>>) target_semaphore(%run_scoped3A : memref<!tpu.dma_semaphore, #tpu.memory_space<semaphore_mem>>)
      %dma_wait3A_197 = arith.constant 0 : i32
      %dma_wait3A_198 = tpu.memref_slice %arg6[%arg0, %add3A_185, %dma_wait3A_197] : memref<2x10112x128xf32, #tpu.memory_space<hbm>> -> memref<1x64x128xf32, #tpu.memory_space<hbm>>
      %dma_wait3A_199 = tpu.memref_squeeze %dma_wait3A_198 : memref<1x64x128xf32, #tpu.memory_space<hbm>> -> memref<64x128xf32, #tpu.memory_space<hbm>>
      %dma_wait3A_200 = arith.constant 0 : i32
      %dma_wait3A_201 = tpu.memref_slice %arg13[%add3A_185, %dma_wait3A_200] : memref<10112x128xf32, #tpu.memory_space<vmem_shared>> -> memref<64x128xf32, #tpu.memory_space<vmem_shared>>
      tpu.wait_dma2 semaphore(%run_scoped3A : memref<!tpu.dma_semaphore, #tpu.memory_space<semaphore_mem>>) src(%dma_wait3A_201 : memref<64x128xf32, #tpu.memory_space<vmem_shared>>) dst(%dma_wait3A_199 : memref<64x128xf32, #tpu.memory_space<hbm>>)
      tpu.yield
    }) : () -> ()
    %add3A_186 = arith.constant 448 : i32
    %add3A_187 = arith.addi %mul3A_6, %add3A_186 : i32
    "tpu.region"() ({
      %run_scoped3A = tpu.sem_alloc : memref<!tpu.dma_semaphore, #tpu.memory_space<semaphore_mem>>
      %dma_start3A_192 = arith.constant 0 : i32
      %dma_start3A_193 = tpu.memref_slice %arg6[%arg0, %add3A_187, %dma_start3A_192] : memref<2x10112x128xf32, #tpu.memory_space<hbm>> -> memref<1x64x128xf32, #tpu.memory_space<hbm>>
      %dma_start3A_194 = tpu.memref_squeeze %dma_start3A_193 : memref<1x64x128xf32, #tpu.memory_space<hbm>> -> memref<64x128xf32, #tpu.memory_space<hbm>>
      %dma_start3A_195 = arith.constant 0 : i32
      %dma_start3A_196 = tpu.memref_slice %arg13[%add3A_187, %dma_start3A_195] : memref<10112x128xf32, #tpu.memory_space<vmem_shared>> -> memref<64x128xf32, #tpu.memory_space<vmem_shared>>
      tpu.enqueue_dma source(%dma_start3A_196 : memref<64x128xf32, #tpu.memory_space<vmem_shared>>) target(%dma_start3A_194 : memref<64x128xf32, #tpu.memory_space<hbm>>) target_semaphore(%run_scoped3A : memref<!tpu.dma_semaphore, #tpu.memory_space<semaphore_mem>>)
      %dma_wait3A_197 = arith.constant 0 : i32
      %dma_wait3A_198 = tpu.memref_slice %arg6[%arg0, %add3A_187, %dma_wait3A_197] : memref<2x10112x128xf32, #tpu.memory_space<hbm>> -> memref<1x64x128xf32, #tpu.memory_space<hbm>>
      %dma_wait3A_199 = tpu.memref_squeeze %dma_wait3A_198 : memref<1x64x128xf32, #tpu.memory_space<hbm>> -> memref<64x128xf32, #tpu.memory_space<hbm>>
      %dma_wait3A_200 = arith.constant 0 : i32
      %dma_wait3A_201 = tpu.memref_slice %arg13[%add3A_187, %dma_wait3A_200] : memref<10112x128xf32, #tpu.memory_space<vmem_shared>> -> memref<64x128xf32, #tpu.memory_space<vmem_shared>>
      tpu.wait_dma2 semaphore(%run_scoped3A : memref<!tpu.dma_semaphore, #tpu.memory_space<semaphore_mem>>) src(%dma_wait3A_201 : memref<64x128xf32, #tpu.memory_space<vmem_shared>>) dst(%dma_wait3A_199 : memref<64x128xf32, #tpu.memory_space<hbm>>)
      tpu.yield
    }) : () -> ()
    %add3A_188 = arith.constant 512 : i32
    %add3A_189 = arith.addi %mul3A_6, %add3A_188 : i32
    "tpu.region"() ({
      %run_scoped3A = tpu.sem_alloc : memref<!tpu.dma_semaphore, #tpu.memory_space<semaphore_mem>>
      %dma_start3A_192 = arith.constant 0 : i32
      %dma_start3A_193 = tpu.memref_slice %arg6[%arg0, %add3A_189, %dma_start3A_192] : memref<2x10112x128xf32, #tpu.memory_space<hbm>> -> memref<1x64x128xf32, #tpu.memory_space<hbm>>
      %dma_start3A_194 = tpu.memref_squeeze %dma_start3A_193 : memref<1x64x128xf32, #tpu.memory_space<hbm>> -> memref<64x128xf32, #tpu.memory_space<hbm>>
      %dma_start3A_195 = arith.constant 0 : i32
      %dma_start3A_196 = tpu.memref_slice %arg13[%add3A_189, %dma_start3A_195] : memref<10112x128xf32, #tpu.memory_space<vmem_shared>> -> memref<64x128xf32, #tpu.memory_space<vmem_shared>>
      tpu.enqueue_dma source(%dma_start3A_196 : memref<64x128xf32, #tpu.memory_space<vmem_shared>>) target(%dma_start3A_194 : memref<64x128xf32, #tpu.memory_space<hbm>>) target_semaphore(%run_scoped3A : memref<!tpu.dma_semaphore, #tpu.memory_space<semaphore_mem>>)
      %dma_wait3A_197 = arith.constant 0 : i32
      %dma_wait3A_198 = tpu.memref_slice %arg6[%arg0, %add3A_189, %dma_wait3A_197] : memref<2x10112x128xf32, #tpu.memory_space<hbm>> -> memref<1x64x128xf32, #tpu.memory_space<hbm>>
      %dma_wait3A_199 = tpu.memref_squeeze %dma_wait3A_198 : memref<1x64x128xf32, #tpu.memory_space<hbm>> -> memref<64x128xf32, #tpu.memory_space<hbm>>
      %dma_wait3A_200 = arith.constant 0 : i32
      %dma_wait3A_201 = tpu.memref_slice %arg13[%add3A_189, %dma_wait3A_200] : memref<10112x128xf32, #tpu.memory_space<vmem_shared>> -> memref<64x128xf32, #tpu.memory_space<vmem_shared>>
      tpu.wait_dma2 semaphore(%run_scoped3A : memref<!tpu.dma_semaphore, #tpu.memory_space<semaphore_mem>>) src(%dma_wait3A_201 : memref<64x128xf32, #tpu.memory_space<vmem_shared>>) dst(%dma_wait3A_199 : memref<64x128xf32, #tpu.memory_space<hbm>>)
      tpu.yield
    }) : () -> ()
    %add3A_190 = arith.constant 576 : i32
    %add3A_191 = arith.addi %mul3A_6, %add3A_190 : i32
    "tpu.region"() ({
      %run_scoped3A = tpu.sem_alloc : memref<!tpu.dma_semaphore, #tpu.memory_space<semaphore_mem>>
      %dma_start3A_192 = arith.constant 0 : i32
      %dma_start3A_193 = tpu.memref_slice %arg6[%arg0, %add3A_191, %dma_start3A_192] : memref<2x10112x128xf32, #tpu.memory_space<hbm>> -> memref<1x56x128xf32, #tpu.memory_space<hbm>>
      %dma_start3A_194 = tpu.memref_squeeze %dma_start3A_193 : memref<1x56x128xf32, #tpu.memory_space<hbm>> -> memref<56x128xf32, #tpu.memory_space<hbm>>
      %dma_start3A_195 = arith.constant 0 : i32
      %dma_start3A_196 = tpu.memref_slice %arg13[%add3A_191, %dma_start3A_195] : memref<10112x128xf32, #tpu.memory_space<vmem_shared>> -> memref<56x128xf32, #tpu.memory_space<vmem_shared>>
      tpu.enqueue_dma source(%dma_start3A_196 : memref<56x128xf32, #tpu.memory_space<vmem_shared>>) target(%dma_start3A_194 : memref<56x128xf32, #tpu.memory_space<hbm>>) target_semaphore(%run_scoped3A : memref<!tpu.dma_semaphore, #tpu.memory_space<semaphore_mem>>)
      %dma_wait3A_197 = arith.constant 0 : i32
      %dma_wait3A_198 = tpu.memref_slice %arg6[%arg0, %add3A_191, %dma_wait3A_197] : memref<2x10112x128xf32, #tpu.memory_space<hbm>> -> memref<1x56x128xf32, #tpu.memory_space<hbm>>
      %dma_wait3A_199 = tpu.memref_squeeze %dma_wait3A_198 : memref<1x56x128xf32, #tpu.memory_space<hbm>> -> memref<56x128xf32, #tpu.memory_space<hbm>>
      %dma_wait3A_200 = arith.constant 0 : i32
      %dma_wait3A_201 = tpu.memref_slice %arg13[%add3A_191, %dma_wait3A_200] : memref<10112x128xf32, #tpu.memory_space<vmem_shared>> -> memref<56x128xf32, #tpu.memory_space<vmem_shared>>
      tpu.wait_dma2 semaphore(%run_scoped3A : memref<!tpu.dma_semaphore, #tpu.memory_space<semaphore_mem>>) src(%dma_wait3A_201 : memref<56x128xf32, #tpu.memory_space<vmem_shared>>) dst(%dma_wait3A_199 : memref<56x128xf32, #tpu.memory_space<hbm>>)
      tpu.yield
    }) : () -> ()
    return
  }
}

module attributes {stable_mosaic.version = 14 : i64} {
  func.func @body(%arg0: memref<10112x128xf32, #tpu.memory_space<vmem>>, %arg1: memref<128x64xf32, #tpu.memory_space<vmem>>, %arg2: memref<1x64xf32, #tpu.memory_space<vmem>>, %arg3: memref<64x64xf32, #tpu.memory_space<vmem>>, %arg4: memref<64x64xf32, #tpu.memory_space<vmem>>, %arg5: memref<10112x128xf32, #tpu.memory_space<vmem>>) attributes {dimension_semantics = [], scalar_prefetch = 0 : i64, scratch_operands = 0 : i64, tpu.core_type = #tpu.core_type<tc>} {
    %get3A = arith.constant 0 : index
    %get3A_0 = arith.constant 0 : index
    %get3A_1 = vector.load %arg0[%get3A, %get3A_0] : memref<10112x128xf32, #tpu.memory_space<vmem>>, vector<10112x128xf32>
    %get3A_2 = arith.constant 0 : index
    %get3A_3 = arith.constant 0 : index
    %get3A_4 = vector.load %arg1[%get3A_2, %get3A_3] : memref<128x64xf32, #tpu.memory_space<vmem>>, vector<128x64xf32>
    %dot_general3A = arith.constant dense<0.000000e+00> : vector<10112x64xf32>
    %dot_general3A_5 = tpu.matmul %get3A_1, %get3A_4, %dot_general3A {dimension_numbers = #tpu.dot_dimension_numbers<[1], [0], [0], [1], [0, 0, 1, 1], [], []>, transpose_lhs_hint = false} : vector<10112x128xf32>, vector<128x64xf32>, vector<10112x64xf32> -> vector<10112x64xf32>
    %get3A_6 = arith.constant 0 : index
    %get3A_7 = arith.constant 0 : index
    %get3A_8 = vector.load %arg2[%get3A_6, %get3A_7] : memref<1x64xf32, #tpu.memory_space<vmem>>, vector<1x64xf32>
    %add3A = vector.broadcast %get3A_8 : vector<1x64xf32> to vector<10112x64xf32>
    %add3A_9 = arith.addf %dot_general3A_5, %add3A : vector<10112x64xf32>
    %get3A_10 = arith.constant 0 : index
    %get3A_11 = arith.constant 0 : index
    %get3A_12 = vector.load %arg3[%get3A_10, %get3A_11] : memref<64x64xf32, #tpu.memory_space<vmem>>, vector<64x64xf32>
    %dot_general3A_13 = arith.constant dense<0.000000e+00> : vector<10112x64xf32>
    %dot_general3A_14 = tpu.matmul %add3A_9, %get3A_12, %dot_general3A_13 {dimension_numbers = #tpu.dot_dimension_numbers<[1], [0], [0], [1], [0, 0, 1, 1], [], []>, transpose_lhs_hint = false} : vector<10112x64xf32>, vector<64x64xf32>, vector<10112x64xf32> -> vector<10112x64xf32>
    %swap3A = arith.constant 0 : index
    %swap3A_15 = arith.constant 0 : index
    %swap3A_16 = vector.load %arg5[%swap3A, %swap3A_15] : memref<10112x128xf32, #tpu.memory_space<vmem>>, vector<10112x64xf32>
    tpu.vector_store %arg5[%swap3A, %swap3A_15], %dot_general3A_14 {strides = array<i32>} : memref<10112x128xf32, #tpu.memory_space<vmem>>, vector<10112x64xf32>,
    %get3A_17 = arith.constant 0 : index
    %get3A_18 = arith.constant 0 : index
    %get3A_19 = vector.load %arg4[%get3A_17, %get3A_18] : memref<64x64xf32, #tpu.memory_space<vmem>>, vector<64x64xf32>
    %dot_general3A_20 = arith.constant dense<0.000000e+00> : vector<10112x64xf32>
    %dot_general3A_21 = tpu.matmul %add3A_9, %get3A_19, %dot_general3A_20 {dimension_numbers = #tpu.dot_dimension_numbers<[1], [0], [0], [1], [0, 0, 1, 1], [], []>, transpose_lhs_hint = false} : vector<10112x64xf32>, vector<64x64xf32>, vector<10112x64xf32> -> vector<10112x64xf32>
    %swap3A_22 = arith.constant 0 : index
    %swap3A_23 = arith.constant 64 : index
    %swap3A_24 = vector.load %arg5[%swap3A_22, %swap3A_23] : memref<10112x128xf32, #tpu.memory_space<vmem>>, vector<10112x64xf32>
    tpu.vector_store %arg5[%swap3A_22, %swap3A_23], %dot_general3A_21 {strides = array<i32>} : memref<10112x128xf32, #tpu.memory_space<vmem>>, vector<10112x64xf32>,
    return
  }
}

module attributes {stable_mosaic.version = 14 : i64} {
  func.func @body(%arg0: memref<2x10112x128xf32, #tpu.memory_space<vmem>>, %arg1: memref<1x64xf32, #tpu.memory_space<vmem>>, %arg2: memref<64x64xf32, #tpu.memory_space<vmem>>, %arg3: memref<64x64xf32, #tpu.memory_space<vmem>>, %arg4: memref<10112x128xf32, #tpu.memory_space<vmem>>) attributes {dimension_semantics = [], scalar_prefetch = 0 : i64, scratch_operands = 0 : i64, tpu.core_type = #tpu.core_type<tc>} {
    %get3A = arith.constant 0 : index
    %get3A_0 = arith.constant 0 : index
    %get3A_1 = arith.constant 0 : index
    %get3A_2 = vector.load %arg0[%get3A, %get3A_0, %get3A_1] : memref<2x10112x128xf32, #tpu.memory_space<vmem>>, vector<1x10112x128xf32>
    %get3A_3 = vector.shape_cast %get3A_2 : vector<1x10112x128xf32> to vector<10112x128xf32>
    %get3A_4 = arith.constant 1 : index
    %get3A_5 = arith.constant 0 : index
    %get3A_6 = arith.constant 0 : index
    %get3A_7 = vector.load %arg0[%get3A_4, %get3A_5, %get3A_6] : memref<2x10112x128xf32, #tpu.memory_space<vmem>>, vector<1x10112x128xf32>
    %get3A_8 = vector.shape_cast %get3A_7 : vector<1x10112x128xf32> to vector<10112x128xf32>
    %get3A_9 = arith.constant 0 : index
    %get3A_10 = arith.constant 0 : index
    %get3A_11 = vector.load %arg1[%get3A_9, %get3A_10] : memref<1x64xf32, #tpu.memory_space<vmem>>, vector<1x64xf32>
    %slice3A = vector.extract_strided_slice %get3A_3 {offsets = [0, 0], sizes = [10112, 64], strides = [1, 1]} : vector<10112x128xf32> to vector<10112x64xf32>
    %slice3A_12 = vector.extract_strided_slice %get3A_8 {offsets = [0, 0], sizes = [10112, 64], strides = [1, 1]} : vector<10112x128xf32> to vector<10112x64xf32>
    %add3A = arith.addf %slice3A, %slice3A_12 : vector<10112x64xf32>
    %slice3A_13 = vector.extract_strided_slice %get3A_3 {offsets = [0, 64], sizes = [10112, 64], strides = [1, 1]} : vector<10112x128xf32> to vector<10112x64xf32>
    %slice3A_14 = vector.extract_strided_slice %get3A_8 {offsets = [0, 64], sizes = [10112, 64], strides = [1, 1]} : vector<10112x128xf32> to vector<10112x64xf32>
    %add3A_15 = arith.addf %slice3A_13, %slice3A_14 : vector<10112x64xf32>
    %add3A_16 = arith.constant 1.000000e-16 : f32
    %add3A_17 = vector.broadcast %add3A_16 : f32 to vector<10112x64xf32>
    %add3A_18 = arith.addf %add3A_15, %add3A_17 : vector<10112x64xf32>
    %div3A = arith.divf %add3A, %add3A_18 : vector<10112x64xf32>
    %add3A_19 = vector.broadcast %get3A_11 : vector<1x64xf32> to vector<10112x64xf32>
    %add3A_20 = arith.addf %div3A, %add3A_19 : vector<10112x64xf32>
    %max3A = arith.constant 0.000000e+00 : f32
    %max3A_21 = vector.broadcast %max3A : f32 to vector<10112x64xf32>
    %max3A_22 = arith.maximumf %add3A_20, %max3A_21 : vector<10112x64xf32>
    %get3A_23 = arith.constant 0 : index
    %get3A_24 = arith.constant 0 : index
    %get3A_25 = vector.load %arg2[%get3A_23, %get3A_24] : memref<64x64xf32, #tpu.memory_space<vmem>>, vector<64x64xf32>
    %dot_general3A = arith.constant dense<0.000000e+00> : vector<10112x64xf32>
    %dot_general3A_26 = tpu.matmul %max3A_22, %get3A_25, %dot_general3A {dimension_numbers = #tpu.dot_dimension_numbers<[1], [0], [0], [1], [0, 0, 1, 1], [], []>, transpose_lhs_hint = false} : vector<10112x64xf32>, vector<64x64xf32>, vector<10112x64xf32> -> vector<10112x64xf32>
    %swap3A = arith.constant 0 : index
    %swap3A_27 = arith.constant 0 : index
    %swap3A_28 = vector.load %arg4[%swap3A, %swap3A_27] : memref<10112x128xf32, #tpu.memory_space<vmem>>, vector<10112x64xf32>
    tpu.vector_store %arg4[%swap3A, %swap3A_27], %dot_general3A_26 {strides = array<i32>} : memref<10112x128xf32, #tpu.memory_space<vmem>>, vector<10112x64xf32>,
    %get3A_29 = arith.constant 0 : index
    %get3A_30 = arith.constant 0 : index
    %get3A_31 = vector.load %arg3[%get3A_29, %get3A_30] : memref<64x64xf32, #tpu.memory_space<vmem>>, vector<64x64xf32>
    %dot_general3A_32 = arith.constant dense<0.000000e+00> : vector<10112x64xf32>
    %dot_general3A_33 = tpu.matmul %max3A_22, %get3A_31, %dot_general3A_32 {dimension_numbers = #tpu.dot_dimension_numbers<[1], [0], [0], [1], [0, 0, 1, 1], [], []>, transpose_lhs_hint = false} : vector<10112x64xf32>, vector<64x64xf32>, vector<10112x64xf32> -> vector<10112x64xf32>
    %swap3A_34 = arith.constant 0 : index
    %swap3A_35 = arith.constant 64 : index
    %swap3A_36 = vector.load %arg4[%swap3A_34, %swap3A_35] : memref<10112x128xf32, #tpu.memory_space<vmem>>, vector<10112x64xf32>
    tpu.vector_store %arg4[%swap3A_34, %swap3A_35], %dot_general3A_33 {strides = array<i32>} : memref<10112x128xf32, #tpu.memory_space<vmem>>, vector<10112x64xf32>,
    return
  }
}

module attributes {stable_mosaic.version = 14 : i64} {
  func.func @body(%arg0: memref<2x10112x128xf32, #tpu.memory_space<vmem>>, %arg1: memref<1x64xf32, #tpu.memory_space<vmem>>, %arg2: memref<64x64xf32, #tpu.memory_space<vmem>>, %arg3: memref<1x64xf32, #tpu.memory_space<vmem>>, %arg4: memref<64x64xf32, #tpu.memory_space<vmem>>, %arg5: memref<1x64xf32, #tpu.memory_space<vmem>>, %arg6: memref<1x64xf32, #tpu.memory_space<vmem>>, %arg7: memref<1x64xf32, #tpu.memory_space<vmem>>, %arg8: memref<64x32xf32, #tpu.memory_space<vmem>>, %arg9: memref<1x32xf32, #tpu.memory_space<vmem>>, %arg10: memref<32x2xf32, #tpu.memory_space<vmem>>, %arg11: memref<1x2xf32, #tpu.memory_space<vmem>>, %arg12: memref<10112x2xf32, #tpu.memory_space<vmem>>) attributes {dimension_semantics = [], scalar_prefetch = 0 : i64, scratch_operands = 0 : i64, tpu.core_type = #tpu.core_type<tc>} {
    %get3A = arith.constant 0 : index
    %get3A_0 = arith.constant 0 : index
    %get3A_1 = arith.constant 0 : index
    %get3A_2 = vector.load %arg0[%get3A, %get3A_0, %get3A_1] : memref<2x10112x128xf32, #tpu.memory_space<vmem>>, vector<1x10112x128xf32>
    %get3A_3 = vector.shape_cast %get3A_2 : vector<1x10112x128xf32> to vector<10112x128xf32>
    %get3A_4 = arith.constant 1 : index
    %get3A_5 = arith.constant 0 : index
    %get3A_6 = arith.constant 0 : index
    %get3A_7 = vector.load %arg0[%get3A_4, %get3A_5, %get3A_6] : memref<2x10112x128xf32, #tpu.memory_space<vmem>>, vector<1x10112x128xf32>
    %get3A_8 = vector.shape_cast %get3A_7 : vector<1x10112x128xf32> to vector<10112x128xf32>
    %get3A_9 = arith.constant 0 : index
    %get3A_10 = arith.constant 0 : index
    %get3A_11 = vector.load %arg1[%get3A_9, %get3A_10] : memref<1x64xf32, #tpu.memory_space<vmem>>, vector<1x64xf32>
    %slice3A = vector.extract_strided_slice %get3A_3 {offsets = [0, 0], sizes = [10112, 64], strides = [1, 1]} : vector<10112x128xf32> to vector<10112x64xf32>
    %slice3A_12 = vector.extract_strided_slice %get3A_8 {offsets = [0, 0], sizes = [10112, 64], strides = [1, 1]} : vector<10112x128xf32> to vector<10112x64xf32>
    %add3A = arith.addf %slice3A, %slice3A_12 : vector<10112x64xf32>
    %slice3A_13 = vector.extract_strided_slice %get3A_3 {offsets = [0, 64], sizes = [10112, 64], strides = [1, 1]} : vector<10112x128xf32> to vector<10112x64xf32>
    %slice3A_14 = vector.extract_strided_slice %get3A_8 {offsets = [0, 64], sizes = [10112, 64], strides = [1, 1]} : vector<10112x128xf32> to vector<10112x64xf32>
    %add3A_15 = arith.addf %slice3A_13, %slice3A_14 : vector<10112x64xf32>
    %add3A_16 = arith.constant 1.000000e-16 : f32
    %add3A_17 = vector.broadcast %add3A_16 : f32 to vector<10112x64xf32>
    %add3A_18 = arith.addf %add3A_15, %add3A_17 : vector<10112x64xf32>
    %div3A = arith.divf %add3A, %add3A_18 : vector<10112x64xf32>
    %add3A_19 = vector.broadcast %get3A_11 : vector<1x64xf32> to vector<10112x64xf32>
    %add3A_20 = arith.addf %div3A, %add3A_19 : vector<10112x64xf32>
    %max3A = arith.constant 0.000000e+00 : f32
    %max3A_21 = vector.broadcast %max3A : f32 to vector<10112x64xf32>
    %max3A_22 = arith.maximumf %add3A_20, %max3A_21 : vector<10112x64xf32>
    %get3A_23 = arith.constant 0 : index
    %get3A_24 = arith.constant 0 : index
    %get3A_25 = vector.load %arg2[%get3A_23, %get3A_24] : memref<64x64xf32, #tpu.memory_space<vmem>>, vector<64x64xf32>
    %dot_general3A = arith.constant dense<0.000000e+00> : vector<10112x64xf32>
    %dot_general3A_26 = tpu.matmul %max3A_22, %get3A_25, %dot_general3A {dimension_numbers = #tpu.dot_dimension_numbers<[1], [0], [0], [1], [0, 0, 1, 1], [], []>, transpose_lhs_hint = false} : vector<10112x64xf32>, vector<64x64xf32>, vector<10112x64xf32> -> vector<10112x64xf32>
    %get3A_27 = arith.constant 0 : index
    %get3A_28 = arith.constant 0 : index
    %get3A_29 = vector.load %arg3[%get3A_27, %get3A_28] : memref<1x64xf32, #tpu.memory_space<vmem>>, vector<1x64xf32>
    %add3A_30 = vector.broadcast %get3A_29 : vector<1x64xf32> to vector<10112x64xf32>
    %add3A_31 = arith.addf %dot_general3A_26, %add3A_30 : vector<10112x64xf32>
    %get3A_32 = arith.constant 0 : index
    %get3A_33 = arith.constant 0 : index
    %get3A_34 = vector.load %arg4[%get3A_32, %get3A_33] : memref<64x64xf32, #tpu.memory_space<vmem>>, vector<64x64xf32>
    %dot_general3A_35 = arith.constant dense<0.000000e+00> : vector<10112x64xf32>
    %dot_general3A_36 = tpu.matmul %add3A_31, %get3A_34, %dot_general3A_35 {dimension_numbers = #tpu.dot_dimension_numbers<[1], [0], [0], [1], [0, 0, 1, 1], [], []>, transpose_lhs_hint = false} : vector<10112x64xf32>, vector<64x64xf32>, vector<10112x64xf32> -> vector<10112x64xf32>
    %get3A_37 = arith.constant 0 : index
    %get3A_38 = arith.constant 0 : index
    %get3A_39 = vector.load %arg5[%get3A_37, %get3A_38] : memref<1x64xf32, #tpu.memory_space<vmem>>, vector<1x64xf32>
    %add3A_40 = vector.broadcast %get3A_39 : vector<1x64xf32> to vector<10112x64xf32>
    %add3A_41 = arith.addf %dot_general3A_36, %add3A_40 : vector<10112x64xf32>
    %add3A_42 = arith.addf %max3A_22, %add3A_41 : vector<10112x64xf32>
    %reduce_sum3A = arith.constant dense<0.000000e+00> : vector<10112xf32>
    %reduce_sum3A_43 = vector.multi_reduction <add>, %add3A_42, %reduce_sum3A [1] : vector<10112x64xf32> to vector<10112xf32>
    %broadcast_in_dim3A = vector.shape_cast %reduce_sum3A_43 : vector<10112xf32> to vector<10112x1xf32>
    %div3A_44 = arith.constant 6.400000e+01 : f32
    %div3A_45 = vector.broadcast %div3A_44 : f32 to vector<10112x1xf32>
    %div3A_46 = arith.divf %broadcast_in_dim3A, %div3A_45 : vector<10112x1xf32>
    %sub3A = vector.broadcast %div3A_46 : vector<10112x1xf32> to vector<10112x64xf32>
    %sub3A_47 = arith.subf %add3A_42, %sub3A : vector<10112x64xf32>
    %integer_pow3A = arith.mulf %sub3A_47, %sub3A_47 : vector<10112x64xf32>
    %reduce_sum3A_48 = arith.constant dense<0.000000e+00> : vector<10112xf32>
    %reduce_sum3A_49 = vector.multi_reduction <add>, %integer_pow3A, %reduce_sum3A_48 [1] : vector<10112x64xf32> to vector<10112xf32>
    %broadcast_in_dim3A_50 = vector.shape_cast %reduce_sum3A_49 : vector<10112xf32> to vector<10112x1xf32>
    %div3A_51 = arith.constant 6.400000e+01 : f32
    %div3A_52 = vector.broadcast %div3A_51 : f32 to vector<10112x1xf32>
    %div3A_53 = arith.divf %broadcast_in_dim3A_50, %div3A_52 : vector<10112x1xf32>
    %sub3A_54 = vector.broadcast %div3A_46 : vector<10112x1xf32> to vector<10112x64xf32>
    %sub3A_55 = arith.subf %add3A_42, %sub3A_54 : vector<10112x64xf32>
    %add3A_56 = arith.constant 9.99999974E-6 : f32
    %add3A_57 = vector.broadcast %add3A_56 : f32 to vector<10112x1xf32>
    %add3A_58 = arith.addf %div3A_53, %add3A_57 : vector<10112x1xf32>
    %rsqrt3A = math.rsqrt %add3A_58 : vector<10112x1xf32>
    %mul3A = vector.broadcast %rsqrt3A : vector<10112x1xf32> to vector<10112x64xf32>
    %mul3A_59 = arith.mulf %sub3A_55, %mul3A : vector<10112x64xf32>
    %get3A_60 = arith.constant 0 : index
    %get3A_61 = arith.constant 0 : index
    %get3A_62 = vector.load %arg6[%get3A_60, %get3A_61] : memref<1x64xf32, #tpu.memory_space<vmem>>, vector<1x64xf32>
    %mul3A_63 = vector.broadcast %get3A_62 : vector<1x64xf32> to vector<10112x64xf32>
    %mul3A_64 = arith.mulf %mul3A_59, %mul3A_63 : vector<10112x64xf32>
    %get3A_65 = arith.constant 0 : index
    %get3A_66 = arith.constant 0 : index
    %get3A_67 = vector.load %arg7[%get3A_65, %get3A_66] : memref<1x64xf32, #tpu.memory_space<vmem>>, vector<1x64xf32>
    %add3A_68 = vector.broadcast %get3A_67 : vector<1x64xf32> to vector<10112x64xf32>
    %add3A_69 = arith.addf %mul3A_64, %add3A_68 : vector<10112x64xf32>
    %get3A_70 = arith.constant 0 : index
    %get3A_71 = arith.constant 0 : index
    %get3A_72 = vector.load %arg8[%get3A_70, %get3A_71] : memref<64x32xf32, #tpu.memory_space<vmem>>, vector<64x32xf32>
    %dot_general3A_73 = arith.constant dense<0.000000e+00> : vector<10112x32xf32>
    %dot_general3A_74 = tpu.matmul %add3A_69, %get3A_72, %dot_general3A_73 {dimension_numbers = #tpu.dot_dimension_numbers<[1], [0], [0], [1], [0, 0, 1, 1], [], []>, transpose_lhs_hint = false} : vector<10112x64xf32>, vector<64x32xf32>, vector<10112x32xf32> -> vector<10112x32xf32>
    %get3A_75 = arith.constant 0 : index
    %get3A_76 = arith.constant 0 : index
    %get3A_77 = vector.load %arg9[%get3A_75, %get3A_76] : memref<1x32xf32, #tpu.memory_space<vmem>>, vector<1x32xf32>
    %add3A_78 = vector.broadcast %get3A_77 : vector<1x32xf32> to vector<10112x32xf32>
    %add3A_79 = arith.addf %dot_general3A_74, %add3A_78 : vector<10112x32xf32>
    %max3A_80 = arith.constant 0.000000e+00 : f32
    %max3A_81 = vector.broadcast %max3A_80 : f32 to vector<10112x32xf32>
    %max3A_82 = arith.maximumf %add3A_79, %max3A_81 : vector<10112x32xf32>
    %get3A_83 = arith.constant 0 : index
    %get3A_84 = arith.constant 0 : index
    %get3A_85 = vector.load %arg10[%get3A_83, %get3A_84] : memref<32x2xf32, #tpu.memory_space<vmem>>, vector<32x2xf32>
    %dot_general3A_86 = arith.constant dense<0.000000e+00> : vector<10112x2xf32>
    %dot_general3A_87 = tpu.matmul %max3A_82, %get3A_85, %dot_general3A_86 {dimension_numbers = #tpu.dot_dimension_numbers<[1], [0], [0], [1], [0, 0, 1, 1], [], []>, transpose_lhs_hint = false} : vector<10112x32xf32>, vector<32x2xf32>, vector<10112x2xf32> -> vector<10112x2xf32>
    %get3A_88 = arith.constant 0 : index
    %get3A_89 = arith.constant 0 : index
    %get3A_90 = vector.load %arg11[%get3A_88, %get3A_89] : memref<1x2xf32, #tpu.memory_space<vmem>>, vector<1x2xf32>
    %add3A_91 = vector.broadcast %get3A_90 : vector<1x2xf32> to vector<10112x2xf32>
    %add3A_92 = arith.addf %dot_general3A_87, %add3A_91 : vector<10112x2xf32>
    %swap3A = arith.constant 0 : index
    %swap3A_93 = arith.constant 0 : index
    %swap3A_94 = vector.load %arg12[%swap3A, %swap3A_93] : memref<10112x2xf32, #tpu.memory_space<vmem>>, vector<10112x2xf32>
    tpu.vector_store %arg12[%swap3A, %swap3A_93], %add3A_92 {strides = array<i32>} : memref<10112x2xf32, #tpu.memory_space<vmem>>, vector<10112x2xf32>,
    return
  }
}

</mosaic_0001>

<sc_bundles>
// kernel: kernel.10.cloned.1.call-start
scs
__scs_entry_jumppad:
0x0: {  	(pc) =	sbr.rel $0x88, $3  }
0x1: {  	(tag) =	ssettag $0x0;
	lr =	simm.s32 $0x1  }
0x2: {  	[smem:$0x3F8B] =	sst lr;
	_ =	strace $0xD0000000  }
0x3: {  	_ = 	snop  }
0x4: {  	_ = 	snop  }
0x5: {  	_ = 	snop  }
0x6: {  	_ = 	snop  }
0x7: {  	_ = 	snop  }
__scs_overlays_trampoline_lowered:
0x8: {  	[smem:$0x3F9A] =	sst s0  }
0x9: {  	[smem:$0x3F9B] =	sst s1  }
0xa: {  	[smem:$0x3F9C] =	sst s2  }
0xb: {  	[smem:$0x3F9D] =	sst s3  }
0xc: {  	[smem:$0x3F9E] =	sst s4  }
0xd: {  	[smem:$0x3F9F] =	sst s5  }
0xe: {  	[smem:$0x3FA0] =	sst s6  }
0xf: {  	[smem:$0x3FA1] =	sst s7  }
0x10: {  	[smem:$0x3FA2] =	sst s8  }
0x11: {  	[smem:$0x3FA3] =	sst s9;
	s0 =	simm.s32 @!p0 $0x0  }
0x12: {  	s1 =	sld [smem:$0x3F89];
	s0 =	simm.s32 @p0 $0x1  }
0x13: {  	[smem:$0x3FA4] =	sst s0;
	s0 =	simm.s32 @!p1 $0x0  }
0x14: {  	s2 =	sld [smem:$0x3F88];
	s0 =	simm.s32 @p1 $0x1  }
0x15: {  	[smem:$0x3FA5] =	sst s0;
	s0 =	simm.s32 @!p2 $0x0  }
0x16: {  	s3 =	sld [smem:$0x3FDB];
	s0 =	simm.s32 @p2 $0x1  }
0x17: {  	s4 =	simm.s32 $0x1BF5;
	[smem:$0x3FA7] =	sst s0  }
0x18: {  	s0 =	sld [smem:$0x3F8A];
	_ =	swait.ge [sflag:s4], $0x0  }
0x19: {  	s7 =	sld [smem:$0x3F8B]  }
0x1a: {  	s8 =	sadd.s32 $0xFFFFE003, lr  }
0x1b: {  	s9 =	sadd.s32 $0xFFFFFEF7, lr;
	s5 =	simm.s32 $0xFFFFFFFF;
	p2 =	slt.u32 s8, $0xFFFFF086  }
0x1c: {  	p1 =	slt.u32 s9, $0xF7A;
	s5 =	simm.s32 @!p2 $0x0  }
0x1d: {  	s5 =	simm.s32 @p1 $0x1;
	p0 =	seq.s32 s7, s2  }
0x1e: {  	s7 =	smul.u32 @!p0 $0xF7A, s2;
	p2 =	seq.s32 @!p0 s5, $0x0  }
0x1f: {  	s9 =	smul.u32 $0xF7A, s1;
	s8 =	simm.s32 @!p0 $0x1BF5;
	p2 =	por !p2, p0  }
0x20: {  	[sflag:s8] =	ssyncset.s32 @!p0 $0xFFFFF086;
	s6 =	sadd.s32 @!p0 s3, s7;
	s7 =	simm.s32 @!p0 $0x108  }
0x21: {  	s3 =	sadd.s32 s3, s9;
	s6 =	sadd.s32 @!p0 $0x88, s6;
	s7 =	simm.s32 @p2 $0x1082  }
0x22: {  	[simem:s7], [sflag:s8] =	dma.local @!p0 [hbm:s6], $0xF7A  }
0x23: {  	s9 =	sor.u32 $0xD0000000, s2;
	s6 =	simm.s32 $0x108;
	_ =	swait.ge @!p0 [sflag:s8], $0x0  }
0x24: {  	s3 =	sadd.s32 $0x88, s3;
	s6 =	simm.s32 @!p1 $0x1082;
	[sflag:s4] =	ssyncset.s32 $0xFFFFF086  }
0x25: {  	[simem:s6], [sflag:s4] =	dma.local [hbm:s3], $0xF7A  }
0x26: {  	[smem:$0x3F8B] =	sst s1;
	(tag) =	ssettag s2;
	_ =	strace s9  }
0x27: {  	s1 =	sld [smem:$0x3F9B]  }
0x28: {  	s2 =	sld [smem:$0x3F9C]  }
0x29: {  	s4 =	sld [smem:$0x3F9E]  }
0x2a: {  	p0 =	seq.s32 s5, $0x0;
	s5 =	sld [smem:$0x3F9F]  }
0x2b: {  	s6 =	sld [smem:$0x3FA0]  }
0x2c: {  	s7 =	sld [smem:$0x3FA1]  }
0x2d: {  	s3 =	simm.s32 $0x108;
	s8 =	sld [smem:$0x3FA2]  }
0x2e: {  	s3 =	simm.s32 @!p0 $0x1082;
	s9 =	sld [smem:$0x3FA3]  }
0x2f: {  	lr =	sadd.s32 s0, s3;
	s0 =	sld [smem:$0x3F9A]  }
0x30: {  	s3 =	sld [smem:$0x3F9D]  }
0x31: {  	[smem:$0x3FA6] =	sst s10  }
0x32: {  	s10 =	sld [smem:$0x3FA4];
	_ =	sdelay $0x3  }
0x33: {  	p0 =	seq.s32 s10, $0x1;
	s10 =	sld [smem:$0x3FA6];
	_ =	sdelay $0x3  }
0x34: {  	[smem:$0x3FA6] =	sst s10  }
0x35: {  	s10 =	sld [smem:$0x3FA5];
	_ =	sdelay $0x3  }
0x36: {  	p1 =	seq.s32 s10, $0x1;
	s10 =	sld [smem:$0x3FA6];
	_ =	sdelay $0x3  }
0x37: {  	[smem:$0x3FA6] =	sst s10  }
0x38: {  	s10 =	sld [smem:$0x3FA7]  }
0x39: {  	_ = 	snop;
	(pc) =	sbr.ind lr, $3  }
0x3a: {  	_ = 	snop  }
0x3b: {  	_ = 	snop  }
0x3c: {  	p2 =	seq.s32 s10, $0x1;
	s10 =	sld [smem:$0x3FA6]  }
0x3d: {  	_ =	shalt  }
0x3e: {  	_ =	shalt  }
0x3f: {  	_ =	shalt  }
0x40: {  	_ =	shalt  }
0x41: {  	_ =	shalt  }
0x42: {  	_ =	shalt  }
0x43: {  	_ =	shalt  }
0x44: {  	_ =	shalt  }
0x45: {  	_ =	shalt  }
0x46: {  	_ =	shalt  }
0x47: {  	_ =	shalt  }
0x48: {  	_ =	shalt  }
0x49: {  	_ =	shalt  }
0x4a: {  	_ =	shalt  }
0x4b: {  	_ =	shalt  }
0x4c: {  	_ =	shalt  }
0x4d: {  	_ =	shalt  }
0x4e: {  	_ =	shalt  }
0x4f: {  	_ =	shalt  }
0x50: {  	_ =	shalt  }
0x51: {  	_ =	shalt  }
0x52: {  	_ =	shalt  }
0x53: {  	_ =	shalt  }
0x54: {  	_ =	shalt  }
0x55: {  	_ =	shalt  }
0x56: {  	_ =	shalt  }
0x57: {  	_ =	shalt  }
0x58: {  	_ =	shalt  }
0x59: {  	_ =	shalt  }
0x5a: {  	_ =	shalt  }
0x5b: {  	_ =	shalt  }
0x5c: {  	_ =	shalt  }
0x5d: {  	_ =	shalt  }
0x5e: {  	_ =	shalt  }
0x5f: {  	_ =	shalt  }
0x60: {  	_ =	shalt  }
0x61: {  	_ =	shalt  }
0x62: {  	_ =	shalt  }
0x63: {  	_ =	shalt  }
0x64: {  	_ =	shalt  }
0x65: {  	_ =	shalt  }
0x66: {  	_ =	shalt  }
0x67: {  	_ =	shalt  }
0x68: {  	_ =	shalt  }
0x69: {  	_ =	shalt  }
0x6a: {  	_ =	shalt  }
0x6b: {  	_ =	shalt  }
0x6c: {  	_ =	shalt  }
0x6d: {  	_ =	shalt  }
0x6e: {  	_ =	shalt  }
0x6f: {  	_ =	shalt  }
0x70: {  	_ =	shalt  }
0x71: {  	_ =	shalt  }
0x72: {  	_ =	shalt  }
0x73: {  	_ =	shalt  }
0x74: {  	_ =	shalt  }
0x75: {  	_ =	shalt  }
0x76: {  	_ =	shalt  }
0x77: {  	_ =	shalt  }
0x78: {  	_ =	shalt  }
0x79: {  	_ =	shalt  }
0x7a: {  	_ =	shalt  }
0x7b: {  	_ =	shalt  }
0x7c: {  	_ =	shalt  }
0x7d: {  	_ =	shalt  }
0x7e: {  	_ =	shalt  }
0x7f: {  	_ =	shalt  }
0x80: {  	_ =	shalt  }
0x81: {  	_ =	shalt  }
0x82: {  	_ =	shalt  }
0x83: {  	_ =	shalt  }
0x84: {  	_ =	shalt  }
0x85: {  	_ =	shalt  }
0x86: {  	_ =	shalt  }
0x87: {  	_ =	shalt  }
.Lfunc_end0:
.L_simem_size_0:
called_computation.1_lowered:
.L_overlay_start_0:
0x88: {  	s2 =	sld [smem:$0x3FD9]  }
0x89: {  	s3 =	sld [smem:$0x3FFE];
	_ =	sdelay $0x1  }
0x8a: {  	s1 =	srdreg.scid  }
0x8b: {  	s0 =	sand.u32 $0x1, s1  }
0x8c: {  	s16 =	sshll.u32 s0, $0xA;
	s2 =	sadd.s32 s3, s2  }
0x8d: {  	s2 =	sadd.s32 s2, s16  }
0x8e: {  	[smem:$0x3FB2] =	sst s2  }
0x8f: {  	_ = 	snop  }
0x90: {  	(tm) =	ssettm $0x1  }
0x91: {  	s17 =	sld [smem:$0x3FFB];
	_ =	sdelay $0x3  }
0x92: {  	_ =	strace s17  }
0x93: {  	s2 =	sld [smem:$0x3FFC];
	_ =	sdelay $0x3  }
0x94: {  	_ =	strace s2  }
0x95: {  	s2 =	sld [smem:$0x3FFD];
	_ =	sdelay $0x3  }
0x96: {  	_ =	strace s2  }
0x97: {  	_ =	strace $0x8FFFFFFF  }
0x98: {  	s18 =	sld [smem:$0x3FDB];
	_ =	sdelay $0x1  }
0x99: {  	s19 =	simm.s32 $_scs_section_size  }
0x9a: {  	s4 =	simm.s32 $_size__tile_overlayer_lowered;
	s5 =	simm.s32 $_tile_overlayer_lowered  }
0x9b: {  	s22 =	simm.s32 $0x1BFF;
	s21 =	sshll.u32 s5, $0x1;
	s2 =	sadd.s32 s19, s18  }
0x9c: {  	s6 =	simm.s32 $0x0;
	s20 =	sshll.u32 s4, $0x1;
	s4 =	sadd.s32 s21, s2  }
0x9d: {  	[timem:s6], [sflag:s22] =	dma.local [hbm:s4], s20  }
0x9e: {  	_ =	swait.ge [sflag:s22], s20  }
0x9f: {  	s3 =	ssub.s32 $0x0, s20;
	[sflag:s22] =	ssyncset.done $0x0  }
0xa0: {  	[sflag:s22] =	ssyncadd.s32 s3;
	_ =	sdelay $0x1  }
0xa1: {  	s23 =	simm.s32 $0x1B8B  }
0xa2: {  	_ =	swait.ge [sflag:s23], $0x1  }
0xa3: {  	[sflag:s23] =	ssyncset.done $0x0  }
0xa4: {  	s25 =	simm.s32 $0x1B8E;
	s24 =	sld [smem:$0x3FFE];
	[sflag:s23] =	ssyncadd.s32 $0xFFFFFFFF  }
0xa5: {  	s26 =	simm.s32 $execute0_lowered;
	[smem:$0x3FD2] =	sst s25  }
0xa6: {  	s4 =	sshll.u32 s26, $0x1;
	_ =	strace $0x80000049;
	[dreg:$0x1] =	wrdreg $0xFFFFFFFF  }
0xa7: {  	s28 =	simm.s32 $_size_execute0_lowered;
	s2 =	sadd.s32 s2, s4;
	[dreg:$0x0] =	wrdreg $0x0  }
0xa8: {  	s4 =	sshll.u32 s28, $0x1;
	[dreg:$0x2] =	wrdreg s2  }
0xa9: {  	[dreg:$0x3] =	wrdreg s4  }
0xaa: {  	[dreg:$0x4] =	wrdreg $0xC0  }
0xab: {  	_ =	task [dreg:s6], $0x5FFFF  }
0xac: {  	[dreg:$0x1] =	wrdreg $0xFFFFFFFF  }
0xad: {  	[dreg:$0x0] =	wrdreg $0x60  }
0xae: {  	[dreg:$0x2] =	wrdreg s24  }
0xaf: {  	[dreg:$0x3] =	wrdreg $0xA4000  }
0xb0: {  	[dreg:$0x4] =	wrdreg $0x9  }
0xb1: {  	_ =	task.clear_ibuf [dreg:s6], $0x5FFFF;
	_ =	strace $0x90000049  }
0xb2: {  	s29 =	simm.s32 $0x9;
	_ =	strace $0x8000004B  }
0xb3: {  	_ =	swait.ge [sflag:s29], $0x1  }
0xb4: {  	[sflag:s29] =	ssyncadd.s32 $0xFFFFFFFF  }
0xb5: {  	_ =	strace $0x9000004B  }
0xb6: {  	_ =	sfence  }
0xb7: {  	s30 =	sld [smem:$0x0];
	_ =	sdelay $0x2  }
0xb8: {  	s31 =	sshll.u32 s1, $0xD;
	s1 =	sshrl.u32 s1, $0x2  }
0xb9: {  	s3 =	sand.u32 $0x4000, s31;
	s1 =	sadd.s32 s1, s30  }
0xba: {  	s0 =	sor.u32 s3, s0;
	s1 =	sshll.u32 s1, $0x11  }
0xbb: {  	s0 =	sor.u32 s1, s0  }
0xbc: {  	s0 =	sadd.s32 $0x8F2B, s0  }
0xbd: {  	[sflag:s0] =	ssyncadd.remote.s32 $0x1  }
0xbe: {  	_ =	sfence.sel $0xFFFF  }
0xbf: {  	[dreg:$0x0] =	wrdreg $0xFFFFFFFF;
	(pc) =	sbr.abs _section_cstart, $3  }
0xc0: {  	[dreg:$0x1] =	wrdreg $0xFFFFFFFF  }
0xc1: {  	_ =	task.clear_ibuf [dreg:s6], $0x2FFFF;
	_ =	strace $0x9FFFFFFF  }
0xc2: {  	(tm) =	ssettm $0x7FFFFFFF  }
0xc3: {  	_ =	shalt  }
tec
execute0_lowered:
.L_overlay_start_1:
0x0: {  	(tag) =	ssettag $0x1  }
0x1: {  	s0 =	rddreg [dreg:$0x0];
	s2 =	srdreg.scid  }
0x2: {  	s1 =	rddreg [dreg:$0x1];
	s19 =	stileid.u32  }
0x3: {  	s29 =	simm.s32 $0x4200;
	s30 =	simm.s32 $0x8200;
	s31 =	simm.s32 $0x0  }
0x4: {  	s3 =	sand.u32 $0x1, s2;
	s2 =	simm.s32 $0x0;
	s6 =	smul.u32 $0x13C00, s19  }
0x5: {  	s7 =	sadd.s32 $0x3EE00, s0;
	s21 =	sshll.u32 s19, $0x1;
	s4 =	ssub.s32 $0x2, s3  }
0x6: {  	[smem:$0x7FF] =	sst s2;
	s5 =	sshrl.u32 s4, $0x1;
	s8 =	sadd.s32 $0x2000, s6  }
0x7: {  	s9 =	sadd.s32 $0x4000, s6;
	s10 =	sadd.s32 $0x6000, s6;
	s11 =	sadd.s32 $0x8000, s6  }
0x8: {  	s4 =	ssub.s32 s4, s5;
	s5 =	sor.u32 s3, s21;
	s3 =	smul.u32 $0x13C000, s3  }
0x9: {  	s12 =	sadd.s32 $0xA000, s6;
	s13 =	sadd.s32 $0xC000, s6;
	s17 =	sadd.s32 $0xE000, s6  }
0xa: {  	s18 =	sadd.s32 $0x10000, s6;
	s4 =	smax.u32 s4, $0x1;
	s14 =	sadd.s32 s6, s3  }
0xb: {  	s15 =	sadd.s32 s3, s8;
	s6 =	sadd.s32 $0x12000, s6;
	s23 =	sadd.s32 s3, s9  }
0xc: {  	s24 =	sadd.s32 s3, s10;
	s16 =	sadd.s32 s3, s11;
	s20 =	sadd.s32 s3, s13  }
0xd: {  	s21 =	sadd.s32 s3, s17;
	s11 =	sadd.s32 s11, s1;
	s13 =	sadd.s32 s13, s1  }
0xe: {  	s17 =	sadd.s32 s17, s1;
	s14 =	sshrl.u32 s14, $0x3;
	s15 =	sshrl.u32 s15, $0x3  }
0xf: {  	s25 =	sshrl.u32 s24, $0x3;
	s26 =	sshrl.u32 s16, $0x3;
	s16 =	sadd.s32 s3, s12  }
0x10: {  	s12 =	sadd.s32 s12, s1;
	s28 =	sadd.s32 s6, s1;
	s14 =	sadd.s32 s7, s14  }
0x11: {  	s22 =	sadd.s32 s7, s15;
	s15 =	sadd.s32 s7, s26;
	[dreg:$0x3] =	wrdreg s14  }
0x12: {  	s26 =	smul.u32 $0x4F000, s19;
	[dreg:$0x4] =	wrdreg s22;
	s14 =	sshrl.u32 s23, $0x3  }
0x13: {  	[dreg:$0x7] =	wrdreg s15;
	s22 =	sshrl.u32 s20, $0x3;
	s23 =	sshrl.u32 s21, $0x3  }
0x14: {  	s15 =	sadd.s32 $0x3200, s0;
	s20 =	sadd.s32 s8, s1;
	s14 =	sadd.s32 s7, s14  }
0x15: {  	s21 =	sadd.s32 s9, s1;
	s24 =	sadd.s32 s7, s23;
	[dreg:$0x5] =	wrdreg s14  }
0x16: {  	s9 =	sadd.s32 s10, s1;
	s14 =	sadd.s32 s7, s25;
	[dreg:$0xa] =	wrdreg s24  }
0x17: {  	s10 =	smul.u32 $0x2880, s5;
	[dreg:$0x6] =	wrdreg s14;
	s14 =	sshrl.u32 s16, $0x3  }
0x18: {  	s25 =	sadd.s32 s3, s18;
	s3 =	sadd.s32 s3, s6;
	s14 =	sadd.s32 s7, s14  }
0x19: {  	s3 =	sshrl.u32 s3, $0x3;
	[dreg:$0x8] =	wrdreg s14;
	s14 =	sadd.s32 s7, s22  }
0x1a: {  	s3 =	sadd.s32 s7, s3;
	[dreg:$0x9] =	wrdreg s14;
	s14 =	sshrl.u32 s25, $0x3  }
0x1b: {  	s16 =	sadd.s32 $0xD400, s0;
	[dreg:$0xc] =	wrdreg s3;
	s14 =	sadd.s32 s7, s14  }
0x1c: {  	[dreg:$0xb] =	wrdreg s14;
	s14 =	sadd.s32 $0x17600, s0;
	s0 =	sadd.s32 $0x8DE00, s0  }
0x1d: {  	s5 =	simm.s32 $0x5;
	_ =	strace $0x8000004A;
	[dreg:$0xd] =	wrdreg s0  }
0x1e: {  	s8 =	simm.s32 $0x80;
	s6 =	simm.s32 $0x200;
	[dreg:$0xe] =	wrdreg s9  }
0x1f: {  	s3 =	sadd.s32 $0xC0, s10;
	s7 =	sshrl.u32 s26, $0x2;
	[dreg:$0xf] =	wrdreg s11  }
0x20: {  	s26 =	sadd.s32 s18, s1;
	s18 =	sshrl.u32 s10, $0x3;
	[dreg:$0x10] =	wrdreg s12  }
0x21: {  	s19 =	sadd.s32 s7, s1;
	s22 =	sadd.s32 s15, s18;
	[dreg:$0x11] =	wrdreg s13  }
0x22: {  	s23 =	sor.u32 $0x8, s18;
	s7 =	simm.s32 $0x100;
	[dreg:$0x12] =	wrdreg s17  }
.Ltmp0:
0x23: {  	[dreg:$0x13] =	wrdreg s22;
	s0 =	sadd.s32 s16, s18;
	(pc) =	sbr.rel .LBB2_1-.Ltmp0, $4  }
0x24: {  	s24 =	sadd.s32 s15, s23;
	s25 =	sadd.s32 s16, s23;
	[dreg:$0x17] =	wrdreg s4  }
0x25: {  	s9 =	simm.s32 $0x180;
	s12 =	simm.s32 $0x40;
	[dreg:$0x14] =	wrdreg s0  }
0x26: {  	s13 =	simm.s32 $0x3;
	s17 =	simm.s32 $0x2;
	[dreg:$0x15] =	wrdreg s24  }
0x27: {  	v0 =	vimm.f32 $0.0e+00;
	[dreg:$0x16] =	wrdreg s25;
	s0 =	sadd.s32 $0x80, s10;
	s10 =	simm.s32 $0x1  }
.LBB2_10:
0x28: {  	s4 =	stileid.u32  }
0x29: {  	[bflag:$0x0] =	sbarrier.arrive $0xFFFF;
	s4 =	sshll.u32 s4, $0x6  }
0x2a: {  	s11 =	sshrl.u32 s23, $0x3;
	s18 =	rddreg [dreg:$0x3];
	s4 =	sor.u32 $0x1C05, s4  }
0x2b: {  	[hbm:s18], [sflag:s4] =	dma.local [spmem:s11], $0x400  }
0x2c: {  	_ =	swait.ge [sflag:s5], $0x400  }
0x2d: {  	[sflag:s5] =	ssyncset.done $0x0  }
0x2e: {  	s18 =	sshrl.u32 s24, $0x3;
	s21 =	rddreg [dreg:$0x4];
	[sflag:s5] =	ssyncadd.s32 $0xFFFFFC00  }
0x2f: {  	[hbm:s21], [sflag:s4] =	dma.local [spmem:s18], $0x400  }
0x30: {  	_ =	swait.ge [sflag:s5], $0x400  }
0x31: {  	s19 =	smov.u32 s23;
	[sflag:s5] =	ssyncset.done $0x0  }
0x32: {  	s22 =	sshrl.u32 s25, $0x3;
	s23 =	rddreg [dreg:$0x5];
	[sflag:s5] =	ssyncadd.s32 $0xFFFFFC00  }
0x33: {  	[hbm:s23], [sflag:s4] =	dma.local [spmem:s22], $0x400  }
0x34: {  	s20 =	smov.u32 s24;
	_ =	swait.ge [sflag:s5], $0x400  }
0x35: {  	s21 =	smov.u32 s25;
	[sflag:s5] =	ssyncset.done $0x0;
	s24 =	rddreg [dreg:$0xe]  }
0x36: {  	s25 =	rddreg [dreg:$0x6];
	[sflag:s5] =	ssyncadd.s32 $0xFFFFFC00;
	s11 =	sshrl.u32 s24, $0x3  }
0x37: {  	[hbm:s25], [sflag:s4] =	dma.local [spmem:s11], $0x400  }
0x38: {  	_ =	swait.ge [sflag:s5], $0x400  }
0x39: {  	[sflag:s5] =	ssyncset.done $0x0;
	s22 =	rddreg [dreg:$0xf]  }
0x3a: {  	s23 =	rddreg [dreg:$0x7];
	[sflag:s5] =	ssyncadd.s32 $0xFFFFFC00;
	s11 =	sshrl.u32 s22, $0x3  }
0x3b: {  	[hbm:s23], [sflag:s4] =	dma.local [spmem:s11], $0x400  }
0x3c: {  	_ =	swait.ge [sflag:s5], $0x400  }
0x3d: {  	[sflag:s5] =	ssyncset.done $0x0;
	s24 =	rddreg [dreg:$0x10]  }
0x3e: {  	s25 =	rddreg [dreg:$0x8];
	[sflag:s5] =	ssyncadd.s32 $0xFFFFFC00;
	s11 =	sshrl.u32 s24, $0x3  }
0x3f: {  	[hbm:s25], [sflag:s4] =	dma.local [spmem:s11], $0x400  }
0x40: {  	_ =	swait.ge [sflag:s5], $0x400  }
0x41: {  	[sflag:s5] =	ssyncset.done $0x0;
	s22 =	rddreg [dreg:$0x11]  }
0x42: {  	s23 =	rddreg [dreg:$0x9];
	[sflag:s5] =	ssyncadd.s32 $0xFFFFFC00;
	s11 =	sshrl.u32 s22, $0x3  }
0x43: {  	[hbm:s23], [sflag:s4] =	dma.local [spmem:s11], $0x400  }
0x44: {  	_ =	swait.ge [sflag:s5], $0x400  }
0x45: {  	[sflag:s5] =	ssyncset.done $0x0;
	s24 =	rddreg [dreg:$0x12]  }
0x46: {  	s25 =	rddreg [dreg:$0xa];
	[sflag:s5] =	ssyncadd.s32 $0xFFFFFC00;
	s11 =	sshrl.u32 s24, $0x3  }
0x47: {  	[hbm:s25], [sflag:s4] =	dma.local [spmem:s11], $0x400  }
0x48: {  	_ =	swait.ge [sflag:s5], $0x400  }
0x49: {  	[sflag:s5] =	ssyncset.done $0x0  }
0x4a: {  	s18 =	sshrl.u32 s26, $0x3;
	s22 =	rddreg [dreg:$0xb];
	[sflag:s5] =	ssyncadd.s32 $0xFFFFFC00  }
0x4b: {  	[hbm:s22], [sflag:s4] =	dma.local [spmem:s18], $0x400  }
0x4c: {  	_ =	swait.ge [sflag:s5], $0x400  }
0x4d: {  	[sflag:s5] =	ssyncset.done $0x0  }
0x4e: {  	s23 =	sshrl.u32 s28, $0x3;
	s24 =	rddreg [dreg:$0xc];
	[sflag:s5] =	ssyncadd.s32 $0xFFFFFC00  }
0x4f: {  	[hbm:s24], [sflag:s4] =	dma.local [spmem:s23], $0x380  }
0x50: {  	_ =	swait.ge [sflag:s5], $0x380  }
0x51: {  	s31 =	sadd.s32 $0x1, s31;
	s25 =	rddreg [dreg:$0x17]  }
0x52: {  	p0 =	sne.s32 s31, s25  }
.Ltmp1:
0x53: {  	_ = 	snop;
	(pc) =	sbr.rel @!p0 .LBB2_11-.Ltmp1, $3  }
0x54: {  	_ =	sdelay $0x1  }
0x55: {  	[sflag:s5] =	ssyncset.done $0x0  }
0x56: {  	[sflag:s5] =	ssyncadd.s32 $0xFFFFFC80  }
.LBB2_1:
0x57: {  	s4 =	rddreg [dreg:$0xd];
	s11 =	simm.s32 $0xA200  }
0x58: {  	[tilespmem:s11], [sflag:$0x5] =	stream.linear.gather [hbm4b:s4+s2], $0x200, $0x38;
	[tilespmem:$0x1E000] =	vst v63  }
0x59: {  	_ =	swait.ge [sflag:s5], $0x200  }
0x5a: {  	[sflag:s5] =	ssyncset.done $0x0  }
0x5b: {  	s4 =	simm.s32 $0x0;
	s11 =	simm.s32 $0x200;
	[sflag:s5] =	ssyncadd.s32 $0xFFFFFE00  }
.LBB2_2:
0x5c: {  	p0 =	sne.s32 s11, $0x7E00;
	[tilespmem:s4+$0x270] =	vst v0  }
0x5d: {  	[tilespmem:s4+$0x200] =	vst v0  }
0x5e: {  	[tilespmem:s4+$0x210] =	vst v0  }
.Ltmp2:
0x5f: {  	[tilespmem:s4+$0x220] =	vst v0;
	(pc) =	sbr.rel @p0 .LBB2_2-.Ltmp2, $4  }
0x60: {  	[tilespmem:s4+$0x230] =	vst v0  }
0x61: {  	[tilespmem:s4+$0x240] =	vst v0  }
0x62: {  	[tilespmem:s4+$0x250] =	vst v0  }
0x63: {  	[tilespmem:s4+$0x260] =	vst v0;
	s4 =	sshra.s32 s11, $0x2;
	s11 =	sadd.s32 $0x200, s11  }
0x64: {  	[tilespmem:s4+$0x270] =	vst v0  }
0x65: {  	[tilespmem:s4+$0x200] =	vst v0  }
0x66: {  	[tilespmem:s4+$0x210] =	vst v0  }
0x67: {  	[tilespmem:s4+$0x220] =	vst v0  }
0x68: {  	[tilespmem:s4+$0x230] =	vst v0  }
0x69: {  	[tilespmem:s4+$0x240] =	vst v0  }
0x6a: {  	[tilespmem:s4+$0x250] =	vst v0  }
0x6b: {  	[tilespmem:s4+$0x260] =	vst v0  }
0x6c: {  	[spmem:s19] =	stream.linear.scatter [tilespmem:s6], [sflag:$0x5], $0x2000, $0x38;
	[tilespmem:$0x1E000] =	vst v63  }
0x6d: {  	_ =	swait.ge [sflag:s5], $0x2000  }
0x6e: {  	[sflag:s5] =	ssyncset.done $0x0  }
0x6f: {  	[sflag:s5] =	ssyncadd.s32 $0xFFFFE000  }
0x70: {  	[spmem:s20] =	stream.linear.scatter [tilespmem:s6], [sflag:$0x5], $0x2000, $0x38;
	[tilespmem:$0x1E000] =	vst v63  }
0x71: {  	_ =	swait.ge [sflag:s5], $0x2000  }
0x72: {  	[sflag:s5] =	ssyncset.done $0x0  }
0x73: {  	[sflag:s5] =	ssyncadd.s32 $0xFFFFE000  }
0x74: {  	[spmem:s21] =	stream.linear.scatter [tilespmem:s6], [sflag:$0x5], $0x2000, $0x38;
	[tilespmem:$0x1E000] =	vst v63  }
0x75: {  	_ =	swait.ge [sflag:s5], $0x2000  }
0x76: {  	[sflag:s5] =	ssyncset.done $0x0  }
0x77: {  	s11 =	rddreg [dreg:$0xe];
	[sflag:s5] =	ssyncadd.s32 $0xFFFFE000  }
0x78: {  	[spmem:s11] =	stream.linear.scatter [tilespmem:s6], [sflag:$0x5], $0x2000, $0x38;
	[tilespmem:$0x1E000] =	vst v63  }
0x79: {  	_ =	swait.ge [sflag:s5], $0x2000  }
0x7a: {  	[sflag:s5] =	ssyncset.done $0x0  }
0x7b: {  	s18 =	rddreg [dreg:$0xf];
	[sflag:s5] =	ssyncadd.s32 $0xFFFFE000  }
0x7c: {  	[spmem:s18] =	stream.linear.scatter [tilespmem:s6], [sflag:$0x5], $0x2000, $0x38;
	[tilespmem:$0x1E000] =	vst v63  }
0x7d: {  	_ =	swait.ge [sflag:s5], $0x2000  }
0x7e: {  	[sflag:s5] =	ssyncset.done $0x0  }
0x7f: {  	s23 =	smov.u32 s19;
	s19 =	rddreg [dreg:$0x10];
	[sflag:s5] =	ssyncadd.s32 $0xFFFFE000  }
0x80: {  	[spmem:s19] =	stream.linear.scatter [tilespmem:s6], [sflag:$0x5], $0x2000, $0x38;
	[tilespmem:$0x1E000] =	vst v63  }
0x81: {  	_ =	swait.ge [sflag:s5], $0x2000  }
0x82: {  	[sflag:s5] =	ssyncset.done $0x0  }
0x83: {  	s24 =	smov.u32 s20;
	s20 =	rddreg [dreg:$0x11];
	[sflag:s5] =	ssyncadd.s32 $0xFFFFE000  }
0x84: {  	[spmem:s20] =	stream.linear.scatter [tilespmem:s6], [sflag:$0x5], $0x2000, $0x38;
	[tilespmem:$0x1E000] =	vst v63  }
0x85: {  	_ =	swait.ge [sflag:s5], $0x2000  }
0x86: {  	[sflag:s5] =	ssyncset.done $0x0  }
0x87: {  	s25 =	smov.u32 s21;
	s21 =	rddreg [dreg:$0x12];
	[sflag:s5] =	ssyncadd.s32 $0xFFFFE000  }
0x88: {  	[spmem:s21] =	stream.linear.scatter [tilespmem:s6], [sflag:$0x5], $0x2000, $0x38;
	[tilespmem:$0x1E000] =	vst v63  }
0x89: {  	_ =	swait.ge [sflag:s5], $0x2000  }
0x8a: {  	[sflag:s5] =	ssyncset.done $0x0  }
0x8b: {  	[sflag:s5] =	ssyncadd.s32 $0xFFFFE000  }
0x8c: {  	[spmem:s26] =	stream.linear.scatter [tilespmem:s6], [sflag:$0x5], $0x2000, $0x38;
	[tilespmem:$0x1E000] =	vst v63  }
0x8d: {  	_ =	swait.ge [sflag:s5], $0x2000  }
0x8e: {  	[sflag:s5] =	ssyncset.done $0x0  }
0x8f: {  	[sflag:s5] =	ssyncadd.s32 $0xFFFFE000  }
0x90: {  	[spmem:s28] =	stream.linear.scatter [tilespmem:s6], [sflag:$0x5], $0x1C00, $0x38;
	[tilespmem:$0x1E000] =	vst v63  }
0x91: {  	_ =	swait.ge [sflag:s5], $0x1C00  }
0x92: {  	[sflag:s5] =	ssyncset.done $0x0  }
0x93: {  	[sflag:s5] =	ssyncadd.s32 $0xFFFFE400  }
0x94: {  	[bflag:$0x0] =	sbarrier.arrive $0xFFFF  }
0x95: {  	v1 =	vld [tilespmem:$0xA200]  }
0x96: {  	v2 =	vld [tilespmem:$0xA280]  }
0x97: {  	s11 =	simm.s32 $0x0;
	v3 =	vld [tilespmem:$0xA300];
	s22 =	rddreg [dreg:$0x13]  }
0x98: {  	v4 =	vld [tilespmem:$0xA380];
	[tilespmem:s11], [sflag:$0x1] =	stream.linear.gather [hbm4b:s22+s11], $0x40, $0x38  }
0x99: {  	s18 =	rddreg [dreg:$0x14]  }
0x9a: {  	[tilespmem:s7], [sflag:$0x1] =	stream.linear.gather [hbm4b:s18+s11], $0x40, $0x38;
	[tilespmem:$0x1E000] =	vst v63  }
0x9b: {  	s19 =	rddreg [dreg:$0x15]  }
0x9c: {  	[tilespmem:s8], [sflag:$0x2] =	stream.linear.gather [hbm4b:s19+s11], $0x40, $0x38;
	[tilespmem:$0x1E000] =	vst v63  }
0x9d: {  	s20 =	rddreg [dreg:$0x16]  }
0x9e: {  	[tilespmem:s9], [sflag:$0x2] =	stream.linear.gather [hbm4b:s20+s11], $0x40, $0x38;
	[tilespmem:$0x1E000] =	vst v63  }
0x9f: {  	_ =	swait.ge [sflag:s10], $0x40  }
0xa0: {  	[sflag:s10] =	ssyncset.done $0x0  }
0xa1: {  	[sflag:s10] =	ssyncadd.s32 $0xFFFFFFC0  }
0xa2: {  	_ =	swait.ge [sflag:s10], $0x40  }
0xa3: {  	[sflag:s10] =	ssyncset.done $0x0  }
0xa4: {  	s21 =	simm.s32 $0x2200;
	[sflag:s10] =	ssyncadd.s32 $0xFFFFFFC0  }
0xa5: {  	[tilespmem:s21], [sflag:$0x3] =	stream.indirect.gather [hbm4b:s14+s12], $0x80, s11, s12, $0xb8;
	[tilespmem:$0x1E000] =	vst v63  }
0xa6: {  	s22 =	simm.s32 $0x6200  }
0xa7: {  	[tilespmem:s22], [sflag:$0x3] =	stream.indirect.gather [hbm4b:s14+s12], $0x80, s7, s12, $0xb8;
	[tilespmem:$0x1E000] =	vst v63  }
.LBB2_4:
0xa8: {  	_ =	swait.ge [sflag:s13], $0x2000  }
0xa9: {  	[sflag:s13] =	ssyncset.done $0x0  }
0xaa: {  	[sflag:s13] =	ssyncadd.s32 $0xFFFFE000  }
0xab: {  	_ =	swait.ge [sflag:s13], $0x2000  }
0xac: {  	[sflag:s13] =	ssyncset.done $0x0  }
0xad: {  	[sflag:s13] =	ssyncadd.s32 $0xFFFFE000  }
0xae: {  	_ =	swait.ge [sflag:s17], $0x40  }
0xaf: {  	[sflag:s17] =	ssyncset.done $0x0  }
0xb0: {  	[sflag:s17] =	ssyncadd.s32 $0xFFFFFFC0  }
0xb1: {  	_ =	swait.ge [sflag:s17], $0x40  }
0xb2: {  	[sflag:s17] =	ssyncset.done $0x0  }
0xb3: {  	[sflag:s17] =	ssyncadd.s32 $0xFFFFFFC0  }
0xb4: {  	[tilespmem:s29], [sflag:$0x4] =	stream.indirect.gather [hbm4b:s14+s12], $0x80, s8, s12, $0xb8;
	[tilespmem:$0x1E000] =	vst v63  }
0xb5: {  	s19 =	simm.s32 $0x0  }
0xb6: {  	[tilespmem:s30], [sflag:$0x4] =	stream.indirect.gather [hbm4b:s14+s12], $0x80, s9, s12, $0xb8;
	[tilespmem:$0x1E000] =	vst v63  }
0xb7: {  	v15 =	vld [tilespmem:s19+$0x2230]  }
0xb8: {  	v5 =	vld [tilespmem:s19+$0x6270];
	_ =	sdelay $0x1  }
0xb9: {  	v10 =	vld [tilespmem:s19+$0x2200]  }
0xba: {  	v6 =	vld [tilespmem:s19+$0x6240];
	_ =	sdelay $0x1  }
0xbb: {  	v5 =	vadd.f32 v5, v15  }
0xbc: {  	v11 =	vld [tilespmem:s19+$0x2210]  }
0xbd: {  	v9 =	vld [tilespmem:s19+$0x6250];
	v8 =	vmul.f32 $2.000000030e-01, v5  }
0xbe: {  	v6 =	vadd.f32 v6, v10  }
0xbf: {  	v7 =	vld [tilespmem:s19+$0x2220];
	v5 =	vmax.f32 v5, v8  }
0xc0: {  	v12 =	vmul.f32 $2.000000030e-01, v6;
	v8 =	vld [tilespmem:s19+$0x6260];
	v5 =	vmul.f32 v5, v4;
	_ =	sdelay $0x1  }
0xc1: {  	s4 =	simm.s32 $0x80;
	(xrf2) =	vadd.scan.msk.f32 $0xffff, v5;
	v5 =	vadd.f32 v9, v11;
	v9 =	vmax.f32 v6, v12  }
0xc2: {  	v13 =	vld [tilespmem:s4+$0x6270];
	v9 =	vmul.f32 v9, v1  }
0xc3: {  	v6 =	vld [tilespmem:s4+$0x2230]  }
0xc4: {  	v14 =	vld [tilespmem:s4+$0x2200];
	v8 =	vadd.f32 v8, v7;
	v12 =	vmul.f32 $2.000000030e-01, v5;
	(xrf2) =	vadd.scan.msk.f32 $0xffff, v9  }
0xc5: {  	v17 =	vld [tilespmem:s4+$0x6240]  }
0xc6: {  	v9 =	vld [tilespmem:s4+$0x6250];
	v16 =	vmul.f32 $2.000000030e-01, v8;
	v5 =	vmax.f32 v5, v12  }
0xc7: {  	v12 =	vld [tilespmem:s4+$0x2210];
	v5 =	vmul.f32 v5, v2  }
0xc8: {  	v13 =	vadd.f32 v13, v6;
	v8 =	vmax.f32 v8, v16  }
0xc9: {  	v8 =	vmul.f32 v8, v3;
	(xrf2) =	vadd.scan.msk.f32 $0xffff, v5  }
0xca: {  	v18 =	vld [tilespmem:s4+$0x6260];
	v16 =	vadd.f32 v17, v14;
	v17 =	vmul.f32 $2.000000030e-01, v13  }
0xcb: {  	v5 =	vld [tilespmem:s4+$0x2220]  }
0xcc: {  	v19 =	vmul.f32 $2.000000030e-01, v16;
	v13 =	vmax.f32 v13, v17;
	v17 =	vadd.f32 v9, v12  }
0xcd: {  	s18 =	simm.s32 $0x100;
	(xrf2) =	vadd.scan.msk.f32 $0xffff, v8;
	v13 =	vmul.f32 v13, v4;
	v8, _, _ =	vpop (xrf2)  }
0xce: {  	v21 =	vld [tilespmem:s18+$0x6270];
	v16 =	vmax.f32 v16, v19;
	v19 =	vmul.f32 $2.000000030e-01, v17;
	v8 =	vmul.f32 $1.442695020e+00, v8;
	v20, _, _ =	vpop (xrf2)  }
0xcf: {  	v9 =	vld [tilespmem:s18+$0x2230];
	(xrf2) =	vadd.scan.msk.f32 $0xffff, v13;
	v13 =	vmul.f32 v16, v1;
	v16 =	vmul.f32 $1.442695020e+00, v20  }
0xd0: {  	v18 =	vadd.f32 v18, v5  }
0xd1: {  	v17 =	vmax.f32 v17, v19;
	v8 =	vbroadcast v8, $0xF  }
0xd2: {  	v17 =	vmul.f32 v17, v2;
	v22 =	vmul.f32 $2.000000030e-01, v18  }
0xd3: {  	v19 =	vld [tilespmem:s18+$0x6240];
	(xrf2) =	vadd.scan.msk.f32 $0xffff, v13;
	(erf) = vpow2.f32 v8;
	v20 =	vbroadcast v16, $0xF;
	v16, _, _ =	vpop (xrf2)  }
0xd4: {  	v8 =	vld [tilespmem:s18+$0x2200];
	(xrf2) =	vadd.scan.msk.f32 $0xffff, v17;
	v17 =	vmax.f32 v18, v22;
	v18 =	vadd.f32 v21, v9;
	v24 =	vmul.f32 $1.442695020e+00, v16  }
0xd5: {  	v23 =	vld [tilespmem:s18+$0x6250]  }
0xd6: {  	v13 =	vld [tilespmem:s18+$0x2210];
	v22 =	vbroadcast v24, $0xF;
	v24 =	vmul.f32 $2.000000030e-01, v18  }
0xd7: {  	(erf) = vpow2.f32 v20;
	v21 =	vld [tilespmem:s18+$0x6260];
	v25, _, _ =	vpop (xrf2)  }
0xd8: {  	v16 =	vld [tilespmem:s18+$0x2220];
	v17 =	vmul.f32 v17, v3;
	v20 =	vmul.f32 $1.442695020e+00, v25  }
0xd9: {  	v19 =	vadd.f32 v19, v8  }
0xda: {  	v20 =	vbroadcast v20, $0xF;
	(erf) = vpow2.f32 v22;
	v18 =	vmax.f32 v18, v24;
	v24, _, _ =	vpop (xrf2);
	(xrf2) =	vadd.scan.msk.f32 $0xffff, v17  }
0xdb: {  	v22 =	vmul.f32 $2.000000030e-01, v19  }
0xdc: {  	v23 =	vadd.f32 v23, v13;
	v18 =	vmul.f32 v18, v4;
	v25 =	vpop (erf);
	(erf) = vpow2.f32 v20  }
0xdd: {  	v26 =	vmul.f32 v25, v15;
	[tilespmem:s19+$0x270] =	vst v25;
	v25 =	vadd.f32 v21, v16;
	v21 =	vmul.f32 $1.442695020e+00, v24  }
0xde: {  	s20 =	simm.s32 $0x180;
	v20 =	vmul.f32 $2.000000030e-01, v23;
	v17 =	vmax.f32 v19, v22  }
0xdf: {  	v24, _, _ =	vpop (xrf2);
	(xrf2) =	vadd.scan.msk.f32 $0xffff, v18;
	v15 =	vld [tilespmem:s20+$0x2230];
	[tilespmem:s19+$0x230] =	vst v26;
	v26 =	vmul.f32 $2.000000030e-01, v25;
	v27 =	vbroadcast v21, $0xF  }
0xe0: {  	v22 =	vmul.f32 v17, v1;
	v20 =	vmax.f32 v23, v20;
	v21 =	vmul.f32 $1.442695020e+00, v24;
	v18 =	vpop (erf);
	v19 =	vld [tilespmem:s20+$0x6270]  }
0xe1: {  	s21 =	simm.s32 $0x800;
	v20 =	vmul.f32 v20, v2;
	v24, _, _ =	vpop (xrf2);
	v17 =	vld [tilespmem:s20+$0x2200];
	[tilespmem:s19+$0x240] =	vst v18;
	v23 =	vmax.f32 v25, v26;
	(erf) = vpow2.f32 v27  }
.LBB2_5:
0xe2: {  	p0 =	sne.s32 s21, $0x7E00;
	v25 =	vld [tilespmem:s20+$0x6240];
	v23 =	vmul.f32 v23, v3;
	(xrf2) =	vadd.scan.msk.f32 $0xffff, v22;
	v22 =	vmul.f32 $1.442695020e+00, v24  }
0xe3: {  	v29 =	vbroadcast v21, $0xF;
	v18 =	vmul.f32 v18, v10;
	v10 =	vmov v14;
	v24 =	vld [tilespmem:s20+$0x2210];
	v26 =	vpop (erf)  }
0xe4: {  	v27 =	vld [tilespmem:s20+$0x6250];
	v22 =	vbroadcast v22, $0xF;
	v14, _, _ =	vpop (xrf2);
	v28 =	vmul.f32 v26, v11;
	[tilespmem:s19+$0x250] =	vst v26;
	v11 =	vmov v12  }
0xe5: {  	v26 =	vld [tilespmem:s20+$0x2220];
	v19 =	vadd.f32 v19, v15;
	(xrf2) =	vadd.scan.msk.f32 $0xffff, v20;
	v20 =	vmul.f32 $1.442695020e+00, v14;
	(erf) = vpow2.f32 v29;
	v21 =	vpop (erf)  }
0xe6: {  	v12 =	vmovc v13;
	v14 =	vmovc v8;
	v29 =	vld [tilespmem:s20+$0x6260];
	[tilespmem:s19+$0x200] =	vst v18;
	v18 =	vmul.f32 v21, v7;
	v7 =	vmov v5;
	v5 =	vmov v16  }
0xe7: {  	v8 =	vmovc v17;
	v25 =	vadd.f32 v25, v17;
	v31 =	vmul.f32 $2.000000030e-01, v19;
	v30 =	vbroadcast v20, $0xF;
	[tilespmem:s19+$0x210] =	vst v28  }
0xe8: {  	(xrf2) =	vadd.scan.msk.f32 $0xffff, v23;
	(erf) = vpow2.f32 v22;
	[tilespmem:s19+$0x220] =	vst v18;
	v13 =	vmov v24  }
0xe9: {  	v17 =	vmul.f32 $2.000000030e-01, v25;
	v18 =	vadd.f32 v27, v13;
	v22 =	vmax.f32 v19, v31;
	v19, _, _ =	vpop (xrf2);
	[tilespmem:s19+$0x260] =	vst v21;
	s19 =	smov.u32 s4;
	s4 =	smov.u32 s18;
	s18 =	smov.u32 s20  }
0xea: {  	v21 =	vmul.f32 v22, v4;
	(erf) = vpow2.f32 v30;
	v20 =	vpop (erf);
	v16 =	vmov v26  }
.Ltmp3:
0xeb: {  	v19 =	vmul.f32 $1.442695020e+00, v19;
	v23 =	vadd.f32 v29, v16;
	v22 =	vmul.f32 v20, v6;
	[tilespmem:s19+$0x270] =	vst v20;
	v6 =	vmovc v9;
	(pc) =	sbr.rel @p0 .LBB2_5-.Ltmp3, $4  }
0xec: {  	s20 =	sshra.s32 s21, $0x2;
	v17 =	vmax.f32 v25, v17;
	v20 =	vmul.f32 $2.000000030e-01, v18;
	v9 =	vmov v15;
	v24, _, _ =	vpop (xrf2)  }
0xed: {  	v26 =	vbroadcast v19, $0xF;
	v15 =	vld [tilespmem:s20+$0x2230];
	v25 =	vmul.f32 $2.000000030e-01, v23;
	(xrf2) =	vadd.scan.msk.f32 $0xffff, v21;
	[tilespmem:s19+$0x230] =	vst v22  }
0xee: {  	v22 =	vmul.f32 v17, v1;
	v20 =	vmax.f32 v18, v20;
	v21 =	vmul.f32 $1.442695020e+00, v24;
	v19 =	vld [tilespmem:s20+$0x6270];
	v18 =	vpop (erf)  }
0xef: {  	s21 =	sadd.s32 $0x200, s21;
	v20 =	vmul.f32 v20, v2;
	v17 =	vld [tilespmem:s20+$0x2200];
	v23 =	vmax.f32 v23, v25;
	v24, _, _ =	vpop (xrf2);
	(erf) = vpow2.f32 v26;
	[tilespmem:s19+$0x240] =	vst v18  }
0xf0: {  	v26 =	vld [tilespmem:s20+$0x2210]  }
0xf1: {  	v28 =	vld [tilespmem:s20+$0x6250]  }
0xf2: {  	v25 =	vld [tilespmem:s20+$0x6240];
	v27 =	vpop (erf)  }
0xf3: {  	v24 =	vmul.f32 $1.442695020e+00, v24;
	[tilespmem:s19+$0x250] =	vst v27  }
0xf4: {  	v23 =	vmul.f32 v23, v3;
	(xrf2) =	vadd.scan.msk.f32 $0xffff, v22;
	v21 =	vbroadcast v21, $0xF;
	v29 =	vld [tilespmem:s20+$0x2220]  }
0xf5: {  	(xrf2) =	vadd.scan.msk.f32 $0xffff, v20;
	v19 =	vadd.f32 v19, v15;
	v30 =	vld [tilespmem:s20+$0x6260]  }
0xf6: {  	v24 =	vbroadcast v24, $0xF;
	v20, _, _ =	vpop (xrf2);
	(xrf2) =	vadd.scan.msk.f32 $0xffff, v23;
	(erf) = vpow2.f32 v21;
	v23 =	vadd.f32 v28, v26  }
0xf7: {  	v20 =	vmul.f32 $1.442695020e+00, v20;
	v22 =	vmul.f32 $2.000000030e-01, v19;
	v25 =	vadd.f32 v25, v17  }
0xf8: {  	(erf) = vpow2.f32 v24;
	v21 =	vmul.f32 $2.000000030e-01, v23  }
0xf9: {  	v20 =	vbroadcast v20, $0xF;
	v19 =	vmax.f32 v19, v22;
	v22 =	vmul.f32 $2.000000030e-01, v25  }
0xfa: {  	v19 =	vmul.f32 v19, v4;
	v63 =	vadd.f32 v30, v29;
	v21 =	vmax.f32 v23, v21  }
0xfb: {  	(erf) = vpow2.f32 v20;
	v22 =	vmax.f32 v25, v22;
	v20 =	vmul.f32 v21, v2  }
0xfc: {  	(xrf2) =	vadd.scan.msk.f32 $0xffff, v19;
	v19 =	vmul.f32 $2.000000030e-01, v63;
	v22 =	vmul.f32 v22, v1  }
0xfd: {  	v10 =	vmul.f32 v18, v10;
	v18 =	vpop (erf)  }
0xfe: {  	v7 =	vmul.f32 v18, v7;
	v23, _, _ =	vpop (xrf2);
	v19 =	vmax.f32 v63, v19;
	(xrf2) =	vadd.scan.msk.f32 $0xffff, v22  }
0xff: {  	v19 =	vmul.f32 v19, v3;
	(xrf2) =	vadd.scan.msk.f32 $0xffff, v20;
	v20, _, _ =	vpop (xrf2)  }
0x100: {  	[tilespmem:s19+$0x200] =	vst v10;
	v10 =	vmul.f32 $1.442695020e+00, v20  }
0x101: {  	v21 =	vmul.f32 $1.442695020e+00, v23  }
0x102: {  	v11 =	vmul.f32 v27, v11;
	[tilespmem:s19+$0x220] =	vst v7;
	v7 =	vpop (erf);
	v10 =	vbroadcast v10, $0xF  }
0x103: {  	v21 =	vbroadcast v21, $0xF;
	(xrf2) =	vadd.scan.msk.f32 $0xffff, v19;
	v19, _, _ =	vpop (xrf2)  }
0x104: {  	[tilespmem:s19+$0x210] =	vst v11;
	v6 =	vmul.f32 v7, v6;
	v20, _, _ =	vpop (xrf2);
	v11 =	vmul.f32 $1.442695020e+00, v19  }
0x105: {  	(erf) = vpow2.f32 v21;
	v19 =	vmul.f32 $1.442695020e+00, v20  }
0x106: {  	[tilespmem:s19+$0x260] =	vst v18;
	(erf) = vpow2.f32 v10;
	v11 =	vbroadcast v11, $0xF;
	v10, _, _ =	vpop (xrf2)  }
0x107: {  	[tilespmem:s4+$0x270] =	vst v7;
	v18 =	vpop (erf);
	v7 =	vbroadcast v19, $0xF;
	v10 =	vmul.f32 $1.442695020e+00, v10  }
0x108: {  	(erf) = vpow2.f32 v11;
	v11 =	vmul.f32 v18, v14  }
0x109: {  	[tilespmem:s4+$0x230] =	vst v6;
	v6 =	vpop (erf);
	v10 =	vbroadcast v10, $0xF  }
0x10a: {  	[tilespmem:s4+$0x240] =	vst v18;
	v14 =	vpop (erf);
	(erf) = vpow2.f32 v7  }
0x10b: {  	[tilespmem:s4+$0x250] =	vst v6;
	v7 =	vmul.f32 v6, v12;
	v6, _, _ =	vpop (xrf2);
	v5 =	vmul.f32 v14, v5  }
0x10c: {  	[tilespmem:s4+$0x200] =	vst v11;
	v6 =	vmul.f32 $1.442695020e+00, v6;
	v11, _, _ =	vpop (xrf2)  }
0x10d: {  	[tilespmem:s4+$0x210] =	vst v7;
	(erf) = vpow2.f32 v10;
	v7 =	vmul.f32 $1.442695020e+00, v11;
	v10, _, _ =	vpop (xrf2)  }
0x10e: {  	[tilespmem:s4+$0x260] =	vst v14;
	v6 =	vbroadcast v6, $0xF;
	v10 =	vmul.f32 $1.442695020e+00, v10  }
0x10f: {  	[tilespmem:s4+$0x220] =	vst v5;
	v5 =	vpop (erf);
	v7 =	vbroadcast v7, $0xF  }
0x110: {  	v9 =	vmul.f32 v5, v9;
	[tilespmem:s18+$0x270] =	vst v5;
	v5 =	vbroadcast v10, $0xF;
	_ =	sdelay $0x1  }
0x111: {  	(erf) = vpow2.f32 v6;
	v6 =	vpop (erf)  }
0x112: {  	(erf) = vpow2.f32 v7;
	[tilespmem:s18+$0x240] =	vst v6;
	v6 =	vmul.f32 v6, v8;
	v7 =	vpop (erf)  }
0x113: {  	(erf) = vpow2.f32 v5;
	v5 =	vpop (erf)  }
0x114: {  	[tilespmem:s18+$0x200] =	vst v6;
	v6 =	vmul.f32 v5, v16;
	_ =	sdelay $0x2  }
0x115: {  	[tilespmem:s18+$0x230] =	vst v9  }
0x116: {  	[tilespmem:s18+$0x220] =	vst v6;
	v6 =	vpop (erf)  }
0x117: {  	v8 =	vmul.f32 v7, v13;
	[tilespmem:s18+$0x260] =	vst v5;
	v5 =	vmul.f32 v6, v15  }
0x118: {  	[tilespmem:s18+$0x250] =	vst v7  }
0x119: {  	[tilespmem:s18+$0x210] =	vst v8  }
0x11a: {  	[tilespmem:s20+$0x270] =	vst v6  }
0x11b: {  	[tilespmem:s20+$0x230] =	vst v5;
	v5 =	vpop (erf)  }
0x11c: {  	[tilespmem:s20+$0x240] =	vst v5;
	v5 =	vmul.f32 v5, v17;
	v6 =	vpop (erf)  }
0x11d: {  	[tilespmem:s20+$0x250] =	vst v6  }
0x11e: {  	v7 =	vmul.f32 v6, v26;
	v6 =	vpop (erf);
	[tilespmem:s20+$0x200] =	vst v5  }
0x11f: {  	v5 =	vmul.f32 v6, v29;
	[tilespmem:s20+$0x260] =	vst v6  }
0x120: {  	[tilespmem:s20+$0x210] =	vst v7  }
0x121: {  	[tilespmem:s20+$0x220] =	vst v5  }
0x122: {  	[spmem:s1] =	stream.indirect.scatter.add.f32 [tilespmem:s6], [sflag:$0x5], $0x80, s7, s12, $0xb8;
	[tilespmem:$0x1E000] =	vst v63  }
0x123: {  	_ =	swait.ge [sflag:s5], $0x2000  }
0x124: {  	p0 =	seq.s32 s11, $0x50;
	[sflag:s5] =	ssyncset.done $0x0  }
0x125: {  	s18 =	simm.s32 @p0 $0x4;
	[sflag:s5] =	ssyncadd.s32 $0xFFFFE000  }
0x126: {  	_ =	swait.ge @p0 [sflag:s18], $0x2000  }
0x127: {  	[sflag:s18] =	ssyncset.done @p0 $0x0  }
0x128: {  	s4 =	sshll.u32 s11, $0x7;
	[sflag:s18] =	ssyncadd.s32 @p0 $0xFFFFE000  }
0x129: {  	s19 =	sadd.s32 @!p0 s4, s0;
	_ =	swait.ge @p0 [sflag:s18], $0x2000  }
0x12a: {  	s19 =	sshrl.u32 @!p0 s19, $0x3;
	[sflag:s18] =	ssyncset.done @p0 $0x0  }
0x12b: {  	s20 =	simm.s32 @!p0 $0x0;
	[sflag:s18] =	ssyncadd.s32 @p0 $0xFFFFE000;
	s18 =	sadd.s32 @!p0 s15, s19  }
0x12c: {  	[tilespmem:s20], [sflag:$0x1] =	stream.linear.gather @!p0 [hbm4b:s18+s20], $0x40, $0x38;
	[tilespmem:$0x1E000] =	vst v63  }
0x12d: {  	s18 =	sadd.s32 @!p0 s16, s19;
	s19 =	simm.s32 @!p0 $0x100  }
0x12e: {  	[tilespmem:s19], [sflag:$0x1] =	stream.linear.gather @!p0 [hbm4b:s18+s20], $0x40, $0x38;
	[tilespmem:$0x1E000] =	vst v63  }
0x12f: {  	s18 =	simm.s32 @!p0 $0x4  }
0x130: {  	_ =	swait.ge @!p0 [sflag:s18], $0x2000  }
0x131: {  	[sflag:s18] =	ssyncset.done @!p0 $0x0  }
0x132: {  	[sflag:s18] =	ssyncadd.s32 @!p0 $0xFFFFE000  }
0x133: {  	_ =	swait.ge @!p0 [sflag:s18], $0x2000  }
0x134: {  	[sflag:s18] =	ssyncset.done @!p0 $0x0  }
0x135: {  	[sflag:s18] =	ssyncadd.s32 @!p0 $0xFFFFE000;
	s18 =	simm.s32 @!p0 $0x1  }
0x136: {  	_ =	swait.ge @!p0 [sflag:s18], $0x40  }
0x137: {  	[sflag:s18] =	ssyncset.done @!p0 $0x0  }
0x138: {  	[sflag:s18] =	ssyncadd.s32 @!p0 $0xFFFFFFC0  }
0x139: {  	_ =	swait.ge @!p0 [sflag:s18], $0x40  }
0x13a: {  	[sflag:s18] =	ssyncset.done @!p0 $0x0  }
0x13b: {  	s21 =	simm.s32 @!p0 $0x2200;
	[sflag:s18] =	ssyncadd.s32 @!p0 $0xFFFFFFC0;
	s18 =	simm.s32 @!p0 $0x40  }
0x13c: {  	[tilespmem:s21], [sflag:$0x3] =	stream.indirect.gather @!p0 [hbm4b:s14+s18], $0x80, s20, s18, $0xb8;
	[tilespmem:$0x1E000] =	vst v63  }
0x13d: {  	s20 =	simm.s32 @!p0 $0x6200  }
0x13e: {  	[tilespmem:s20], [sflag:$0x3] =	stream.indirect.gather @!p0 [hbm4b:s14+s18], $0x80, s19, s18, $0xb8;
	[tilespmem:$0x1E000] =	vst v63  }
0x13f: {  	s20 =	simm.s32 $0x0  }
0x140: {  	v15 =	vld [tilespmem:s20+$0x4230]  }
0x141: {  	v5 =	vld [tilespmem:s20+$0x8270];
	_ =	sdelay $0x1  }
0x142: {  	v10 =	vld [tilespmem:s20+$0x4200]  }
0x143: {  	v6 =	vld [tilespmem:s20+$0x8240];
	_ =	sdelay $0x1  }
0x144: {  	v5 =	vadd.f32 v5, v15  }
0x145: {  	v11 =	vld [tilespmem:s20+$0x4210]  }
0x146: {  	v9 =	vld [tilespmem:s20+$0x8250];
	v8 =	vmul.f32 $2.000000030e-01, v5  }
0x147: {  	v6 =	vadd.f32 v6, v10  }
0x148: {  	v7 =	vld [tilespmem:s20+$0x4220];
	v5 =	vmax.f32 v5, v8  }
0x149: {  	v12 =	vmul.f32 $2.000000030e-01, v6;
	v8 =	vld [tilespmem:s20+$0x8260];
	v5 =	vmul.f32 v5, v4;
	_ =	sdelay $0x1  }
0x14a: {  	s18 =	simm.s32 $0x80;
	(xrf2) =	vadd.scan.msk.f32 $0xffff, v5;
	v5 =	vadd.f32 v9, v11;
	v9 =	vmax.f32 v6, v12  }
0x14b: {  	v13 =	vld [tilespmem:s18+$0x8270];
	v9 =	vmul.f32 v9, v1  }
0x14c: {  	v6 =	vld [tilespmem:s18+$0x4230]  }
0x14d: {  	v14 =	vld [tilespmem:s18+$0x4200];
	v8 =	vadd.f32 v8, v7;
	v12 =	vmul.f32 $2.000000030e-01, v5;
	(xrf2) =	vadd.scan.msk.f32 $0xffff, v9  }
0x14e: {  	v17 =	vld [tilespmem:s18+$0x8240]  }
0x14f: {  	v9 =	vld [tilespmem:s18+$0x8250];
	v16 =	vmul.f32 $2.000000030e-01, v8;
	v5 =	vmax.f32 v5, v12  }
0x150: {  	v12 =	vld [tilespmem:s18+$0x4210];
	v5 =	vmul.f32 v5, v2  }
0x151: {  	v13 =	vadd.f32 v13, v6;
	v8 =	vmax.f32 v8, v16  }
0x152: {  	v8 =	vmul.f32 v8, v3;
	(xrf2) =	vadd.scan.msk.f32 $0xffff, v5  }
0x153: {  	v18 =	vld [tilespmem:s18+$0x8260];
	v16 =	vadd.f32 v17, v14;
	v17 =	vmul.f32 $2.000000030e-01, v13  }
0x154: {  	v5 =	vld [tilespmem:s18+$0x4220]  }
0x155: {  	v19 =	vmul.f32 $2.000000030e-01, v16;
	v13 =	vmax.f32 v13, v17;
	v17 =	vadd.f32 v9, v12  }
0x156: {  	s19 =	simm.s32 $0x100;
	(xrf2) =	vadd.scan.msk.f32 $0xffff, v8;
	v13 =	vmul.f32 v13, v4;
	v8, _, _ =	vpop (xrf2)  }
0x157: {  	v21 =	vld [tilespmem:s19+$0x8270];
	v16 =	vmax.f32 v16, v19;
	v19 =	vmul.f32 $2.000000030e-01, v17;
	v8 =	vmul.f32 $1.442695020e+00, v8;
	v20, _, _ =	vpop (xrf2)  }
0x158: {  	v9 =	vld [tilespmem:s19+$0x4230];
	(xrf2) =	vadd.scan.msk.f32 $0xffff, v13;
	v13 =	vmul.f32 v16, v1;
	v16 =	vmul.f32 $1.442695020e+00, v20  }
0x159: {  	v18 =	vadd.f32 v18, v5  }
0x15a: {  	v17 =	vmax.f32 v17, v19;
	v8 =	vbroadcast v8, $0xF  }
0x15b: {  	v17 =	vmul.f32 v17, v2;
	v22 =	vmul.f32 $2.000000030e-01, v18  }
0x15c: {  	v19 =	vld [tilespmem:s19+$0x8240];
	(xrf2) =	vadd.scan.msk.f32 $0xffff, v13;
	(erf) = vpow2.f32 v8;
	v20 =	vbroadcast v16, $0xF;
	v16, _, _ =	vpop (xrf2)  }
0x15d: {  	v8 =	vld [tilespmem:s19+$0x4200];
	(xrf2) =	vadd.scan.msk.f32 $0xffff, v17;
	v17 =	vmax.f32 v18, v22;
	v18 =	vadd.f32 v21, v9;
	v24 =	vmul.f32 $1.442695020e+00, v16  }
0x15e: {  	v23 =	vld [tilespmem:s19+$0x8250]  }
0x15f: {  	v13 =	vld [tilespmem:s19+$0x4210];
	v22 =	vbroadcast v24, $0xF;
	v24 =	vmul.f32 $2.000000030e-01, v18  }
0x160: {  	(erf) = vpow2.f32 v20;
	v21 =	vld [tilespmem:s19+$0x8260];
	v25, _, _ =	vpop (xrf2)  }
0x161: {  	v16 =	vld [tilespmem:s19+$0x4220];
	v17 =	vmul.f32 v17, v3;
	v20 =	vmul.f32 $1.442695020e+00, v25  }
0x162: {  	v19 =	vadd.f32 v19, v8  }
0x163: {  	v20 =	vbroadcast v20, $0xF;
	(erf) = vpow2.f32 v22;
	v18 =	vmax.f32 v18, v24;
	v24, _, _ =	vpop (xrf2);
	(xrf2) =	vadd.scan.msk.f32 $0xffff, v17  }
0x164: {  	v22 =	vmul.f32 $2.000000030e-01, v19  }
0x165: {  	v23 =	vadd.f32 v23, v13;
	v18 =	vmul.f32 v18, v4;
	v25 =	vpop (erf);
	(erf) = vpow2.f32 v20  }
0x166: {  	v26 =	vmul.f32 v25, v15;
	[tilespmem:s20+$0x270] =	vst v25;
	v25 =	vadd.f32 v21, v16;
	v21 =	vmul.f32 $1.442695020e+00, v24  }
0x167: {  	s21 =	simm.s32 $0x180;
	v20 =	vmul.f32 $2.000000030e-01, v23;
	v17 =	vmax.f32 v19, v22  }
0x168: {  	v24, _, _ =	vpop (xrf2);
	(xrf2) =	vadd.scan.msk.f32 $0xffff, v18;
	v15 =	vld [tilespmem:s21+$0x4230];
	[tilespmem:s20+$0x230] =	vst v26;
	v26 =	vmul.f32 $2.000000030e-01, v25;
	v27 =	vbroadcast v21, $0xF  }
0x169: {  	v22 =	vmul.f32 v17, v1;
	v20 =	vmax.f32 v23, v20;
	v21 =	vmul.f32 $1.442695020e+00, v24;
	v18 =	vpop (erf);
	v19 =	vld [tilespmem:s21+$0x8270]  }
0x16a: {  	s22 =	simm.s32 $0x800;
	v20 =	vmul.f32 v20, v2;
	v24, _, _ =	vpop (xrf2);
	v17 =	vld [tilespmem:s21+$0x4200];
	[tilespmem:s20+$0x240] =	vst v18;
	v23 =	vmax.f32 v25, v26;
	(erf) = vpow2.f32 v27  }
.LBB2_7:
0x16b: {  	p1 =	sne.s32 s22, $0x7E00;
	v25 =	vld [tilespmem:s21+$0x8240];
	v23 =	vmul.f32 v23, v3;
	(xrf2) =	vadd.scan.msk.f32 $0xffff, v22;
	v22 =	vmul.f32 $1.442695020e+00, v24  }
0x16c: {  	v29 =	vbroadcast v21, $0xF;
	v18 =	vmul.f32 v18, v10;
	v10 =	vmov v14;
	v24 =	vld [tilespmem:s21+$0x4210];
	v26 =	vpop (erf)  }
0x16d: {  	v27 =	vld [tilespmem:s21+$0x8250];
	v22 =	vbroadcast v22, $0xF;
	v14, _, _ =	vpop (xrf2);
	v28 =	vmul.f32 v26, v11;
	[tilespmem:s20+$0x250] =	vst v26;
	v11 =	vmov v12  }
0x16e: {  	v26 =	vld [tilespmem:s21+$0x4220];
	v19 =	vadd.f32 v19, v15;
	(xrf2) =	vadd.scan.msk.f32 $0xffff, v20;
	v20 =	vmul.f32 $1.442695020e+00, v14;
	(erf) = vpow2.f32 v29;
	v21 =	vpop (erf)  }
0x16f: {  	v12 =	vmovc v13;
	v14 =	vmovc v8;
	v29 =	vld [tilespmem:s21+$0x8260];
	[tilespmem:s20+$0x200] =	vst v18;
	v18 =	vmul.f32 v21, v7;
	v7 =	vmov v5;
	v5 =	vmov v16  }
0x170: {  	v8 =	vmovc v17;
	v25 =	vadd.f32 v25, v17;
	v31 =	vmul.f32 $2.000000030e-01, v19;
	v30 =	vbroadcast v20, $0xF;
	[tilespmem:s20+$0x210] =	vst v28  }
0x171: {  	(xrf2) =	vadd.scan.msk.f32 $0xffff, v23;
	(erf) = vpow2.f32 v22;
	[tilespmem:s20+$0x220] =	vst v18;
	v13 =	vmov v24  }
0x172: {  	v17 =	vmul.f32 $2.000000030e-01, v25;
	v18 =	vadd.f32 v27, v13;
	v22 =	vmax.f32 v19, v31;
	v19, _, _ =	vpop (xrf2);
	[tilespmem:s20+$0x260] =	vst v21;
	s20 =	smov.u32 s18;
	s18 =	smov.u32 s19;
	s19 =	smov.u32 s21  }
0x173: {  	v21 =	vmul.f32 v22, v4;
	(erf) = vpow2.f32 v30;
	v20 =	vpop (erf);
	v16 =	vmov v26  }
.Ltmp4:
0x174: {  	v19 =	vmul.f32 $1.442695020e+00, v19;
	v23 =	vadd.f32 v29, v16;
	v22 =	vmul.f32 v20, v6;
	[tilespmem:s20+$0x270] =	vst v20;
	v6 =	vmovc v9;
	(pc) =	sbr.rel @p1 .LBB2_7-.Ltmp4, $4  }
0x175: {  	s21 =	sshra.s32 s22, $0x2;
	v17 =	vmax.f32 v25, v17;
	v20 =	vmul.f32 $2.000000030e-01, v18;
	v9 =	vmov v15;
	v24, _, _ =	vpop (xrf2)  }
0x176: {  	v26 =	vbroadcast v19, $0xF;
	v15 =	vld [tilespmem:s21+$0x4230];
	v25 =	vmul.f32 $2.000000030e-01, v23;
	(xrf2) =	vadd.scan.msk.f32 $0xffff, v21;
	[tilespmem:s20+$0x230] =	vst v22  }
0x177: {  	v22 =	vmul.f32 v17, v1;
	v20 =	vmax.f32 v18, v20;
	v21 =	vmul.f32 $1.442695020e+00, v24;
	v19 =	vld [tilespmem:s21+$0x8270];
	v18 =	vpop (erf)  }
0x178: {  	s22 =	sadd.s32 $0x200, s22;
	v20 =	vmul.f32 v20, v2;
	v17 =	vld [tilespmem:s21+$0x4200];
	v23 =	vmax.f32 v23, v25;
	v24, _, _ =	vpop (xrf2);
	(erf) = vpow2.f32 v26;
	[tilespmem:s20+$0x240] =	vst v18  }
0x179: {  	v25 =	vld [tilespmem:s21+$0x8240]  }
0x17a: {  	v26 =	vld [tilespmem:s21+$0x4210];
	v27 =	vpop (erf)  }
0x17b: {  	v28 =	vld [tilespmem:s21+$0x8250];
	[tilespmem:s20+$0x250] =	vst v27  }
0x17c: {  	v29 =	vld [tilespmem:s21+$0x4220]  }
0x17d: {  	v19 =	vadd.f32 v19, v15;
	v30 =	vld [tilespmem:s21+$0x8260]  }
0x17e: {  	v24 =	vmul.f32 $1.442695020e+00, v24;
	v21 =	vbroadcast v21, $0xF  }
0x17f: {  	v23 =	vmul.f32 v23, v3;
	(xrf2) =	vadd.scan.msk.f32 $0xffff, v22;
	v40 =	vmul.f32 $2.000000030e-01, v19  }
0x180: {  	(xrf2) =	vadd.scan.msk.f32 $0xffff, v20;
	v24 =	vbroadcast v24, $0xF;
	v41, _, _ =	vpop (xrf2);
	(erf) = vpow2.f32 v21;
	v25 =	vadd.f32 v25, v17  }
0x181: {  	(xrf2) =	vadd.scan.msk.f32 $0xffff, v23;
	v20 =	vmul.f32 $1.442695020e+00, v41;
	v42 =	vadd.f32 v28, v26;
	v19 =	vmax.f32 v19, v40  }
0x182: {  	v50 =	vpop (erf);
	v43 =	vmul.f32 $2.000000030e-01, v25;
	v19 =	vmul.f32 v19, v4;
	v44 =	vadd.f32 v30, v29  }
0x183: {  	v7 =	vmul.f32 v50, v7;
	v45 =	vmul.f32 $2.000000030e-01, v42  }
0x184: {  	v20 =	vbroadcast v20, $0xF;
	v22 =	vmax.f32 v25, v43;
	(xrf2) =	vadd.scan.msk.f32 $0xffff, v19;
	v46 =	vmul.f32 $2.000000030e-01, v44  }
0x185: {  	(erf) = vpow2.f32 v24;
	v21 =	vmax.f32 v42, v45;
	v22 =	vmul.f32 v22, v1  }
0x186: {  	v47, _, _ =	vpop (xrf2);
	(erf) = vpow2.f32 v20;
	v48 =	vmul.f32 v21, v2;
	v19 =	vmax.f32 v44, v46  }
0x187: {  	v49 =	vmul.f32 $1.442695020e+00, v47;
	(xrf2) =	vadd.scan.msk.f32 $0xffff, v22;
	v19 =	vmul.f32 v19, v3  }
0x188: {  	v10 =	vmul.f32 v18, v10;
	[tilespmem:s20+$0x220] =	vst v7;
	v7 =	vpop (erf);
	(xrf2) =	vadd.scan.msk.f32 $0xffff, v48  }
0x189: {  	v11 =	vmul.f32 v27, v11;
	v51, _, _ =	vpop (xrf2);
	v21 =	vbroadcast v49, $0xF;
	(xrf2) =	vadd.scan.msk.f32 $0xffff, v19  }
0x18a: {  	v6 =	vmul.f32 v7, v6;
	v52, _, _ =	vpop (xrf2);
	v53 =	vmul.f32 $1.442695020e+00, v51  }
0x18b: {  	[tilespmem:s20+$0x200] =	vst v10;
	v54, _, _ =	vpop (xrf2);
	(erf) = vpow2.f32 v21;
	v55 =	vmul.f32 $1.442695020e+00, v52  }
0x18c: {  	[tilespmem:s20+$0x210] =	vst v11;
	v57 =	vpop (erf);
	v10 =	vbroadcast v53, $0xF;
	v56 =	vmul.f32 $1.442695020e+00, v54  }
0x18d: {  	[tilespmem:s20+$0x260] =	vst v50;
	v59 =	vmul.f32 v57, v14;
	v11 =	vbroadcast v55, $0xF  }
0x18e: {  	[tilespmem:s18+$0x270] =	vst v7;
	(erf) = vpow2.f32 v10;
	v7 =	vbroadcast v56, $0xF;
	v58, _, _ =	vpop (xrf2)  }
0x18f: {  	[tilespmem:s18+$0x230] =	vst v6;
	v6 =	vpop (erf);
	(erf) = vpow2.f32 v11;
	v10 =	vmul.f32 $1.442695020e+00, v58  }
0x190: {  	[tilespmem:s18+$0x240] =	vst v57;
	v60 =	vpop (erf);
	(erf) = vpow2.f32 v7;
	v7 =	vmul.f32 v6, v12  }
0x191: {  	[tilespmem:s18+$0x250] =	vst v6;
	v5 =	vmul.f32 v60, v5;
	v6, _, _ =	vpop (xrf2);
	v10 =	vbroadcast v10, $0xF  }
0x192: {  	[tilespmem:s18+$0x200] =	vst v59;
	v6 =	vmul.f32 $1.442695020e+00, v6;
	v61, _, _ =	vpop (xrf2)  }
0x193: {  	[tilespmem:s18+$0x210] =	vst v7;
	v7 =	vmul.f32 $1.442695020e+00, v61;
	(erf) = vpow2.f32 v10;
	v62, _, _ =	vpop (xrf2)  }
0x194: {  	[tilespmem:s18+$0x260] =	vst v60;
	v6 =	vbroadcast v6, $0xF;
	v10 =	vmul.f32 $1.442695020e+00, v62  }
0x195: {  	[tilespmem:s18+$0x220] =	vst v5;
	v5 =	vpop (erf);
	v7 =	vbroadcast v7, $0xF  }
0x196: {  	v9 =	vmul.f32 v5, v9;
	[tilespmem:s19+$0x270] =	vst v5;
	v5 =	vbroadcast v10, $0xF;
	_ =	sdelay $0x1  }
0x197: {  	(erf) = vpow2.f32 v6;
	v6 =	vpop (erf)  }
0x198: {  	(erf) = vpow2.f32 v7;
	[tilespmem:s19+$0x240] =	vst v6;
	v6 =	vmul.f32 v6, v8;
	v7 =	vpop (erf)  }
0x199: {  	(erf) = vpow2.f32 v5;
	v5 =	vpop (erf)  }
0x19a: {  	[tilespmem:s19+$0x200] =	vst v6;
	v6 =	vmul.f32 v5, v16;
	_ =	sdelay $0x2  }
0x19b: {  	[tilespmem:s19+$0x230] =	vst v9  }
0x19c: {  	[tilespmem:s19+$0x220] =	vst v6;
	v6 =	vpop (erf)  }
0x19d: {  	v63 =	vmul.f32 v7, v13;
	[tilespmem:s19+$0x260] =	vst v5;
	v5 =	vmul.f32 v6, v15  }
0x19e: {  	[tilespmem:s19+$0x250] =	vst v7  }
0x19f: {  	[tilespmem:s19+$0x210] =	vst v63  }
0x1a0: {  	[tilespmem:s21+$0x270] =	vst v6  }
0x1a1: {  	[tilespmem:s21+$0x230] =	vst v5;
	v5 =	vpop (erf)  }
0x1a2: {  	[tilespmem:s21+$0x240] =	vst v5;
	v5 =	vmul.f32 v5, v17;
	v6 =	vpop (erf)  }
0x1a3: {  	[tilespmem:s21+$0x250] =	vst v6  }
0x1a4: {  	v7 =	vmul.f32 v6, v26;
	v6 =	vpop (erf);
	[tilespmem:s21+$0x200] =	vst v5  }
0x1a5: {  	v5 =	vmul.f32 v6, v29;
	[tilespmem:s21+$0x260] =	vst v6  }
0x1a6: {  	[tilespmem:s21+$0x210] =	vst v7  }
.Ltmp5:
0x1a7: {  	[tilespmem:s21+$0x220] =	vst v5;
	(pc) =	sbr.rel @p0 .LBB2_10-.Ltmp5, $4  }
0x1a8: {  	[spmem:s1] =	stream.indirect.scatter.add.f32 [tilespmem:s6], [sflag:$0x5], $0x80, s9, s12, $0xb8;
	[tilespmem:$0x1E000] =	vst v63  }
0x1a9: {  	_ =	swait.ge [sflag:s5], $0x2000  }
0x1aa: {  	[sflag:s5] =	ssyncset.done $0x0  }
0x1ab: {  	[sflag:s5] =	ssyncadd.s32 $0xFFFFE000  }
0x1ac: {  	s4 =	sadd.s32 s4, s3  }
.Ltmp6:
0x1ad: {  	s4 =	sshrl.u32 s4, $0x3;
	(pc) =	sbr.rel .LBB2_4-.Ltmp6, $4  }
0x1ae: {  	s18 =	sadd.s32 s15, s4  }
0x1af: {  	[tilespmem:s8], [sflag:$0x2] =	stream.linear.gather [hbm4b:s18+s2], $0x40, $0x38;
	[tilespmem:$0x1E000] =	vst v63  }
0x1b0: {  	s11 =	sadd.s32 $0x1, s11;
	s4 =	sadd.s32 s16, s4  }
0x1b1: {  	[tilespmem:s9], [sflag:$0x2] =	stream.linear.gather [hbm4b:s4+s2], $0x40, $0x38;
	[tilespmem:$0x1E000] =	vst v63  }
.LBB2_11:
0x1b2: {  	_ =	sfence.sel $0x180000  }
0x1b3: {  	[bflag:$0x0] =	sbarrier.arrive $0xFFFF  }
0x1b4: {  	_ =	strace $0x9000004A  }
0x1b5: {  	s0 =	stileid.u32;
	[bflag:$0x2] =	sbarrier.arrive $0xFFFF  }
0x1b6: {  	p0 =	sne.s32 s0, $0x0;
	s0 =	rddreg [dreg:$0x2]  }
0x1b7: {  	s0 =	sadd.s32 @!p0 $0x100000, s0  }
0x1b8: {  	[sflag:s0] =	ssyncadd.tile.s32 @!p0 $0x1;
	_ =	shalt  }
.Lfunc_end2:
_tile_overlayer_lowered:
.L_overlay_start_2:
0x1b9: {  	(tag) =	ssettag $0x2  }
0x1ba: {  	s0 =	rddreg [dreg:$0x0];
	s2 =	stileid.u32  }
0x1bb: {  	s1 =	rddreg [dreg:$0x1];
	p0 =	sne.s32 s2, $0x0  }
0x1bc: {  	s3 =	rddreg [dreg:$0x2];
	[bflag:$0x3] =	sbarrier.arrive $0xFFFF;
	s2 =	simm.s32 @!p0 $0x1C05  }
0x1bd: {  	[timem:s3], [sflag:s2] =	dma.local @!p0 [hbm:s0], s1  }
0x1be: {  	s0 =	simm.s32 @!p0 $0x5  }
0x1bf: {  	_ =	swait.ge @!p0 [sflag:s0], s1  }
0x1c0: {  	s1 =	ssub.s32 @!p0 $0x0, s1;
	[sflag:s0] =	ssyncset.done @!p0 $0x0  }
0x1c1: {  	[sflag:s0] =	ssyncadd.s32 @!p0 s1  }
0x1c2: {  	[bflag:$0x3] =	sbarrier.arrive $0xFFFF  }
0x1c3: {  	_ =	shalt  }

// kernel: kernel.7.cloned.1.call-start
scs
__scs_entry_jumppad:
0x0: {  	(pc) =	sbr.rel $0x88, $3  }
0x1: {  	(tag) =	ssettag $0x0;
	lr =	simm.s32 $0x1  }
0x2: {  	[smem:$0x3F8B] =	sst lr;
	_ =	strace $0xD0000000  }
0x3: {  	_ = 	snop  }
0x4: {  	_ = 	snop  }
0x5: {  	_ = 	snop  }
0x6: {  	_ = 	snop  }
0x7: {  	_ = 	snop  }
__scs_overlays_trampoline_lowered:
0x8: {  	[smem:$0x3F9A] =	sst s0  }
0x9: {  	[smem:$0x3F9B] =	sst s1  }
0xa: {  	[smem:$0x3F9C] =	sst s2  }
0xb: {  	[smem:$0x3F9D] =	sst s3  }
0xc: {  	[smem:$0x3F9E] =	sst s4  }
0xd: {  	[smem:$0x3F9F] =	sst s5  }
0xe: {  	[smem:$0x3FA0] =	sst s6  }
0xf: {  	[smem:$0x3FA1] =	sst s7  }
0x10: {  	[smem:$0x3FA2] =	sst s8  }
0x11: {  	[smem:$0x3FA3] =	sst s9;
	s0 =	simm.s32 @!p0 $0x0  }
0x12: {  	s1 =	sld [smem:$0x3F89];
	s0 =	simm.s32 @p0 $0x1  }
0x13: {  	[smem:$0x3FA4] =	sst s0;
	s0 =	simm.s32 @!p1 $0x0  }
0x14: {  	s2 =	sld [smem:$0x3F88];
	s0 =	simm.s32 @p1 $0x1  }
0x15: {  	[smem:$0x3FA5] =	sst s0;
	s0 =	simm.s32 @!p2 $0x0  }
0x16: {  	s3 =	sld [smem:$0x3FDB];
	s0 =	simm.s32 @p2 $0x1  }
0x17: {  	s4 =	simm.s32 $0x1BF5;
	[smem:$0x3FA7] =	sst s0  }
0x18: {  	s0 =	sld [smem:$0x3F8A];
	_ =	swait.ge [sflag:s4], $0x0  }
0x19: {  	s7 =	sld [smem:$0x3F8B]  }
0x1a: {  	s8 =	sadd.s32 $0xFFFFE003, lr  }
0x1b: {  	s9 =	sadd.s32 $0xFFFFFEF7, lr;
	s5 =	simm.s32 $0xFFFFFFFF;
	p2 =	slt.u32 s8, $0xFFFFF086  }
0x1c: {  	p1 =	slt.u32 s9, $0xF7A;
	s5 =	simm.s32 @!p2 $0x0  }
0x1d: {  	s5 =	simm.s32 @p1 $0x1;
	p0 =	seq.s32 s7, s2  }
0x1e: {  	s7 =	smul.u32 @!p0 $0xF7A, s2;
	p2 =	seq.s32 @!p0 s5, $0x0  }
0x1f: {  	s9 =	smul.u32 $0xF7A, s1;
	s8 =	simm.s32 @!p0 $0x1BF5;
	p2 =	por !p2, p0  }
0x20: {  	[sflag:s8] =	ssyncset.s32 @!p0 $0xFFFFF086;
	s6 =	sadd.s32 @!p0 s3, s7;
	s7 =	simm.s32 @!p0 $0x108  }
0x21: {  	s3 =	sadd.s32 s3, s9;
	s6 =	sadd.s32 @!p0 $0x88, s6;
	s7 =	simm.s32 @p2 $0x1082  }
0x22: {  	[simem:s7], [sflag:s8] =	dma.local @!p0 [hbm:s6], $0xF7A  }
0x23: {  	s9 =	sor.u32 $0xD0000000, s2;
	s6 =	simm.s32 $0x108;
	_ =	swait.ge @!p0 [sflag:s8], $0x0  }
0x24: {  	s3 =	sadd.s32 $0x88, s3;
	s6 =	simm.s32 @!p1 $0x1082;
	[sflag:s4] =	ssyncset.s32 $0xFFFFF086  }
0x25: {  	[simem:s6], [sflag:s4] =	dma.local [hbm:s3], $0xF7A  }
0x26: {  	[smem:$0x3F8B] =	sst s1;
	(tag) =	ssettag s2;
	_ =	strace s9  }
0x27: {  	s1 =	sld [smem:$0x3F9B]  }
0x28: {  	s2 =	sld [smem:$0x3F9C]  }
0x29: {  	s4 =	sld [smem:$0x3F9E]  }
0x2a: {  	p0 =	seq.s32 s5, $0x0;
	s5 =	sld [smem:$0x3F9F]  }
0x2b: {  	s6 =	sld [smem:$0x3FA0]  }
0x2c: {  	s7 =	sld [smem:$0x3FA1]  }
0x2d: {  	s3 =	simm.s32 $0x108;
	s8 =	sld [smem:$0x3FA2]  }
0x2e: {  	s3 =	simm.s32 @!p0 $0x1082;
	s9 =	sld [smem:$0x3FA3]  }
0x2f: {  	lr =	sadd.s32 s0, s3;
	s0 =	sld [smem:$0x3F9A]  }
0x30: {  	s3 =	sld [smem:$0x3F9D]  }
0x31: {  	[smem:$0x3FA6] =	sst s10  }
0x32: {  	s10 =	sld [smem:$0x3FA4];
	_ =	sdelay $0x3  }
0x33: {  	p0 =	seq.s32 s10, $0x1;
	s10 =	sld [smem:$0x3FA6];
	_ =	sdelay $0x3  }
0x34: {  	[smem:$0x3FA6] =	sst s10  }
0x35: {  	s10 =	sld [smem:$0x3FA5];
	_ =	sdelay $0x3  }
0x36: {  	p1 =	seq.s32 s10, $0x1;
	s10 =	sld [smem:$0x3FA6];
	_ =	sdelay $0x3  }
0x37: {  	[smem:$0x3FA6] =	sst s10  }
0x38: {  	s10 =	sld [smem:$0x3FA7]  }
0x39: {  	_ = 	snop;
	(pc) =	sbr.ind lr, $3  }
0x3a: {  	_ = 	snop  }
0x3b: {  	_ = 	snop  }
0x3c: {  	p2 =	seq.s32 s10, $0x1;
	s10 =	sld [smem:$0x3FA6]  }
0x3d: {  	_ =	shalt  }
0x3e: {  	_ =	shalt  }
0x3f: {  	_ =	shalt  }
0x40: {  	_ =	shalt  }
0x41: {  	_ =	shalt  }
0x42: {  	_ =	shalt  }
0x43: {  	_ =	shalt  }
0x44: {  	_ =	shalt  }
0x45: {  	_ =	shalt  }
0x46: {  	_ =	shalt  }
0x47: {  	_ =	shalt  }
0x48: {  	_ =	shalt  }
0x49: {  	_ =	shalt  }
0x4a: {  	_ =	shalt  }
0x4b: {  	_ =	shalt  }
0x4c: {  	_ =	shalt  }
0x4d: {  	_ =	shalt  }
0x4e: {  	_ =	shalt  }
0x4f: {  	_ =	shalt  }
0x50: {  	_ =	shalt  }
0x51: {  	_ =	shalt  }
0x52: {  	_ =	shalt  }
0x53: {  	_ =	shalt  }
0x54: {  	_ =	shalt  }
0x55: {  	_ =	shalt  }
0x56: {  	_ =	shalt  }
0x57: {  	_ =	shalt  }
0x58: {  	_ =	shalt  }
0x59: {  	_ =	shalt  }
0x5a: {  	_ =	shalt  }
0x5b: {  	_ =	shalt  }
0x5c: {  	_ =	shalt  }
0x5d: {  	_ =	shalt  }
0x5e: {  	_ =	shalt  }
0x5f: {  	_ =	shalt  }
0x60: {  	_ =	shalt  }
0x61: {  	_ =	shalt  }
0x62: {  	_ =	shalt  }
0x63: {  	_ =	shalt  }
0x64: {  	_ =	shalt  }
0x65: {  	_ =	shalt  }
0x66: {  	_ =	shalt  }
0x67: {  	_ =	shalt  }
0x68: {  	_ =	shalt  }
0x69: {  	_ =	shalt  }
0x6a: {  	_ =	shalt  }
0x6b: {  	_ =	shalt  }
0x6c: {  	_ =	shalt  }
0x6d: {  	_ =	shalt  }
0x6e: {  	_ =	shalt  }
0x6f: {  	_ =	shalt  }
0x70: {  	_ =	shalt  }
0x71: {  	_ =	shalt  }
0x72: {  	_ =	shalt  }
0x73: {  	_ =	shalt  }
0x74: {  	_ =	shalt  }
0x75: {  	_ =	shalt  }
0x76: {  	_ =	shalt  }
0x77: {  	_ =	shalt  }
0x78: {  	_ =	shalt  }
0x79: {  	_ =	shalt  }
0x7a: {  	_ =	shalt  }
0x7b: {  	_ =	shalt  }
0x7c: {  	_ =	shalt  }
0x7d: {  	_ =	shalt  }
0x7e: {  	_ =	shalt  }
0x7f: {  	_ =	shalt  }
0x80: {  	_ =	shalt  }
0x81: {  	_ =	shalt  }
0x82: {  	_ =	shalt  }
0x83: {  	_ =	shalt  }
0x84: {  	_ =	shalt  }
0x85: {  	_ =	shalt  }
0x86: {  	_ =	shalt  }
0x87: {  	_ =	shalt  }
.Lfunc_end0:
.L_simem_size_0:
called_computation_lowered:
.L_overlay_start_0:
0x88: {  	s2 =	sld [smem:$0x3FD9]  }
0x89: {  	s3 =	sld [smem:$0x3FFE];
	_ =	sdelay $0x1  }
0x8a: {  	s1 =	srdreg.scid  }
0x8b: {  	s0 =	sand.u32 $0x1, s1  }
0x8c: {  	s17 =	sshll.u32 s0, $0xA;
	s2 =	sadd.s32 s3, s2  }
0x8d: {  	s2 =	sadd.s32 s2, s17  }
0x8e: {  	[smem:$0x3FB2] =	sst s2  }
0x8f: {  	_ = 	snop  }
0x90: {  	s2 =	sld [smem:$0x3FD0];
	(tm) =	ssettm $0x1  }
0x91: {  	s18 =	sld [smem:$0x3FFB];
	_ =	sdelay $0x3  }
0x92: {  	_ =	strace s18  }
0x93: {  	s3 =	sld [smem:$0x3FFC];
	_ =	sdelay $0x3  }
0x94: {  	_ =	strace s3  }
0x95: {  	s3 =	sld [smem:$0x3FFD];
	_ =	sdelay $0x3  }
0x96: {  	_ =	strace s3  }
0x97: {  	_ =	strace $0x8FFFFFFF  }
0x98: {  	s19 =	sld [smem:$0x3FDB];
	_ =	sdelay $0x1  }
0x99: {  	s4 =	simm.s32 $_scs_section_size  }
0x9a: {  	s5 =	simm.s32 $_size__tile_overlayer_lowered;
	s6 =	simm.s32 $_tile_overlayer_lowered  }
0x9b: {  	s22 =	simm.s32 $0x1BFF;
	s21 =	sshll.u32 s6, $0x1;
	s3 =	sadd.s32 s4, s19  }
0x9c: {  	s7 =	simm.s32 $0x0;
	s20 =	sshll.u32 s5, $0x1;
	s5 =	sadd.s32 s21, s3  }
0x9d: {  	[timem:s7], [sflag:s22] =	dma.local [hbm:s5], s20  }
0x9e: {  	_ =	swait.ge [sflag:s22], s20  }
0x9f: {  	s4 =	ssub.s32 $0x0, s20;
	[sflag:s22] =	ssyncset.done $0x0  }
0xa0: {  	[sflag:s22] =	ssyncadd.s32 s4;
	_ =	sdelay $0x1  }
0xa1: {  	s23 =	simm.s32 $0x1B8B  }
0xa2: {  	_ =	swait.ge [sflag:s23], $0x1  }
0xa3: {  	[sflag:s23] =	ssyncset.done $0x0  }
0xa4: {  	s25 =	simm.s32 $0x1B8E;
	s24 =	sld [smem:$0x3FFE];
	[sflag:s23] =	ssyncadd.s32 $0xFFFFFFFF  }
0xa5: {  	s26 =	simm.s32 $execute0_lowered;
	[smem:$0x3FD2] =	sst s25  }
0xa6: {  	s5 =	sshll.u32 s26, $0x1;
	_ =	strace $0x80000046;
	[dreg:$0x1] =	wrdreg $0xFFFFFFFF  }
0xa7: {  	s28 =	simm.s32 $_size_execute0_lowered;
	s3 =	sadd.s32 s3, s5;
	[dreg:$0x0] =	wrdreg $0x0  }
0xa8: {  	s5 =	sshll.u32 s28, $0x1;
	[dreg:$0x2] =	wrdreg s3  }
0xa9: {  	[dreg:$0x3] =	wrdreg s5  }
0xaa: {  	[dreg:$0x4] =	wrdreg $0xC0  }
0xab: {  	_ =	task [dreg:s7], $0x5FFFF  }
0xac: {  	[dreg:$0x1] =	wrdreg $0xFFFFFFFF  }
0xad: {  	[dreg:$0x0] =	wrdreg $0x60  }
0xae: {  	[dreg:$0x2] =	wrdreg s24  }
0xaf: {  	[dreg:$0x3] =	wrdreg s2  }
0xb0: {  	[dreg:$0x4] =	wrdreg $0xA4000  }
0xb1: {  	[dreg:$0x5] =	wrdreg $0x9  }
0xb2: {  	_ =	task.clear_ibuf [dreg:s7], $0x6FFFF;
	_ =	strace $0x90000046  }
0xb3: {  	s29 =	simm.s32 $0x9;
	_ =	strace $0x80000048  }
0xb4: {  	_ =	swait.ge [sflag:s29], $0x1  }
0xb5: {  	[sflag:s29] =	ssyncadd.s32 $0xFFFFFFFF  }
0xb6: {  	_ =	strace $0x90000048  }
0xb7: {  	_ =	sfence  }
0xb8: {  	s30 =	sld [smem:$0x0];
	_ =	sdelay $0x2  }
0xb9: {  	s31 =	sshll.u32 s1, $0xD;
	s1 =	sshrl.u32 s1, $0x2  }
0xba: {  	s3 =	sand.u32 $0x4000, s31;
	s1 =	sadd.s32 s1, s30  }
0xbb: {  	s0 =	sor.u32 s3, s0;
	s1 =	sshll.u32 s1, $0x11  }
0xbc: {  	s0 =	sor.u32 s1, s0  }
0xbd: {  	s0 =	sadd.s32 $0x8F2B, s0  }
0xbe: {  	[sflag:s0] =	ssyncadd.remote.s32 $0x1  }
0xbf: {  	_ =	sfence.sel $0xFFFF  }
0xc0: {  	[dreg:$0x0] =	wrdreg $0xFFFFFFFF;
	(pc) =	sbr.abs _section_cstart, $3  }
0xc1: {  	[dreg:$0x1] =	wrdreg $0xFFFFFFFF  }
0xc2: {  	_ =	task.clear_ibuf [dreg:s7], $0x2FFFF;
	_ =	strace $0x9FFFFFFF  }
0xc3: {  	(tm) =	ssettm $0x7FFFFFFF  }
tec
execute0_lowered:
.L_overlay_start_1:
0x0: {  	(tag) =	ssettag $0x1  }
0x1: {  	s0 =	rddreg [dreg:$0x0];
	s1 =	srdreg.scid  }
0x2: {  	s2 =	simm.s32 $0x0;
	s17 =	stileid.u32;
	s29 =	simm.s32 $0x4200  }
0x3: {  	s30 =	simm.s32 $0x8200;
	s31 =	simm.s32 $0x0;
	s1 =	sand.u32 $0x1, s1  }
0x4: {  	[smem:$0x7FF] =	sst s2;
	s5 =	smul.u32 $0x13C00, s17;
	s3 =	ssub.s32 $0x2, s1  }
0x5: {  	s6 =	sadd.s32 $0x3EE00, s0;
	s21 =	sshll.u32 s17, $0x1;
	s4 =	sshrl.u32 s3, $0x1  }
0x6: {  	s7 =	sadd.s32 $0x2000, s5;
	s8 =	sadd.s32 $0x4000, s5;
	s9 =	sadd.s32 $0x6000, s5  }
0x7: {  	s10 =	sadd.s32 $0x8000, s5;
	s11 =	sadd.s32 $0xA000, s5;
	s13 =	sadd.s32 $0xC000, s5  }
0x8: {  	s3 =	ssub.s32 s3, s4;
	s4 =	sor.u32 s1, s21;
	s1 =	smul.u32 $0x13C000, s1  }
0x9: {  	s14 =	sadd.s32 $0xE000, s5;
	s18 =	sadd.s32 $0x10000, s5;
	s3 =	smax.u32 s3, $0x1  }
0xa: {  	s12 =	sadd.s32 s5, s1;
	s15 =	sadd.s32 s1, s7;
	s5 =	sadd.s32 $0x12000, s5  }
0xb: {  	s23 =	sadd.s32 s1, s8;
	s24 =	sadd.s32 s1, s9;
	s16 =	sadd.s32 s1, s10  }
0xc: {  	s19 =	sadd.s32 s1, s13;
	s20 =	sadd.s32 s1, s14;
	s12 =	sshrl.u32 s12, $0x3  }
0xd: {  	s15 =	sshrl.u32 s15, $0x3;
	s25 =	sshrl.u32 s24, $0x3;
	s26 =	sshrl.u32 s16, $0x3  }
0xe: {  	s16 =	sadd.s32 s1, s11;
	s24 =	sadd.s32 s1, s18;
	s12 =	sadd.s32 s6, s12  }
0xf: {  	s1 =	sadd.s32 s1, s5;
	s22 =	sadd.s32 s6, s15;
	[dreg:$0x4] =	wrdreg s12  }
0x10: {  	s15 =	sadd.s32 s6, s26;
	s1 =	sshrl.u32 s1, $0x3;
	[dreg:$0x5] =	wrdreg s22  }
0x11: {  	s12 =	sshrl.u32 s23, $0x3;
	[dreg:$0x8] =	wrdreg s15;
	s1 =	sadd.s32 s6, s1  }
0x12: {  	s22 =	sshrl.u32 s20, $0x3;
	s12 =	sadd.s32 s6, s12;
	[dreg:$0xd] =	wrdreg s1  }
0x13: {  	s21 =	sshrl.u32 s19, $0x3;
	s23 =	sadd.s32 s6, s22;
	[dreg:$0x6] =	wrdreg s12  }
0x14: {  	s12 =	sadd.s32 s6, s25;
	[dreg:$0xb] =	wrdreg s23;
	s25 =	sshrl.u32 s24, $0x3  }
0x15: {  	[dreg:$0x7] =	wrdreg s12;
	s12 =	sshrl.u32 s16, $0x3;
	s15 =	sadd.s32 s6, s25  }
0x16: {  	s26 =	smul.u32 $0x4F000, s17;
	s12 =	sadd.s32 s6, s12;
	[dreg:$0xc] =	wrdreg s15  }
0x17: {  	s17 =	sadd.s32 $0xD400, s0;
	[dreg:$0x9] =	wrdreg s12;
	s12 =	sadd.s32 s6, s21  }
0x18: {  	s16 =	sadd.s32 $0x3200, s0;
	s15 =	sadd.s32 $0x17600, s0;
	[dreg:$0xa] =	wrdreg s12  }
0x19: {  	s6 =	sshrl.u32 s26, $0x2;
	s12 =	rddreg [dreg:$0x2];
	_ =	strace $0x80000047  }
0x1a: {  	s19 =	sadd.s32 s6, s12;
	s20 =	sadd.s32 s7, s12;
	s21 =	sadd.s32 s8, s12  }
0x1b: {  	s8 =	sadd.s32 s9, s12;
	s9 =	smul.u32 $0x2880, s4;
	[dreg:$0x17] =	wrdreg s3  }
0x1c: {  	s10 =	sadd.s32 s10, s12;
	s11 =	sadd.s32 s11, s12;
	[dreg:$0xe] =	wrdreg s8  }
0x1d: {  	s13 =	sadd.s32 s13, s12;
	s14 =	sadd.s32 s14, s12;
	[dreg:$0xf] =	wrdreg s10  }
0x1e: {  	s26 =	sadd.s32 s18, s12;
	s28 =	sadd.s32 s5, s12;
	[dreg:$0x10] =	wrdreg s11  }
0x1f: {  	s4 =	simm.s32 $0x5;
	s5 =	simm.s32 $0x200;
	[dreg:$0x11] =	wrdreg s13  }
0x20: {  	s6 =	simm.s32 $0x100;
	s7 =	simm.s32 $0x80;
	[dreg:$0x12] =	wrdreg s14  }
0x21: {  	s8 =	simm.s32 $0x180;
	s11 =	simm.s32 $0x40;
	s18 =	sshrl.u32 s9, $0x3  }
.Ltmp0:
0x22: {  	s13 =	simm.s32 $0x3;
	s22 =	sadd.s32 s16, s18;
	(pc) =	sbr.rel .LBB2_1-.Ltmp0, $4  }
0x23: {  	s23 =	sor.u32 $0x8, s18;
	s1 =	sadd.s32 s17, s18;
	[dreg:$0x13] =	wrdreg s22  }
0x24: {  	s14 =	simm.s32 $0x2;
	[dreg:$0x14] =	wrdreg s1;
	s24 =	sadd.s32 s16, s23  }
0x25: {  	s0 =	sadd.s32 $0xC0, s9;
	s25 =	sadd.s32 s17, s23;
	[dreg:$0x15] =	wrdreg s24  }
0x26: {  	v0 =	vimm.f32 $0.0e+00;
	s1 =	sadd.s32 $0x80, s9;
	s9 =	simm.s32 $0x1;
	[dreg:$0x16] =	wrdreg s25  }
.LBB2_10:
0x27: {  	s3 =	stileid.u32  }
0x28: {  	[bflag:$0x0] =	sbarrier.arrive $0xFFFF;
	s3 =	sshll.u32 s3, $0x6  }
0x29: {  	s10 =	sshrl.u32 s23, $0x3;
	s18 =	rddreg [dreg:$0x4];
	s3 =	sor.u32 $0x1C05, s3  }
0x2a: {  	[hbm:s18], [sflag:s3] =	dma.local [spmem:s10], $0x400  }
0x2b: {  	_ =	swait.ge [sflag:s4], $0x400  }
0x2c: {  	[sflag:s4] =	ssyncset.done $0x0  }
0x2d: {  	s18 =	sshrl.u32 s24, $0x3;
	s21 =	rddreg [dreg:$0x5];
	[sflag:s4] =	ssyncadd.s32 $0xFFFFFC00  }
0x2e: {  	[hbm:s21], [sflag:s3] =	dma.local [spmem:s18], $0x400  }
0x2f: {  	_ =	swait.ge [sflag:s4], $0x400  }
0x30: {  	s19 =	smov.u32 s23;
	[sflag:s4] =	ssyncset.done $0x0  }
0x31: {  	s22 =	sshrl.u32 s25, $0x3;
	s23 =	rddreg [dreg:$0x6];
	[sflag:s4] =	ssyncadd.s32 $0xFFFFFC00  }
0x32: {  	[hbm:s23], [sflag:s3] =	dma.local [spmem:s22], $0x400  }
0x33: {  	s20 =	smov.u32 s24;
	_ =	swait.ge [sflag:s4], $0x400  }
0x34: {  	s21 =	smov.u32 s25;
	[sflag:s4] =	ssyncset.done $0x0;
	s24 =	rddreg [dreg:$0xe]  }
0x35: {  	s25 =	rddreg [dreg:$0x7];
	[sflag:s4] =	ssyncadd.s32 $0xFFFFFC00;
	s10 =	sshrl.u32 s24, $0x3  }
0x36: {  	[hbm:s25], [sflag:s3] =	dma.local [spmem:s10], $0x400  }
0x37: {  	_ =	swait.ge [sflag:s4], $0x400  }
0x38: {  	[sflag:s4] =	ssyncset.done $0x0;
	s22 =	rddreg [dreg:$0xf]  }
0x39: {  	s23 =	rddreg [dreg:$0x8];
	[sflag:s4] =	ssyncadd.s32 $0xFFFFFC00;
	s10 =	sshrl.u32 s22, $0x3  }
0x3a: {  	[hbm:s23], [sflag:s3] =	dma.local [spmem:s10], $0x400  }
0x3b: {  	_ =	swait.ge [sflag:s4], $0x400  }
0x3c: {  	[sflag:s4] =	ssyncset.done $0x0;
	s24 =	rddreg [dreg:$0x10]  }
0x3d: {  	s25 =	rddreg [dreg:$0x9];
	[sflag:s4] =	ssyncadd.s32 $0xFFFFFC00;
	s10 =	sshrl.u32 s24, $0x3  }
0x3e: {  	[hbm:s25], [sflag:s3] =	dma.local [spmem:s10], $0x400  }
0x3f: {  	_ =	swait.ge [sflag:s4], $0x400  }
0x40: {  	[sflag:s4] =	ssyncset.done $0x0;
	s22 =	rddreg [dreg:$0x11]  }
0x41: {  	s23 =	rddreg [dreg:$0xa];
	[sflag:s4] =	ssyncadd.s32 $0xFFFFFC00;
	s10 =	sshrl.u32 s22, $0x3  }
0x42: {  	[hbm:s23], [sflag:s3] =	dma.local [spmem:s10], $0x400  }
0x43: {  	_ =	swait.ge [sflag:s4], $0x400  }
0x44: {  	[sflag:s4] =	ssyncset.done $0x0;
	s24 =	rddreg [dreg:$0x12]  }
0x45: {  	s25 =	rddreg [dreg:$0xb];
	[sflag:s4] =	ssyncadd.s32 $0xFFFFFC00;
	s10 =	sshrl.u32 s24, $0x3  }
0x46: {  	[hbm:s25], [sflag:s3] =	dma.local [spmem:s10], $0x400  }
0x47: {  	_ =	swait.ge [sflag:s4], $0x400  }
0x48: {  	[sflag:s4] =	ssyncset.done $0x0  }
0x49: {  	s18 =	sshrl.u32 s26, $0x3;
	s22 =	rddreg [dreg:$0xc];
	[sflag:s4] =	ssyncadd.s32 $0xFFFFFC00  }
0x4a: {  	[hbm:s22], [sflag:s3] =	dma.local [spmem:s18], $0x400  }
0x4b: {  	_ =	swait.ge [sflag:s4], $0x400  }
0x4c: {  	[sflag:s4] =	ssyncset.done $0x0  }
0x4d: {  	s23 =	sshrl.u32 s28, $0x3;
	s24 =	rddreg [dreg:$0xd];
	[sflag:s4] =	ssyncadd.s32 $0xFFFFFC00  }
0x4e: {  	[hbm:s24], [sflag:s3] =	dma.local [spmem:s23], $0x380  }
0x4f: {  	_ =	swait.ge [sflag:s4], $0x380  }
0x50: {  	s31 =	sadd.s32 $0x1, s31;
	s25 =	rddreg [dreg:$0x17]  }
0x51: {  	p0 =	sne.s32 s31, s25  }
.Ltmp1:
0x52: {  	_ = 	snop;
	(pc) =	sbr.rel @!p0 .LBB2_11-.Ltmp1, $3  }
0x53: {  	_ =	sdelay $0x1  }
0x54: {  	[sflag:s4] =	ssyncset.done $0x0  }
0x55: {  	[sflag:s4] =	ssyncadd.s32 $0xFFFFFC80  }
.LBB2_1:
0x56: {  	s3 =	rddreg [dreg:$0x1];
	s10 =	simm.s32 $0xA200  }
0x57: {  	[tilespmem:s10], [sflag:$0x5] =	stream.linear.gather [hbm4b:s3+s2], $0x200, $0x38;
	[tilespmem:$0x1E000] =	vst v63  }
0x58: {  	_ =	swait.ge [sflag:s4], $0x200  }
0x59: {  	[sflag:s4] =	ssyncset.done $0x0  }
0x5a: {  	s3 =	simm.s32 $0x0;
	s10 =	simm.s32 $0x200;
	[sflag:s4] =	ssyncadd.s32 $0xFFFFFE00  }
.LBB2_2:
0x5b: {  	p0 =	sne.s32 s10, $0x7E00;
	[tilespmem:s3+$0x270] =	vst v0  }
0x5c: {  	[tilespmem:s3+$0x200] =	vst v0  }
0x5d: {  	[tilespmem:s3+$0x210] =	vst v0  }
.Ltmp2:
0x5e: {  	[tilespmem:s3+$0x220] =	vst v0;
	(pc) =	sbr.rel @p0 .LBB2_2-.Ltmp2, $4  }
0x5f: {  	[tilespmem:s3+$0x230] =	vst v0  }
0x60: {  	[tilespmem:s3+$0x240] =	vst v0  }
0x61: {  	[tilespmem:s3+$0x250] =	vst v0  }
0x62: {  	[tilespmem:s3+$0x260] =	vst v0;
	s3 =	sshra.s32 s10, $0x2;
	s10 =	sadd.s32 $0x200, s10  }
0x63: {  	[tilespmem:s3+$0x270] =	vst v0  }
0x64: {  	[tilespmem:s3+$0x200] =	vst v0  }
0x65: {  	[tilespmem:s3+$0x210] =	vst v0  }
0x66: {  	[tilespmem:s3+$0x220] =	vst v0  }
0x67: {  	[tilespmem:s3+$0x230] =	vst v0  }
0x68: {  	[tilespmem:s3+$0x240] =	vst v0  }
0x69: {  	[tilespmem:s3+$0x250] =	vst v0  }
0x6a: {  	[tilespmem:s3+$0x260] =	vst v0  }
0x6b: {  	[spmem:s19] =	stream.linear.scatter [tilespmem:s5], [sflag:$0x5], $0x2000, $0x38;
	[tilespmem:$0x1E000] =	vst v63  }
0x6c: {  	_ =	swait.ge [sflag:s4], $0x2000  }
0x6d: {  	[sflag:s4] =	ssyncset.done $0x0  }
0x6e: {  	[sflag:s4] =	ssyncadd.s32 $0xFFFFE000  }
0x6f: {  	[spmem:s20] =	stream.linear.scatter [tilespmem:s5], [sflag:$0x5], $0x2000, $0x38;
	[tilespmem:$0x1E000] =	vst v63  }
0x70: {  	_ =	swait.ge [sflag:s4], $0x2000  }
0x71: {  	[sflag:s4] =	ssyncset.done $0x0  }
0x72: {  	[sflag:s4] =	ssyncadd.s32 $0xFFFFE000  }
0x73: {  	[spmem:s21] =	stream.linear.scatter [tilespmem:s5], [sflag:$0x5], $0x2000, $0x38;
	[tilespmem:$0x1E000] =	vst v63  }
0x74: {  	_ =	swait.ge [sflag:s4], $0x2000  }
0x75: {  	[sflag:s4] =	ssyncset.done $0x0  }
0x76: {  	s10 =	rddreg [dreg:$0xe];
	[sflag:s4] =	ssyncadd.s32 $0xFFFFE000  }
0x77: {  	[spmem:s10] =	stream.linear.scatter [tilespmem:s5], [sflag:$0x5], $0x2000, $0x38;
	[tilespmem:$0x1E000] =	vst v63  }
0x78: {  	_ =	swait.ge [sflag:s4], $0x2000  }
0x79: {  	[sflag:s4] =	ssyncset.done $0x0  }
0x7a: {  	s18 =	rddreg [dreg:$0xf];
	[sflag:s4] =	ssyncadd.s32 $0xFFFFE000  }
0x7b: {  	[spmem:s18] =	stream.linear.scatter [tilespmem:s5], [sflag:$0x5], $0x2000, $0x38;
	[tilespmem:$0x1E000] =	vst v63  }
0x7c: {  	_ =	swait.ge [sflag:s4], $0x2000  }
0x7d: {  	[sflag:s4] =	ssyncset.done $0x0  }
0x7e: {  	s23 =	smov.u32 s19;
	s19 =	rddreg [dreg:$0x10];
	[sflag:s4] =	ssyncadd.s32 $0xFFFFE000  }
0x7f: {  	[spmem:s19] =	stream.linear.scatter [tilespmem:s5], [sflag:$0x5], $0x2000, $0x38;
	[tilespmem:$0x1E000] =	vst v63  }
0x80: {  	_ =	swait.ge [sflag:s4], $0x2000  }
0x81: {  	[sflag:s4] =	ssyncset.done $0x0  }
0x82: {  	s24 =	smov.u32 s20;
	s20 =	rddreg [dreg:$0x11];
	[sflag:s4] =	ssyncadd.s32 $0xFFFFE000  }
0x83: {  	[spmem:s20] =	stream.linear.scatter [tilespmem:s5], [sflag:$0x5], $0x2000, $0x38;
	[tilespmem:$0x1E000] =	vst v63  }
0x84: {  	_ =	swait.ge [sflag:s4], $0x2000  }
0x85: {  	[sflag:s4] =	ssyncset.done $0x0  }
0x86: {  	s25 =	smov.u32 s21;
	s21 =	rddreg [dreg:$0x12];
	[sflag:s4] =	ssyncadd.s32 $0xFFFFE000  }
0x87: {  	[spmem:s21] =	stream.linear.scatter [tilespmem:s5], [sflag:$0x5], $0x2000, $0x38;
	[tilespmem:$0x1E000] =	vst v63  }
0x88: {  	_ =	swait.ge [sflag:s4], $0x2000  }
0x89: {  	[sflag:s4] =	ssyncset.done $0x0  }
0x8a: {  	[sflag:s4] =	ssyncadd.s32 $0xFFFFE000  }
0x8b: {  	[spmem:s26] =	stream.linear.scatter [tilespmem:s5], [sflag:$0x5], $0x2000, $0x38;
	[tilespmem:$0x1E000] =	vst v63  }
0x8c: {  	_ =	swait.ge [sflag:s4], $0x2000  }
0x8d: {  	[sflag:s4] =	ssyncset.done $0x0  }
0x8e: {  	[sflag:s4] =	ssyncadd.s32 $0xFFFFE000  }
0x8f: {  	[spmem:s28] =	stream.linear.scatter [tilespmem:s5], [sflag:$0x5], $0x1C00, $0x38;
	[tilespmem:$0x1E000] =	vst v63  }
0x90: {  	_ =	swait.ge [sflag:s4], $0x1C00  }
0x91: {  	[sflag:s4] =	ssyncset.done $0x0  }
0x92: {  	[sflag:s4] =	ssyncadd.s32 $0xFFFFE400  }
0x93: {  	[bflag:$0x0] =	sbarrier.arrive $0xFFFF  }
0x94: {  	v1 =	vld [tilespmem:$0xA200]  }
0x95: {  	v2 =	vld [tilespmem:$0xA280]  }
0x96: {  	s10 =	simm.s32 $0x0;
	v3 =	vld [tilespmem:$0xA300];
	s22 =	rddreg [dreg:$0x13]  }
0x97: {  	v4 =	vld [tilespmem:$0xA380];
	[tilespmem:s10], [sflag:$0x1] =	stream.linear.gather [hbm4b:s22+s10], $0x40, $0x38  }
0x98: {  	s18 =	rddreg [dreg:$0x14]  }
0x99: {  	[tilespmem:s6], [sflag:$0x1] =	stream.linear.gather [hbm4b:s18+s10], $0x40, $0x38;
	[tilespmem:$0x1E000] =	vst v63  }
0x9a: {  	s19 =	rddreg [dreg:$0x15]  }
0x9b: {  	[tilespmem:s7], [sflag:$0x2] =	stream.linear.gather [hbm4b:s19+s10], $0x40, $0x38;
	[tilespmem:$0x1E000] =	vst v63  }
0x9c: {  	s20 =	rddreg [dreg:$0x16]  }
0x9d: {  	[tilespmem:s8], [sflag:$0x2] =	stream.linear.gather [hbm4b:s20+s10], $0x40, $0x38;
	[tilespmem:$0x1E000] =	vst v63  }
0x9e: {  	_ =	swait.ge [sflag:s9], $0x40  }
0x9f: {  	[sflag:s9] =	ssyncset.done $0x0  }
0xa0: {  	[sflag:s9] =	ssyncadd.s32 $0xFFFFFFC0  }
0xa1: {  	_ =	swait.ge [sflag:s9], $0x40  }
0xa2: {  	[sflag:s9] =	ssyncset.done $0x0  }
0xa3: {  	s21 =	simm.s32 $0x2200;
	[sflag:s9] =	ssyncadd.s32 $0xFFFFFFC0  }
0xa4: {  	[tilespmem:s21], [sflag:$0x3] =	stream.indirect.gather [hbm4b:s15+s11], $0x80, s10, s11, $0xb8;
	[tilespmem:$0x1E000] =	vst v63  }
0xa5: {  	s22 =	simm.s32 $0x6200  }
0xa6: {  	[tilespmem:s22], [sflag:$0x3] =	stream.indirect.gather [hbm4b:s15+s11], $0x80, s6, s11, $0xb8;
	[tilespmem:$0x1E000] =	vst v63  }
.LBB2_4:
0xa7: {  	_ =	swait.ge [sflag:s13], $0x2000  }
0xa8: {  	[sflag:s13] =	ssyncset.done $0x0  }
0xa9: {  	[sflag:s13] =	ssyncadd.s32 $0xFFFFE000  }
0xaa: {  	_ =	swait.ge [sflag:s13], $0x2000  }
0xab: {  	[sflag:s13] =	ssyncset.done $0x0  }
0xac: {  	[sflag:s13] =	ssyncadd.s32 $0xFFFFE000  }
0xad: {  	_ =	swait.ge [sflag:s14], $0x40  }
0xae: {  	[sflag:s14] =	ssyncset.done $0x0  }
0xaf: {  	[sflag:s14] =	ssyncadd.s32 $0xFFFFFFC0  }
0xb0: {  	_ =	swait.ge [sflag:s14], $0x40  }
0xb1: {  	[sflag:s14] =	ssyncset.done $0x0  }
0xb2: {  	[sflag:s14] =	ssyncadd.s32 $0xFFFFFFC0  }
0xb3: {  	[tilespmem:s29], [sflag:$0x4] =	stream.indirect.gather [hbm4b:s15+s11], $0x80, s7, s11, $0xb8;
	[tilespmem:$0x1E000] =	vst v63  }
0xb4: {  	s19 =	simm.s32 $0x0  }
0xb5: {  	[tilespmem:s30], [sflag:$0x4] =	stream.indirect.gather [hbm4b:s15+s11], $0x80, s8, s11, $0xb8;
	[tilespmem:$0x1E000] =	vst v63  }
0xb6: {  	v15 =	vld [tilespmem:s19+$0x2230]  }
0xb7: {  	v5 =	vld [tilespmem:s19+$0x6270];
	_ =	sdelay $0x1  }
0xb8: {  	v10 =	vld [tilespmem:s19+$0x2200]  }
0xb9: {  	v6 =	vld [tilespmem:s19+$0x6240];
	_ =	sdelay $0x1  }
0xba: {  	v5 =	vadd.f32 v5, v15  }
0xbb: {  	v11 =	vld [tilespmem:s19+$0x2210]  }
0xbc: {  	v9 =	vld [tilespmem:s19+$0x6250];
	v8 =	vmul.f32 $2.000000030e-01, v5  }
0xbd: {  	v6 =	vadd.f32 v6, v10  }
0xbe: {  	v7 =	vld [tilespmem:s19+$0x2220];
	v5 =	vmax.f32 v5, v8  }
0xbf: {  	v12 =	vmul.f32 $2.000000030e-01, v6;
	v8 =	vld [tilespmem:s19+$0x6260];
	v5 =	vmul.f32 v5, v4;
	_ =	sdelay $0x1  }
0xc0: {  	s3 =	simm.s32 $0x80;
	(xrf2) =	vadd.scan.msk.f32 $0xffff, v5;
	v5 =	vadd.f32 v9, v11;
	v9 =	vmax.f32 v6, v12  }
0xc1: {  	v13 =	vld [tilespmem:s3+$0x6270];
	v9 =	vmul.f32 v9, v1  }
0xc2: {  	v6 =	vld [tilespmem:s3+$0x2230]  }
0xc3: {  	v14 =	vld [tilespmem:s3+$0x2200];
	v8 =	vadd.f32 v8, v7;
	v12 =	vmul.f32 $2.000000030e-01, v5;
	(xrf2) =	vadd.scan.msk.f32 $0xffff, v9  }
0xc4: {  	v17 =	vld [tilespmem:s3+$0x6240]  }
0xc5: {  	v9 =	vld [tilespmem:s3+$0x6250];
	v16 =	vmul.f32 $2.000000030e-01, v8;
	v5 =	vmax.f32 v5, v12  }
0xc6: {  	v12 =	vld [tilespmem:s3+$0x2210];
	v5 =	vmul.f32 v5, v2  }
0xc7: {  	v13 =	vadd.f32 v13, v6;
	v8 =	vmax.f32 v8, v16  }
0xc8: {  	v8 =	vmul.f32 v8, v3;
	(xrf2) =	vadd.scan.msk.f32 $0xffff, v5  }
0xc9: {  	v18 =	vld [tilespmem:s3+$0x6260];
	v16 =	vadd.f32 v17, v14;
	v17 =	vmul.f32 $2.000000030e-01, v13  }
0xca: {  	v5 =	vld [tilespmem:s3+$0x2220]  }
0xcb: {  	v19 =	vmul.f32 $2.000000030e-01, v16;
	v13 =	vmax.f32 v13, v17;
	v17 =	vadd.f32 v9, v12  }
0xcc: {  	s18 =	simm.s32 $0x100;
	(xrf2) =	vadd.scan.msk.f32 $0xffff, v8;
	v13 =	vmul.f32 v13, v4;
	v8, _, _ =	vpop (xrf2)  }
0xcd: {  	v21 =	vld [tilespmem:s18+$0x6270];
	v16 =	vmax.f32 v16, v19;
	v19 =	vmul.f32 $2.000000030e-01, v17;
	v8 =	vmul.f32 $1.442695020e+00, v8;
	v20, _, _ =	vpop (xrf2)  }
0xce: {  	v9 =	vld [tilespmem:s18+$0x2230];
	(xrf2) =	vadd.scan.msk.f32 $0xffff, v13;
	v13 =	vmul.f32 v16, v1;
	v16 =	vmul.f32 $1.442695020e+00, v20  }
0xcf: {  	v18 =	vadd.f32 v18, v5  }
0xd0: {  	v17 =	vmax.f32 v17, v19;
	v8 =	vbroadcast v8, $0xF  }
0xd1: {  	v17 =	vmul.f32 v17, v2;
	v22 =	vmul.f32 $2.000000030e-01, v18  }
0xd2: {  	v19 =	vld [tilespmem:s18+$0x6240];
	(xrf2) =	vadd.scan.msk.f32 $0xffff, v13;
	(erf) = vpow2.f32 v8;
	v20 =	vbroadcast v16, $0xF;
	v16, _, _ =	vpop (xrf2)  }
0xd3: {  	v8 =	vld [tilespmem:s18+$0x2200];
	(xrf2) =	vadd.scan.msk.f32 $0xffff, v17;
	v17 =	vmax.f32 v18, v22;
	v18 =	vadd.f32 v21, v9;
	v24 =	vmul.f32 $1.442695020e+00, v16  }
0xd4: {  	v23 =	vld [tilespmem:s18+$0x6250]  }
0xd5: {  	v13 =	vld [tilespmem:s18+$0x2210];
	v22 =	vbroadcast v24, $0xF;
	v24 =	vmul.f32 $2.000000030e-01, v18  }
0xd6: {  	(erf) = vpow2.f32 v20;
	v21 =	vld [tilespmem:s18+$0x6260];
	v25, _, _ =	vpop (xrf2)  }
0xd7: {  	v16 =	vld [tilespmem:s18+$0x2220];
	v17 =	vmul.f32 v17, v3;
	v20 =	vmul.f32 $1.442695020e+00, v25  }
0xd8: {  	v19 =	vadd.f32 v19, v8  }
0xd9: {  	v20 =	vbroadcast v20, $0xF;
	(erf) = vpow2.f32 v22;
	v18 =	vmax.f32 v18, v24;
	v24, _, _ =	vpop (xrf2);
	(xrf2) =	vadd.scan.msk.f32 $0xffff, v17  }
0xda: {  	v22 =	vmul.f32 $2.000000030e-01, v19  }
0xdb: {  	v23 =	vadd.f32 v23, v13;
	v18 =	vmul.f32 v18, v4;
	v25 =	vpop (erf);
	(erf) = vpow2.f32 v20  }
0xdc: {  	v26 =	vmul.f32 v25, v15;
	[tilespmem:s19+$0x270] =	vst v25;
	v25 =	vadd.f32 v21, v16;
	v21 =	vmul.f32 $1.442695020e+00, v24  }
0xdd: {  	s20 =	simm.s32 $0x180;
	v20 =	vmul.f32 $2.000000030e-01, v23;
	v17 =	vmax.f32 v19, v22  }
0xde: {  	v24, _, _ =	vpop (xrf2);
	(xrf2) =	vadd.scan.msk.f32 $0xffff, v18;
	v15 =	vld [tilespmem:s20+$0x2230];
	[tilespmem:s19+$0x230] =	vst v26;
	v26 =	vmul.f32 $2.000000030e-01, v25;
	v27 =	vbroadcast v21, $0xF  }
0xdf: {  	v22 =	vmul.f32 v17, v1;
	v20 =	vmax.f32 v23, v20;
	v21 =	vmul.f32 $1.442695020e+00, v24;
	v18 =	vpop (erf);
	v19 =	vld [tilespmem:s20+$0x6270]  }
0xe0: {  	s21 =	simm.s32 $0x800;
	v20 =	vmul.f32 v20, v2;
	v24, _, _ =	vpop (xrf2);
	v17 =	vld [tilespmem:s20+$0x2200];
	[tilespmem:s19+$0x240] =	vst v18;
	v23 =	vmax.f32 v25, v26;
	(erf) = vpow2.f32 v27  }
.LBB2_5:
0xe1: {  	p0 =	sne.s32 s21, $0x7E00;
	v25 =	vld [tilespmem:s20+$0x6240];
	v23 =	vmul.f32 v23, v3;
	(xrf2) =	vadd.scan.msk.f32 $0xffff, v22;
	v22 =	vmul.f32 $1.442695020e+00, v24  }
0xe2: {  	v29 =	vbroadcast v21, $0xF;
	v18 =	vmul.f32 v18, v10;
	v10 =	vmov v14;
	v24 =	vld [tilespmem:s20+$0x2210];
	v26 =	vpop (erf)  }
0xe3: {  	v27 =	vld [tilespmem:s20+$0x6250];
	v22 =	vbroadcast v22, $0xF;
	v14, _, _ =	vpop (xrf2);
	v28 =	vmul.f32 v26, v11;
	[tilespmem:s19+$0x250] =	vst v26;
	v11 =	vmov v12  }
0xe4: {  	v26 =	vld [tilespmem:s20+$0x2220];
	v19 =	vadd.f32 v19, v15;
	(xrf2) =	vadd.scan.msk.f32 $0xffff, v20;
	v20 =	vmul.f32 $1.442695020e+00, v14;
	(erf) = vpow2.f32 v29;
	v21 =	vpop (erf)  }
0xe5: {  	v12 =	vmovc v13;
	v14 =	vmovc v8;
	v29 =	vld [tilespmem:s20+$0x6260];
	[tilespmem:s19+$0x200] =	vst v18;
	v18 =	vmul.f32 v21, v7;
	v7 =	vmov v5;
	v5 =	vmov v16  }
0xe6: {  	v8 =	vmovc v17;
	v25 =	vadd.f32 v25, v17;
	v31 =	vmul.f32 $2.000000030e-01, v19;
	v30 =	vbroadcast v20, $0xF;
	[tilespmem:s19+$0x210] =	vst v28  }
0xe7: {  	(xrf2) =	vadd.scan.msk.f32 $0xffff, v23;
	(erf) = vpow2.f32 v22;
	[tilespmem:s19+$0x220] =	vst v18;
	v13 =	vmov v24  }
0xe8: {  	v17 =	vmul.f32 $2.000000030e-01, v25;
	v18 =	vadd.f32 v27, v13;
	v22 =	vmax.f32 v19, v31;
	v19, _, _ =	vpop (xrf2);
	[tilespmem:s19+$0x260] =	vst v21;
	s19 =	smov.u32 s3;
	s3 =	smov.u32 s18;
	s18 =	smov.u32 s20  }
0xe9: {  	v21 =	vmul.f32 v22, v4;
	(erf) = vpow2.f32 v30;
	v20 =	vpop (erf);
	v16 =	vmov v26  }
.Ltmp3:
0xea: {  	v19 =	vmul.f32 $1.442695020e+00, v19;
	v23 =	vadd.f32 v29, v16;
	v22 =	vmul.f32 v20, v6;
	[tilespmem:s19+$0x270] =	vst v20;
	v6 =	vmovc v9;
	(pc) =	sbr.rel @p0 .LBB2_5-.Ltmp3, $4  }
0xeb: {  	s20 =	sshra.s32 s21, $0x2;
	v17 =	vmax.f32 v25, v17;
	v20 =	vmul.f32 $2.000000030e-01, v18;
	v9 =	vmov v15;
	v24, _, _ =	vpop (xrf2)  }
0xec: {  	v26 =	vbroadcast v19, $0xF;
	v15 =	vld [tilespmem:s20+$0x2230];
	v25 =	vmul.f32 $2.000000030e-01, v23;
	(xrf2) =	vadd.scan.msk.f32 $0xffff, v21;
	[tilespmem:s19+$0x230] =	vst v22  }
0xed: {  	v22 =	vmul.f32 v17, v1;
	v20 =	vmax.f32 v18, v20;
	v21 =	vmul.f32 $1.442695020e+00, v24;
	v19 =	vld [tilespmem:s20+$0x6270];
	v18 =	vpop (erf)  }
0xee: {  	s21 =	sadd.s32 $0x200, s21;
	v20 =	vmul.f32 v20, v2;
	v17 =	vld [tilespmem:s20+$0x2200];
	v23 =	vmax.f32 v23, v25;
	v24, _, _ =	vpop (xrf2);
	(erf) = vpow2.f32 v26;
	[tilespmem:s19+$0x240] =	vst v18  }
0xef: {  	v26 =	vld [tilespmem:s20+$0x2210]  }
0xf0: {  	v28 =	vld [tilespmem:s20+$0x6250]  }
0xf1: {  	v25 =	vld [tilespmem:s20+$0x6240];
	v27 =	vpop (erf)  }
0xf2: {  	v24 =	vmul.f32 $1.442695020e+00, v24;
	[tilespmem:s19+$0x250] =	vst v27  }
0xf3: {  	v23 =	vmul.f32 v23, v3;
	(xrf2) =	vadd.scan.msk.f32 $0xffff, v22;
	v21 =	vbroadcast v21, $0xF;
	v29 =	vld [tilespmem:s20+$0x2220]  }
0xf4: {  	(xrf2) =	vadd.scan.msk.f32 $0xffff, v20;
	v19 =	vadd.f32 v19, v15;
	v30 =	vld [tilespmem:s20+$0x6260]  }
0xf5: {  	v24 =	vbroadcast v24, $0xF;
	v20, _, _ =	vpop (xrf2);
	(xrf2) =	vadd.scan.msk.f32 $0xffff, v23;
	(erf) = vpow2.f32 v21;
	v23 =	vadd.f32 v28, v26  }
0xf6: {  	v20 =	vmul.f32 $1.442695020e+00, v20;
	v22 =	vmul.f32 $2.000000030e-01, v19;
	v25 =	vadd.f32 v25, v17  }
0xf7: {  	(erf) = vpow2.f32 v24;
	v21 =	vmul.f32 $2.000000030e-01, v23  }
0xf8: {  	v20 =	vbroadcast v20, $0xF;
	v19 =	vmax.f32 v19, v22;
	v22 =	vmul.f32 $2.000000030e-01, v25  }
0xf9: {  	v19 =	vmul.f32 v19, v4;
	v63 =	vadd.f32 v30, v29;
	v21 =	vmax.f32 v23, v21  }
0xfa: {  	(erf) = vpow2.f32 v20;
	v22 =	vmax.f32 v25, v22;
	v20 =	vmul.f32 v21, v2  }
0xfb: {  	(xrf2) =	vadd.scan.msk.f32 $0xffff, v19;
	v19 =	vmul.f32 $2.000000030e-01, v63;
	v22 =	vmul.f32 v22, v1  }
0xfc: {  	v10 =	vmul.f32 v18, v10;
	v18 =	vpop (erf)  }
0xfd: {  	v7 =	vmul.f32 v18, v7;
	v23, _, _ =	vpop (xrf2);
	v19 =	vmax.f32 v63, v19;
	(xrf2) =	vadd.scan.msk.f32 $0xffff, v22  }
0xfe: {  	v19 =	vmul.f32 v19, v3;
	(xrf2) =	vadd.scan.msk.f32 $0xffff, v20;
	v20, _, _ =	vpop (xrf2)  }
0xff: {  	[tilespmem:s19+$0x200] =	vst v10;
	v10 =	vmul.f32 $1.442695020e+00, v20  }
0x100: {  	v21 =	vmul.f32 $1.442695020e+00, v23  }
0x101: {  	v11 =	vmul.f32 v27, v11;
	[tilespmem:s19+$0x220] =	vst v7;
	v7 =	vpop (erf);
	v10 =	vbroadcast v10, $0xF  }
0x102: {  	v21 =	vbroadcast v21, $0xF;
	(xrf2) =	vadd.scan.msk.f32 $0xffff, v19;
	v19, _, _ =	vpop (xrf2)  }
0x103: {  	[tilespmem:s19+$0x210] =	vst v11;
	v6 =	vmul.f32 v7, v6;
	v20, _, _ =	vpop (xrf2);
	v11 =	vmul.f32 $1.442695020e+00, v19  }
0x104: {  	(erf) = vpow2.f32 v21;
	v19 =	vmul.f32 $1.442695020e+00, v20  }
0x105: {  	[tilespmem:s19+$0x260] =	vst v18;
	(erf) = vpow2.f32 v10;
	v11 =	vbroadcast v11, $0xF;
	v10, _, _ =	vpop (xrf2)  }
0x106: {  	[tilespmem:s3+$0x270] =	vst v7;
	v18 =	vpop (erf);
	v7 =	vbroadcast v19, $0xF;
	v10 =	vmul.f32 $1.442695020e+00, v10  }
0x107: {  	(erf) = vpow2.f32 v11;
	v11 =	vmul.f32 v18, v14  }
0x108: {  	[tilespmem:s3+$0x230] =	vst v6;
	v6 =	vpop (erf);
	v10 =	vbroadcast v10, $0xF  }
0x109: {  	[tilespmem:s3+$0x240] =	vst v18;
	v14 =	vpop (erf);
	(erf) = vpow2.f32 v7  }
0x10a: {  	[tilespmem:s3+$0x250] =	vst v6;
	v7 =	vmul.f32 v6, v12;
	v6, _, _ =	vpop (xrf2);
	v5 =	vmul.f32 v14, v5  }
0x10b: {  	[tilespmem:s3+$0x200] =	vst v11;
	v6 =	vmul.f32 $1.442695020e+00, v6;
	v11, _, _ =	vpop (xrf2)  }
0x10c: {  	[tilespmem:s3+$0x210] =	vst v7;
	(erf) = vpow2.f32 v10;
	v7 =	vmul.f32 $1.442695020e+00, v11;
	v10, _, _ =	vpop (xrf2)  }
0x10d: {  	[tilespmem:s3+$0x260] =	vst v14;
	v6 =	vbroadcast v6, $0xF;
	v10 =	vmul.f32 $1.442695020e+00, v10  }
0x10e: {  	[tilespmem:s3+$0x220] =	vst v5;
	v5 =	vpop (erf);
	v7 =	vbroadcast v7, $0xF  }
0x10f: {  	v9 =	vmul.f32 v5, v9;
	[tilespmem:s18+$0x270] =	vst v5;
	v5 =	vbroadcast v10, $0xF;
	_ =	sdelay $0x1  }
0x110: {  	(erf) = vpow2.f32 v6;
	v6 =	vpop (erf)  }
0x111: {  	(erf) = vpow2.f32 v7;
	[tilespmem:s18+$0x240] =	vst v6;
	v6 =	vmul.f32 v6, v8;
	v7 =	vpop (erf)  }
0x112: {  	(erf) = vpow2.f32 v5;
	v5 =	vpop (erf)  }
0x113: {  	[tilespmem:s18+$0x200] =	vst v6;
	v6 =	vmul.f32 v5, v16;
	_ =	sdelay $0x2  }
0x114: {  	[tilespmem:s18+$0x230] =	vst v9  }
0x115: {  	[tilespmem:s18+$0x220] =	vst v6;
	v6 =	vpop (erf)  }
0x116: {  	v8 =	vmul.f32 v7, v13;
	[tilespmem:s18+$0x260] =	vst v5;
	v5 =	vmul.f32 v6, v15  }
0x117: {  	[tilespmem:s18+$0x250] =	vst v7  }
0x118: {  	[tilespmem:s18+$0x210] =	vst v8  }
0x119: {  	[tilespmem:s20+$0x270] =	vst v6  }
0x11a: {  	[tilespmem:s20+$0x230] =	vst v5;
	v5 =	vpop (erf)  }
0x11b: {  	[tilespmem:s20+$0x240] =	vst v5;
	v5 =	vmul.f32 v5, v17;
	v6 =	vpop (erf)  }
0x11c: {  	[tilespmem:s20+$0x250] =	vst v6  }
0x11d: {  	v7 =	vmul.f32 v6, v26;
	v6 =	vpop (erf);
	[tilespmem:s20+$0x200] =	vst v5  }
0x11e: {  	v5 =	vmul.f32 v6, v29;
	[tilespmem:s20+$0x260] =	vst v6  }
0x11f: {  	[tilespmem:s20+$0x210] =	vst v7  }
0x120: {  	[tilespmem:s20+$0x220] =	vst v5  }
0x121: {  	[spmem:s12] =	stream.indirect.scatter.add.f32 [tilespmem:s5], [sflag:$0x5], $0x80, s6, s11, $0xb8;
	[tilespmem:$0x1E000] =	vst v63  }
0x122: {  	_ =	swait.ge [sflag:s4], $0x2000  }
0x123: {  	p0 =	seq.s32 s10, $0x50;
	[sflag:s4] =	ssyncset.done $0x0  }
0x124: {  	s18 =	simm.s32 @p0 $0x4;
	[sflag:s4] =	ssyncadd.s32 $0xFFFFE000  }
0x125: {  	_ =	swait.ge @p0 [sflag:s18], $0x2000  }
0x126: {  	[sflag:s18] =	ssyncset.done @p0 $0x0  }
0x127: {  	s3 =	sshll.u32 s10, $0x7;
	[sflag:s18] =	ssyncadd.s32 @p0 $0xFFFFE000  }
0x128: {  	s19 =	sadd.s32 @!p0 s3, s1;
	_ =	swait.ge @p0 [sflag:s18], $0x2000  }
0x129: {  	s19 =	sshrl.u32 @!p0 s19, $0x3;
	[sflag:s18] =	ssyncset.done @p0 $0x0  }
0x12a: {  	s20 =	simm.s32 @!p0 $0x0;
	[sflag:s18] =	ssyncadd.s32 @p0 $0xFFFFE000;
	s18 =	sadd.s32 @!p0 s16, s19  }
0x12b: {  	[tilespmem:s20], [sflag:$0x1] =	stream.linear.gather @!p0 [hbm4b:s18+s20], $0x40, $0x38;
	[tilespmem:$0x1E000] =	vst v63  }
0x12c: {  	s18 =	sadd.s32 @!p0 s17, s19;
	s19 =	simm.s32 @!p0 $0x100  }
0x12d: {  	[tilespmem:s19], [sflag:$0x1] =	stream.linear.gather @!p0 [hbm4b:s18+s20], $0x40, $0x38;
	[tilespmem:$0x1E000] =	vst v63  }
0x12e: {  	s18 =	simm.s32 @!p0 $0x4  }
0x12f: {  	_ =	swait.ge @!p0 [sflag:s18], $0x2000  }
0x130: {  	[sflag:s18] =	ssyncset.done @!p0 $0x0  }
0x131: {  	[sflag:s18] =	ssyncadd.s32 @!p0 $0xFFFFE000  }
0x132: {  	_ =	swait.ge @!p0 [sflag:s18], $0x2000  }
0x133: {  	[sflag:s18] =	ssyncset.done @!p0 $0x0  }
0x134: {  	[sflag:s18] =	ssyncadd.s32 @!p0 $0xFFFFE000;
	s18 =	simm.s32 @!p0 $0x1  }
0x135: {  	_ =	swait.ge @!p0 [sflag:s18], $0x40  }
0x136: {  	[sflag:s18] =	ssyncset.done @!p0 $0x0  }
0x137: {  	[sflag:s18] =	ssyncadd.s32 @!p0 $0xFFFFFFC0  }
0x138: {  	_ =	swait.ge @!p0 [sflag:s18], $0x40  }
0x139: {  	[sflag:s18] =	ssyncset.done @!p0 $0x0  }
0x13a: {  	s21 =	simm.s32 @!p0 $0x2200;
	[sflag:s18] =	ssyncadd.s32 @!p0 $0xFFFFFFC0;
	s18 =	simm.s32 @!p0 $0x40  }
0x13b: {  	[tilespmem:s21], [sflag:$0x3] =	stream.indirect.gather @!p0 [hbm4b:s15+s18], $0x80, s20, s18, $0xb8;
	[tilespmem:$0x1E000] =	vst v63  }
0x13c: {  	s20 =	simm.s32 @!p0 $0x6200  }
0x13d: {  	[tilespmem:s20], [sflag:$0x3] =	stream.indirect.gather @!p0 [hbm4b:s15+s18], $0x80, s19, s18, $0xb8;
	[tilespmem:$0x1E000] =	vst v63  }
0x13e: {  	s20 =	simm.s32 $0x0  }
0x13f: {  	v15 =	vld [tilespmem:s20+$0x4230]  }
0x140: {  	v5 =	vld [tilespmem:s20+$0x8270];
	_ =	sdelay $0x1  }
0x141: {  	v10 =	vld [tilespmem:s20+$0x4200]  }
0x142: {  	v6 =	vld [tilespmem:s20+$0x8240];
	_ =	sdelay $0x1  }
0x143: {  	v5 =	vadd.f32 v5, v15  }
0x144: {  	v11 =	vld [tilespmem:s20+$0x4210]  }
0x145: {  	v9 =	vld [tilespmem:s20+$0x8250];
	v8 =	vmul.f32 $2.000000030e-01, v5  }
0x146: {  	v6 =	vadd.f32 v6, v10  }
0x147: {  	v7 =	vld [tilespmem:s20+$0x4220];
	v5 =	vmax.f32 v5, v8  }
0x148: {  	v12 =	vmul.f32 $2.000000030e-01, v6;
	v8 =	vld [tilespmem:s20+$0x8260];
	v5 =	vmul.f32 v5, v4;
	_ =	sdelay $0x1  }
0x149: {  	s18 =	simm.s32 $0x80;
	(xrf2) =	vadd.scan.msk.f32 $0xffff, v5;
	v5 =	vadd.f32 v9, v11;
	v9 =	vmax.f32 v6, v12  }
0x14a: {  	v13 =	vld [tilespmem:s18+$0x8270];
	v9 =	vmul.f32 v9, v1  }
0x14b: {  	v6 =	vld [tilespmem:s18+$0x4230]  }
0x14c: {  	v14 =	vld [tilespmem:s18+$0x4200];
	v8 =	vadd.f32 v8, v7;
	v12 =	vmul.f32 $2.000000030e-01, v5;
	(xrf2) =	vadd.scan.msk.f32 $0xffff, v9  }
0x14d: {  	v17 =	vld [tilespmem:s18+$0x8240]  }
0x14e: {  	v9 =	vld [tilespmem:s18+$0x8250];
	v16 =	vmul.f32 $2.000000030e-01, v8;
	v5 =	vmax.f32 v5, v12  }
0x14f: {  	v12 =	vld [tilespmem:s18+$0x4210];
	v5 =	vmul.f32 v5, v2  }
0x150: {  	v13 =	vadd.f32 v13, v6;
	v8 =	vmax.f32 v8, v16  }
0x151: {  	v8 =	vmul.f32 v8, v3;
	(xrf2) =	vadd.scan.msk.f32 $0xffff, v5  }
0x152: {  	v18 =	vld [tilespmem:s18+$0x8260];
	v16 =	vadd.f32 v17, v14;
	v17 =	vmul.f32 $2.000000030e-01, v13  }
0x153: {  	v5 =	vld [tilespmem:s18+$0x4220]  }
0x154: {  	v19 =	vmul.f32 $2.000000030e-01, v16;
	v13 =	vmax.f32 v13, v17;
	v17 =	vadd.f32 v9, v12  }
0x155: {  	s19 =	simm.s32 $0x100;
	(xrf2) =	vadd.scan.msk.f32 $0xffff, v8;
	v13 =	vmul.f32 v13, v4;
	v8, _, _ =	vpop (xrf2)  }
0x156: {  	v21 =	vld [tilespmem:s19+$0x8270];
	v16 =	vmax.f32 v16, v19;
	v19 =	vmul.f32 $2.000000030e-01, v17;
	v8 =	vmul.f32 $1.442695020e+00, v8;
	v20, _, _ =	vpop (xrf2)  }
0x157: {  	v9 =	vld [tilespmem:s19+$0x4230];
	(xrf2) =	vadd.scan.msk.f32 $0xffff, v13;
	v13 =	vmul.f32 v16, v1;
	v16 =	vmul.f32 $1.442695020e+00, v20  }
0x158: {  	v18 =	vadd.f32 v18, v5  }
0x159: {  	v17 =	vmax.f32 v17, v19;
	v8 =	vbroadcast v8, $0xF  }
0x15a: {  	v17 =	vmul.f32 v17, v2;
	v22 =	vmul.f32 $2.000000030e-01, v18  }
0x15b: {  	v19 =	vld [tilespmem:s19+$0x8240];
	(xrf2) =	vadd.scan.msk.f32 $0xffff, v13;
	(erf) = vpow2.f32 v8;
	v20 =	vbroadcast v16, $0xF;
	v16, _, _ =	vpop (xrf2)  }
0x15c: {  	v8 =	vld [tilespmem:s19+$0x4200];
	(xrf2) =	vadd.scan.msk.f32 $0xffff, v17;
	v17 =	vmax.f32 v18, v22;
	v18 =	vadd.f32 v21, v9;
	v24 =	vmul.f32 $1.442695020e+00, v16  }
0x15d: {  	v23 =	vld [tilespmem:s19+$0x8250]  }
0x15e: {  	v13 =	vld [tilespmem:s19+$0x4210];
	v22 =	vbroadcast v24, $0xF;
	v24 =	vmul.f32 $2.000000030e-01, v18  }
0x15f: {  	(erf) = vpow2.f32 v20;
	v21 =	vld [tilespmem:s19+$0x8260];
	v25, _, _ =	vpop (xrf2)  }
0x160: {  	v16 =	vld [tilespmem:s19+$0x4220];
	v17 =	vmul.f32 v17, v3;
	v20 =	vmul.f32 $1.442695020e+00, v25  }
0x161: {  	v19 =	vadd.f32 v19, v8  }
0x162: {  	v20 =	vbroadcast v20, $0xF;
	(erf) = vpow2.f32 v22;
	v18 =	vmax.f32 v18, v24;
	v24, _, _ =	vpop (xrf2);
	(xrf2) =	vadd.scan.msk.f32 $0xffff, v17  }
0x163: {  	v22 =	vmul.f32 $2.000000030e-01, v19  }
0x164: {  	v23 =	vadd.f32 v23, v13;
	v18 =	vmul.f32 v18, v4;
	v25 =	vpop (erf);
	(erf) = vpow2.f32 v20  }
0x165: {  	v26 =	vmul.f32 v25, v15;
	[tilespmem:s20+$0x270] =	vst v25;
	v25 =	vadd.f32 v21, v16;
	v21 =	vmul.f32 $1.442695020e+00, v24  }
0x166: {  	s21 =	simm.s32 $0x180;
	v20 =	vmul.f32 $2.000000030e-01, v23;
	v17 =	vmax.f32 v19, v22  }
0x167: {  	v24, _, _ =	vpop (xrf2);
	(xrf2) =	vadd.scan.msk.f32 $0xffff, v18;
	v15 =	vld [tilespmem:s21+$0x4230];
	[tilespmem:s20+$0x230] =	vst v26;
	v26 =	vmul.f32 $2.000000030e-01, v25;
	v27 =	vbroadcast v21, $0xF  }
0x168: {  	v22 =	vmul.f32 v17, v1;
	v20 =	vmax.f32 v23, v20;
	v21 =	vmul.f32 $1.442695020e+00, v24;
	v18 =	vpop (erf);
	v19 =	vld [tilespmem:s21+$0x8270]  }
0x169: {  	s22 =	simm.s32 $0x800;
	v20 =	vmul.f32 v20, v2;
	v24, _, _ =	vpop (xrf2);
	v17 =	vld [tilespmem:s21+$0x4200];
	[tilespmem:s20+$0x240] =	vst v18;
	v23 =	vmax.f32 v25, v26;
	(erf) = vpow2.f32 v27  }
.LBB2_7:
0x16a: {  	p1 =	sne.s32 s22, $0x7E00;
	v25 =	vld [tilespmem:s21+$0x8240];
	v23 =	vmul.f32 v23, v3;
	(xrf2) =	vadd.scan.msk.f32 $0xffff, v22;
	v22 =	vmul.f32 $1.442695020e+00, v24  }
0x16b: {  	v29 =	vbroadcast v21, $0xF;
	v18 =	vmul.f32 v18, v10;
	v10 =	vmov v14;
	v24 =	vld [tilespmem:s21+$0x4210];
	v26 =	vpop (erf)  }
0x16c: {  	v27 =	vld [tilespmem:s21+$0x8250];
	v22 =	vbroadcast v22, $0xF;
	v14, _, _ =	vpop (xrf2);
	v28 =	vmul.f32 v26, v11;
	[tilespmem:s20+$0x250] =	vst v26;
	v11 =	vmov v12  }
0x16d: {  	v26 =	vld [tilespmem:s21+$0x4220];
	v19 =	vadd.f32 v19, v15;
	(xrf2) =	vadd.scan.msk.f32 $0xffff, v20;
	v20 =	vmul.f32 $1.442695020e+00, v14;
	(erf) = vpow2.f32 v29;
	v21 =	vpop (erf)  }
0x16e: {  	v12 =	vmovc v13;
	v14 =	vmovc v8;
	v29 =	vld [tilespmem:s21+$0x8260];
	[tilespmem:s20+$0x200] =	vst v18;
	v18 =	vmul.f32 v21, v7;
	v7 =	vmov v5;
	v5 =	vmov v16  }
0x16f: {  	v8 =	vmovc v17;
	v25 =	vadd.f32 v25, v17;
	v31 =	vmul.f32 $2.000000030e-01, v19;
	v30 =	vbroadcast v20, $0xF;
	[tilespmem:s20+$0x210] =	vst v28  }
0x170: {  	(xrf2) =	vadd.scan.msk.f32 $0xffff, v23;
	(erf) = vpow2.f32 v22;
	[tilespmem:s20+$0x220] =	vst v18;
	v13 =	vmov v24  }
0x171: {  	v17 =	vmul.f32 $2.000000030e-01, v25;
	v18 =	vadd.f32 v27, v13;
	v22 =	vmax.f32 v19, v31;
	v19, _, _ =	vpop (xrf2);
	[tilespmem:s20+$0x260] =	vst v21;
	s20 =	smov.u32 s18;
	s18 =	smov.u32 s19;
	s19 =	smov.u32 s21  }
0x172: {  	v21 =	vmul.f32 v22, v4;
	(erf) = vpow2.f32 v30;
	v20 =	vpop (erf);
	v16 =	vmov v26  }
.Ltmp4:
0x173: {  	v19 =	vmul.f32 $1.442695020e+00, v19;
	v23 =	vadd.f32 v29, v16;
	v22 =	vmul.f32 v20, v6;
	[tilespmem:s20+$0x270] =	vst v20;
	v6 =	vmovc v9;
	(pc) =	sbr.rel @p1 .LBB2_7-.Ltmp4, $4  }
0x174: {  	s21 =	sshra.s32 s22, $0x2;
	v17 =	vmax.f32 v25, v17;
	v20 =	vmul.f32 $2.000000030e-01, v18;
	v9 =	vmov v15;
	v24, _, _ =	vpop (xrf2)  }
0x175: {  	v26 =	vbroadcast v19, $0xF;
	v15 =	vld [tilespmem:s21+$0x4230];
	v25 =	vmul.f32 $2.000000030e-01, v23;
	(xrf2) =	vadd.scan.msk.f32 $0xffff, v21;
	[tilespmem:s20+$0x230] =	vst v22  }
0x176: {  	v22 =	vmul.f32 v17, v1;
	v20 =	vmax.f32 v18, v20;
	v21 =	vmul.f32 $1.442695020e+00, v24;
	v19 =	vld [tilespmem:s21+$0x8270];
	v18 =	vpop (erf)  }
0x177: {  	s22 =	sadd.s32 $0x200, s22;
	v20 =	vmul.f32 v20, v2;
	v17 =	vld [tilespmem:s21+$0x4200];
	v23 =	vmax.f32 v23, v25;
	v24, _, _ =	vpop (xrf2);
	(erf) = vpow2.f32 v26;
	[tilespmem:s20+$0x240] =	vst v18  }
0x178: {  	v25 =	vld [tilespmem:s21+$0x8240]  }
0x179: {  	v26 =	vld [tilespmem:s21+$0x4210];
	v27 =	vpop (erf)  }
0x17a: {  	v28 =	vld [tilespmem:s21+$0x8250];
	[tilespmem:s20+$0x250] =	vst v27  }
0x17b: {  	v29 =	vld [tilespmem:s21+$0x4220]  }
0x17c: {  	v19 =	vadd.f32 v19, v15;
	v30 =	vld [tilespmem:s21+$0x8260]  }
0x17d: {  	v24 =	vmul.f32 $1.442695020e+00, v24;
	v21 =	vbroadcast v21, $0xF  }
0x17e: {  	v23 =	vmul.f32 v23, v3;
	(xrf2) =	vadd.scan.msk.f32 $0xffff, v22;
	v40 =	vmul.f32 $2.000000030e-01, v19  }
0x17f: {  	(xrf2) =	vadd.scan.msk.f32 $0xffff, v20;
	v24 =	vbroadcast v24, $0xF;
	v41, _, _ =	vpop (xrf2);
	(erf) = vpow2.f32 v21;
	v25 =	vadd.f32 v25, v17  }
0x180: {  	(xrf2) =	vadd.scan.msk.f32 $0xffff, v23;
	v20 =	vmul.f32 $1.442695020e+00, v41;
	v42 =	vadd.f32 v28, v26;
	v19 =	vmax.f32 v19, v40  }
0x181: {  	v50 =	vpop (erf);
	v43 =	vmul.f32 $2.000000030e-01, v25;
	v19 =	vmul.f32 v19, v4;
	v44 =	vadd.f32 v30, v29  }
0x182: {  	v7 =	vmul.f32 v50, v7;
	v45 =	vmul.f32 $2.000000030e-01, v42  }
0x183: {  	v20 =	vbroadcast v20, $0xF;
	v22 =	vmax.f32 v25, v43;
	(xrf2) =	vadd.scan.msk.f32 $0xffff, v19;
	v46 =	vmul.f32 $2.000000030e-01, v44  }
0x184: {  	(erf) = vpow2.f32 v24;
	v21 =	vmax.f32 v42, v45;
	v22 =	vmul.f32 v22, v1  }
0x185: {  	v47, _, _ =	vpop (xrf2);
	(erf) = vpow2.f32 v20;
	v48 =	vmul.f32 v21, v2;
	v19 =	vmax.f32 v44, v46  }
0x186: {  	v49 =	vmul.f32 $1.442695020e+00, v47;
	(xrf2) =	vadd.scan.msk.f32 $0xffff, v22;
	v19 =	vmul.f32 v19, v3  }
0x187: {  	v10 =	vmul.f32 v18, v10;
	[tilespmem:s20+$0x220] =	vst v7;
	v7 =	vpop (erf);
	(xrf2) =	vadd.scan.msk.f32 $0xffff, v48  }
0x188: {  	v11 =	vmul.f32 v27, v11;
	v51, _, _ =	vpop (xrf2);
	v21 =	vbroadcast v49, $0xF;
	(xrf2) =	vadd.scan.msk.f32 $0xffff, v19  }
0x189: {  	v6 =	vmul.f32 v7, v6;
	v52, _, _ =	vpop (xrf2);
	v53 =	vmul.f32 $1.442695020e+00, v51  }
0x18a: {  	[tilespmem:s20+$0x200] =	vst v10;
	v54, _, _ =	vpop (xrf2);
	(erf) = vpow2.f32 v21;
	v55 =	vmul.f32 $1.442695020e+00, v52  }
0x18b: {  	[tilespmem:s20+$0x210] =	vst v11;
	v57 =	vpop (erf);
	v10 =	vbroadcast v53, $0xF;
	v56 =	vmul.f32 $1.442695020e+00, v54  }
0x18c: {  	[tilespmem:s20+$0x260] =	vst v50;
	v59 =	vmul.f32 v57, v14;
	v11 =	vbroadcast v55, $0xF  }
0x18d: {  	[tilespmem:s18+$0x270] =	vst v7;
	(erf) = vpow2.f32 v10;
	v7 =	vbroadcast v56, $0xF;
	v58, _, _ =	vpop (xrf2)  }
0x18e: {  	[tilespmem:s18+$0x230] =	vst v6;
	v6 =	vpop (erf);
	(erf) = vpow2.f32 v11;
	v10 =	vmul.f32 $1.442695020e+00, v58  }
0x18f: {  	[tilespmem:s18+$0x240] =	vst v57;
	v60 =	vpop (erf);
	(erf) = vpow2.f32 v7;
	v7 =	vmul.f32 v6, v12  }
0x190: {  	[tilespmem:s18+$0x250] =	vst v6;
	v5 =	vmul.f32 v60, v5;
	v6, _, _ =	vpop (xrf2);
	v10 =	vbroadcast v10, $0xF  }
0x191: {  	[tilespmem:s18+$0x200] =	vst v59;
	v6 =	vmul.f32 $1.442695020e+00, v6;
	v61, _, _ =	vpop (xrf2)  }
0x192: {  	[tilespmem:s18+$0x210] =	vst v7;
	v7 =	vmul.f32 $1.442695020e+00, v61;
	(erf) = vpow2.f32 v10;
	v62, _, _ =	vpop (xrf2)  }
0x193: {  	[tilespmem:s18+$0x260] =	vst v60;
	v6 =	vbroadcast v6, $0xF;
	v10 =	vmul.f32 $1.442695020e+00, v62  }
0x194: {  	[tilespmem:s18+$0x220] =	vst v5;
	v5 =	vpop (erf);
	v7 =	vbroadcast v7, $0xF  }
0x195: {  	v9 =	vmul.f32 v5, v9;
	[tilespmem:s19+$0x270] =	vst v5;
	v5 =	vbroadcast v10, $0xF;
	_ =	sdelay $0x1  }
0x196: {  	(erf) = vpow2.f32 v6;
	v6 =	vpop (erf)  }
0x197: {  	(erf) = vpow2.f32 v7;
	[tilespmem:s19+$0x240] =	vst v6;
	v6 =	vmul.f32 v6, v8;
	v7 =	vpop (erf)  }
0x198: {  	(erf) = vpow2.f32 v5;
	v5 =	vpop (erf)  }
0x199: {  	[tilespmem:s19+$0x200] =	vst v6;
	v6 =	vmul.f32 v5, v16;
	_ =	sdelay $0x2  }
0x19a: {  	[tilespmem:s19+$0x230] =	vst v9  }
0x19b: {  	[tilespmem:s19+$0x220] =	vst v6;
	v6 =	vpop (erf)  }
0x19c: {  	v63 =	vmul.f32 v7, v13;
	[tilespmem:s19+$0x260] =	vst v5;
	v5 =	vmul.f32 v6, v15  }
0x19d: {  	[tilespmem:s19+$0x250] =	vst v7  }
0x19e: {  	[tilespmem:s19+$0x210] =	vst v63  }
0x19f: {  	[tilespmem:s21+$0x270] =	vst v6  }
0x1a0: {  	[tilespmem:s21+$0x230] =	vst v5;
	v5 =	vpop (erf)  }
0x1a1: {  	[tilespmem:s21+$0x240] =	vst v5;
	v5 =	vmul.f32 v5, v17;
	v6 =	vpop (erf)  }
0x1a2: {  	[tilespmem:s21+$0x250] =	vst v6  }
0x1a3: {  	v7 =	vmul.f32 v6, v26;
	v6 =	vpop (erf);
	[tilespmem:s21+$0x200] =	vst v5  }
0x1a4: {  	v5 =	vmul.f32 v6, v29;
	[tilespmem:s21+$0x260] =	vst v6  }
0x1a5: {  	[tilespmem:s21+$0x210] =	vst v7  }
.Ltmp5:
0x1a6: {  	[tilespmem:s21+$0x220] =	vst v5;
	(pc) =	sbr.rel @p0 .LBB2_10-.Ltmp5, $4  }
0x1a7: {  	[spmem:s12] =	stream.indirect.scatter.add.f32 [tilespmem:s5], [sflag:$0x5], $0x80, s8, s11, $0xb8;
	[tilespmem:$0x1E000] =	vst v63  }
0x1a8: {  	_ =	swait.ge [sflag:s4], $0x2000  }
0x1a9: {  	[sflag:s4] =	ssyncset.done $0x0  }
0x1aa: {  	[sflag:s4] =	ssyncadd.s32 $0xFFFFE000  }
0x1ab: {  	s3 =	sadd.s32 s3, s0  }
.Ltmp6:
0x1ac: {  	s3 =	sshrl.u32 s3, $0x3;
	(pc) =	sbr.rel .LBB2_4-.Ltmp6, $4  }
0x1ad: {  	s18 =	sadd.s32 s16, s3  }
0x1ae: {  	[tilespmem:s7], [sflag:$0x2] =	stream.linear.gather [hbm4b:s18+s2], $0x40, $0x38;
	[tilespmem:$0x1E000] =	vst v63  }
0x1af: {  	s10 =	sadd.s32 $0x1, s10;
	s3 =	sadd.s32 s17, s3  }
0x1b0: {  	[tilespmem:s8], [sflag:$0x2] =	stream.linear.gather [hbm4b:s3+s2], $0x40, $0x38;
	[tilespmem:$0x1E000] =	vst v63  }
.LBB2_11:
0x1b1: {  	_ =	sfence.sel $0x180000  }
0x1b2: {  	[bflag:$0x0] =	sbarrier.arrive $0xFFFF  }
0x1b3: {  	_ =	strace $0x90000047  }
0x1b4: {  	s0 =	stileid.u32;
	[bflag:$0x2] =	sbarrier.arrive $0xFFFF  }
0x1b5: {  	p0 =	sne.s32 s0, $0x0;
	s0 =	rddreg [dreg:$0x3]  }
0x1b6: {  	s0 =	sadd.s32 @!p0 $0x100000, s0  }
0x1b7: {  	[sflag:s0] =	ssyncadd.tile.s32 @!p0 $0x1;
	_ =	shalt  }
.Lfunc_end2:
_tile_overlayer_lowered:
.L_overlay_start_2:
0x1b8: {  	(tag) =	ssettag $0x2  }
0x1b9: {  	s0 =	rddreg [dreg:$0x0];
	s2 =	stileid.u32  }
0x1ba: {  	s1 =	rddreg [dreg:$0x1];
	p0 =	sne.s32 s2, $0x0  }
0x1bb: {  	s3 =	rddreg [dreg:$0x2];
	[bflag:$0x3] =	sbarrier.arrive $0xFFFF;
	s2 =	simm.s32 @!p0 $0x1C05  }
0x1bc: {  	[timem:s3], [sflag:s2] =	dma.local @!p0 [hbm:s0], s1  }
0x1bd: {  	s0 =	simm.s32 @!p0 $0x5  }
0x1be: {  	_ =	swait.ge @!p0 [sflag:s0], s1  }
0x1bf: {  	s1 =	ssub.s32 @!p0 $0x0, s1;
	[sflag:s0] =	ssyncset.done @!p0 $0x0  }
0x1c0: {  	[sflag:s0] =	ssyncadd.s32 @!p0 s1  }
0x1c1: {  	[bflag:$0x3] =	sbarrier.arrive $0xFFFF  }
0x1c2: {  	_ =	shalt  }

</sc_bundles>
